<compile_context>
chip_gen: v7x
topology: tpu7x:2x2x1
jax: 0.10.2.dev20260603
libtpu: 0.0.44.dev20260713+nightly
codegen_flags: <defaults>
</compile_context>

<pallas_src>
import functools

import jax
import jax.numpy as jnp
from jax import lax
from jax.experimental import pallas as pl
from jax.experimental.pallas import tpu as pltpu
from jax.experimental.pallas import tpu_sc as plsc

_NC = 2
_NS = 16
_NW = _NC * _NS

_CHUNK = 32
_NB = 5


@functools.lru_cache(maxsize=None)
def _build_embed(R: int, S: int, V: int, D: int):
    B = R * S
    assert B % _NW == 0
    b_per_w = B // _NW
    assert b_per_w % _CHUNK == 0
    assert S % b_per_w == 0
    nch = b_per_w // _CHUNK
    mesh = plsc.VectorSubcoreMesh(core_axis_name="c", subcore_axis_name="s")

    @functools.partial(
        pl.kernel,
        mesh=mesh,
        out_type=jax.ShapeDtypeStruct((R, S, D), jnp.float32),
        scratch_types=[
            pltpu.VMEM((b_per_w,), jnp.int32),
            pltpu.VMEM((_NB, _CHUNK, D), jnp.float32),
        ]
        + [pltpu.SemaphoreType.DMA] * (2 * _NB),
    )
    def embed_k(tok_hbm, table_hbm, out_hbm, idx_v, rows_v, *sems):
        gsem = sems[:_NB]
        osem = sems[_NB:]
        wid = lax.axis_index("c") * _NS + lax.axis_index("s")
        base = wid * b_per_w
        r = base // S
        s0 = base % S
        pltpu.sync_copy(tok_hbm.at[r, pl.ds(s0, b_per_w)], idx_v)

        def gather(j):
            return pltpu.async_copy(
                table_hbm.at[idx_v.at[pl.ds(j * _CHUNK, _CHUNK)]],
                rows_v.at[j % _NB],
                gsem[j % _NB],
            )

        gh = [None] * nch
        oh = [None] * nch
        for j in range(min(_NB - 1, nch)):
            gh[j] = gather(j)
        for j in range(nch):
            b = j % _NB
            gh[j].wait()
            oh[j] = pltpu.async_copy(
                rows_v.at[b],
                out_hbm.at[r, pl.ds(s0 + j * _CHUNK, _CHUNK)],
                osem[b],
            )
            jn = j + _NB - 1
            if jn < nch:
                if j >= 1:
                    oh[j - 1].wait()
                gh[jn] = gather(jn)
        for j in range(max(0, nch - _NB), nch):
            oh[j].wait()

    return embed_k


def kernel(tokens, W_E):
    V, D = W_E.shape
    R, S = tokens.shape
    return _build_embed(R, S, V, D)(tokens.astype(jnp.int32), W_E)

# --- scband reference (transcript-rebuilt; emitter-appended) ---
"""Pipeline reference for scband-embed-32547262169378 (READ-ONLY COPY).

The authoritative reference and input builder live on the scoring server;
editing this copy changes nothing except your own understanding.
"""

import jax, jax.numpy as jnp
import numpy as np

D_VOCAB = 100000
D_MODEL = 768
INIT_RANGE = 0.02

def setup_inputs(seed: int = 0) -> dict:
    key = jax.random.key(seed)
    k_tok, k_w = jax.random.split(key)
    tokens = jax.random.randint(k_tok, (4, 8192), 0, D_VOCAB, dtype=jnp.int64 if jax.config.jax_enable_x64 else jnp.int32)
    W_E = jax.random.normal(k_w, (D_VOCAB, D_MODEL), dtype=jnp.float32) * INIT_RANGE
    return {"tokens": tokens, "W_E": W_E}

def reference(tokens, W_E):
    # Faithful translation of Embed.forward: embedding lookup (gather rows of W_E)
    embed = jnp.take(W_E, tokens, axis=0)
    return embed

if __name__ == "__main__":
    import jax
    _d = setup_inputs()
    print(jax.jit(kernel)(*tuple(_d.values())))

</pallas_src>

<mosaic_0001>
#map = affine_map<(d0, d1) -> (0, 0)>
#map1 = affine_map<(d0, d1) -> (0, 0, 0)>
module attributes {stable_mosaic.version = 14 : i64} {
  func.func @embed_k(%arg0: i32, %arg1: i32, %arg2: memref<4x8192xi32, #tpu.memory_space<hbm>>, %arg3: memref<100000x768xf32, #tpu.memory_space<hbm>>, %arg4: memref<4x8192x768xf32, #tpu.memory_space<hbm>>, %arg5: memref<1024xi32, #tpu.memory_space<vmem>>, %arg6: memref<5x32x768xf32, #tpu.memory_space<vmem>>, %arg7: memref<!tpu.dma_semaphore, #tpu.memory_space<semaphore_mem>>, %arg8: memref<!tpu.dma_semaphore, #tpu.memory_space<semaphore_mem>>, %arg9: memref<!tpu.dma_semaphore, #tpu.memory_space<semaphore_mem>>, %arg10: memref<!tpu.dma_semaphore, #tpu.memory_space<semaphore_mem>>, %arg11: memref<!tpu.dma_semaphore, #tpu.memory_space<semaphore_mem>>, %arg12: memref<!tpu.dma_semaphore, #tpu.memory_space<semaphore_mem>>, %arg13: memref<!tpu.dma_semaphore, #tpu.memory_space<semaphore_mem>>, %arg14: memref<!tpu.dma_semaphore, #tpu.memory_space<semaphore_mem>>, %arg15: memref<!tpu.dma_semaphore, #tpu.memory_space<semaphore_mem>>, %arg16: memref<!tpu.dma_semaphore, #tpu.memory_space<semaphore_mem>>) attributes {dimension_semantics = [#tpu.dimension_semantics<core_parallel>, #tpu.dimension_semantics<subcore_parallel>], iteration_bounds = array<i64: 2, 16>, scalar_prefetch = 0 : i64, scratch_operands = 12 : i64, tpu.core_type = #tpu.core_type<sc_vector_subcore>, window_params = [{transform_indices = #map}, {transform_indices = #map}, {transform_indices = #map1}]} {
    %mul3A = arith.constant 16 : i32
    %mul3A_0 = arith.muli %arg0, %mul3A : i32
    %add3A = arith.addi %mul3A_0, %arg1 : i32
    %mul3A_1 = arith.constant 1024 : i32
    %mul3A_2 = arith.muli %add3A, %mul3A_1 : i32
    %jit3A = arith.constant 8192 : i32
    %div3A = arith.divsi %mul3A_2, %jit3A : i32
    %sign3A = arith.constant 0 : i32
    %sign3A_3 = arith.cmpi sgt, %mul3A_2, %sign3A : i32
    %sign3A_4 = arith.extui %sign3A_3 : i1 to i32
    %sign3A_5 = arith.constant 0 : i32
    %sign3A_6 = arith.cmpi slt, %mul3A_2, %sign3A_5 : i32
    %sign3A_7 = arith.extui %sign3A_6 : i1 to i32
    %sign3A_8 = arith.subi %sign3A_4, %sign3A_7 : i32
    %sign3A_9 = arith.constant 0 : i32
    %sign3A_10 = arith.cmpi sgt, %jit3A, %sign3A_9 : i32
    %sign3A_11 = arith.extui %sign3A_10 : i1 to i32
    %sign3A_12 = arith.constant 0 : i32
    %sign3A_13 = arith.cmpi slt, %jit3A, %sign3A_12 : i32
    %sign3A_14 = arith.extui %sign3A_13 : i1 to i32
    %sign3A_15 = arith.subi %sign3A_11, %sign3A_14 : i32
    %ne3A = arith.cmpi ne, %sign3A_8, %sign3A_15 : i32
    %rem3A = arith.remsi %mul3A_2, %jit3A : i32
    %ne3A_16 = arith.constant 0 : i32
    %ne3A_17 = arith.cmpi ne, %rem3A, %ne3A_16 : i32
    %and3A = arith.andi %ne3A, %ne3A_17 : i1
    %sub3A = arith.constant 1 : i32
    %sub3A_18 = arith.subi %div3A, %sub3A : i32
    %select_n3A = arith.select %and3A, %sub3A_18, %div3A : i32
    %jit3A_19 = arith.constant 8192 : i32
    %eq3A = arith.constant 0 : i32
    %eq3A_20 = arith.cmpi eq, %jit3A_19, %eq3A : i32
    %jit3A_21 = arith.constant 1 : i32
    %select_n3A_22 = arith.select %eq3A_20, %jit3A_21, %jit3A_19 : i32
    %rem3A_23 = arith.remsi %mul3A_2, %select_n3A_22 : i32
    %ne3A_24 = arith.constant 0 : i32
    %ne3A_25 = arith.cmpi ne, %rem3A_23, %ne3A_24 : i32
    %lt3A = arith.constant 0 : i32
    %lt3A_26 = arith.cmpi slt, %rem3A_23, %lt3A : i32
    %lt3A_27 = arith.constant 0 : i32
    %lt3A_28 = arith.cmpi slt, %select_n3A_22, %lt3A_27 : i32
    %ne3A_29 = arith.xori %lt3A_26, %lt3A_28 : i1
    %and3A_30 = arith.andi %ne3A_29, %ne3A_25 : i1
    %add3A_31 = arith.addi %rem3A_23, %select_n3A_22 : i32
    %select_n3A_32 = arith.select %and3A_30, %add3A_31, %rem3A_23 : i32
    "tpu.region"() ({
      %run_scoped3A = tpu.sem_alloc : memref<!tpu.dma_semaphore, #tpu.memory_space<semaphore_mem>>
      %dma_start3A_1695 = tpu.memref_slice %arg2[%select_n3A, %select_n3A_32] : memref<4x8192xi32, #tpu.memory_space<hbm>> -> memref<1x1024xi32, #tpu.memory_space<hbm>>
      %dma_start3A_1696 = tpu.memref_squeeze %dma_start3A_1695 : memref<1x1024xi32, #tpu.memory_space<hbm>> -> memref<1024xi32, #tpu.memory_space<hbm>>
      %dma_start3A_1697 = tpu.memref_slice %arg2[%select_n3A, %select_n3A_32] : memref<4x8192xi32, #tpu.memory_space<hbm>> -> memref<1x1024xi32, #tpu.memory_space<hbm>>
      %dma_start3A_1698 = tpu.memref_squeeze %dma_start3A_1697 : memref<1x1024xi32, #tpu.memory_space<hbm>> -> memref<1024xi32, #tpu.memory_space<hbm>>
      tpu.enqueue_dma source(%dma_start3A_1698 : memref<1024xi32, #tpu.memory_space<hbm>>) target(%arg5 : memref<1024xi32, #tpu.memory_space<vmem>>) target_semaphore(%run_scoped3A : memref<!tpu.dma_semaphore, #tpu.memory_space<semaphore_mem>>)
      %dma_wait3A_1699 = tpu.memref_slice %arg2[%select_n3A, %select_n3A_32] : memref<4x8192xi32, #tpu.memory_space<hbm>> -> memref<1x1024xi32, #tpu.memory_space<hbm>>
      %dma_wait3A_1700 = tpu.memref_squeeze %dma_wait3A_1699 : memref<1x1024xi32, #tpu.memory_space<hbm>> -> memref<1024xi32, #tpu.memory_space<hbm>>
      %dma_wait3A_1701 = tpu.memref_slice %arg2[%select_n3A, %select_n3A_32] : memref<4x8192xi32, #tpu.memory_space<hbm>> -> memref<1x1024xi32, #tpu.memory_space<hbm>>
      %dma_wait3A_1702 = tpu.memref_squeeze %dma_wait3A_1701 : memref<1x1024xi32, #tpu.memory_space<hbm>> -> memref<1024xi32, #tpu.memory_space<hbm>>
      tpu.wait_dma2 semaphore(%run_scoped3A : memref<!tpu.dma_semaphore, #tpu.memory_space<semaphore_mem>>) src(%dma_wait3A_1702 : memref<1024xi32, #tpu.memory_space<hbm>>) dst(%arg5 : memref<1024xi32, #tpu.memory_space<vmem>>)
      tpu.yield
    }) : () -> ()
    %dma_start3A = arith.constant 0 : i32
    %dma_start3A_33 = arith.constant 0 : i32
    %dma_start3A_34 = arith.constant 0 : i32
    %dma_start3A_35 = tpu.memref_slice %arg6[%dma_start3A, %dma_start3A_33, %dma_start3A_34] : memref<5x32x768xf32, #tpu.memory_space<vmem>> -> memref<1x32x768xf32, #tpu.memory_space<vmem>>
    %dma_start3A_36 = tpu.memref_squeeze %dma_start3A_35 : memref<1x32x768xf32, #tpu.memory_space<vmem>> -> memref<32x768xf32, #tpu.memory_space<vmem>>
    %dma_start3A_37 = arith.constant 0 : i32
    %dma_start3A_38 = tpu.memref_slice %arg5[%dma_start3A_37] : memref<1024xi32, #tpu.memory_space<vmem>> -> memref<32xi32, #tpu.memory_space<vmem>>
    %dma_start3A_39 = arith.constant 0 : i32
    %dma_start3A_40 = arith.constant 0 : i32
    %dma_start3A_41 = tpu.memref_slice %arg3[%dma_start3A_39, %dma_start3A_40] : memref<100000x768xf32, #tpu.memory_space<hbm>> -> memref<100000x768xf32, #tpu.memory_space<hbm>>
    tpu.enqueue_indirect_dma source(%dma_start3A_41 : memref<100000x768xf32, #tpu.memory_space<hbm>>) target(%dma_start3A_36 : memref<32x768xf32, #tpu.memory_space<vmem>>) offsets(%dma_start3A_38 : memref<32xi32, #tpu.memory_space<vmem>>) semaphore(%arg7 : memref<!tpu.dma_semaphore, #tpu.memory_space<semaphore_mem>>)
    %dma_start3A_42 = arith.constant 1 : i32
    %dma_start3A_43 = arith.constant 0 : i32
    %dma_start3A_44 = arith.constant 0 : i32
    %dma_start3A_45 = tpu.memref_slice %arg6[%dma_start3A_42, %dma_start3A_43, %dma_start3A_44] : memref<5x32x768xf32, #tpu.memory_space<vmem>> -> memref<1x32x768xf32, #tpu.memory_space<vmem>>
    %dma_start3A_46 = tpu.memref_squeeze %dma_start3A_45 : memref<1x32x768xf32, #tpu.memory_space<vmem>> -> memref<32x768xf32, #tpu.memory_space<vmem>>
    %dma_start3A_47 = arith.constant 32 : i32
    %dma_start3A_48 = tpu.memref_slice %arg5[%dma_start3A_47] : memref<1024xi32, #tpu.memory_space<vmem>> -> memref<32xi32, #tpu.memory_space<vmem>>
    %dma_start3A_49 = arith.constant 0 : i32
    %dma_start3A_50 = arith.constant 0 : i32
    %dma_start3A_51 = tpu.memref_slice %arg3[%dma_start3A_49, %dma_start3A_50] : memref<100000x768xf32, #tpu.memory_space<hbm>> -> memref<100000x768xf32, #tpu.memory_space<hbm>>
    tpu.enqueue_indirect_dma source(%dma_start3A_51 : memref<100000x768xf32, #tpu.memory_space<hbm>>) target(%dma_start3A_46 : memref<32x768xf32, #tpu.memory_space<vmem>>) offsets(%dma_start3A_48 : memref<32xi32, #tpu.memory_space<vmem>>) semaphore(%arg8 : memref<!tpu.dma_semaphore, #tpu.memory_space<semaphore_mem>>)
    %dma_start3A_52 = arith.constant 2 : i32
    %dma_start3A_53 = arith.constant 0 : i32
    %dma_start3A_54 = arith.constant 0 : i32
    %dma_start3A_55 = tpu.memref_slice %arg6[%dma_start3A_52, %dma_start3A_53, %dma_start3A_54] : memref<5x32x768xf32, #tpu.memory_space<vmem>> -> memref<1x32x768xf32, #tpu.memory_space<vmem>>
    %dma_start3A_56 = tpu.memref_squeeze %dma_start3A_55 : memref<1x32x768xf32, #tpu.memory_space<vmem>> -> memref<32x768xf32, #tpu.memory_space<vmem>>
    %dma_start3A_57 = arith.constant 64 : i32
    %dma_start3A_58 = tpu.memref_slice %arg5[%dma_start3A_57] : memref<1024xi32, #tpu.memory_space<vmem>> -> memref<32xi32, #tpu.memory_space<vmem>>
    %dma_start3A_59 = arith.constant 0 : i32
    %dma_start3A_60 = arith.constant 0 : i32
    %dma_start3A_61 = tpu.memref_slice %arg3[%dma_start3A_59, %dma_start3A_60] : memref<100000x768xf32, #tpu.memory_space<hbm>> -> memref<100000x768xf32, #tpu.memory_space<hbm>>
    tpu.enqueue_indirect_dma source(%dma_start3A_61 : memref<100000x768xf32, #tpu.memory_space<hbm>>) target(%dma_start3A_56 : memref<32x768xf32, #tpu.memory_space<vmem>>) offsets(%dma_start3A_58 : memref<32xi32, #tpu.memory_space<vmem>>) semaphore(%arg9 : memref<!tpu.dma_semaphore, #tpu.memory_space<semaphore_mem>>)
    %dma_start3A_62 = arith.constant 3 : i32
    %dma_start3A_63 = arith.constant 0 : i32
    %dma_start3A_64 = arith.constant 0 : i32
    %dma_start3A_65 = tpu.memref_slice %arg6[%dma_start3A_62, %dma_start3A_63, %dma_start3A_64] : memref<5x32x768xf32, #tpu.memory_space<vmem>> -> memref<1x32x768xf32, #tpu.memory_space<vmem>>
    %dma_start3A_66 = tpu.memref_squeeze %dma_start3A_65 : memref<1x32x768xf32, #tpu.memory_space<vmem>> -> memref<32x768xf32, #tpu.memory_space<vmem>>
    %dma_start3A_67 = arith.constant 96 : i32
    %dma_start3A_68 = tpu.memref_slice %arg5[%dma_start3A_67] : memref<1024xi32, #tpu.memory_space<vmem>> -> memref<32xi32, #tpu.memory_space<vmem>>
    %dma_start3A_69 = arith.constant 0 : i32
    %dma_start3A_70 = arith.constant 0 : i32
    %dma_start3A_71 = tpu.memref_slice %arg3[%dma_start3A_69, %dma_start3A_70] : memref<100000x768xf32, #tpu.memory_space<hbm>> -> memref<100000x768xf32, #tpu.memory_space<hbm>>
    tpu.enqueue_indirect_dma source(%dma_start3A_71 : memref<100000x768xf32, #tpu.memory_space<hbm>>) target(%dma_start3A_66 : memref<32x768xf32, #tpu.memory_space<vmem>>) offsets(%dma_start3A_68 : memref<32xi32, #tpu.memory_space<vmem>>) semaphore(%arg10 : memref<!tpu.dma_semaphore, #tpu.memory_space<semaphore_mem>>)
    %dma_wait3A = arith.constant 0 : i32
    %dma_wait3A_72 = arith.constant 0 : i32
    %dma_wait3A_73 = arith.constant 0 : i32
    %dma_wait3A_74 = tpu.memref_slice %arg6[%dma_wait3A, %dma_wait3A_72, %dma_wait3A_73] : memref<5x32x768xf32, #tpu.memory_space<vmem>> -> memref<1x32x768xf32, #tpu.memory_space<vmem>>
    %dma_wait3A_75 = tpu.memref_squeeze %dma_wait3A_74 : memref<1x32x768xf32, #tpu.memory_space<vmem>> -> memref<32x768xf32, #tpu.memory_space<vmem>>
    %dma_wait3A_76 = arith.constant 0 : i32
    %dma_wait3A_77 = tpu.memref_slice %arg5[%dma_wait3A_76] : memref<1024xi32, #tpu.memory_space<vmem>> -> memref<32xi32, #tpu.memory_space<vmem>>
    %dma_wait3A_78 = arith.constant 0 : i32
    %dma_wait3A_79 = arith.constant 0 : i32
    %dma_wait3A_80 = tpu.memref_slice %arg3[%dma_wait3A_78, %dma_wait3A_79] : memref<100000x768xf32, #tpu.memory_space<hbm>> -> memref<100000x768xf32, #tpu.memory_space<hbm>>
    tpu.wait_indirect_dma semaphore(%arg7 : memref<!tpu.dma_semaphore, #tpu.memory_space<semaphore_mem>>) src(%dma_wait3A_80 : memref<100000x768xf32, #tpu.memory_space<hbm>>) dst(%dma_wait3A_75 : memref<32x768xf32, #tpu.memory_space<vmem>>)
    %add3A_81 = arith.constant 0 : i32
    %add3A_82 = arith.addi %select_n3A_32, %add3A_81 : i32
    %dma_start3A_83 = arith.constant 0 : i32
    %dma_start3A_84 = arith.constant 0 : i32
    %dma_start3A_85 = arith.constant 0 : i32
    %dma_start3A_86 = tpu.memref_slice %arg6[%dma_start3A_83, %dma_start3A_84, %dma_start3A_85] : memref<5x32x768xf32, #tpu.memory_space<vmem>> -> memref<1x32x768xf32, #tpu.memory_space<vmem>>
    %dma_start3A_87 = tpu.memref_squeeze %dma_start3A_86 : memref<1x32x768xf32, #tpu.memory_space<vmem>> -> memref<32x768xf32, #tpu.memory_space<vmem>>
    %dma_start3A_88 = arith.constant 0 : i32
    %dma_start3A_89 = tpu.memref_slice %arg4[%select_n3A, %add3A_82, %dma_start3A_88] : memref<4x8192x768xf32, #tpu.memory_space<hbm>> -> memref<1x32x768xf32, #tpu.memory_space<hbm>>
    %dma_start3A_90 = tpu.memref_squeeze %dma_start3A_89 : memref<1x32x768xf32, #tpu.memory_space<hbm>> -> memref<32x768xf32, #tpu.memory_space<hbm>>
    %dma_start3A_91 = arith.constant 0 : i32
    %dma_start3A_92 = tpu.memref_slice %arg4[%select_n3A, %add3A_82, %dma_start3A_91] : memref<4x8192x768xf32, #tpu.memory_space<hbm>> -> memref<1x32x768xf32, #tpu.memory_space<hbm>>
    %dma_start3A_93 = tpu.memref_squeeze %dma_start3A_92 : memref<1x32x768xf32, #tpu.memory_space<hbm>> -> memref<32x768xf32, #tpu.memory_space<hbm>>
    %dma_start3A_94 = arith.constant 0 : i32
    %dma_start3A_95 = arith.constant 0 : i32
    %dma_start3A_96 = tpu.memref_slice %arg6[%dma_start3A_83, %dma_start3A_94, %dma_start3A_95] : memref<5x32x768xf32, #tpu.memory_space<vmem>> -> memref<1x32x768xf32, #tpu.memory_space<vmem>>
    %dma_start3A_97 = tpu.memref_squeeze %dma_start3A_96 : memref<1x32x768xf32, #tpu.memory_space<vmem>> -> memref<32x768xf32, #tpu.memory_space<vmem>>
    tpu.enqueue_dma source(%dma_start3A_97 : memref<32x768xf32, #tpu.memory_space<vmem>>) target(%dma_start3A_93 : memref<32x768xf32, #tpu.memory_space<hbm>>) target_semaphore(%arg12 : memref<!tpu.dma_semaphore, #tpu.memory_space<semaphore_mem>>)
    %dma_start3A_98 = arith.constant 4 : i32
    %dma_start3A_99 = arith.constant 0 : i32
    %dma_start3A_100 = arith.constant 0 : i32
    %dma_start3A_101 = tpu.memref_slice %arg6[%dma_start3A_98, %dma_start3A_99, %dma_start3A_100] : memref<5x32x768xf32, #tpu.memory_space<vmem>> -> memref<1x32x768xf32, #tpu.memory_space<vmem>>
    %dma_start3A_102 = tpu.memref_squeeze %dma_start3A_101 : memref<1x32x768xf32, #tpu.memory_space<vmem>> -> memref<32x768xf32, #tpu.memory_space<vmem>>
    %dma_start3A_103 = arith.constant 128 : i32
    %dma_start3A_104 = tpu.memref_slice %arg5[%dma_start3A_103] : memref<1024xi32, #tpu.memory_space<vmem>> -> memref<32xi32, #tpu.memory_space<vmem>>
    %dma_start3A_105 = arith.constant 0 : i32
    %dma_start3A_106 = arith.constant 0 : i32
    %dma_start3A_107 = tpu.memref_slice %arg3[%dma_start3A_105, %dma_start3A_106] : memref<100000x768xf32, #tpu.memory_space<hbm>> -> memref<100000x768xf32, #tpu.memory_space<hbm>>
    tpu.enqueue_indirect_dma source(%dma_start3A_107 : memref<100000x768xf32, #tpu.memory_space<hbm>>) target(%dma_start3A_102 : memref<32x768xf32, #tpu.memory_space<vmem>>) offsets(%dma_start3A_104 : memref<32xi32, #tpu.memory_space<vmem>>) semaphore(%arg11 : memref<!tpu.dma_semaphore, #tpu.memory_space<semaphore_mem>>)
    %dma_wait3A_108 = arith.constant 1 : i32
    %dma_wait3A_109 = arith.constant 0 : i32
    %dma_wait3A_110 = arith.constant 0 : i32
    %dma_wait3A_111 = tpu.memref_slice %arg6[%dma_wait3A_108, %dma_wait3A_109, %dma_wait3A_110] : memref<5x32x768xf32, #tpu.memory_space<vmem>> -> memref<1x32x768xf32, #tpu.memory_space<vmem>>
    %dma_wait3A_112 = tpu.memref_squeeze %dma_wait3A_111 : memref<1x32x768xf32, #tpu.memory_space<vmem>> -> memref<32x768xf32, #tpu.memory_space<vmem>>
    %dma_wait3A_113 = arith.constant 32 : i32
    %dma_wait3A_114 = tpu.memref_slice %arg5[%dma_wait3A_113] : memref<1024xi32, #tpu.memory_space<vmem>> -> memref<32xi32, #tpu.memory_space<vmem>>
    %dma_wait3A_115 = arith.constant 0 : i32
    %dma_wait3A_116 = arith.constant 0 : i32
    %dma_wait3A_117 = tpu.memref_slice %arg3[%dma_wait3A_115, %dma_wait3A_116] : memref<100000x768xf32, #tpu.memory_space<hbm>> -> memref<100000x768xf32, #tpu.memory_space<hbm>>
    tpu.wait_indirect_dma semaphore(%arg8 : memref<!tpu.dma_semaphore, #tpu.memory_space<semaphore_mem>>) src(%dma_wait3A_117 : memref<100000x768xf32, #tpu.memory_space<hbm>>) dst(%dma_wait3A_112 : memref<32x768xf32, #tpu.memory_space<vmem>>)
    %add3A_118 = arith.constant 32 : i32
    %add3A_119 = arith.addi %select_n3A_32, %add3A_118 : i32
    %dma_start3A_120 = arith.constant 1 : i32
    %dma_start3A_121 = arith.constant 0 : i32
    %dma_start3A_122 = arith.constant 0 : i32
    %dma_start3A_123 = tpu.memref_slice %arg6[%dma_start3A_120, %dma_start3A_121, %dma_start3A_122] : memref<5x32x768xf32, #tpu.memory_space<vmem>> -> memref<1x32x768xf32, #tpu.memory_space<vmem>>
    %dma_start3A_124 = tpu.memref_squeeze %dma_start3A_123 : memref<1x32x768xf32, #tpu.memory_space<vmem>> -> memref<32x768xf32, #tpu.memory_space<vmem>>
    %dma_start3A_125 = arith.constant 0 : i32
    %dma_start3A_126 = tpu.memref_slice %arg4[%select_n3A, %add3A_119, %dma_start3A_125] : memref<4x8192x768xf32, #tpu.memory_space<hbm>> -> memref<1x32x768xf32, #tpu.memory_space<hbm>>
    %dma_start3A_127 = tpu.memref_squeeze %dma_start3A_126 : memref<1x32x768xf32, #tpu.memory_space<hbm>> -> memref<32x768xf32, #tpu.memory_space<hbm>>
    %dma_start3A_128 = arith.constant 0 : i32
    %dma_start3A_129 = tpu.memref_slice %arg4[%select_n3A, %add3A_119, %dma_start3A_128] : memref<4x8192x768xf32, #tpu.memory_space<hbm>> -> memref<1x32x768xf32, #tpu.memory_space<hbm>>
    %dma_start3A_130 = tpu.memref_squeeze %dma_start3A_129 : memref<1x32x768xf32, #tpu.memory_space<hbm>> -> memref<32x768xf32, #tpu.memory_space<hbm>>
    %dma_start3A_131 = arith.constant 0 : i32
    %dma_start3A_132 = arith.constant 0 : i32
    %dma_start3A_133 = tpu.memref_slice %arg6[%dma_start3A_120, %dma_start3A_131, %dma_start3A_132] : memref<5x32x768xf32, #tpu.memory_space<vmem>> -> memref<1x32x768xf32, #tpu.memory_space<vmem>>
    %dma_start3A_134 = tpu.memref_squeeze %dma_start3A_133 : memref<1x32x768xf32, #tpu.memory_space<vmem>> -> memref<32x768xf32, #tpu.memory_space<vmem>>
    tpu.enqueue_dma source(%dma_start3A_134 : memref<32x768xf32, #tpu.memory_space<vmem>>) target(%dma_start3A_130 : memref<32x768xf32, #tpu.memory_space<hbm>>) target_semaphore(%arg13 : memref<!tpu.dma_semaphore, #tpu.memory_space<semaphore_mem>>)
    %dma_wait3A_135 = arith.constant 0 : i32
    %dma_wait3A_136 = arith.constant 0 : i32
    %dma_wait3A_137 = arith.constant 0 : i32
    %dma_wait3A_138 = tpu.memref_slice %arg6[%dma_wait3A_135, %dma_wait3A_136, %dma_wait3A_137] : memref<5x32x768xf32, #tpu.memory_space<vmem>> -> memref<1x32x768xf32, #tpu.memory_space<vmem>>
    %dma_wait3A_139 = tpu.memref_squeeze %dma_wait3A_138 : memref<1x32x768xf32, #tpu.memory_space<vmem>> -> memref<32x768xf32, #tpu.memory_space<vmem>>
    %dma_wait3A_140 = arith.constant 0 : i32
    %dma_wait3A_141 = tpu.memref_slice %arg4[%select_n3A, %add3A_82, %dma_wait3A_140] : memref<4x8192x768xf32, #tpu.memory_space<hbm>> -> memref<1x32x768xf32, #tpu.memory_space<hbm>>
    %dma_wait3A_142 = tpu.memref_squeeze %dma_wait3A_141 : memref<1x32x768xf32, #tpu.memory_space<hbm>> -> memref<32x768xf32, #tpu.memory_space<hbm>>
    %dma_wait3A_143 = arith.constant 0 : i32
    %dma_wait3A_144 = tpu.memref_slice %arg4[%select_n3A, %add3A_82, %dma_wait3A_143] : memref<4x8192x768xf32, #tpu.memory_space<hbm>> -> memref<1x32x768xf32, #tpu.memory_space<hbm>>
    %dma_wait3A_145 = tpu.memref_squeeze %dma_wait3A_144 : memref<1x32x768xf32, #tpu.memory_space<hbm>> -> memref<32x768xf32, #tpu.memory_space<hbm>>
    %dma_wait3A_146 = arith.constant 0 : i32
    %dma_wait3A_147 = arith.constant 0 : i32
    %dma_wait3A_148 = tpu.memref_slice %arg6[%dma_wait3A_135, %dma_wait3A_146, %dma_wait3A_147] : memref<5x32x768xf32, #tpu.memory_space<vmem>> -> memref<1x32x768xf32, #tpu.memory_space<vmem>>
    %dma_wait3A_149 = tpu.memref_squeeze %dma_wait3A_148 : memref<1x32x768xf32, #tpu.memory_space<vmem>> -> memref<32x768xf32, #tpu.memory_space<vmem>>
    tpu.wait_dma2 semaphore(%arg12 : memref<!tpu.dma_semaphore, #tpu.memory_space<semaphore_mem>>) src(%dma_wait3A_149 : memref<32x768xf32, #tpu.memory_space<vmem>>) dst(%dma_wait3A_145 : memref<32x768xf32, #tpu.memory_space<hbm>>)
    %dma_start3A_150 = arith.constant 0 : i32
    %dma_start3A_151 = arith.constant 0 : i32
    %dma_start3A_152 = arith.constant 0 : i32
    %dma_start3A_153 = tpu.memref_slice %arg6[%dma_start3A_150, %dma_start3A_151, %dma_start3A_152] : memref<5x32x768xf32, #tpu.memory_space<vmem>> -> memref<1x32x768xf32, #tpu.memory_space<vmem>>
    %dma_start3A_154 = tpu.memref_squeeze %dma_start3A_153 : memref<1x32x768xf32, #tpu.memory_space<vmem>> -> memref<32x768xf32, #tpu.memory_space<vmem>>
    %dma_start3A_155 = arith.constant 160 : i32
    %dma_start3A_156 = tpu.memref_slice %arg5[%dma_start3A_155] : memref<1024xi32, #tpu.memory_space<vmem>> -> memref<32xi32, #tpu.memory_space<vmem>>
    %dma_start3A_157 = arith.constant 0 : i32
    %dma_start3A_158 = arith.constant 0 : i32
    %dma_start3A_159 = tpu.memref_slice %arg3[%dma_start3A_157, %dma_start3A_158] : memref<100000x768xf32, #tpu.memory_space<hbm>> -> memref<100000x768xf32, #tpu.memory_space<hbm>>
    tpu.enqueue_indirect_dma source(%dma_start3A_159 : memref<100000x768xf32, #tpu.memory_space<hbm>>) target(%dma_start3A_154 : memref<32x768xf32, #tpu.memory_space<vmem>>) offsets(%dma_start3A_156 : memref<32xi32, #tpu.memory_space<vmem>>) semaphore(%arg7 : memref<!tpu.dma_semaphore, #tpu.memory_space<semaphore_mem>>)
    %dma_wait3A_160 = arith.constant 2 : i32
    %dma_wait3A_161 = arith.constant 0 : i32
    %dma_wait3A_162 = arith.constant 0 : i32
    %dma_wait3A_163 = tpu.memref_slice %arg6[%dma_wait3A_160, %dma_wait3A_161, %dma_wait3A_162] : memref<5x32x768xf32, #tpu.memory_space<vmem>> -> memref<1x32x768xf32, #tpu.memory_space<vmem>>
    %dma_wait3A_164 = tpu.memref_squeeze %dma_wait3A_163 : memref<1x32x768xf32, #tpu.memory_space<vmem>> -> memref<32x768xf32, #tpu.memory_space<vmem>>
    %dma_wait3A_165 = arith.constant 64 : i32
    %dma_wait3A_166 = tpu.memref_slice %arg5[%dma_wait3A_165] : memref<1024xi32, #tpu.memory_space<vmem>> -> memref<32xi32, #tpu.memory_space<vmem>>
    %dma_wait3A_167 = arith.constant 0 : i32
    %dma_wait3A_168 = arith.constant 0 : i32
    %dma_wait3A_169 = tpu.memref_slice %arg3[%dma_wait3A_167, %dma_wait3A_168] : memref<100000x768xf32, #tpu.memory_space<hbm>> -> memref<100000x768xf32, #tpu.memory_space<hbm>>
    tpu.wait_indirect_dma semaphore(%arg9 : memref<!tpu.dma_semaphore, #tpu.memory_space<semaphore_mem>>) src(%dma_wait3A_169 : memref<100000x768xf32, #tpu.memory_space<hbm>>) dst(%dma_wait3A_164 : memref<32x768xf32, #tpu.memory_space<vmem>>)
    %add3A_170 = arith.constant 64 : i32
    %add3A_171 = arith.addi %select_n3A_32, %add3A_170 : i32
    %dma_start3A_172 = arith.constant 2 : i32
    %dma_start3A_173 = arith.constant 0 : i32
    %dma_start3A_174 = arith.constant 0 : i32
    %dma_start3A_175 = tpu.memref_slice %arg6[%dma_start3A_172, %dma_start3A_173, %dma_start3A_174] : memref<5x32x768xf32, #tpu.memory_space<vmem>> -> memref<1x32x768xf32, #tpu.memory_space<vmem>>
    %dma_start3A_176 = tpu.memref_squeeze %dma_start3A_175 : memref<1x32x768xf32, #tpu.memory_space<vmem>> -> memref<32x768xf32, #tpu.memory_space<vmem>>
    %dma_start3A_177 = arith.constant 0 : i32
    %dma_start3A_178 = tpu.memref_slice %arg4[%select_n3A, %add3A_171, %dma_start3A_177] : memref<4x8192x768xf32, #tpu.memory_space<hbm>> -> memref<1x32x768xf32, #tpu.memory_space<hbm>>
    %dma_start3A_179 = tpu.memref_squeeze %dma_start3A_178 : memref<1x32x768xf32, #tpu.memory_space<hbm>> -> memref<32x768xf32, #tpu.memory_space<hbm>>
    %dma_start3A_180 = arith.constant 0 : i32
    %dma_start3A_181 = tpu.memref_slice %arg4[%select_n3A, %add3A_171, %dma_start3A_180] : memref<4x8192x768xf32, #tpu.memory_space<hbm>> -> memref<1x32x768xf32, #tpu.memory_space<hbm>>
    %dma_start3A_182 = tpu.memref_squeeze %dma_start3A_181 : memref<1x32x768xf32, #tpu.memory_space<hbm>> -> memref<32x768xf32, #tpu.memory_space<hbm>>
    %dma_start3A_183 = arith.constant 0 : i32
    %dma_start3A_184 = arith.constant 0 : i32
    %dma_start3A_185 = tpu.memref_slice %arg6[%dma_start3A_172, %dma_start3A_183, %dma_start3A_184] : memref<5x32x768xf32, #tpu.memory_space<vmem>> -> memref<1x32x768xf32, #tpu.memory_space<vmem>>
    %dma_start3A_186 = tpu.memref_squeeze %dma_start3A_185 : memref<1x32x768xf32, #tpu.memory_space<vmem>> -> memref<32x768xf32, #tpu.memory_space<vmem>>
    tpu.enqueue_dma source(%dma_start3A_186 : memref<32x768xf32, #tpu.memory_space<vmem>>) target(%dma_start3A_182 : memref<32x768xf32, #tpu.memory_space<hbm>>) target_semaphore(%arg14 : memref<!tpu.dma_semaphore, #tpu.memory_space<semaphore_mem>>)
    %dma_wait3A_187 = arith.constant 1 : i32
    %dma_wait3A_188 = arith.constant 0 : i32
    %dma_wait3A_189 = arith.constant 0 : i32
    %dma_wait3A_190 = tpu.memref_slice %arg6[%dma_wait3A_187, %dma_wait3A_188, %dma_wait3A_189] : memref<5x32x768xf32, #tpu.memory_space<vmem>> -> memref<1x32x768xf32, #tpu.memory_space<vmem>>
    %dma_wait3A_191 = tpu.memref_squeeze %dma_wait3A_190 : memref<1x32x768xf32, #tpu.memory_space<vmem>> -> memref<32x768xf32, #tpu.memory_space<vmem>>
    %dma_wait3A_192 = arith.constant 0 : i32
    %dma_wait3A_193 = tpu.memref_slice %arg4[%select_n3A, %add3A_119, %dma_wait3A_192] : memref<4x8192x768xf32, #tpu.memory_space<hbm>> -> memref<1x32x768xf32, #tpu.memory_space<hbm>>
    %dma_wait3A_194 = tpu.memref_squeeze %dma_wait3A_193 : memref<1x32x768xf32, #tpu.memory_space<hbm>> -> memref<32x768xf32, #tpu.memory_space<hbm>>
    %dma_wait3A_195 = arith.constant 0 : i32
    %dma_wait3A_196 = tpu.memref_slice %arg4[%select_n3A, %add3A_119, %dma_wait3A_195] : memref<4x8192x768xf32, #tpu.memory_space<hbm>> -> memref<1x32x768xf32, #tpu.memory_space<hbm>>
    %dma_wait3A_197 = tpu.memref_squeeze %dma_wait3A_196 : memref<1x32x768xf32, #tpu.memory_space<hbm>> -> memref<32x768xf32, #tpu.memory_space<hbm>>
    %dma_wait3A_198 = arith.constant 0 : i32
    %dma_wait3A_199 = arith.constant 0 : i32
    %dma_wait3A_200 = tpu.memref_slice %arg6[%dma_wait3A_187, %dma_wait3A_198, %dma_wait3A_199] : memref<5x32x768xf32, #tpu.memory_space<vmem>> -> memref<1x32x768xf32, #tpu.memory_space<vmem>>
    %dma_wait3A_201 = tpu.memref_squeeze %dma_wait3A_200 : memref<1x32x768xf32, #tpu.memory_space<vmem>> -> memref<32x768xf32, #tpu.memory_space<vmem>>
    tpu.wait_dma2 semaphore(%arg13 : memref<!tpu.dma_semaphore, #tpu.memory_space<semaphore_mem>>) src(%dma_wait3A_201 : memref<32x768xf32, #tpu.memory_space<vmem>>) dst(%dma_wait3A_197 : memref<32x768xf32, #tpu.memory_space<hbm>>)
    %dma_start3A_202 = arith.constant 1 : i32
    %dma_start3A_203 = arith.constant 0 : i32
    %dma_start3A_204 = arith.constant 0 : i32
    %dma_start3A_205 = tpu.memref_slice %arg6[%dma_start3A_202, %dma_start3A_203, %dma_start3A_204] : memref<5x32x768xf32, #tpu.memory_space<vmem>> -> memref<1x32x768xf32, #tpu.memory_space<vmem>>
    %dma_start3A_206 = tpu.memref_squeeze %dma_start3A_205 : memref<1x32x768xf32, #tpu.memory_space<vmem>> -> memref<32x768xf32, #tpu.memory_space<vmem>>
    %dma_start3A_207 = arith.constant 192 : i32
    %dma_start3A_208 = tpu.memref_slice %arg5[%dma_start3A_207] : memref<1024xi32, #tpu.memory_space<vmem>> -> memref<32xi32, #tpu.memory_space<vmem>>
    %dma_start3A_209 = arith.constant 0 : i32
    %dma_start3A_210 = arith.constant 0 : i32
    %dma_start3A_211 = tpu.memref_slice %arg3[%dma_start3A_209, %dma_start3A_210] : memref<100000x768xf32, #tpu.memory_space<hbm>> -> memref<100000x768xf32, #tpu.memory_space<hbm>>
    tpu.enqueue_indirect_dma source(%dma_start3A_211 : memref<100000x768xf32, #tpu.memory_space<hbm>>) target(%dma_start3A_206 : memref<32x768xf32, #tpu.memory_space<vmem>>) offsets(%dma_start3A_208 : memref<32xi32, #tpu.memory_space<vmem>>) semaphore(%arg8 : memref<!tpu.dma_semaphore, #tpu.memory_space<semaphore_mem>>)
    %dma_wait3A_212 = arith.constant 3 : i32
    %dma_wait3A_213 = arith.constant 0 : i32
    %dma_wait3A_214 = arith.constant 0 : i32
    %dma_wait3A_215 = tpu.memref_slice %arg6[%dma_wait3A_212, %dma_wait3A_213, %dma_wait3A_214] : memref<5x32x768xf32, #tpu.memory_space<vmem>> -> memref<1x32x768xf32, #tpu.memory_space<vmem>>
    %dma_wait3A_216 = tpu.memref_squeeze %dma_wait3A_215 : memref<1x32x768xf32, #tpu.memory_space<vmem>> -> memref<32x768xf32, #tpu.memory_space<vmem>>
    %dma_wait3A_217 = arith.constant 96 : i32
    %dma_wait3A_218 = tpu.memref_slice %arg5[%dma_wait3A_217] : memref<1024xi32, #tpu.memory_space<vmem>> -> memref<32xi32, #tpu.memory_space<vmem>>
    %dma_wait3A_219 = arith.constant 0 : i32
    %dma_wait3A_220 = arith.constant 0 : i32
    %dma_wait3A_221 = tpu.memref_slice %arg3[%dma_wait3A_219, %dma_wait3A_220] : memref<100000x768xf32, #tpu.memory_space<hbm>> -> memref<100000x768xf32, #tpu.memory_space<hbm>>
    tpu.wait_indirect_dma semaphore(%arg10 : memref<!tpu.dma_semaphore, #tpu.memory_space<semaphore_mem>>) src(%dma_wait3A_221 : memref<100000x768xf32, #tpu.memory_space<hbm>>) dst(%dma_wait3A_216 : memref<32x768xf32, #tpu.memory_space<vmem>>)
    %add3A_222 = arith.constant 96 : i32
    %add3A_223 = arith.addi %select_n3A_32, %add3A_222 : i32
    %dma_start3A_224 = arith.constant 3 : i32
    %dma_start3A_225 = arith.constant 0 : i32
    %dma_start3A_226 = arith.constant 0 : i32
    %dma_start3A_227 = tpu.memref_slice %arg6[%dma_start3A_224, %dma_start3A_225, %dma_start3A_226] : memref<5x32x768xf32, #tpu.memory_space<vmem>> -> memref<1x32x768xf32, #tpu.memory_space<vmem>>
    %dma_start3A_228 = tpu.memref_squeeze %dma_start3A_227 : memref<1x32x768xf32, #tpu.memory_space<vmem>> -> memref<32x768xf32, #tpu.memory_space<vmem>>
    %dma_start3A_229 = arith.constant 0 : i32
    %dma_start3A_230 = tpu.memref_slice %arg4[%select_n3A, %add3A_223, %dma_start3A_229] : memref<4x8192x768xf32, #tpu.memory_space<hbm>> -> memref<1x32x768xf32, #tpu.memory_space<hbm>>
    %dma_start3A_231 = tpu.memref_squeeze %dma_start3A_230 : memref<1x32x768xf32, #tpu.memory_space<hbm>> -> memref<32x768xf32, #tpu.memory_space<hbm>>
    %dma_start3A_232 = arith.constant 0 : i32
    %dma_start3A_233 = tpu.memref_slice %arg4[%select_n3A, %add3A_223, %dma_start3A_232] : memref<4x8192x768xf32, #tpu.memory_space<hbm>> -> memref<1x32x768xf32, #tpu.memory_space<hbm>>
    %dma_start3A_234 = tpu.memref_squeeze %dma_start3A_233 : memref<1x32x768xf32, #tpu.memory_space<hbm>> -> memref<32x768xf32, #tpu.memory_space<hbm>>
    %dma_start3A_235 = arith.constant 0 : i32
    %dma_start3A_236 = arith.constant 0 : i32
    %dma_start3A_237 = tpu.memref_slice %arg6[%dma_start3A_224, %dma_start3A_235, %dma_start3A_236] : memref<5x32x768xf32, #tpu.memory_space<vmem>> -> memref<1x32x768xf32, #tpu.memory_space<vmem>>
    %dma_start3A_238 = tpu.memref_squeeze %dma_start3A_237 : memref<1x32x768xf32, #tpu.memory_space<vmem>> -> memref<32x768xf32, #tpu.memory_space<vmem>>
    tpu.enqueue_dma source(%dma_start3A_238 : memref<32x768xf32, #tpu.memory_space<vmem>>) target(%dma_start3A_234 : memref<32x768xf32, #tpu.memory_space<hbm>>) target_semaphore(%arg15 : memref<!tpu.dma_semaphore, #tpu.memory_space<semaphore_mem>>)
    %dma_wait3A_239 = arith.constant 2 : i32
    %dma_wait3A_240 = arith.constant 0 : i32
    %dma_wait3A_241 = arith.constant 0 : i32
    %dma_wait3A_242 = tpu.memref_slice %arg6[%dma_wait3A_239, %dma_wait3A_240, %dma_wait3A_241] : memref<5x32x768xf32, #tpu.memory_space<vmem>> -> memref<1x32x768xf32, #tpu.memory_space<vmem>>
    %dma_wait3A_243 = tpu.memref_squeeze %dma_wait3A_242 : memref<1x32x768xf32, #tpu.memory_space<vmem>> -> memref<32x768xf32, #tpu.memory_space<vmem>>
    %dma_wait3A_244 = arith.constant 0 : i32
    %dma_wait3A_245 = tpu.memref_slice %arg4[%select_n3A, %add3A_171, %dma_wait3A_244] : memref<4x8192x768xf32, #tpu.memory_space<hbm>> -> memref<1x32x768xf32, #tpu.memory_space<hbm>>
    %dma_wait3A_246 = tpu.memref_squeeze %dma_wait3A_245 : memref<1x32x768xf32, #tpu.memory_space<hbm>> -> memref<32x768xf32, #tpu.memory_space<hbm>>
    %dma_wait3A_247 = arith.constant 0 : i32
    %dma_wait3A_248 = tpu.memref_slice %arg4[%select_n3A, %add3A_171, %dma_wait3A_247] : memref<4x8192x768xf32, #tpu.memory_space<hbm>> -> memref<1x32x768xf32, #tpu.memory_space<hbm>>
    %dma_wait3A_249 = tpu.memref_squeeze %dma_wait3A_248 : memref<1x32x768xf32, #tpu.memory_space<hbm>> -> memref<32x768xf32, #tpu.memory_space<hbm>>
    %dma_wait3A_250 = arith.constant 0 : i32
    %dma_wait3A_251 = arith.constant 0 : i32
    %dma_wait3A_252 = tpu.memref_slice %arg6[%dma_wait3A_239, %dma_wait3A_250, %dma_wait3A_251] : memref<5x32x768xf32, #tpu.memory_space<vmem>> -> memref<1x32x768xf32, #tpu.memory_space<vmem>>
    %dma_wait3A_253 = tpu.memref_squeeze %dma_wait3A_252 : memref<1x32x768xf32, #tpu.memory_space<vmem>> -> memref<32x768xf32, #tpu.memory_space<vmem>>
    tpu.wait_dma2 semaphore(%arg14 : memref<!tpu.dma_semaphore, #tpu.memory_space<semaphore_mem>>) src(%dma_wait3A_253 : memref<32x768xf32, #tpu.memory_space<vmem>>) dst(%dma_wait3A_249 : memref<32x768xf32, #tpu.memory_space<hbm>>)
    %dma_start3A_254 = arith.constant 2 : i32
    %dma_start3A_255 = arith.constant 0 : i32
    %dma_start3A_256 = arith.constant 0 : i32
    %dma_start3A_257 = tpu.memref_slice %arg6[%dma_start3A_254, %dma_start3A_255, %dma_start3A_256] : memref<5x32x768xf32, #tpu.memory_space<vmem>> -> memref<1x32x768xf32, #tpu.memory_space<vmem>>
    %dma_start3A_258 = tpu.memref_squeeze %dma_start3A_257 : memref<1x32x768xf32, #tpu.memory_space<vmem>> -> memref<32x768xf32, #tpu.memory_space<vmem>>
    %dma_start3A_259 = arith.constant 224 : i32
    %dma_start3A_260 = tpu.memref_slice %arg5[%dma_start3A_259] : memref<1024xi32, #tpu.memory_space<vmem>> -> memref<32xi32, #tpu.memory_space<vmem>>
    %dma_start3A_261 = arith.constant 0 : i32
    %dma_start3A_262 = arith.constant 0 : i32
    %dma_start3A_263 = tpu.memref_slice %arg3[%dma_start3A_261, %dma_start3A_262] : memref<100000x768xf32, #tpu.memory_space<hbm>> -> memref<100000x768xf32, #tpu.memory_space<hbm>>
    tpu.enqueue_indirect_dma source(%dma_start3A_263 : memref<100000x768xf32, #tpu.memory_space<hbm>>) target(%dma_start3A_258 : memref<32x768xf32, #tpu.memory_space<vmem>>) offsets(%dma_start3A_260 : memref<32xi32, #tpu.memory_space<vmem>>) semaphore(%arg9 : memref<!tpu.dma_semaphore, #tpu.memory_space<semaphore_mem>>)
    %dma_wait3A_264 = arith.constant 4 : i32
    %dma_wait3A_265 = arith.constant 0 : i32
    %dma_wait3A_266 = arith.constant 0 : i32
    %dma_wait3A_267 = tpu.memref_slice %arg6[%dma_wait3A_264, %dma_wait3A_265, %dma_wait3A_266] : memref<5x32x768xf32, #tpu.memory_space<vmem>> -> memref<1x32x768xf32, #tpu.memory_space<vmem>>
    %dma_wait3A_268 = tpu.memref_squeeze %dma_wait3A_267 : memref<1x32x768xf32, #tpu.memory_space<vmem>> -> memref<32x768xf32, #tpu.memory_space<vmem>>
    %dma_wait3A_269 = arith.constant 128 : i32
    %dma_wait3A_270 = tpu.memref_slice %arg5[%dma_wait3A_269] : memref<1024xi32, #tpu.memory_space<vmem>> -> memref<32xi32, #tpu.memory_space<vmem>>
    %dma_wait3A_271 = arith.constant 0 : i32
    %dma_wait3A_272 = arith.constant 0 : i32
    %dma_wait3A_273 = tpu.memref_slice %arg3[%dma_wait3A_271, %dma_wait3A_272] : memref<100000x768xf32, #tpu.memory_space<hbm>> -> memref<100000x768xf32, #tpu.memory_space<hbm>>
    tpu.wait_indirect_dma semaphore(%arg11 : memref<!tpu.dma_semaphore, #tpu.memory_space<semaphore_mem>>) src(%dma_wait3A_273 : memref<100000x768xf32, #tpu.memory_space<hbm>>) dst(%dma_wait3A_268 : memref<32x768xf32, #tpu.memory_space<vmem>>)
    %add3A_274 = arith.constant 128 : i32
    %add3A_275 = arith.addi %select_n3A_32, %add3A_274 : i32
    %dma_start3A_276 = arith.constant 4 : i32
    %dma_start3A_277 = arith.constant 0 : i32
    %dma_start3A_278 = arith.constant 0 : i32
    %dma_start3A_279 = tpu.memref_slice %arg6[%dma_start3A_276, %dma_start3A_277, %dma_start3A_278] : memref<5x32x768xf32, #tpu.memory_space<vmem>> -> memref<1x32x768xf32, #tpu.memory_space<vmem>>
    %dma_start3A_280 = tpu.memref_squeeze %dma_start3A_279 : memref<1x32x768xf32, #tpu.memory_space<vmem>> -> memref<32x768xf32, #tpu.memory_space<vmem>>
    %dma_start3A_281 = arith.constant 0 : i32
    %dma_start3A_282 = tpu.memref_slice %arg4[%select_n3A, %add3A_275, %dma_start3A_281] : memref<4x8192x768xf32, #tpu.memory_space<hbm>> -> memref<1x32x768xf32, #tpu.memory_space<hbm>>
    %dma_start3A_283 = tpu.memref_squeeze %dma_start3A_282 : memref<1x32x768xf32, #tpu.memory_space<hbm>> -> memref<32x768xf32, #tpu.memory_space<hbm>>
    %dma_start3A_284 = arith.constant 0 : i32
    %dma_start3A_285 = tpu.memref_slice %arg4[%select_n3A, %add3A_275, %dma_start3A_284] : memref<4x8192x768xf32, #tpu.memory_space<hbm>> -> memref<1x32x768xf32, #tpu.memory_space<hbm>>
    %dma_start3A_286 = tpu.memref_squeeze %dma_start3A_285 : memref<1x32x768xf32, #tpu.memory_space<hbm>> -> memref<32x768xf32, #tpu.memory_space<hbm>>
    %dma_start3A_287 = arith.constant 0 : i32
    %dma_start3A_288 = arith.constant 0 : i32
    %dma_start3A_289 = tpu.memref_slice %arg6[%dma_start3A_276, %dma_start3A_287, %dma_start3A_288] : memref<5x32x768xf32, #tpu.memory_space<vmem>> -> memref<1x32x768xf32, #tpu.memory_space<vmem>>
    %dma_start3A_290 = tpu.memref_squeeze %dma_start3A_289 : memref<1x32x768xf32, #tpu.memory_space<vmem>> -> memref<32x768xf32, #tpu.memory_space<vmem>>
    tpu.enqueue_dma source(%dma_start3A_290 : memref<32x768xf32, #tpu.memory_space<vmem>>) target(%dma_start3A_286 : memref<32x768xf32, #tpu.memory_space<hbm>>) target_semaphore(%arg16 : memref<!tpu.dma_semaphore, #tpu.memory_space<semaphore_mem>>)
    %dma_wait3A_291 = arith.constant 3 : i32
    %dma_wait3A_292 = arith.constant 0 : i32
    %dma_wait3A_293 = arith.constant 0 : i32
    %dma_wait3A_294 = tpu.memref_slice %arg6[%dma_wait3A_291, %dma_wait3A_292, %dma_wait3A_293] : memref<5x32x768xf32, #tpu.memory_space<vmem>> -> memref<1x32x768xf32, #tpu.memory_space<vmem>>
    %dma_wait3A_295 = tpu.memref_squeeze %dma_wait3A_294 : memref<1x32x768xf32, #tpu.memory_space<vmem>> -> memref<32x768xf32, #tpu.memory_space<vmem>>
    %dma_wait3A_296 = arith.constant 0 : i32
    %dma_wait3A_297 = tpu.memref_slice %arg4[%select_n3A, %add3A_223, %dma_wait3A_296] : memref<4x8192x768xf32, #tpu.memory_space<hbm>> -> memref<1x32x768xf32, #tpu.memory_space<hbm>>
    %dma_wait3A_298 = tpu.memref_squeeze %dma_wait3A_297 : memref<1x32x768xf32, #tpu.memory_space<hbm>> -> memref<32x768xf32, #tpu.memory_space<hbm>>
    %dma_wait3A_299 = arith.constant 0 : i32
    %dma_wait3A_300 = tpu.memref_slice %arg4[%select_n3A, %add3A_223, %dma_wait3A_299] : memref<4x8192x768xf32, #tpu.memory_space<hbm>> -> memref<1x32x768xf32, #tpu.memory_space<hbm>>
    %dma_wait3A_301 = tpu.memref_squeeze %dma_wait3A_300 : memref<1x32x768xf32, #tpu.memory_space<hbm>> -> memref<32x768xf32, #tpu.memory_space<hbm>>
    %dma_wait3A_302 = arith.constant 0 : i32
    %dma_wait3A_303 = arith.constant 0 : i32
    %dma_wait3A_304 = tpu.memref_slice %arg6[%dma_wait3A_291, %dma_wait3A_302, %dma_wait3A_303] : memref<5x32x768xf32, #tpu.memory_space<vmem>> -> memref<1x32x768xf32, #tpu.memory_space<vmem>>
    %dma_wait3A_305 = tpu.memref_squeeze %dma_wait3A_304 : memref<1x32x768xf32, #tpu.memory_space<vmem>> -> memref<32x768xf32, #tpu.memory_space<vmem>>
    tpu.wait_dma2 semaphore(%arg15 : memref<!tpu.dma_semaphore, #tpu.memory_space<semaphore_mem>>) src(%dma_wait3A_305 : memref<32x768xf32, #tpu.memory_space<vmem>>) dst(%dma_wait3A_301 : memref<32x768xf32, #tpu.memory_space<hbm>>)
    %dma_start3A_306 = arith.constant 3 : i32
    %dma_start3A_307 = arith.constant 0 : i32
    %dma_start3A_308 = arith.constant 0 : i32
    %dma_start3A_309 = tpu.memref_slice %arg6[%dma_start3A_306, %dma_start3A_307, %dma_start3A_308] : memref<5x32x768xf32, #tpu.memory_space<vmem>> -> memref<1x32x768xf32, #tpu.memory_space<vmem>>
    %dma_start3A_310 = tpu.memref_squeeze %dma_start3A_309 : memref<1x32x768xf32, #tpu.memory_space<vmem>> -> memref<32x768xf32, #tpu.memory_space<vmem>>
    %dma_start3A_311 = arith.constant 256 : i32
    %dma_start3A_312 = tpu.memref_slice %arg5[%dma_start3A_311] : memref<1024xi32, #tpu.memory_space<vmem>> -> memref<32xi32, #tpu.memory_space<vmem>>
    %dma_start3A_313 = arith.constant 0 : i32
    %dma_start3A_314 = arith.constant 0 : i32
    %dma_start3A_315 = tpu.memref_slice %arg3[%dma_start3A_313, %dma_start3A_314] : memref<100000x768xf32, #tpu.memory_space<hbm>> -> memref<100000x768xf32, #tpu.memory_space<hbm>>
    tpu.enqueue_indirect_dma source(%dma_start3A_315 : memref<100000x768xf32, #tpu.memory_space<hbm>>) target(%dma_start3A_310 : memref<32x768xf32, #tpu.memory_space<vmem>>) offsets(%dma_start3A_312 : memref<32xi32, #tpu.memory_space<vmem>>) semaphore(%arg10 : memref<!tpu.dma_semaphore, #tpu.memory_space<semaphore_mem>>)
    %dma_wait3A_316 = arith.constant 0 : i32
    %dma_wait3A_317 = arith.constant 0 : i32
    %dma_wait3A_318 = arith.constant 0 : i32
    %dma_wait3A_319 = tpu.memref_slice %arg6[%dma_wait3A_316, %dma_wait3A_317, %dma_wait3A_318] : memref<5x32x768xf32, #tpu.memory_space<vmem>> -> memref<1x32x768xf32, #tpu.memory_space<vmem>>
    %dma_wait3A_320 = tpu.memref_squeeze %dma_wait3A_319 : memref<1x32x768xf32, #tpu.memory_space<vmem>> -> memref<32x768xf32, #tpu.memory_space<vmem>>
    %dma_wait3A_321 = arith.constant 160 : i32
    %dma_wait3A_322 = tpu.memref_slice %arg5[%dma_wait3A_321] : memref<1024xi32, #tpu.memory_space<vmem>> -> memref<32xi32, #tpu.memory_space<vmem>>
    %dma_wait3A_323 = arith.constant 0 : i32
    %dma_wait3A_324 = arith.constant 0 : i32
    %dma_wait3A_325 = tpu.memref_slice %arg3[%dma_wait3A_323, %dma_wait3A_324] : memref<100000x768xf32, #tpu.memory_space<hbm>> -> memref<100000x768xf32, #tpu.memory_space<hbm>>
    tpu.wait_indirect_dma semaphore(%arg7 : memref<!tpu.dma_semaphore, #tpu.memory_space<semaphore_mem>>) src(%dma_wait3A_325 : memref<100000x768xf32, #tpu.memory_space<hbm>>) dst(%dma_wait3A_320 : memref<32x768xf32, #tpu.memory_space<vmem>>)
    %add3A_326 = arith.constant 160 : i32
    %add3A_327 = arith.addi %select_n3A_32, %add3A_326 : i32
    %dma_start3A_328 = arith.constant 0 : i32
    %dma_start3A_329 = arith.constant 0 : i32
    %dma_start3A_330 = arith.constant 0 : i32
    %dma_start3A_331 = tpu.memref_slice %arg6[%dma_start3A_328, %dma_start3A_329, %dma_start3A_330] : memref<5x32x768xf32, #tpu.memory_space<vmem>> -> memref<1x32x768xf32, #tpu.memory_space<vmem>>
    %dma_start3A_332 = tpu.memref_squeeze %dma_start3A_331 : memref<1x32x768xf32, #tpu.memory_space<vmem>> -> memref<32x768xf32, #tpu.memory_space<vmem>>
    %dma_start3A_333 = arith.constant 0 : i32
    %dma_start3A_334 = tpu.memref_slice %arg4[%select_n3A, %add3A_327, %dma_start3A_333] : memref<4x8192x768xf32, #tpu.memory_space<hbm>> -> memref<1x32x768xf32, #tpu.memory_space<hbm>>
    %dma_start3A_335 = tpu.memref_squeeze %dma_start3A_334 : memref<1x32x768xf32, #tpu.memory_space<hbm>> -> memref<32x768xf32, #tpu.memory_space<hbm>>
    %dma_start3A_336 = arith.constant 0 : i32
    %dma_start3A_337 = tpu.memref_slice %arg4[%select_n3A, %add3A_327, %dma_start3A_336] : memref<4x8192x768xf32, #tpu.memory_space<hbm>> -> memref<1x32x768xf32, #tpu.memory_space<hbm>>
    %dma_start3A_338 = tpu.memref_squeeze %dma_start3A_337 : memref<1x32x768xf32, #tpu.memory_space<hbm>> -> memref<32x768xf32, #tpu.memory_space<hbm>>
    %dma_start3A_339 = arith.constant 0 : i32
    %dma_start3A_340 = arith.constant 0 : i32
    %dma_start3A_341 = tpu.memref_slice %arg6[%dma_start3A_328, %dma_start3A_339, %dma_start3A_340] : memref<5x32x768xf32, #tpu.memory_space<vmem>> -> memref<1x32x768xf32, #tpu.memory_space<vmem>>
    %dma_start3A_342 = tpu.memref_squeeze %dma_start3A_341 : memref<1x32x768xf32, #tpu.memory_space<vmem>> -> memref<32x768xf32, #tpu.memory_space<vmem>>
    tpu.enqueue_dma source(%dma_start3A_342 : memref<32x768xf32, #tpu.memory_space<vmem>>) target(%dma_start3A_338 : memref<32x768xf32, #tpu.memory_space<hbm>>) target_semaphore(%arg12 : memref<!tpu.dma_semaphore, #tpu.memory_space<semaphore_mem>>)
    %dma_wait3A_343 = arith.constant 4 : i32
    %dma_wait3A_344 = arith.constant 0 : i32
    %dma_wait3A_345 = arith.constant 0 : i32
    %dma_wait3A_346 = tpu.memref_slice %arg6[%dma_wait3A_343, %dma_wait3A_344, %dma_wait3A_345] : memref<5x32x768xf32, #tpu.memory_space<vmem>> -> memref<1x32x768xf32, #tpu.memory_space<vmem>>
    %dma_wait3A_347 = tpu.memref_squeeze %dma_wait3A_346 : memref<1x32x768xf32, #tpu.memory_space<vmem>> -> memref<32x768xf32, #tpu.memory_space<vmem>>
    %dma_wait3A_348 = arith.constant 0 : i32
    %dma_wait3A_349 = tpu.memref_slice %arg4[%select_n3A, %add3A_275, %dma_wait3A_348] : memref<4x8192x768xf32, #tpu.memory_space<hbm>> -> memref<1x32x768xf32, #tpu.memory_space<hbm>>
    %dma_wait3A_350 = tpu.memref_squeeze %dma_wait3A_349 : memref<1x32x768xf32, #tpu.memory_space<hbm>> -> memref<32x768xf32, #tpu.memory_space<hbm>>
    %dma_wait3A_351 = arith.constant 0 : i32
    %dma_wait3A_352 = tpu.memref_slice %arg4[%select_n3A, %add3A_275, %dma_wait3A_351] : memref<4x8192x768xf32, #tpu.memory_space<hbm>> -> memref<1x32x768xf32, #tpu.memory_space<hbm>>
    %dma_wait3A_353 = tpu.memref_squeeze %dma_wait3A_352 : memref<1x32x768xf32, #tpu.memory_space<hbm>> -> memref<32x768xf32, #tpu.memory_space<hbm>>
    %dma_wait3A_354 = arith.constant 0 : i32
    %dma_wait3A_355 = arith.constant 0 : i32
    %dma_wait3A_356 = tpu.memref_slice %arg6[%dma_wait3A_343, %dma_wait3A_354, %dma_wait3A_355] : memref<5x32x768xf32, #tpu.memory_space<vmem>> -> memref<1x32x768xf32, #tpu.memory_space<vmem>>
    %dma_wait3A_357 = tpu.memref_squeeze %dma_wait3A_356 : memref<1x32x768xf32, #tpu.memory_space<vmem>> -> memref<32x768xf32, #tpu.memory_space<vmem>>
    tpu.wait_dma2 semaphore(%arg16 : memref<!tpu.dma_semaphore, #tpu.memory_space<semaphore_mem>>) src(%dma_wait3A_357 : memref<32x768xf32, #tpu.memory_space<vmem>>) dst(%dma_wait3A_353 : memref<32x768xf32, #tpu.memory_space<hbm>>)
    %dma_start3A_358 = arith.constant 4 : i32
    %dma_start3A_359 = arith.constant 0 : i32
    %dma_start3A_360 = arith.constant 0 : i32
    %dma_start3A_361 = tpu.memref_slice %arg6[%dma_start3A_358, %dma_start3A_359, %dma_start3A_360] : memref<5x32x768xf32, #tpu.memory_space<vmem>> -> memref<1x32x768xf32, #tpu.memory_space<vmem>>
    %dma_start3A_362 = tpu.memref_squeeze %dma_start3A_361 : memref<1x32x768xf32, #tpu.memory_space<vmem>> -> memref<32x768xf32, #tpu.memory_space<vmem>>
    %dma_start3A_363 = arith.constant 288 : i32
    %dma_start3A_364 = tpu.memref_slice %arg5[%dma_start3A_363] : memref<1024xi32, #tpu.memory_space<vmem>> -> memref<32xi32, #tpu.memory_space<vmem>>
    %dma_start3A_365 = arith.constant 0 : i32
    %dma_start3A_366 = arith.constant 0 : i32
    %dma_start3A_367 = tpu.memref_slice %arg3[%dma_start3A_365, %dma_start3A_366] : memref<100000x768xf32, #tpu.memory_space<hbm>> -> memref<100000x768xf32, #tpu.memory_space<hbm>>
    tpu.enqueue_indirect_dma source(%dma_start3A_367 : memref<100000x768xf32, #tpu.memory_space<hbm>>) target(%dma_start3A_362 : memref<32x768xf32, #tpu.memory_space<vmem>>) offsets(%dma_start3A_364 : memref<32xi32, #tpu.memory_space<vmem>>) semaphore(%arg11 : memref<!tpu.dma_semaphore, #tpu.memory_space<semaphore_mem>>)
    %dma_wait3A_368 = arith.constant 1 : i32
    %dma_wait3A_369 = arith.constant 0 : i32
    %dma_wait3A_370 = arith.constant 0 : i32
    %dma_wait3A_371 = tpu.memref_slice %arg6[%dma_wait3A_368, %dma_wait3A_369, %dma_wait3A_370] : memref<5x32x768xf32, #tpu.memory_space<vmem>> -> memref<1x32x768xf32, #tpu.memory_space<vmem>>
    %dma_wait3A_372 = tpu.memref_squeeze %dma_wait3A_371 : memref<1x32x768xf32, #tpu.memory_space<vmem>> -> memref<32x768xf32, #tpu.memory_space<vmem>>
    %dma_wait3A_373 = arith.constant 192 : i32
    %dma_wait3A_374 = tpu.memref_slice %arg5[%dma_wait3A_373] : memref<1024xi32, #tpu.memory_space<vmem>> -> memref<32xi32, #tpu.memory_space<vmem>>
    %dma_wait3A_375 = arith.constant 0 : i32
    %dma_wait3A_376 = arith.constant 0 : i32
    %dma_wait3A_377 = tpu.memref_slice %arg3[%dma_wait3A_375, %dma_wait3A_376] : memref<100000x768xf32, #tpu.memory_space<hbm>> -> memref<100000x768xf32, #tpu.memory_space<hbm>>
    tpu.wait_indirect_dma semaphore(%arg8 : memref<!tpu.dma_semaphore, #tpu.memory_space<semaphore_mem>>) src(%dma_wait3A_377 : memref<100000x768xf32, #tpu.memory_space<hbm>>) dst(%dma_wait3A_372 : memref<32x768xf32, #tpu.memory_space<vmem>>)
    %add3A_378 = arith.constant 192 : i32
    %add3A_379 = arith.addi %select_n3A_32, %add3A_378 : i32
    %dma_start3A_380 = arith.constant 1 : i32
    %dma_start3A_381 = arith.constant 0 : i32
    %dma_start3A_382 = arith.constant 0 : i32
    %dma_start3A_383 = tpu.memref_slice %arg6[%dma_start3A_380, %dma_start3A_381, %dma_start3A_382] : memref<5x32x768xf32, #tpu.memory_space<vmem>> -> memref<1x32x768xf32, #tpu.memory_space<vmem>>
    %dma_start3A_384 = tpu.memref_squeeze %dma_start3A_383 : memref<1x32x768xf32, #tpu.memory_space<vmem>> -> memref<32x768xf32, #tpu.memory_space<vmem>>
    %dma_start3A_385 = arith.constant 0 : i32
    %dma_start3A_386 = tpu.memref_slice %arg4[%select_n3A, %add3A_379, %dma_start3A_385] : memref<4x8192x768xf32, #tpu.memory_space<hbm>> -> memref<1x32x768xf32, #tpu.memory_space<hbm>>
    %dma_start3A_387 = tpu.memref_squeeze %dma_start3A_386 : memref<1x32x768xf32, #tpu.memory_space<hbm>> -> memref<32x768xf32, #tpu.memory_space<hbm>>
    %dma_start3A_388 = arith.constant 0 : i32
    %dma_start3A_389 = tpu.memref_slice %arg4[%select_n3A, %add3A_379, %dma_start3A_388] : memref<4x8192x768xf32, #tpu.memory_space<hbm>> -> memref<1x32x768xf32, #tpu.memory_space<hbm>>
    %dma_start3A_390 = tpu.memref_squeeze %dma_start3A_389 : memref<1x32x768xf32, #tpu.memory_space<hbm>> -> memref<32x768xf32, #tpu.memory_space<hbm>>
    %dma_start3A_391 = arith.constant 0 : i32
    %dma_start3A_392 = arith.constant 0 : i32
    %dma_start3A_393 = tpu.memref_slice %arg6[%dma_start3A_380, %dma_start3A_391, %dma_start3A_392] : memref<5x32x768xf32, #tpu.memory_space<vmem>> -> memref<1x32x768xf32, #tpu.memory_space<vmem>>
    %dma_start3A_394 = tpu.memref_squeeze %dma_start3A_393 : memref<1x32x768xf32, #tpu.memory_space<vmem>> -> memref<32x768xf32, #tpu.memory_space<vmem>>
    tpu.enqueue_dma source(%dma_start3A_394 : memref<32x768xf32, #tpu.memory_space<vmem>>) target(%dma_start3A_390 : memref<32x768xf32, #tpu.memory_space<hbm>>) target_semaphore(%arg13 : memref<!tpu.dma_semaphore, #tpu.memory_space<semaphore_mem>>)
    %dma_wait3A_395 = arith.constant 0 : i32
    %dma_wait3A_396 = arith.constant 0 : i32
    %dma_wait3A_397 = arith.constant 0 : i32
    %dma_wait3A_398 = tpu.memref_slice %arg6[%dma_wait3A_395, %dma_wait3A_396, %dma_wait3A_397] : memref<5x32x768xf32, #tpu.memory_space<vmem>> -> memref<1x32x768xf32, #tpu.memory_space<vmem>>
    %dma_wait3A_399 = tpu.memref_squeeze %dma_wait3A_398 : memref<1x32x768xf32, #tpu.memory_space<vmem>> -> memref<32x768xf32, #tpu.memory_space<vmem>>
    %dma_wait3A_400 = arith.constant 0 : i32
    %dma_wait3A_401 = tpu.memref_slice %arg4[%select_n3A, %add3A_327, %dma_wait3A_400] : memref<4x8192x768xf32, #tpu.memory_space<hbm>> -> memref<1x32x768xf32, #tpu.memory_space<hbm>>
    %dma_wait3A_402 = tpu.memref_squeeze %dma_wait3A_401 : memref<1x32x768xf32, #tpu.memory_space<hbm>> -> memref<32x768xf32, #tpu.memory_space<hbm>>
    %dma_wait3A_403 = arith.constant 0 : i32
    %dma_wait3A_404 = tpu.memref_slice %arg4[%select_n3A, %add3A_327, %dma_wait3A_403] : memref<4x8192x768xf32, #tpu.memory_space<hbm>> -> memref<1x32x768xf32, #tpu.memory_space<hbm>>
    %dma_wait3A_405 = tpu.memref_squeeze %dma_wait3A_404 : memref<1x32x768xf32, #tpu.memory_space<hbm>> -> memref<32x768xf32, #tpu.memory_space<hbm>>
    %dma_wait3A_406 = arith.constant 0 : i32
    %dma_wait3A_407 = arith.constant 0 : i32
    %dma_wait3A_408 = tpu.memref_slice %arg6[%dma_wait3A_395, %dma_wait3A_406, %dma_wait3A_407] : memref<5x32x768xf32, #tpu.memory_space<vmem>> -> memref<1x32x768xf32, #tpu.memory_space<vmem>>
    %dma_wait3A_409 = tpu.memref_squeeze %dma_wait3A_408 : memref<1x32x768xf32, #tpu.memory_space<vmem>> -> memref<32x768xf32, #tpu.memory_space<vmem>>
    tpu.wait_dma2 semaphore(%arg12 : memref<!tpu.dma_semaphore, #tpu.memory_space<semaphore_mem>>) src(%dma_wait3A_409 : memref<32x768xf32, #tpu.memory_space<vmem>>) dst(%dma_wait3A_405 : memref<32x768xf32, #tpu.memory_space<hbm>>)
    %dma_start3A_410 = arith.constant 0 : i32
    %dma_start3A_411 = arith.constant 0 : i32
    %dma_start3A_412 = arith.constant 0 : i32
    %dma_start3A_413 = tpu.memref_slice %arg6[%dma_start3A_410, %dma_start3A_411, %dma_start3A_412] : memref<5x32x768xf32, #tpu.memory_space<vmem>> -> memref<1x32x768xf32, #tpu.memory_space<vmem>>
    %dma_start3A_414 = tpu.memref_squeeze %dma_start3A_413 : memref<1x32x768xf32, #tpu.memory_space<vmem>> -> memref<32x768xf32, #tpu.memory_space<vmem>>
    %dma_start3A_415 = arith.constant 320 : i32
    %dma_start3A_416 = tpu.memref_slice %arg5[%dma_start3A_415] : memref<1024xi32, #tpu.memory_space<vmem>> -> memref<32xi32, #tpu.memory_space<vmem>>
    %dma_start3A_417 = arith.constant 0 : i32
    %dma_start3A_418 = arith.constant 0 : i32
    %dma_start3A_419 = tpu.memref_slice %arg3[%dma_start3A_417, %dma_start3A_418] : memref<100000x768xf32, #tpu.memory_space<hbm>> -> memref<100000x768xf32, #tpu.memory_space<hbm>>
    tpu.enqueue_indirect_dma source(%dma_start3A_419 : memref<100000x768xf32, #tpu.memory_space<hbm>>) target(%dma_start3A_414 : memref<32x768xf32, #tpu.memory_space<vmem>>) offsets(%dma_start3A_416 : memref<32xi32, #tpu.memory_space<vmem>>) semaphore(%arg7 : memref<!tpu.dma_semaphore, #tpu.memory_space<semaphore_mem>>)
    %dma_wait3A_420 = arith.constant 2 : i32
    %dma_wait3A_421 = arith.constant 0 : i32
    %dma_wait3A_422 = arith.constant 0 : i32
    %dma_wait3A_423 = tpu.memref_slice %arg6[%dma_wait3A_420, %dma_wait3A_421, %dma_wait3A_422] : memref<5x32x768xf32, #tpu.memory_space<vmem>> -> memref<1x32x768xf32, #tpu.memory_space<vmem>>
    %dma_wait3A_424 = tpu.memref_squeeze %dma_wait3A_423 : memref<1x32x768xf32, #tpu.memory_space<vmem>> -> memref<32x768xf32, #tpu.memory_space<vmem>>
    %dma_wait3A_425 = arith.constant 224 : i32
    %dma_wait3A_426 = tpu.memref_slice %arg5[%dma_wait3A_425] : memref<1024xi32, #tpu.memory_space<vmem>> -> memref<32xi32, #tpu.memory_space<vmem>>
    %dma_wait3A_427 = arith.constant 0 : i32
    %dma_wait3A_428 = arith.constant 0 : i32
    %dma_wait3A_429 = tpu.memref_slice %arg3[%dma_wait3A_427, %dma_wait3A_428] : memref<100000x768xf32, #tpu.memory_space<hbm>> -> memref<100000x768xf32, #tpu.memory_space<hbm>>
    tpu.wait_indirect_dma semaphore(%arg9 : memref<!tpu.dma_semaphore, #tpu.memory_space<semaphore_mem>>) src(%dma_wait3A_429 : memref<100000x768xf32, #tpu.memory_space<hbm>>) dst(%dma_wait3A_424 : memref<32x768xf32, #tpu.memory_space<vmem>>)
    %add3A_430 = arith.constant 224 : i32
    %add3A_431 = arith.addi %select_n3A_32, %add3A_430 : i32
    %dma_start3A_432 = arith.constant 2 : i32
    %dma_start3A_433 = arith.constant 0 : i32
    %dma_start3A_434 = arith.constant 0 : i32
    %dma_start3A_435 = tpu.memref_slice %arg6[%dma_start3A_432, %dma_start3A_433, %dma_start3A_434] : memref<5x32x768xf32, #tpu.memory_space<vmem>> -> memref<1x32x768xf32, #tpu.memory_space<vmem>>
    %dma_start3A_436 = tpu.memref_squeeze %dma_start3A_435 : memref<1x32x768xf32, #tpu.memory_space<vmem>> -> memref<32x768xf32, #tpu.memory_space<vmem>>
    %dma_start3A_437 = arith.constant 0 : i32
    %dma_start3A_438 = tpu.memref_slice %arg4[%select_n3A, %add3A_431, %dma_start3A_437] : memref<4x8192x768xf32, #tpu.memory_space<hbm>> -> memref<1x32x768xf32, #tpu.memory_space<hbm>>
    %dma_start3A_439 = tpu.memref_squeeze %dma_start3A_438 : memref<1x32x768xf32, #tpu.memory_space<hbm>> -> memref<32x768xf32, #tpu.memory_space<hbm>>
    %dma_start3A_440 = arith.constant 0 : i32
    %dma_start3A_441 = tpu.memref_slice %arg4[%select_n3A, %add3A_431, %dma_start3A_440] : memref<4x8192x768xf32, #tpu.memory_space<hbm>> -> memref<1x32x768xf32, #tpu.memory_space<hbm>>
    %dma_start3A_442 = tpu.memref_squeeze %dma_start3A_441 : memref<1x32x768xf32, #tpu.memory_space<hbm>> -> memref<32x768xf32, #tpu.memory_space<hbm>>
    %dma_start3A_443 = arith.constant 0 : i32
    %dma_start3A_444 = arith.constant 0 : i32
    %dma_start3A_445 = tpu.memref_slice %arg6[%dma_start3A_432, %dma_start3A_443, %dma_start3A_444] : memref<5x32x768xf32, #tpu.memory_space<vmem>> -> memref<1x32x768xf32, #tpu.memory_space<vmem>>
    %dma_start3A_446 = tpu.memref_squeeze %dma_start3A_445 : memref<1x32x768xf32, #tpu.memory_space<vmem>> -> memref<32x768xf32, #tpu.memory_space<vmem>>
    tpu.enqueue_dma source(%dma_start3A_446 : memref<32x768xf32, #tpu.memory_space<vmem>>) target(%dma_start3A_442 : memref<32x768xf32, #tpu.memory_space<hbm>>) target_semaphore(%arg14 : memref<!tpu.dma_semaphore, #tpu.memory_space<semaphore_mem>>)
    %dma_wait3A_447 = arith.constant 1 : i32
    %dma_wait3A_448 = arith.constant 0 : i32
    %dma_wait3A_449 = arith.constant 0 : i32
    %dma_wait3A_450 = tpu.memref_slice %arg6[%dma_wait3A_447, %dma_wait3A_448, %dma_wait3A_449] : memref<5x32x768xf32, #tpu.memory_space<vmem>> -> memref<1x32x768xf32, #tpu.memory_space<vmem>>
    %dma_wait3A_451 = tpu.memref_squeeze %dma_wait3A_450 : memref<1x32x768xf32, #tpu.memory_space<vmem>> -> memref<32x768xf32, #tpu.memory_space<vmem>>
    %dma_wait3A_452 = arith.constant 0 : i32
    %dma_wait3A_453 = tpu.memref_slice %arg4[%select_n3A, %add3A_379, %dma_wait3A_452] : memref<4x8192x768xf32, #tpu.memory_space<hbm>> -> memref<1x32x768xf32, #tpu.memory_space<hbm>>
    %dma_wait3A_454 = tpu.memref_squeeze %dma_wait3A_453 : memref<1x32x768xf32, #tpu.memory_space<hbm>> -> memref<32x768xf32, #tpu.memory_space<hbm>>
    %dma_wait3A_455 = arith.constant 0 : i32
    %dma_wait3A_456 = tpu.memref_slice %arg4[%select_n3A, %add3A_379, %dma_wait3A_455] : memref<4x8192x768xf32, #tpu.memory_space<hbm>> -> memref<1x32x768xf32, #tpu.memory_space<hbm>>
    %dma_wait3A_457 = tpu.memref_squeeze %dma_wait3A_456 : memref<1x32x768xf32, #tpu.memory_space<hbm>> -> memref<32x768xf32, #tpu.memory_space<hbm>>
    %dma_wait3A_458 = arith.constant 0 : i32
    %dma_wait3A_459 = arith.constant 0 : i32
    %dma_wait3A_460 = tpu.memref_slice %arg6[%dma_wait3A_447, %dma_wait3A_458, %dma_wait3A_459] : memref<5x32x768xf32, #tpu.memory_space<vmem>> -> memref<1x32x768xf32, #tpu.memory_space<vmem>>
    %dma_wait3A_461 = tpu.memref_squeeze %dma_wait3A_460 : memref<1x32x768xf32, #tpu.memory_space<vmem>> -> memref<32x768xf32, #tpu.memory_space<vmem>>
    tpu.wait_dma2 semaphore(%arg13 : memref<!tpu.dma_semaphore, #tpu.memory_space<semaphore_mem>>) src(%dma_wait3A_461 : memref<32x768xf32, #tpu.memory_space<vmem>>) dst(%dma_wait3A_457 : memref<32x768xf32, #tpu.memory_space<hbm>>)
    %dma_start3A_462 = arith.constant 1 : i32
    %dma_start3A_463 = arith.constant 0 : i32
    %dma_start3A_464 = arith.constant 0 : i32
    %dma_start3A_465 = tpu.memref_slice %arg6[%dma_start3A_462, %dma_start3A_463, %dma_start3A_464] : memref<5x32x768xf32, #tpu.memory_space<vmem>> -> memref<1x32x768xf32, #tpu.memory_space<vmem>>
    %dma_start3A_466 = tpu.memref_squeeze %dma_start3A_465 : memref<1x32x768xf32, #tpu.memory_space<vmem>> -> memref<32x768xf32, #tpu.memory_space<vmem>>
    %dma_start3A_467 = arith.constant 352 : i32
    %dma_start3A_468 = tpu.memref_slice %arg5[%dma_start3A_467] : memref<1024xi32, #tpu.memory_space<vmem>> -> memref<32xi32, #tpu.memory_space<vmem>>
    %dma_start3A_469 = arith.constant 0 : i32
    %dma_start3A_470 = arith.constant 0 : i32
    %dma_start3A_471 = tpu.memref_slice %arg3[%dma_start3A_469, %dma_start3A_470] : memref<100000x768xf32, #tpu.memory_space<hbm>> -> memref<100000x768xf32, #tpu.memory_space<hbm>>
    tpu.enqueue_indirect_dma source(%dma_start3A_471 : memref<100000x768xf32, #tpu.memory_space<hbm>>) target(%dma_start3A_466 : memref<32x768xf32, #tpu.memory_space<vmem>>) offsets(%dma_start3A_468 : memref<32xi32, #tpu.memory_space<vmem>>) semaphore(%arg8 : memref<!tpu.dma_semaphore, #tpu.memory_space<semaphore_mem>>)
    %dma_wait3A_472 = arith.constant 3 : i32
    %dma_wait3A_473 = arith.constant 0 : i32
    %dma_wait3A_474 = arith.constant 0 : i32
    %dma_wait3A_475 = tpu.memref_slice %arg6[%dma_wait3A_472, %dma_wait3A_473, %dma_wait3A_474] : memref<5x32x768xf32, #tpu.memory_space<vmem>> -> memref<1x32x768xf32, #tpu.memory_space<vmem>>
    %dma_wait3A_476 = tpu.memref_squeeze %dma_wait3A_475 : memref<1x32x768xf32, #tpu.memory_space<vmem>> -> memref<32x768xf32, #tpu.memory_space<vmem>>
    %dma_wait3A_477 = arith.constant 256 : i32
    %dma_wait3A_478 = tpu.memref_slice %arg5[%dma_wait3A_477] : memref<1024xi32, #tpu.memory_space<vmem>> -> memref<32xi32, #tpu.memory_space<vmem>>
    %dma_wait3A_479 = arith.constant 0 : i32
    %dma_wait3A_480 = arith.constant 0 : i32
    %dma_wait3A_481 = tpu.memref_slice %arg3[%dma_wait3A_479, %dma_wait3A_480] : memref<100000x768xf32, #tpu.memory_space<hbm>> -> memref<100000x768xf32, #tpu.memory_space<hbm>>
    tpu.wait_indirect_dma semaphore(%arg10 : memref<!tpu.dma_semaphore, #tpu.memory_space<semaphore_mem>>) src(%dma_wait3A_481 : memref<100000x768xf32, #tpu.memory_space<hbm>>) dst(%dma_wait3A_476 : memref<32x768xf32, #tpu.memory_space<vmem>>)
    %add3A_482 = arith.constant 256 : i32
    %add3A_483 = arith.addi %select_n3A_32, %add3A_482 : i32
    %dma_start3A_484 = arith.constant 3 : i32
    %dma_start3A_485 = arith.constant 0 : i32
    %dma_start3A_486 = arith.constant 0 : i32
    %dma_start3A_487 = tpu.memref_slice %arg6[%dma_start3A_484, %dma_start3A_485, %dma_start3A_486] : memref<5x32x768xf32, #tpu.memory_space<vmem>> -> memref<1x32x768xf32, #tpu.memory_space<vmem>>
    %dma_start3A_488 = tpu.memref_squeeze %dma_start3A_487 : memref<1x32x768xf32, #tpu.memory_space<vmem>> -> memref<32x768xf32, #tpu.memory_space<vmem>>
    %dma_start3A_489 = arith.constant 0 : i32
    %dma_start3A_490 = tpu.memref_slice %arg4[%select_n3A, %add3A_483, %dma_start3A_489] : memref<4x8192x768xf32, #tpu.memory_space<hbm>> -> memref<1x32x768xf32, #tpu.memory_space<hbm>>
    %dma_start3A_491 = tpu.memref_squeeze %dma_start3A_490 : memref<1x32x768xf32, #tpu.memory_space<hbm>> -> memref<32x768xf32, #tpu.memory_space<hbm>>
    %dma_start3A_492 = arith.constant 0 : i32
    %dma_start3A_493 = tpu.memref_slice %arg4[%select_n3A, %add3A_483, %dma_start3A_492] : memref<4x8192x768xf32, #tpu.memory_space<hbm>> -> memref<1x32x768xf32, #tpu.memory_space<hbm>>
    %dma_start3A_494 = tpu.memref_squeeze %dma_start3A_493 : memref<1x32x768xf32, #tpu.memory_space<hbm>> -> memref<32x768xf32, #tpu.memory_space<hbm>>
    %dma_start3A_495 = arith.constant 0 : i32
    %dma_start3A_496 = arith.constant 0 : i32
    %dma_start3A_497 = tpu.memref_slice %arg6[%dma_start3A_484, %dma_start3A_495, %dma_start3A_496] : memref<5x32x768xf32, #tpu.memory_space<vmem>> -> memref<1x32x768xf32, #tpu.memory_space<vmem>>
    %dma_start3A_498 = tpu.memref_squeeze %dma_start3A_497 : memref<1x32x768xf32, #tpu.memory_space<vmem>> -> memref<32x768xf32, #tpu.memory_space<vmem>>
    tpu.enqueue_dma source(%dma_start3A_498 : memref<32x768xf32, #tpu.memory_space<vmem>>) target(%dma_start3A_494 : memref<32x768xf32, #tpu.memory_space<hbm>>) target_semaphore(%arg15 : memref<!tpu.dma_semaphore, #tpu.memory_space<semaphore_mem>>)
    %dma_wait3A_499 = arith.constant 2 : i32
    %dma_wait3A_500 = arith.constant 0 : i32
    %dma_wait3A_501 = arith.constant 0 : i32
    %dma_wait3A_502 = tpu.memref_slice %arg6[%dma_wait3A_499, %dma_wait3A_500, %dma_wait3A_501] : memref<5x32x768xf32, #tpu.memory_space<vmem>> -> memref<1x32x768xf32, #tpu.memory_space<vmem>>
    %dma_wait3A_503 = tpu.memref_squeeze %dma_wait3A_502 : memref<1x32x768xf32, #tpu.memory_space<vmem>> -> memref<32x768xf32, #tpu.memory_space<vmem>>
    %dma_wait3A_504 = arith.constant 0 : i32
    %dma_wait3A_505 = tpu.memref_slice %arg4[%select_n3A, %add3A_431, %dma_wait3A_504] : memref<4x8192x768xf32, #tpu.memory_space<hbm>> -> memref<1x32x768xf32, #tpu.memory_space<hbm>>
    %dma_wait3A_506 = tpu.memref_squeeze %dma_wait3A_505 : memref<1x32x768xf32, #tpu.memory_space<hbm>> -> memref<32x768xf32, #tpu.memory_space<hbm>>
    %dma_wait3A_507 = arith.constant 0 : i32
    %dma_wait3A_508 = tpu.memref_slice %arg4[%select_n3A, %add3A_431, %dma_wait3A_507] : memref<4x8192x768xf32, #tpu.memory_space<hbm>> -> memref<1x32x768xf32, #tpu.memory_space<hbm>>
    %dma_wait3A_509 = tpu.memref_squeeze %dma_wait3A_508 : memref<1x32x768xf32, #tpu.memory_space<hbm>> -> memref<32x768xf32, #tpu.memory_space<hbm>>
    %dma_wait3A_510 = arith.constant 0 : i32
    %dma_wait3A_511 = arith.constant 0 : i32
    %dma_wait3A_512 = tpu.memref_slice %arg6[%dma_wait3A_499, %dma_wait3A_510, %dma_wait3A_511] : memref<5x32x768xf32, #tpu.memory_space<vmem>> -> memref<1x32x768xf32, #tpu.memory_space<vmem>>
    %dma_wait3A_513 = tpu.memref_squeeze %dma_wait3A_512 : memref<1x32x768xf32, #tpu.memory_space<vmem>> -> memref<32x768xf32, #tpu.memory_space<vmem>>
    tpu.wait_dma2 semaphore(%arg14 : memref<!tpu.dma_semaphore, #tpu.memory_space<semaphore_mem>>) src(%dma_wait3A_513 : memref<32x768xf32, #tpu.memory_space<vmem>>) dst(%dma_wait3A_509 : memref<32x768xf32, #tpu.memory_space<hbm>>)
    %dma_start3A_514 = arith.constant 2 : i32
    %dma_start3A_515 = arith.constant 0 : i32
    %dma_start3A_516 = arith.constant 0 : i32
    %dma_start3A_517 = tpu.memref_slice %arg6[%dma_start3A_514, %dma_start3A_515, %dma_start3A_516] : memref<5x32x768xf32, #tpu.memory_space<vmem>> -> memref<1x32x768xf32, #tpu.memory_space<vmem>>
    %dma_start3A_518 = tpu.memref_squeeze %dma_start3A_517 : memref<1x32x768xf32, #tpu.memory_space<vmem>> -> memref<32x768xf32, #tpu.memory_space<vmem>>
    %dma_start3A_519 = arith.constant 384 : i32
    %dma_start3A_520 = tpu.memref_slice %arg5[%dma_start3A_519] : memref<1024xi32, #tpu.memory_space<vmem>> -> memref<32xi32, #tpu.memory_space<vmem>>
    %dma_start3A_521 = arith.constant 0 : i32
    %dma_start3A_522 = arith.constant 0 : i32
    %dma_start3A_523 = tpu.memref_slice %arg3[%dma_start3A_521, %dma_start3A_522] : memref<100000x768xf32, #tpu.memory_space<hbm>> -> memref<100000x768xf32, #tpu.memory_space<hbm>>
    tpu.enqueue_indirect_dma source(%dma_start3A_523 : memref<100000x768xf32, #tpu.memory_space<hbm>>) target(%dma_start3A_518 : memref<32x768xf32, #tpu.memory_space<vmem>>) offsets(%dma_start3A_520 : memref<32xi32, #tpu.memory_space<vmem>>) semaphore(%arg9 : memref<!tpu.dma_semaphore, #tpu.memory_space<semaphore_mem>>)
    %dma_wait3A_524 = arith.constant 4 : i32
    %dma_wait3A_525 = arith.constant 0 : i32
    %dma_wait3A_526 = arith.constant 0 : i32
    %dma_wait3A_527 = tpu.memref_slice %arg6[%dma_wait3A_524, %dma_wait3A_525, %dma_wait3A_526] : memref<5x32x768xf32, #tpu.memory_space<vmem>> -> memref<1x32x768xf32, #tpu.memory_space<vmem>>
    %dma_wait3A_528 = tpu.memref_squeeze %dma_wait3A_527 : memref<1x32x768xf32, #tpu.memory_space<vmem>> -> memref<32x768xf32, #tpu.memory_space<vmem>>
    %dma_wait3A_529 = arith.constant 288 : i32
    %dma_wait3A_530 = tpu.memref_slice %arg5[%dma_wait3A_529] : memref<1024xi32, #tpu.memory_space<vmem>> -> memref<32xi32, #tpu.memory_space<vmem>>
    %dma_wait3A_531 = arith.constant 0 : i32
    %dma_wait3A_532 = arith.constant 0 : i32
    %dma_wait3A_533 = tpu.memref_slice %arg3[%dma_wait3A_531, %dma_wait3A_532] : memref<100000x768xf32, #tpu.memory_space<hbm>> -> memref<100000x768xf32, #tpu.memory_space<hbm>>
    tpu.wait_indirect_dma semaphore(%arg11 : memref<!tpu.dma_semaphore, #tpu.memory_space<semaphore_mem>>) src(%dma_wait3A_533 : memref<100000x768xf32, #tpu.memory_space<hbm>>) dst(%dma_wait3A_528 : memref<32x768xf32, #tpu.memory_space<vmem>>)
    %add3A_534 = arith.constant 288 : i32
    %add3A_535 = arith.addi %select_n3A_32, %add3A_534 : i32
    %dma_start3A_536 = arith.constant 4 : i32
    %dma_start3A_537 = arith.constant 0 : i32
    %dma_start3A_538 = arith.constant 0 : i32
    %dma_start3A_539 = tpu.memref_slice %arg6[%dma_start3A_536, %dma_start3A_537, %dma_start3A_538] : memref<5x32x768xf32, #tpu.memory_space<vmem>> -> memref<1x32x768xf32, #tpu.memory_space<vmem>>
    %dma_start3A_540 = tpu.memref_squeeze %dma_start3A_539 : memref<1x32x768xf32, #tpu.memory_space<vmem>> -> memref<32x768xf32, #tpu.memory_space<vmem>>
    %dma_start3A_541 = arith.constant 0 : i32
    %dma_start3A_542 = tpu.memref_slice %arg4[%select_n3A, %add3A_535, %dma_start3A_541] : memref<4x8192x768xf32, #tpu.memory_space<hbm>> -> memref<1x32x768xf32, #tpu.memory_space<hbm>>
    %dma_start3A_543 = tpu.memref_squeeze %dma_start3A_542 : memref<1x32x768xf32, #tpu.memory_space<hbm>> -> memref<32x768xf32, #tpu.memory_space<hbm>>
    %dma_start3A_544 = arith.constant 0 : i32
    %dma_start3A_545 = tpu.memref_slice %arg4[%select_n3A, %add3A_535, %dma_start3A_544] : memref<4x8192x768xf32, #tpu.memory_space<hbm>> -> memref<1x32x768xf32, #tpu.memory_space<hbm>>
    %dma_start3A_546 = tpu.memref_squeeze %dma_start3A_545 : memref<1x32x768xf32, #tpu.memory_space<hbm>> -> memref<32x768xf32, #tpu.memory_space<hbm>>
    %dma_start3A_547 = arith.constant 0 : i32
    %dma_start3A_548 = arith.constant 0 : i32
    %dma_start3A_549 = tpu.memref_slice %arg6[%dma_start3A_536, %dma_start3A_547, %dma_start3A_548] : memref<5x32x768xf32, #tpu.memory_space<vmem>> -> memref<1x32x768xf32, #tpu.memory_space<vmem>>
    %dma_start3A_550 = tpu.memref_squeeze %dma_start3A_549 : memref<1x32x768xf32, #tpu.memory_space<vmem>> -> memref<32x768xf32, #tpu.memory_space<vmem>>
    tpu.enqueue_dma source(%dma_start3A_550 : memref<32x768xf32, #tpu.memory_space<vmem>>) target(%dma_start3A_546 : memref<32x768xf32, #tpu.memory_space<hbm>>) target_semaphore(%arg16 : memref<!tpu.dma_semaphore, #tpu.memory_space<semaphore_mem>>)
    %dma_wait3A_551 = arith.constant 3 : i32
    %dma_wait3A_552 = arith.constant 0 : i32
    %dma_wait3A_553 = arith.constant 0 : i32
    %dma_wait3A_554 = tpu.memref_slice %arg6[%dma_wait3A_551, %dma_wait3A_552, %dma_wait3A_553] : memref<5x32x768xf32, #tpu.memory_space<vmem>> -> memref<1x32x768xf32, #tpu.memory_space<vmem>>
    %dma_wait3A_555 = tpu.memref_squeeze %dma_wait3A_554 : memref<1x32x768xf32, #tpu.memory_space<vmem>> -> memref<32x768xf32, #tpu.memory_space<vmem>>
    %dma_wait3A_556 = arith.constant 0 : i32
    %dma_wait3A_557 = tpu.memref_slice %arg4[%select_n3A, %add3A_483, %dma_wait3A_556] : memref<4x8192x768xf32, #tpu.memory_space<hbm>> -> memref<1x32x768xf32, #tpu.memory_space<hbm>>
    %dma_wait3A_558 = tpu.memref_squeeze %dma_wait3A_557 : memref<1x32x768xf32, #tpu.memory_space<hbm>> -> memref<32x768xf32, #tpu.memory_space<hbm>>
    %dma_wait3A_559 = arith.constant 0 : i32
    %dma_wait3A_560 = tpu.memref_slice %arg4[%select_n3A, %add3A_483, %dma_wait3A_559] : memref<4x8192x768xf32, #tpu.memory_space<hbm>> -> memref<1x32x768xf32, #tpu.memory_space<hbm>>
    %dma_wait3A_561 = tpu.memref_squeeze %dma_wait3A_560 : memref<1x32x768xf32, #tpu.memory_space<hbm>> -> memref<32x768xf32, #tpu.memory_space<hbm>>
    %dma_wait3A_562 = arith.constant 0 : i32
    %dma_wait3A_563 = arith.constant 0 : i32
    %dma_wait3A_564 = tpu.memref_slice %arg6[%dma_wait3A_551, %dma_wait3A_562, %dma_wait3A_563] : memref<5x32x768xf32, #tpu.memory_space<vmem>> -> memref<1x32x768xf32, #tpu.memory_space<vmem>>
    %dma_wait3A_565 = tpu.memref_squeeze %dma_wait3A_564 : memref<1x32x768xf32, #tpu.memory_space<vmem>> -> memref<32x768xf32, #tpu.memory_space<vmem>>
    tpu.wait_dma2 semaphore(%arg15 : memref<!tpu.dma_semaphore, #tpu.memory_space<semaphore_mem>>) src(%dma_wait3A_565 : memref<32x768xf32, #tpu.memory_space<vmem>>) dst(%dma_wait3A_561 : memref<32x768xf32, #tpu.memory_space<hbm>>)
    %dma_start3A_566 = arith.constant 3 : i32
    %dma_start3A_567 = arith.constant 0 : i32
    %dma_start3A_568 = arith.constant 0 : i32
    %dma_start3A_569 = tpu.memref_slice %arg6[%dma_start3A_566, %dma_start3A_567, %dma_start3A_568] : memref<5x32x768xf32, #tpu.memory_space<vmem>> -> memref<1x32x768xf32, #tpu.memory_space<vmem>>
    %dma_start3A_570 = tpu.memref_squeeze %dma_start3A_569 : memref<1x32x768xf32, #tpu.memory_space<vmem>> -> memref<32x768xf32, #tpu.memory_space<vmem>>
    %dma_start3A_571 = arith.constant 416 : i32
    %dma_start3A_572 = tpu.memref_slice %arg5[%dma_start3A_571] : memref<1024xi32, #tpu.memory_space<vmem>> -> memref<32xi32, #tpu.memory_space<vmem>>
    %dma_start3A_573 = arith.constant 0 : i32
    %dma_start3A_574 = arith.constant 0 : i32
    %dma_start3A_575 = tpu.memref_slice %arg3[%dma_start3A_573, %dma_start3A_574] : memref<100000x768xf32, #tpu.memory_space<hbm>> -> memref<100000x768xf32, #tpu.memory_space<hbm>>
    tpu.enqueue_indirect_dma source(%dma_start3A_575 : memref<100000x768xf32, #tpu.memory_space<hbm>>) target(%dma_start3A_570 : memref<32x768xf32, #tpu.memory_space<vmem>>) offsets(%dma_start3A_572 : memref<32xi32, #tpu.memory_space<vmem>>) semaphore(%arg10 : memref<!tpu.dma_semaphore, #tpu.memory_space<semaphore_mem>>)
    %dma_wait3A_576 = arith.constant 0 : i32
    %dma_wait3A_577 = arith.constant 0 : i32
    %dma_wait3A_578 = arith.constant 0 : i32
    %dma_wait3A_579 = tpu.memref_slice %arg6[%dma_wait3A_576, %dma_wait3A_577, %dma_wait3A_578] : memref<5x32x768xf32, #tpu.memory_space<vmem>> -> memref<1x32x768xf32, #tpu.memory_space<vmem>>
    %dma_wait3A_580 = tpu.memref_squeeze %dma_wait3A_579 : memref<1x32x768xf32, #tpu.memory_space<vmem>> -> memref<32x768xf32, #tpu.memory_space<vmem>>
    %dma_wait3A_581 = arith.constant 320 : i32
    %dma_wait3A_582 = tpu.memref_slice %arg5[%dma_wait3A_581] : memref<1024xi32, #tpu.memory_space<vmem>> -> memref<32xi32, #tpu.memory_space<vmem>>
    %dma_wait3A_583 = arith.constant 0 : i32
    %dma_wait3A_584 = arith.constant 0 : i32
    %dma_wait3A_585 = tpu.memref_slice %arg3[%dma_wait3A_583, %dma_wait3A_584] : memref<100000x768xf32, #tpu.memory_space<hbm>> -> memref<100000x768xf32, #tpu.memory_space<hbm>>
    tpu.wait_indirect_dma semaphore(%arg7 : memref<!tpu.dma_semaphore, #tpu.memory_space<semaphore_mem>>) src(%dma_wait3A_585 : memref<100000x768xf32, #tpu.memory_space<hbm>>) dst(%dma_wait3A_580 : memref<32x768xf32, #tpu.memory_space<vmem>>)
    %add3A_586 = arith.constant 320 : i32
    %add3A_587 = arith.addi %select_n3A_32, %add3A_586 : i32
    %dma_start3A_588 = arith.constant 0 : i32
    %dma_start3A_589 = arith.constant 0 : i32
    %dma_start3A_590 = arith.constant 0 : i32
    %dma_start3A_591 = tpu.memref_slice %arg6[%dma_start3A_588, %dma_start3A_589, %dma_start3A_590] : memref<5x32x768xf32, #tpu.memory_space<vmem>> -> memref<1x32x768xf32, #tpu.memory_space<vmem>>
    %dma_start3A_592 = tpu.memref_squeeze %dma_start3A_591 : memref<1x32x768xf32, #tpu.memory_space<vmem>> -> memref<32x768xf32, #tpu.memory_space<vmem>>
    %dma_start3A_593 = arith.constant 0 : i32
    %dma_start3A_594 = tpu.memref_slice %arg4[%select_n3A, %add3A_587, %dma_start3A_593] : memref<4x8192x768xf32, #tpu.memory_space<hbm>> -> memref<1x32x768xf32, #tpu.memory_space<hbm>>
    %dma_start3A_595 = tpu.memref_squeeze %dma_start3A_594 : memref<1x32x768xf32, #tpu.memory_space<hbm>> -> memref<32x768xf32, #tpu.memory_space<hbm>>
    %dma_start3A_596 = arith.constant 0 : i32
    %dma_start3A_597 = tpu.memref_slice %arg4[%select_n3A, %add3A_587, %dma_start3A_596] : memref<4x8192x768xf32, #tpu.memory_space<hbm>> -> memref<1x32x768xf32, #tpu.memory_space<hbm>>
    %dma_start3A_598 = tpu.memref_squeeze %dma_start3A_597 : memref<1x32x768xf32, #tpu.memory_space<hbm>> -> memref<32x768xf32, #tpu.memory_space<hbm>>
    %dma_start3A_599 = arith.constant 0 : i32
    %dma_start3A_600 = arith.constant 0 : i32
    %dma_start3A_601 = tpu.memref_slice %arg6[%dma_start3A_588, %dma_start3A_599, %dma_start3A_600] : memref<5x32x768xf32, #tpu.memory_space<vmem>> -> memref<1x32x768xf32, #tpu.memory_space<vmem>>
    %dma_start3A_602 = tpu.memref_squeeze %dma_start3A_601 : memref<1x32x768xf32, #tpu.memory_space<vmem>> -> memref<32x768xf32, #tpu.memory_space<vmem>>
    tpu.enqueue_dma source(%dma_start3A_602 : memref<32x768xf32, #tpu.memory_space<vmem>>) target(%dma_start3A_598 : memref<32x768xf32, #tpu.memory_space<hbm>>) target_semaphore(%arg12 : memref<!tpu.dma_semaphore, #tpu.memory_space<semaphore_mem>>)
    %dma_wait3A_603 = arith.constant 4 : i32
    %dma_wait3A_604 = arith.constant 0 : i32
    %dma_wait3A_605 = arith.constant 0 : i32
    %dma_wait3A_606 = tpu.memref_slice %arg6[%dma_wait3A_603, %dma_wait3A_604, %dma_wait3A_605] : memref<5x32x768xf32, #tpu.memory_space<vmem>> -> memref<1x32x768xf32, #tpu.memory_space<vmem>>
    %dma_wait3A_607 = tpu.memref_squeeze %dma_wait3A_606 : memref<1x32x768xf32, #tpu.memory_space<vmem>> -> memref<32x768xf32, #tpu.memory_space<vmem>>
    %dma_wait3A_608 = arith.constant 0 : i32
    %dma_wait3A_609 = tpu.memref_slice %arg4[%select_n3A, %add3A_535, %dma_wait3A_608] : memref<4x8192x768xf32, #tpu.memory_space<hbm>> -> memref<1x32x768xf32, #tpu.memory_space<hbm>>
    %dma_wait3A_610 = tpu.memref_squeeze %dma_wait3A_609 : memref<1x32x768xf32, #tpu.memory_space<hbm>> -> memref<32x768xf32, #tpu.memory_space<hbm>>
    %dma_wait3A_611 = arith.constant 0 : i32
    %dma_wait3A_612 = tpu.memref_slice %arg4[%select_n3A, %add3A_535, %dma_wait3A_611] : memref<4x8192x768xf32, #tpu.memory_space<hbm>> -> memref<1x32x768xf32, #tpu.memory_space<hbm>>
    %dma_wait3A_613 = tpu.memref_squeeze %dma_wait3A_612 : memref<1x32x768xf32, #tpu.memory_space<hbm>> -> memref<32x768xf32, #tpu.memory_space<hbm>>
    %dma_wait3A_614 = arith.constant 0 : i32
    %dma_wait3A_615 = arith.constant 0 : i32
    %dma_wait3A_616 = tpu.memref_slice %arg6[%dma_wait3A_603, %dma_wait3A_614, %dma_wait3A_615] : memref<5x32x768xf32, #tpu.memory_space<vmem>> -> memref<1x32x768xf32, #tpu.memory_space<vmem>>
    %dma_wait3A_617 = tpu.memref_squeeze %dma_wait3A_616 : memref<1x32x768xf32, #tpu.memory_space<vmem>> -> memref<32x768xf32, #tpu.memory_space<vmem>>
    tpu.wait_dma2 semaphore(%arg16 : memref<!tpu.dma_semaphore, #tpu.memory_space<semaphore_mem>>) src(%dma_wait3A_617 : memref<32x768xf32, #tpu.memory_space<vmem>>) dst(%dma_wait3A_613 : memref<32x768xf32, #tpu.memory_space<hbm>>)
    %dma_start3A_618 = arith.constant 4 : i32
    %dma_start3A_619 = arith.constant 0 : i32
    %dma_start3A_620 = arith.constant 0 : i32
    %dma_start3A_621 = tpu.memref_slice %arg6[%dma_start3A_618, %dma_start3A_619, %dma_start3A_620] : memref<5x32x768xf32, #tpu.memory_space<vmem>> -> memref<1x32x768xf32, #tpu.memory_space<vmem>>
    %dma_start3A_622 = tpu.memref_squeeze %dma_start3A_621 : memref<1x32x768xf32, #tpu.memory_space<vmem>> -> memref<32x768xf32, #tpu.memory_space<vmem>>
    %dma_start3A_623 = arith.constant 448 : i32
    %dma_start3A_624 = tpu.memref_slice %arg5[%dma_start3A_623] : memref<1024xi32, #tpu.memory_space<vmem>> -> memref<32xi32, #tpu.memory_space<vmem>>
    %dma_start3A_625 = arith.constant 0 : i32
    %dma_start3A_626 = arith.constant 0 : i32
    %dma_start3A_627 = tpu.memref_slice %arg3[%dma_start3A_625, %dma_start3A_626] : memref<100000x768xf32, #tpu.memory_space<hbm>> -> memref<100000x768xf32, #tpu.memory_space<hbm>>
    tpu.enqueue_indirect_dma source(%dma_start3A_627 : memref<100000x768xf32, #tpu.memory_space<hbm>>) target(%dma_start3A_622 : memref<32x768xf32, #tpu.memory_space<vmem>>) offsets(%dma_start3A_624 : memref<32xi32, #tpu.memory_space<vmem>>) semaphore(%arg11 : memref<!tpu.dma_semaphore, #tpu.memory_space<semaphore_mem>>)
    %dma_wait3A_628 = arith.constant 1 : i32
    %dma_wait3A_629 = arith.constant 0 : i32
    %dma_wait3A_630 = arith.constant 0 : i32
    %dma_wait3A_631 = tpu.memref_slice %arg6[%dma_wait3A_628, %dma_wait3A_629, %dma_wait3A_630] : memref<5x32x768xf32, #tpu.memory_space<vmem>> -> memref<1x32x768xf32, #tpu.memory_space<vmem>>
    %dma_wait3A_632 = tpu.memref_squeeze %dma_wait3A_631 : memref<1x32x768xf32, #tpu.memory_space<vmem>> -> memref<32x768xf32, #tpu.memory_space<vmem>>
    %dma_wait3A_633 = arith.constant 352 : i32
    %dma_wait3A_634 = tpu.memref_slice %arg5[%dma_wait3A_633] : memref<1024xi32, #tpu.memory_space<vmem>> -> memref<32xi32, #tpu.memory_space<vmem>>
    %dma_wait3A_635 = arith.constant 0 : i32
    %dma_wait3A_636 = arith.constant 0 : i32
    %dma_wait3A_637 = tpu.memref_slice %arg3[%dma_wait3A_635, %dma_wait3A_636] : memref<100000x768xf32, #tpu.memory_space<hbm>> -> memref<100000x768xf32, #tpu.memory_space<hbm>>
    tpu.wait_indirect_dma semaphore(%arg8 : memref<!tpu.dma_semaphore, #tpu.memory_space<semaphore_mem>>) src(%dma_wait3A_637 : memref<100000x768xf32, #tpu.memory_space<hbm>>) dst(%dma_wait3A_632 : memref<32x768xf32, #tpu.memory_space<vmem>>)
    %add3A_638 = arith.constant 352 : i32
    %add3A_639 = arith.addi %select_n3A_32, %add3A_638 : i32
    %dma_start3A_640 = arith.constant 1 : i32
    %dma_start3A_641 = arith.constant 0 : i32
    %dma_start3A_642 = arith.constant 0 : i32
    %dma_start3A_643 = tpu.memref_slice %arg6[%dma_start3A_640, %dma_start3A_641, %dma_start3A_642] : memref<5x32x768xf32, #tpu.memory_space<vmem>> -> memref<1x32x768xf32, #tpu.memory_space<vmem>>
    %dma_start3A_644 = tpu.memref_squeeze %dma_start3A_643 : memref<1x32x768xf32, #tpu.memory_space<vmem>> -> memref<32x768xf32, #tpu.memory_space<vmem>>
    %dma_start3A_645 = arith.constant 0 : i32
    %dma_start3A_646 = tpu.memref_slice %arg4[%select_n3A, %add3A_639, %dma_start3A_645] : memref<4x8192x768xf32, #tpu.memory_space<hbm>> -> memref<1x32x768xf32, #tpu.memory_space<hbm>>
    %dma_start3A_647 = tpu.memref_squeeze %dma_start3A_646 : memref<1x32x768xf32, #tpu.memory_space<hbm>> -> memref<32x768xf32, #tpu.memory_space<hbm>>
    %dma_start3A_648 = arith.constant 0 : i32
    %dma_start3A_649 = tpu.memref_slice %arg4[%select_n3A, %add3A_639, %dma_start3A_648] : memref<4x8192x768xf32, #tpu.memory_space<hbm>> -> memref<1x32x768xf32, #tpu.memory_space<hbm>>
    %dma_start3A_650 = tpu.memref_squeeze %dma_start3A_649 : memref<1x32x768xf32, #tpu.memory_space<hbm>> -> memref<32x768xf32, #tpu.memory_space<hbm>>
    %dma_start3A_651 = arith.constant 0 : i32
    %dma_start3A_652 = arith.constant 0 : i32
    %dma_start3A_653 = tpu.memref_slice %arg6[%dma_start3A_640, %dma_start3A_651, %dma_start3A_652] : memref<5x32x768xf32, #tpu.memory_space<vmem>> -> memref<1x32x768xf32, #tpu.memory_space<vmem>>
    %dma_start3A_654 = tpu.memref_squeeze %dma_start3A_653 : memref<1x32x768xf32, #tpu.memory_space<vmem>> -> memref<32x768xf32, #tpu.memory_space<vmem>>
    tpu.enqueue_dma source(%dma_start3A_654 : memref<32x768xf32, #tpu.memory_space<vmem>>) target(%dma_start3A_650 : memref<32x768xf32, #tpu.memory_space<hbm>>) target_semaphore(%arg13 : memref<!tpu.dma_semaphore, #tpu.memory_space<semaphore_mem>>)
    %dma_wait3A_655 = arith.constant 0 : i32
    %dma_wait3A_656 = arith.constant 0 : i32
    %dma_wait3A_657 = arith.constant 0 : i32
    %dma_wait3A_658 = tpu.memref_slice %arg6[%dma_wait3A_655, %dma_wait3A_656, %dma_wait3A_657] : memref<5x32x768xf32, #tpu.memory_space<vmem>> -> memref<1x32x768xf32, #tpu.memory_space<vmem>>
    %dma_wait3A_659 = tpu.memref_squeeze %dma_wait3A_658 : memref<1x32x768xf32, #tpu.memory_space<vmem>> -> memref<32x768xf32, #tpu.memory_space<vmem>>
    %dma_wait3A_660 = arith.constant 0 : i32
    %dma_wait3A_661 = tpu.memref_slice %arg4[%select_n3A, %add3A_587, %dma_wait3A_660] : memref<4x8192x768xf32, #tpu.memory_space<hbm>> -> memref<1x32x768xf32, #tpu.memory_space<hbm>>
    %dma_wait3A_662 = tpu.memref_squeeze %dma_wait3A_661 : memref<1x32x768xf32, #tpu.memory_space<hbm>> -> memref<32x768xf32, #tpu.memory_space<hbm>>
    %dma_wait3A_663 = arith.constant 0 : i32
    %dma_wait3A_664 = tpu.memref_slice %arg4[%select_n3A, %add3A_587, %dma_wait3A_663] : memref<4x8192x768xf32, #tpu.memory_space<hbm>> -> memref<1x32x768xf32, #tpu.memory_space<hbm>>
    %dma_wait3A_665 = tpu.memref_squeeze %dma_wait3A_664 : memref<1x32x768xf32, #tpu.memory_space<hbm>> -> memref<32x768xf32, #tpu.memory_space<hbm>>
    %dma_wait3A_666 = arith.constant 0 : i32
    %dma_wait3A_667 = arith.constant 0 : i32
    %dma_wait3A_668 = tpu.memref_slice %arg6[%dma_wait3A_655, %dma_wait3A_666, %dma_wait3A_667] : memref<5x32x768xf32, #tpu.memory_space<vmem>> -> memref<1x32x768xf32, #tpu.memory_space<vmem>>
    %dma_wait3A_669 = tpu.memref_squeeze %dma_wait3A_668 : memref<1x32x768xf32, #tpu.memory_space<vmem>> -> memref<32x768xf32, #tpu.memory_space<vmem>>
    tpu.wait_dma2 semaphore(%arg12 : memref<!tpu.dma_semaphore, #tpu.memory_space<semaphore_mem>>) src(%dma_wait3A_669 : memref<32x768xf32, #tpu.memory_space<vmem>>) dst(%dma_wait3A_665 : memref<32x768xf32, #tpu.memory_space<hbm>>)
    %dma_start3A_670 = arith.constant 0 : i32
    %dma_start3A_671 = arith.constant 0 : i32
    %dma_start3A_672 = arith.constant 0 : i32
    %dma_start3A_673 = tpu.memref_slice %arg6[%dma_start3A_670, %dma_start3A_671, %dma_start3A_672] : memref<5x32x768xf32, #tpu.memory_space<vmem>> -> memref<1x32x768xf32, #tpu.memory_space<vmem>>
    %dma_start3A_674 = tpu.memref_squeeze %dma_start3A_673 : memref<1x32x768xf32, #tpu.memory_space<vmem>> -> memref<32x768xf32, #tpu.memory_space<vmem>>
    %dma_start3A_675 = arith.constant 480 : i32
    %dma_start3A_676 = tpu.memref_slice %arg5[%dma_start3A_675] : memref<1024xi32, #tpu.memory_space<vmem>> -> memref<32xi32, #tpu.memory_space<vmem>>
    %dma_start3A_677 = arith.constant 0 : i32
    %dma_start3A_678 = arith.constant 0 : i32
    %dma_start3A_679 = tpu.memref_slice %arg3[%dma_start3A_677, %dma_start3A_678] : memref<100000x768xf32, #tpu.memory_space<hbm>> -> memref<100000x768xf32, #tpu.memory_space<hbm>>
    tpu.enqueue_indirect_dma source(%dma_start3A_679 : memref<100000x768xf32, #tpu.memory_space<hbm>>) target(%dma_start3A_674 : memref<32x768xf32, #tpu.memory_space<vmem>>) offsets(%dma_start3A_676 : memref<32xi32, #tpu.memory_space<vmem>>) semaphore(%arg7 : memref<!tpu.dma_semaphore, #tpu.memory_space<semaphore_mem>>)
    %dma_wait3A_680 = arith.constant 2 : i32
    %dma_wait3A_681 = arith.constant 0 : i32
    %dma_wait3A_682 = arith.constant 0 : i32
    %dma_wait3A_683 = tpu.memref_slice %arg6[%dma_wait3A_680, %dma_wait3A_681, %dma_wait3A_682] : memref<5x32x768xf32, #tpu.memory_space<vmem>> -> memref<1x32x768xf32, #tpu.memory_space<vmem>>
    %dma_wait3A_684 = tpu.memref_squeeze %dma_wait3A_683 : memref<1x32x768xf32, #tpu.memory_space<vmem>> -> memref<32x768xf32, #tpu.memory_space<vmem>>
    %dma_wait3A_685 = arith.constant 384 : i32
    %dma_wait3A_686 = tpu.memref_slice %arg5[%dma_wait3A_685] : memref<1024xi32, #tpu.memory_space<vmem>> -> memref<32xi32, #tpu.memory_space<vmem>>
    %dma_wait3A_687 = arith.constant 0 : i32
    %dma_wait3A_688 = arith.constant 0 : i32
    %dma_wait3A_689 = tpu.memref_slice %arg3[%dma_wait3A_687, %dma_wait3A_688] : memref<100000x768xf32, #tpu.memory_space<hbm>> -> memref<100000x768xf32, #tpu.memory_space<hbm>>
    tpu.wait_indirect_dma semaphore(%arg9 : memref<!tpu.dma_semaphore, #tpu.memory_space<semaphore_mem>>) src(%dma_wait3A_689 : memref<100000x768xf32, #tpu.memory_space<hbm>>) dst(%dma_wait3A_684 : memref<32x768xf32, #tpu.memory_space<vmem>>)
    %add3A_690 = arith.constant 384 : i32
    %add3A_691 = arith.addi %select_n3A_32, %add3A_690 : i32
    %dma_start3A_692 = arith.constant 2 : i32
    %dma_start3A_693 = arith.constant 0 : i32
    %dma_start3A_694 = arith.constant 0 : i32
    %dma_start3A_695 = tpu.memref_slice %arg6[%dma_start3A_692, %dma_start3A_693, %dma_start3A_694] : memref<5x32x768xf32, #tpu.memory_space<vmem>> -> memref<1x32x768xf32, #tpu.memory_space<vmem>>
    %dma_start3A_696 = tpu.memref_squeeze %dma_start3A_695 : memref<1x32x768xf32, #tpu.memory_space<vmem>> -> memref<32x768xf32, #tpu.memory_space<vmem>>
    %dma_start3A_697 = arith.constant 0 : i32
    %dma_start3A_698 = tpu.memref_slice %arg4[%select_n3A, %add3A_691, %dma_start3A_697] : memref<4x8192x768xf32, #tpu.memory_space<hbm>> -> memref<1x32x768xf32, #tpu.memory_space<hbm>>
    %dma_start3A_699 = tpu.memref_squeeze %dma_start3A_698 : memref<1x32x768xf32, #tpu.memory_space<hbm>> -> memref<32x768xf32, #tpu.memory_space<hbm>>
    %dma_start3A_700 = arith.constant 0 : i32
    %dma_start3A_701 = tpu.memref_slice %arg4[%select_n3A, %add3A_691, %dma_start3A_700] : memref<4x8192x768xf32, #tpu.memory_space<hbm>> -> memref<1x32x768xf32, #tpu.memory_space<hbm>>
    %dma_start3A_702 = tpu.memref_squeeze %dma_start3A_701 : memref<1x32x768xf32, #tpu.memory_space<hbm>> -> memref<32x768xf32, #tpu.memory_space<hbm>>
    %dma_start3A_703 = arith.constant 0 : i32
    %dma_start3A_704 = arith.constant 0 : i32
    %dma_start3A_705 = tpu.memref_slice %arg6[%dma_start3A_692, %dma_start3A_703, %dma_start3A_704] : memref<5x32x768xf32, #tpu.memory_space<vmem>> -> memref<1x32x768xf32, #tpu.memory_space<vmem>>
    %dma_start3A_706 = tpu.memref_squeeze %dma_start3A_705 : memref<1x32x768xf32, #tpu.memory_space<vmem>> -> memref<32x768xf32, #tpu.memory_space<vmem>>
    tpu.enqueue_dma source(%dma_start3A_706 : memref<32x768xf32, #tpu.memory_space<vmem>>) target(%dma_start3A_702 : memref<32x768xf32, #tpu.memory_space<hbm>>) target_semaphore(%arg14 : memref<!tpu.dma_semaphore, #tpu.memory_space<semaphore_mem>>)
    %dma_wait3A_707 = arith.constant 1 : i32
    %dma_wait3A_708 = arith.constant 0 : i32
    %dma_wait3A_709 = arith.constant 0 : i32
    %dma_wait3A_710 = tpu.memref_slice %arg6[%dma_wait3A_707, %dma_wait3A_708, %dma_wait3A_709] : memref<5x32x768xf32, #tpu.memory_space<vmem>> -> memref<1x32x768xf32, #tpu.memory_space<vmem>>
    %dma_wait3A_711 = tpu.memref_squeeze %dma_wait3A_710 : memref<1x32x768xf32, #tpu.memory_space<vmem>> -> memref<32x768xf32, #tpu.memory_space<vmem>>
    %dma_wait3A_712 = arith.constant 0 : i32
    %dma_wait3A_713 = tpu.memref_slice %arg4[%select_n3A, %add3A_639, %dma_wait3A_712] : memref<4x8192x768xf32, #tpu.memory_space<hbm>> -> memref<1x32x768xf32, #tpu.memory_space<hbm>>
    %dma_wait3A_714 = tpu.memref_squeeze %dma_wait3A_713 : memref<1x32x768xf32, #tpu.memory_space<hbm>> -> memref<32x768xf32, #tpu.memory_space<hbm>>
    %dma_wait3A_715 = arith.constant 0 : i32
    %dma_wait3A_716 = tpu.memref_slice %arg4[%select_n3A, %add3A_639, %dma_wait3A_715] : memref<4x8192x768xf32, #tpu.memory_space<hbm>> -> memref<1x32x768xf32, #tpu.memory_space<hbm>>
    %dma_wait3A_717 = tpu.memref_squeeze %dma_wait3A_716 : memref<1x32x768xf32, #tpu.memory_space<hbm>> -> memref<32x768xf32, #tpu.memory_space<hbm>>
    %dma_wait3A_718 = arith.constant 0 : i32
    %dma_wait3A_719 = arith.constant 0 : i32
    %dma_wait3A_720 = tpu.memref_slice %arg6[%dma_wait3A_707, %dma_wait3A_718, %dma_wait3A_719] : memref<5x32x768xf32, #tpu.memory_space<vmem>> -> memref<1x32x768xf32, #tpu.memory_space<vmem>>
    %dma_wait3A_721 = tpu.memref_squeeze %dma_wait3A_720 : memref<1x32x768xf32, #tpu.memory_space<vmem>> -> memref<32x768xf32, #tpu.memory_space<vmem>>
    tpu.wait_dma2 semaphore(%arg13 : memref<!tpu.dma_semaphore, #tpu.memory_space<semaphore_mem>>) src(%dma_wait3A_721 : memref<32x768xf32, #tpu.memory_space<vmem>>) dst(%dma_wait3A_717 : memref<32x768xf32, #tpu.memory_space<hbm>>)
    %dma_start3A_722 = arith.constant 1 : i32
    %dma_start3A_723 = arith.constant 0 : i32
    %dma_start3A_724 = arith.constant 0 : i32
    %dma_start3A_725 = tpu.memref_slice %arg6[%dma_start3A_722, %dma_start3A_723, %dma_start3A_724] : memref<5x32x768xf32, #tpu.memory_space<vmem>> -> memref<1x32x768xf32, #tpu.memory_space<vmem>>
    %dma_start3A_726 = tpu.memref_squeeze %dma_start3A_725 : memref<1x32x768xf32, #tpu.memory_space<vmem>> -> memref<32x768xf32, #tpu.memory_space<vmem>>
    %dma_start3A_727 = arith.constant 512 : i32
    %dma_start3A_728 = tpu.memref_slice %arg5[%dma_start3A_727] : memref<1024xi32, #tpu.memory_space<vmem>> -> memref<32xi32, #tpu.memory_space<vmem>>
    %dma_start3A_729 = arith.constant 0 : i32
    %dma_start3A_730 = arith.constant 0 : i32
    %dma_start3A_731 = tpu.memref_slice %arg3[%dma_start3A_729, %dma_start3A_730] : memref<100000x768xf32, #tpu.memory_space<hbm>> -> memref<100000x768xf32, #tpu.memory_space<hbm>>
    tpu.enqueue_indirect_dma source(%dma_start3A_731 : memref<100000x768xf32, #tpu.memory_space<hbm>>) target(%dma_start3A_726 : memref<32x768xf32, #tpu.memory_space<vmem>>) offsets(%dma_start3A_728 : memref<32xi32, #tpu.memory_space<vmem>>) semaphore(%arg8 : memref<!tpu.dma_semaphore, #tpu.memory_space<semaphore_mem>>)
    %dma_wait3A_732 = arith.constant 3 : i32
    %dma_wait3A_733 = arith.constant 0 : i32
    %dma_wait3A_734 = arith.constant 0 : i32
    %dma_wait3A_735 = tpu.memref_slice %arg6[%dma_wait3A_732, %dma_wait3A_733, %dma_wait3A_734] : memref<5x32x768xf32, #tpu.memory_space<vmem>> -> memref<1x32x768xf32, #tpu.memory_space<vmem>>
    %dma_wait3A_736 = tpu.memref_squeeze %dma_wait3A_735 : memref<1x32x768xf32, #tpu.memory_space<vmem>> -> memref<32x768xf32, #tpu.memory_space<vmem>>
    %dma_wait3A_737 = arith.constant 416 : i32
    %dma_wait3A_738 = tpu.memref_slice %arg5[%dma_wait3A_737] : memref<1024xi32, #tpu.memory_space<vmem>> -> memref<32xi32, #tpu.memory_space<vmem>>
    %dma_wait3A_739 = arith.constant 0 : i32
    %dma_wait3A_740 = arith.constant 0 : i32
    %dma_wait3A_741 = tpu.memref_slice %arg3[%dma_wait3A_739, %dma_wait3A_740] : memref<100000x768xf32, #tpu.memory_space<hbm>> -> memref<100000x768xf32, #tpu.memory_space<hbm>>
    tpu.wait_indirect_dma semaphore(%arg10 : memref<!tpu.dma_semaphore, #tpu.memory_space<semaphore_mem>>) src(%dma_wait3A_741 : memref<100000x768xf32, #tpu.memory_space<hbm>>) dst(%dma_wait3A_736 : memref<32x768xf32, #tpu.memory_space<vmem>>)
    %add3A_742 = arith.constant 416 : i32
    %add3A_743 = arith.addi %select_n3A_32, %add3A_742 : i32
    %dma_start3A_744 = arith.constant 3 : i32
    %dma_start3A_745 = arith.constant 0 : i32
    %dma_start3A_746 = arith.constant 0 : i32
    %dma_start3A_747 = tpu.memref_slice %arg6[%dma_start3A_744, %dma_start3A_745, %dma_start3A_746] : memref<5x32x768xf32, #tpu.memory_space<vmem>> -> memref<1x32x768xf32, #tpu.memory_space<vmem>>
    %dma_start3A_748 = tpu.memref_squeeze %dma_start3A_747 : memref<1x32x768xf32, #tpu.memory_space<vmem>> -> memref<32x768xf32, #tpu.memory_space<vmem>>
    %dma_start3A_749 = arith.constant 0 : i32
    %dma_start3A_750 = tpu.memref_slice %arg4[%select_n3A, %add3A_743, %dma_start3A_749] : memref<4x8192x768xf32, #tpu.memory_space<hbm>> -> memref<1x32x768xf32, #tpu.memory_space<hbm>>
    %dma_start3A_751 = tpu.memref_squeeze %dma_start3A_750 : memref<1x32x768xf32, #tpu.memory_space<hbm>> -> memref<32x768xf32, #tpu.memory_space<hbm>>
    %dma_start3A_752 = arith.constant 0 : i32
    %dma_start3A_753 = tpu.memref_slice %arg4[%select_n3A, %add3A_743, %dma_start3A_752] : memref<4x8192x768xf32, #tpu.memory_space<hbm>> -> memref<1x32x768xf32, #tpu.memory_space<hbm>>
    %dma_start3A_754 = tpu.memref_squeeze %dma_start3A_753 : memref<1x32x768xf32, #tpu.memory_space<hbm>> -> memref<32x768xf32, #tpu.memory_space<hbm>>
    %dma_start3A_755 = arith.constant 0 : i32
    %dma_start3A_756 = arith.constant 0 : i32
    %dma_start3A_757 = tpu.memref_slice %arg6[%dma_start3A_744, %dma_start3A_755, %dma_start3A_756] : memref<5x32x768xf32, #tpu.memory_space<vmem>> -> memref<1x32x768xf32, #tpu.memory_space<vmem>>
    %dma_start3A_758 = tpu.memref_squeeze %dma_start3A_757 : memref<1x32x768xf32, #tpu.memory_space<vmem>> -> memref<32x768xf32, #tpu.memory_space<vmem>>
    tpu.enqueue_dma source(%dma_start3A_758 : memref<32x768xf32, #tpu.memory_space<vmem>>) target(%dma_start3A_754 : memref<32x768xf32, #tpu.memory_space<hbm>>) target_semaphore(%arg15 : memref<!tpu.dma_semaphore, #tpu.memory_space<semaphore_mem>>)
    %dma_wait3A_759 = arith.constant 2 : i32
    %dma_wait3A_760 = arith.constant 0 : i32
    %dma_wait3A_761 = arith.constant 0 : i32
    %dma_wait3A_762 = tpu.memref_slice %arg6[%dma_wait3A_759, %dma_wait3A_760, %dma_wait3A_761] : memref<5x32x768xf32, #tpu.memory_space<vmem>> -> memref<1x32x768xf32, #tpu.memory_space<vmem>>
    %dma_wait3A_763 = tpu.memref_squeeze %dma_wait3A_762 : memref<1x32x768xf32, #tpu.memory_space<vmem>> -> memref<32x768xf32, #tpu.memory_space<vmem>>
    %dma_wait3A_764 = arith.constant 0 : i32
    %dma_wait3A_765 = tpu.memref_slice %arg4[%select_n3A, %add3A_691, %dma_wait3A_764] : memref<4x8192x768xf32, #tpu.memory_space<hbm>> -> memref<1x32x768xf32, #tpu.memory_space<hbm>>
    %dma_wait3A_766 = tpu.memref_squeeze %dma_wait3A_765 : memref<1x32x768xf32, #tpu.memory_space<hbm>> -> memref<32x768xf32, #tpu.memory_space<hbm>>
    %dma_wait3A_767 = arith.constant 0 : i32
    %dma_wait3A_768 = tpu.memref_slice %arg4[%select_n3A, %add3A_691, %dma_wait3A_767] : memref<4x8192x768xf32, #tpu.memory_space<hbm>> -> memref<1x32x768xf32, #tpu.memory_space<hbm>>
    %dma_wait3A_769 = tpu.memref_squeeze %dma_wait3A_768 : memref<1x32x768xf32, #tpu.memory_space<hbm>> -> memref<32x768xf32, #tpu.memory_space<hbm>>
    %dma_wait3A_770 = arith.constant 0 : i32
    %dma_wait3A_771 = arith.constant 0 : i32
    %dma_wait3A_772 = tpu.memref_slice %arg6[%dma_wait3A_759, %dma_wait3A_770, %dma_wait3A_771] : memref<5x32x768xf32, #tpu.memory_space<vmem>> -> memref<1x32x768xf32, #tpu.memory_space<vmem>>
    %dma_wait3A_773 = tpu.memref_squeeze %dma_wait3A_772 : memref<1x32x768xf32, #tpu.memory_space<vmem>> -> memref<32x768xf32, #tpu.memory_space<vmem>>
    tpu.wait_dma2 semaphore(%arg14 : memref<!tpu.dma_semaphore, #tpu.memory_space<semaphore_mem>>) src(%dma_wait3A_773 : memref<32x768xf32, #tpu.memory_space<vmem>>) dst(%dma_wait3A_769 : memref<32x768xf32, #tpu.memory_space<hbm>>)
    %dma_start3A_774 = arith.constant 2 : i32
    %dma_start3A_775 = arith.constant 0 : i32
    %dma_start3A_776 = arith.constant 0 : i32
    %dma_start3A_777 = tpu.memref_slice %arg6[%dma_start3A_774, %dma_start3A_775, %dma_start3A_776] : memref<5x32x768xf32, #tpu.memory_space<vmem>> -> memref<1x32x768xf32, #tpu.memory_space<vmem>>
    %dma_start3A_778 = tpu.memref_squeeze %dma_start3A_777 : memref<1x32x768xf32, #tpu.memory_space<vmem>> -> memref<32x768xf32, #tpu.memory_space<vmem>>
    %dma_start3A_779 = arith.constant 544 : i32
    %dma_start3A_780 = tpu.memref_slice %arg5[%dma_start3A_779] : memref<1024xi32, #tpu.memory_space<vmem>> -> memref<32xi32, #tpu.memory_space<vmem>>
    %dma_start3A_781 = arith.constant 0 : i32
    %dma_start3A_782 = arith.constant 0 : i32
    %dma_start3A_783 = tpu.memref_slice %arg3[%dma_start3A_781, %dma_start3A_782] : memref<100000x768xf32, #tpu.memory_space<hbm>> -> memref<100000x768xf32, #tpu.memory_space<hbm>>
    tpu.enqueue_indirect_dma source(%dma_start3A_783 : memref<100000x768xf32, #tpu.memory_space<hbm>>) target(%dma_start3A_778 : memref<32x768xf32, #tpu.memory_space<vmem>>) offsets(%dma_start3A_780 : memref<32xi32, #tpu.memory_space<vmem>>) semaphore(%arg9 : memref<!tpu.dma_semaphore, #tpu.memory_space<semaphore_mem>>)
    %dma_wait3A_784 = arith.constant 4 : i32
    %dma_wait3A_785 = arith.constant 0 : i32
    %dma_wait3A_786 = arith.constant 0 : i32
    %dma_wait3A_787 = tpu.memref_slice %arg6[%dma_wait3A_784, %dma_wait3A_785, %dma_wait3A_786] : memref<5x32x768xf32, #tpu.memory_space<vmem>> -> memref<1x32x768xf32, #tpu.memory_space<vmem>>
    %dma_wait3A_788 = tpu.memref_squeeze %dma_wait3A_787 : memref<1x32x768xf32, #tpu.memory_space<vmem>> -> memref<32x768xf32, #tpu.memory_space<vmem>>
    %dma_wait3A_789 = arith.constant 448 : i32
    %dma_wait3A_790 = tpu.memref_slice %arg5[%dma_wait3A_789] : memref<1024xi32, #tpu.memory_space<vmem>> -> memref<32xi32, #tpu.memory_space<vmem>>
    %dma_wait3A_791 = arith.constant 0 : i32
    %dma_wait3A_792 = arith.constant 0 : i32
    %dma_wait3A_793 = tpu.memref_slice %arg3[%dma_wait3A_791, %dma_wait3A_792] : memref<100000x768xf32, #tpu.memory_space<hbm>> -> memref<100000x768xf32, #tpu.memory_space<hbm>>
    tpu.wait_indirect_dma semaphore(%arg11 : memref<!tpu.dma_semaphore, #tpu.memory_space<semaphore_mem>>) src(%dma_wait3A_793 : memref<100000x768xf32, #tpu.memory_space<hbm>>) dst(%dma_wait3A_788 : memref<32x768xf32, #tpu.memory_space<vmem>>)
    %add3A_794 = arith.constant 448 : i32
    %add3A_795 = arith.addi %select_n3A_32, %add3A_794 : i32
    %dma_start3A_796 = arith.constant 4 : i32
    %dma_start3A_797 = arith.constant 0 : i32
    %dma_start3A_798 = arith.constant 0 : i32
    %dma_start3A_799 = tpu.memref_slice %arg6[%dma_start3A_796, %dma_start3A_797, %dma_start3A_798] : memref<5x32x768xf32, #tpu.memory_space<vmem>> -> memref<1x32x768xf32, #tpu.memory_space<vmem>>
    %dma_start3A_800 = tpu.memref_squeeze %dma_start3A_799 : memref<1x32x768xf32, #tpu.memory_space<vmem>> -> memref<32x768xf32, #tpu.memory_space<vmem>>
    %dma_start3A_801 = arith.constant 0 : i32
    %dma_start3A_802 = tpu.memref_slice %arg4[%select_n3A, %add3A_795, %dma_start3A_801] : memref<4x8192x768xf32, #tpu.memory_space<hbm>> -> memref<1x32x768xf32, #tpu.memory_space<hbm>>
    %dma_start3A_803 = tpu.memref_squeeze %dma_start3A_802 : memref<1x32x768xf32, #tpu.memory_space<hbm>> -> memref<32x768xf32, #tpu.memory_space<hbm>>
    %dma_start3A_804 = arith.constant 0 : i32
    %dma_start3A_805 = tpu.memref_slice %arg4[%select_n3A, %add3A_795, %dma_start3A_804] : memref<4x8192x768xf32, #tpu.memory_space<hbm>> -> memref<1x32x768xf32, #tpu.memory_space<hbm>>
    %dma_start3A_806 = tpu.memref_squeeze %dma_start3A_805 : memref<1x32x768xf32, #tpu.memory_space<hbm>> -> memref<32x768xf32, #tpu.memory_space<hbm>>
    %dma_start3A_807 = arith.constant 0 : i32
    %dma_start3A_808 = arith.constant 0 : i32
    %dma_start3A_809 = tpu.memref_slice %arg6[%dma_start3A_796, %dma_start3A_807, %dma_start3A_808] : memref<5x32x768xf32, #tpu.memory_space<vmem>> -> memref<1x32x768xf32, #tpu.memory_space<vmem>>
    %dma_start3A_810 = tpu.memref_squeeze %dma_start3A_809 : memref<1x32x768xf32, #tpu.memory_space<vmem>> -> memref<32x768xf32, #tpu.memory_space<vmem>>
    tpu.enqueue_dma source(%dma_start3A_810 : memref<32x768xf32, #tpu.memory_space<vmem>>) target(%dma_start3A_806 : memref<32x768xf32, #tpu.memory_space<hbm>>) target_semaphore(%arg16 : memref<!tpu.dma_semaphore, #tpu.memory_space<semaphore_mem>>)
    %dma_wait3A_811 = arith.constant 3 : i32
    %dma_wait3A_812 = arith.constant 0 : i32
    %dma_wait3A_813 = arith.constant 0 : i32
    %dma_wait3A_814 = tpu.memref_slice %arg6[%dma_wait3A_811, %dma_wait3A_812, %dma_wait3A_813] : memref<5x32x768xf32, #tpu.memory_space<vmem>> -> memref<1x32x768xf32, #tpu.memory_space<vmem>>
    %dma_wait3A_815 = tpu.memref_squeeze %dma_wait3A_814 : memref<1x32x768xf32, #tpu.memory_space<vmem>> -> memref<32x768xf32, #tpu.memory_space<vmem>>
    %dma_wait3A_816 = arith.constant 0 : i32
    %dma_wait3A_817 = tpu.memref_slice %arg4[%select_n3A, %add3A_743, %dma_wait3A_816] : memref<4x8192x768xf32, #tpu.memory_space<hbm>> -> memref<1x32x768xf32, #tpu.memory_space<hbm>>
    %dma_wait3A_818 = tpu.memref_squeeze %dma_wait3A_817 : memref<1x32x768xf32, #tpu.memory_space<hbm>> -> memref<32x768xf32, #tpu.memory_space<hbm>>
    %dma_wait3A_819 = arith.constant 0 : i32
    %dma_wait3A_820 = tpu.memref_slice %arg4[%select_n3A, %add3A_743, %dma_wait3A_819] : memref<4x8192x768xf32, #tpu.memory_space<hbm>> -> memref<1x32x768xf32, #tpu.memory_space<hbm>>
    %dma_wait3A_821 = tpu.memref_squeeze %dma_wait3A_820 : memref<1x32x768xf32, #tpu.memory_space<hbm>> -> memref<32x768xf32, #tpu.memory_space<hbm>>
    %dma_wait3A_822 = arith.constant 0 : i32
    %dma_wait3A_823 = arith.constant 0 : i32
    %dma_wait3A_824 = tpu.memref_slice %arg6[%dma_wait3A_811, %dma_wait3A_822, %dma_wait3A_823] : memref<5x32x768xf32, #tpu.memory_space<vmem>> -> memref<1x32x768xf32, #tpu.memory_space<vmem>>
    %dma_wait3A_825 = tpu.memref_squeeze %dma_wait3A_824 : memref<1x32x768xf32, #tpu.memory_space<vmem>> -> memref<32x768xf32, #tpu.memory_space<vmem>>
    tpu.wait_dma2 semaphore(%arg15 : memref<!tpu.dma_semaphore, #tpu.memory_space<semaphore_mem>>) src(%dma_wait3A_825 : memref<32x768xf32, #tpu.memory_space<vmem>>) dst(%dma_wait3A_821 : memref<32x768xf32, #tpu.memory_space<hbm>>)
    %dma_start3A_826 = arith.constant 3 : i32
    %dma_start3A_827 = arith.constant 0 : i32
    %dma_start3A_828 = arith.constant 0 : i32
    %dma_start3A_829 = tpu.memref_slice %arg6[%dma_start3A_826, %dma_start3A_827, %dma_start3A_828] : memref<5x32x768xf32, #tpu.memory_space<vmem>> -> memref<1x32x768xf32, #tpu.memory_space<vmem>>
    %dma_start3A_830 = tpu.memref_squeeze %dma_start3A_829 : memref<1x32x768xf32, #tpu.memory_space<vmem>> -> memref<32x768xf32, #tpu.memory_space<vmem>>
    %dma_start3A_831 = arith.constant 576 : i32
    %dma_start3A_832 = tpu.memref_slice %arg5[%dma_start3A_831] : memref<1024xi32, #tpu.memory_space<vmem>> -> memref<32xi32, #tpu.memory_space<vmem>>
    %dma_start3A_833 = arith.constant 0 : i32
    %dma_start3A_834 = arith.constant 0 : i32
    %dma_start3A_835 = tpu.memref_slice %arg3[%dma_start3A_833, %dma_start3A_834] : memref<100000x768xf32, #tpu.memory_space<hbm>> -> memref<100000x768xf32, #tpu.memory_space<hbm>>
    tpu.enqueue_indirect_dma source(%dma_start3A_835 : memref<100000x768xf32, #tpu.memory_space<hbm>>) target(%dma_start3A_830 : memref<32x768xf32, #tpu.memory_space<vmem>>) offsets(%dma_start3A_832 : memref<32xi32, #tpu.memory_space<vmem>>) semaphore(%arg10 : memref<!tpu.dma_semaphore, #tpu.memory_space<semaphore_mem>>)
    %dma_wait3A_836 = arith.constant 0 : i32
    %dma_wait3A_837 = arith.constant 0 : i32
    %dma_wait3A_838 = arith.constant 0 : i32
    %dma_wait3A_839 = tpu.memref_slice %arg6[%dma_wait3A_836, %dma_wait3A_837, %dma_wait3A_838] : memref<5x32x768xf32, #tpu.memory_space<vmem>> -> memref<1x32x768xf32, #tpu.memory_space<vmem>>
    %dma_wait3A_840 = tpu.memref_squeeze %dma_wait3A_839 : memref<1x32x768xf32, #tpu.memory_space<vmem>> -> memref<32x768xf32, #tpu.memory_space<vmem>>
    %dma_wait3A_841 = arith.constant 480 : i32
    %dma_wait3A_842 = tpu.memref_slice %arg5[%dma_wait3A_841] : memref<1024xi32, #tpu.memory_space<vmem>> -> memref<32xi32, #tpu.memory_space<vmem>>
    %dma_wait3A_843 = arith.constant 0 : i32
    %dma_wait3A_844 = arith.constant 0 : i32
    %dma_wait3A_845 = tpu.memref_slice %arg3[%dma_wait3A_843, %dma_wait3A_844] : memref<100000x768xf32, #tpu.memory_space<hbm>> -> memref<100000x768xf32, #tpu.memory_space<hbm>>
    tpu.wait_indirect_dma semaphore(%arg7 : memref<!tpu.dma_semaphore, #tpu.memory_space<semaphore_mem>>) src(%dma_wait3A_845 : memref<100000x768xf32, #tpu.memory_space<hbm>>) dst(%dma_wait3A_840 : memref<32x768xf32, #tpu.memory_space<vmem>>)
    %add3A_846 = arith.constant 480 : i32
    %add3A_847 = arith.addi %select_n3A_32, %add3A_846 : i32
    %dma_start3A_848 = arith.constant 0 : i32
    %dma_start3A_849 = arith.constant 0 : i32
    %dma_start3A_850 = arith.constant 0 : i32
    %dma_start3A_851 = tpu.memref_slice %arg6[%dma_start3A_848, %dma_start3A_849, %dma_start3A_850] : memref<5x32x768xf32, #tpu.memory_space<vmem>> -> memref<1x32x768xf32, #tpu.memory_space<vmem>>
    %dma_start3A_852 = tpu.memref_squeeze %dma_start3A_851 : memref<1x32x768xf32, #tpu.memory_space<vmem>> -> memref<32x768xf32, #tpu.memory_space<vmem>>
    %dma_start3A_853 = arith.constant 0 : i32
    %dma_start3A_854 = tpu.memref_slice %arg4[%select_n3A, %add3A_847, %dma_start3A_853] : memref<4x8192x768xf32, #tpu.memory_space<hbm>> -> memref<1x32x768xf32, #tpu.memory_space<hbm>>
    %dma_start3A_855 = tpu.memref_squeeze %dma_start3A_854 : memref<1x32x768xf32, #tpu.memory_space<hbm>> -> memref<32x768xf32, #tpu.memory_space<hbm>>
    %dma_start3A_856 = arith.constant 0 : i32
    %dma_start3A_857 = tpu.memref_slice %arg4[%select_n3A, %add3A_847, %dma_start3A_856] : memref<4x8192x768xf32, #tpu.memory_space<hbm>> -> memref<1x32x768xf32, #tpu.memory_space<hbm>>
    %dma_start3A_858 = tpu.memref_squeeze %dma_start3A_857 : memref<1x32x768xf32, #tpu.memory_space<hbm>> -> memref<32x768xf32, #tpu.memory_space<hbm>>
    %dma_start3A_859 = arith.constant 0 : i32
    %dma_start3A_860 = arith.constant 0 : i32
    %dma_start3A_861 = tpu.memref_slice %arg6[%dma_start3A_848, %dma_start3A_859, %dma_start3A_860] : memref<5x32x768xf32, #tpu.memory_space<vmem>> -> memref<1x32x768xf32, #tpu.memory_space<vmem>>
    %dma_start3A_862 = tpu.memref_squeeze %dma_start3A_861 : memref<1x32x768xf32, #tpu.memory_space<vmem>> -> memref<32x768xf32, #tpu.memory_space<vmem>>
    tpu.enqueue_dma source(%dma_start3A_862 : memref<32x768xf32, #tpu.memory_space<vmem>>) target(%dma_start3A_858 : memref<32x768xf32, #tpu.memory_space<hbm>>) target_semaphore(%arg12 : memref<!tpu.dma_semaphore, #tpu.memory_space<semaphore_mem>>)
    %dma_wait3A_863 = arith.constant 4 : i32
    %dma_wait3A_864 = arith.constant 0 : i32
    %dma_wait3A_865 = arith.constant 0 : i32
    %dma_wait3A_866 = tpu.memref_slice %arg6[%dma_wait3A_863, %dma_wait3A_864, %dma_wait3A_865] : memref<5x32x768xf32, #tpu.memory_space<vmem>> -> memref<1x32x768xf32, #tpu.memory_space<vmem>>
    %dma_wait3A_867 = tpu.memref_squeeze %dma_wait3A_866 : memref<1x32x768xf32, #tpu.memory_space<vmem>> -> memref<32x768xf32, #tpu.memory_space<vmem>>
    %dma_wait3A_868 = arith.constant 0 : i32
    %dma_wait3A_869 = tpu.memref_slice %arg4[%select_n3A, %add3A_795, %dma_wait3A_868] : memref<4x8192x768xf32, #tpu.memory_space<hbm>> -> memref<1x32x768xf32, #tpu.memory_space<hbm>>
    %dma_wait3A_870 = tpu.memref_squeeze %dma_wait3A_869 : memref<1x32x768xf32, #tpu.memory_space<hbm>> -> memref<32x768xf32, #tpu.memory_space<hbm>>
    %dma_wait3A_871 = arith.constant 0 : i32
    %dma_wait3A_872 = tpu.memref_slice %arg4[%select_n3A, %add3A_795, %dma_wait3A_871] : memref<4x8192x768xf32, #tpu.memory_space<hbm>> -> memref<1x32x768xf32, #tpu.memory_space<hbm>>
    %dma_wait3A_873 = tpu.memref_squeeze %dma_wait3A_872 : memref<1x32x768xf32, #tpu.memory_space<hbm>> -> memref<32x768xf32, #tpu.memory_space<hbm>>
    %dma_wait3A_874 = arith.constant 0 : i32
    %dma_wait3A_875 = arith.constant 0 : i32
    %dma_wait3A_876 = tpu.memref_slice %arg6[%dma_wait3A_863, %dma_wait3A_874, %dma_wait3A_875] : memref<5x32x768xf32, #tpu.memory_space<vmem>> -> memref<1x32x768xf32, #tpu.memory_space<vmem>>
    %dma_wait3A_877 = tpu.memref_squeeze %dma_wait3A_876 : memref<1x32x768xf32, #tpu.memory_space<vmem>> -> memref<32x768xf32, #tpu.memory_space<vmem>>
    tpu.wait_dma2 semaphore(%arg16 : memref<!tpu.dma_semaphore, #tpu.memory_space<semaphore_mem>>) src(%dma_wait3A_877 : memref<32x768xf32, #tpu.memory_space<vmem>>) dst(%dma_wait3A_873 : memref<32x768xf32, #tpu.memory_space<hbm>>)
    %dma_start3A_878 = arith.constant 4 : i32
    %dma_start3A_879 = arith.constant 0 : i32
    %dma_start3A_880 = arith.constant 0 : i32
    %dma_start3A_881 = tpu.memref_slice %arg6[%dma_start3A_878, %dma_start3A_879, %dma_start3A_880] : memref<5x32x768xf32, #tpu.memory_space<vmem>> -> memref<1x32x768xf32, #tpu.memory_space<vmem>>
    %dma_start3A_882 = tpu.memref_squeeze %dma_start3A_881 : memref<1x32x768xf32, #tpu.memory_space<vmem>> -> memref<32x768xf32, #tpu.memory_space<vmem>>
    %dma_start3A_883 = arith.constant 608 : i32
    %dma_start3A_884 = tpu.memref_slice %arg5[%dma_start3A_883] : memref<1024xi32, #tpu.memory_space<vmem>> -> memref<32xi32, #tpu.memory_space<vmem>>
    %dma_start3A_885 = arith.constant 0 : i32
    %dma_start3A_886 = arith.constant 0 : i32
    %dma_start3A_887 = tpu.memref_slice %arg3[%dma_start3A_885, %dma_start3A_886] : memref<100000x768xf32, #tpu.memory_space<hbm>> -> memref<100000x768xf32, #tpu.memory_space<hbm>>
    tpu.enqueue_indirect_dma source(%dma_start3A_887 : memref<100000x768xf32, #tpu.memory_space<hbm>>) target(%dma_start3A_882 : memref<32x768xf32, #tpu.memory_space<vmem>>) offsets(%dma_start3A_884 : memref<32xi32, #tpu.memory_space<vmem>>) semaphore(%arg11 : memref<!tpu.dma_semaphore, #tpu.memory_space<semaphore_mem>>)
    %dma_wait3A_888 = arith.constant 1 : i32
    %dma_wait3A_889 = arith.constant 0 : i32
    %dma_wait3A_890 = arith.constant 0 : i32
    %dma_wait3A_891 = tpu.memref_slice %arg6[%dma_wait3A_888, %dma_wait3A_889, %dma_wait3A_890] : memref<5x32x768xf32, #tpu.memory_space<vmem>> -> memref<1x32x768xf32, #tpu.memory_space<vmem>>
    %dma_wait3A_892 = tpu.memref_squeeze %dma_wait3A_891 : memref<1x32x768xf32, #tpu.memory_space<vmem>> -> memref<32x768xf32, #tpu.memory_space<vmem>>
    %dma_wait3A_893 = arith.constant 512 : i32
    %dma_wait3A_894 = tpu.memref_slice %arg5[%dma_wait3A_893] : memref<1024xi32, #tpu.memory_space<vmem>> -> memref<32xi32, #tpu.memory_space<vmem>>
    %dma_wait3A_895 = arith.constant 0 : i32
    %dma_wait3A_896 = arith.constant 0 : i32
    %dma_wait3A_897 = tpu.memref_slice %arg3[%dma_wait3A_895, %dma_wait3A_896] : memref<100000x768xf32, #tpu.memory_space<hbm>> -> memref<100000x768xf32, #tpu.memory_space<hbm>>
    tpu.wait_indirect_dma semaphore(%arg8 : memref<!tpu.dma_semaphore, #tpu.memory_space<semaphore_mem>>) src(%dma_wait3A_897 : memref<100000x768xf32, #tpu.memory_space<hbm>>) dst(%dma_wait3A_892 : memref<32x768xf32, #tpu.memory_space<vmem>>)
    %add3A_898 = arith.constant 512 : i32
    %add3A_899 = arith.addi %select_n3A_32, %add3A_898 : i32
    %dma_start3A_900 = arith.constant 1 : i32
    %dma_start3A_901 = arith.constant 0 : i32
    %dma_start3A_902 = arith.constant 0 : i32
    %dma_start3A_903 = tpu.memref_slice %arg6[%dma_start3A_900, %dma_start3A_901, %dma_start3A_902] : memref<5x32x768xf32, #tpu.memory_space<vmem>> -> memref<1x32x768xf32, #tpu.memory_space<vmem>>
    %dma_start3A_904 = tpu.memref_squeeze %dma_start3A_903 : memref<1x32x768xf32, #tpu.memory_space<vmem>> -> memref<32x768xf32, #tpu.memory_space<vmem>>
    %dma_start3A_905 = arith.constant 0 : i32
    %dma_start3A_906 = tpu.memref_slice %arg4[%select_n3A, %add3A_899, %dma_start3A_905] : memref<4x8192x768xf32, #tpu.memory_space<hbm>> -> memref<1x32x768xf32, #tpu.memory_space<hbm>>
    %dma_start3A_907 = tpu.memref_squeeze %dma_start3A_906 : memref<1x32x768xf32, #tpu.memory_space<hbm>> -> memref<32x768xf32, #tpu.memory_space<hbm>>
    %dma_start3A_908 = arith.constant 0 : i32
    %dma_start3A_909 = tpu.memref_slice %arg4[%select_n3A, %add3A_899, %dma_start3A_908] : memref<4x8192x768xf32, #tpu.memory_space<hbm>> -> memref<1x32x768xf32, #tpu.memory_space<hbm>>
    %dma_start3A_910 = tpu.memref_squeeze %dma_start3A_909 : memref<1x32x768xf32, #tpu.memory_space<hbm>> -> memref<32x768xf32, #tpu.memory_space<hbm>>
    %dma_start3A_911 = arith.constant 0 : i32
    %dma_start3A_912 = arith.constant 0 : i32
    %dma_start3A_913 = tpu.memref_slice %arg6[%dma_start3A_900, %dma_start3A_911, %dma_start3A_912] : memref<5x32x768xf32, #tpu.memory_space<vmem>> -> memref<1x32x768xf32, #tpu.memory_space<vmem>>
    %dma_start3A_914 = tpu.memref_squeeze %dma_start3A_913 : memref<1x32x768xf32, #tpu.memory_space<vmem>> -> memref<32x768xf32, #tpu.memory_space<vmem>>
    tpu.enqueue_dma source(%dma_start3A_914 : memref<32x768xf32, #tpu.memory_space<vmem>>) target(%dma_start3A_910 : memref<32x768xf32, #tpu.memory_space<hbm>>) target_semaphore(%arg13 : memref<!tpu.dma_semaphore, #tpu.memory_space<semaphore_mem>>)
    %dma_wait3A_915 = arith.constant 0 : i32
    %dma_wait3A_916 = arith.constant 0 : i32
    %dma_wait3A_917 = arith.constant 0 : i32
    %dma_wait3A_918 = tpu.memref_slice %arg6[%dma_wait3A_915, %dma_wait3A_916, %dma_wait3A_917] : memref<5x32x768xf32, #tpu.memory_space<vmem>> -> memref<1x32x768xf32, #tpu.memory_space<vmem>>
    %dma_wait3A_919 = tpu.memref_squeeze %dma_wait3A_918 : memref<1x32x768xf32, #tpu.memory_space<vmem>> -> memref<32x768xf32, #tpu.memory_space<vmem>>
    %dma_wait3A_920 = arith.constant 0 : i32
    %dma_wait3A_921 = tpu.memref_slice %arg4[%select_n3A, %add3A_847, %dma_wait3A_920] : memref<4x8192x768xf32, #tpu.memory_space<hbm>> -> memref<1x32x768xf32, #tpu.memory_space<hbm>>
    %dma_wait3A_922 = tpu.memref_squeeze %dma_wait3A_921 : memref<1x32x768xf32, #tpu.memory_space<hbm>> -> memref<32x768xf32, #tpu.memory_space<hbm>>
    %dma_wait3A_923 = arith.constant 0 : i32
    %dma_wait3A_924 = tpu.memref_slice %arg4[%select_n3A, %add3A_847, %dma_wait3A_923] : memref<4x8192x768xf32, #tpu.memory_space<hbm>> -> memref<1x32x768xf32, #tpu.memory_space<hbm>>
    %dma_wait3A_925 = tpu.memref_squeeze %dma_wait3A_924 : memref<1x32x768xf32, #tpu.memory_space<hbm>> -> memref<32x768xf32, #tpu.memory_space<hbm>>
    %dma_wait3A_926 = arith.constant 0 : i32
    %dma_wait3A_927 = arith.constant 0 : i32
    %dma_wait3A_928 = tpu.memref_slice %arg6[%dma_wait3A_915, %dma_wait3A_926, %dma_wait3A_927] : memref<5x32x768xf32, #tpu.memory_space<vmem>> -> memref<1x32x768xf32, #tpu.memory_space<vmem>>
    %dma_wait3A_929 = tpu.memref_squeeze %dma_wait3A_928 : memref<1x32x768xf32, #tpu.memory_space<vmem>> -> memref<32x768xf32, #tpu.memory_space<vmem>>
    tpu.wait_dma2 semaphore(%arg12 : memref<!tpu.dma_semaphore, #tpu.memory_space<semaphore_mem>>) src(%dma_wait3A_929 : memref<32x768xf32, #tpu.memory_space<vmem>>) dst(%dma_wait3A_925 : memref<32x768xf32, #tpu.memory_space<hbm>>)
    %dma_start3A_930 = arith.constant 0 : i32
    %dma_start3A_931 = arith.constant 0 : i32
    %dma_start3A_932 = arith.constant 0 : i32
    %dma_start3A_933 = tpu.memref_slice %arg6[%dma_start3A_930, %dma_start3A_931, %dma_start3A_932] : memref<5x32x768xf32, #tpu.memory_space<vmem>> -> memref<1x32x768xf32, #tpu.memory_space<vmem>>
    %dma_start3A_934 = tpu.memref_squeeze %dma_start3A_933 : memref<1x32x768xf32, #tpu.memory_space<vmem>> -> memref<32x768xf32, #tpu.memory_space<vmem>>
    %dma_start3A_935 = arith.constant 640 : i32
    %dma_start3A_936 = tpu.memref_slice %arg5[%dma_start3A_935] : memref<1024xi32, #tpu.memory_space<vmem>> -> memref<32xi32, #tpu.memory_space<vmem>>
    %dma_start3A_937 = arith.constant 0 : i32
    %dma_start3A_938 = arith.constant 0 : i32
    %dma_start3A_939 = tpu.memref_slice %arg3[%dma_start3A_937, %dma_start3A_938] : memref<100000x768xf32, #tpu.memory_space<hbm>> -> memref<100000x768xf32, #tpu.memory_space<hbm>>
    tpu.enqueue_indirect_dma source(%dma_start3A_939 : memref<100000x768xf32, #tpu.memory_space<hbm>>) target(%dma_start3A_934 : memref<32x768xf32, #tpu.memory_space<vmem>>) offsets(%dma_start3A_936 : memref<32xi32, #tpu.memory_space<vmem>>) semaphore(%arg7 : memref<!tpu.dma_semaphore, #tpu.memory_space<semaphore_mem>>)
    %dma_wait3A_940 = arith.constant 2 : i32
    %dma_wait3A_941 = arith.constant 0 : i32
    %dma_wait3A_942 = arith.constant 0 : i32
    %dma_wait3A_943 = tpu.memref_slice %arg6[%dma_wait3A_940, %dma_wait3A_941, %dma_wait3A_942] : memref<5x32x768xf32, #tpu.memory_space<vmem>> -> memref<1x32x768xf32, #tpu.memory_space<vmem>>
    %dma_wait3A_944 = tpu.memref_squeeze %dma_wait3A_943 : memref<1x32x768xf32, #tpu.memory_space<vmem>> -> memref<32x768xf32, #tpu.memory_space<vmem>>
    %dma_wait3A_945 = arith.constant 544 : i32
    %dma_wait3A_946 = tpu.memref_slice %arg5[%dma_wait3A_945] : memref<1024xi32, #tpu.memory_space<vmem>> -> memref<32xi32, #tpu.memory_space<vmem>>
    %dma_wait3A_947 = arith.constant 0 : i32
    %dma_wait3A_948 = arith.constant 0 : i32
    %dma_wait3A_949 = tpu.memref_slice %arg3[%dma_wait3A_947, %dma_wait3A_948] : memref<100000x768xf32, #tpu.memory_space<hbm>> -> memref<100000x768xf32, #tpu.memory_space<hbm>>
    tpu.wait_indirect_dma semaphore(%arg9 : memref<!tpu.dma_semaphore, #tpu.memory_space<semaphore_mem>>) src(%dma_wait3A_949 : memref<100000x768xf32, #tpu.memory_space<hbm>>) dst(%dma_wait3A_944 : memref<32x768xf32, #tpu.memory_space<vmem>>)
    %add3A_950 = arith.constant 544 : i32
    %add3A_951 = arith.addi %select_n3A_32, %add3A_950 : i32
    %dma_start3A_952 = arith.constant 2 : i32
    %dma_start3A_953 = arith.constant 0 : i32
    %dma_start3A_954 = arith.constant 0 : i32
    %dma_start3A_955 = tpu.memref_slice %arg6[%dma_start3A_952, %dma_start3A_953, %dma_start3A_954] : memref<5x32x768xf32, #tpu.memory_space<vmem>> -> memref<1x32x768xf32, #tpu.memory_space<vmem>>
    %dma_start3A_956 = tpu.memref_squeeze %dma_start3A_955 : memref<1x32x768xf32, #tpu.memory_space<vmem>> -> memref<32x768xf32, #tpu.memory_space<vmem>>
    %dma_start3A_957 = arith.constant 0 : i32
    %dma_start3A_958 = tpu.memref_slice %arg4[%select_n3A, %add3A_951, %dma_start3A_957] : memref<4x8192x768xf32, #tpu.memory_space<hbm>> -> memref<1x32x768xf32, #tpu.memory_space<hbm>>
    %dma_start3A_959 = tpu.memref_squeeze %dma_start3A_958 : memref<1x32x768xf32, #tpu.memory_space<hbm>> -> memref<32x768xf32, #tpu.memory_space<hbm>>
    %dma_start3A_960 = arith.constant 0 : i32
    %dma_start3A_961 = tpu.memref_slice %arg4[%select_n3A, %add3A_951, %dma_start3A_960] : memref<4x8192x768xf32, #tpu.memory_space<hbm>> -> memref<1x32x768xf32, #tpu.memory_space<hbm>>
    %dma_start3A_962 = tpu.memref_squeeze %dma_start3A_961 : memref<1x32x768xf32, #tpu.memory_space<hbm>> -> memref<32x768xf32, #tpu.memory_space<hbm>>
    %dma_start3A_963 = arith.constant 0 : i32
    %dma_start3A_964 = arith.constant 0 : i32
    %dma_start3A_965 = tpu.memref_slice %arg6[%dma_start3A_952, %dma_start3A_963, %dma_start3A_964] : memref<5x32x768xf32, #tpu.memory_space<vmem>> -> memref<1x32x768xf32, #tpu.memory_space<vmem>>
    %dma_start3A_966 = tpu.memref_squeeze %dma_start3A_965 : memref<1x32x768xf32, #tpu.memory_space<vmem>> -> memref<32x768xf32, #tpu.memory_space<vmem>>
    tpu.enqueue_dma source(%dma_start3A_966 : memref<32x768xf32, #tpu.memory_space<vmem>>) target(%dma_start3A_962 : memref<32x768xf32, #tpu.memory_space<hbm>>) target_semaphore(%arg14 : memref<!tpu.dma_semaphore, #tpu.memory_space<semaphore_mem>>)
    %dma_wait3A_967 = arith.constant 1 : i32
    %dma_wait3A_968 = arith.constant 0 : i32
    %dma_wait3A_969 = arith.constant 0 : i32
    %dma_wait3A_970 = tpu.memref_slice %arg6[%dma_wait3A_967, %dma_wait3A_968, %dma_wait3A_969] : memref<5x32x768xf32, #tpu.memory_space<vmem>> -> memref<1x32x768xf32, #tpu.memory_space<vmem>>
    %dma_wait3A_971 = tpu.memref_squeeze %dma_wait3A_970 : memref<1x32x768xf32, #tpu.memory_space<vmem>> -> memref<32x768xf32, #tpu.memory_space<vmem>>
    %dma_wait3A_972 = arith.constant 0 : i32
    %dma_wait3A_973 = tpu.memref_slice %arg4[%select_n3A, %add3A_899, %dma_wait3A_972] : memref<4x8192x768xf32, #tpu.memory_space<hbm>> -> memref<1x32x768xf32, #tpu.memory_space<hbm>>
    %dma_wait3A_974 = tpu.memref_squeeze %dma_wait3A_973 : memref<1x32x768xf32, #tpu.memory_space<hbm>> -> memref<32x768xf32, #tpu.memory_space<hbm>>
    %dma_wait3A_975 = arith.constant 0 : i32
    %dma_wait3A_976 = tpu.memref_slice %arg4[%select_n3A, %add3A_899, %dma_wait3A_975] : memref<4x8192x768xf32, #tpu.memory_space<hbm>> -> memref<1x32x768xf32, #tpu.memory_space<hbm>>
    %dma_wait3A_977 = tpu.memref_squeeze %dma_wait3A_976 : memref<1x32x768xf32, #tpu.memory_space<hbm>> -> memref<32x768xf32, #tpu.memory_space<hbm>>
    %dma_wait3A_978 = arith.constant 0 : i32
    %dma_wait3A_979 = arith.constant 0 : i32
    %dma_wait3A_980 = tpu.memref_slice %arg6[%dma_wait3A_967, %dma_wait3A_978, %dma_wait3A_979] : memref<5x32x768xf32, #tpu.memory_space<vmem>> -> memref<1x32x768xf32, #tpu.memory_space<vmem>>
    %dma_wait3A_981 = tpu.memref_squeeze %dma_wait3A_980 : memref<1x32x768xf32, #tpu.memory_space<vmem>> -> memref<32x768xf32, #tpu.memory_space<vmem>>
    tpu.wait_dma2 semaphore(%arg13 : memref<!tpu.dma_semaphore, #tpu.memory_space<semaphore_mem>>) src(%dma_wait3A_981 : memref<32x768xf32, #tpu.memory_space<vmem>>) dst(%dma_wait3A_977 : memref<32x768xf32, #tpu.memory_space<hbm>>)
    %dma_start3A_982 = arith.constant 1 : i32
    %dma_start3A_983 = arith.constant 0 : i32
    %dma_start3A_984 = arith.constant 0 : i32
    %dma_start3A_985 = tpu.memref_slice %arg6[%dma_start3A_982, %dma_start3A_983, %dma_start3A_984] : memref<5x32x768xf32, #tpu.memory_space<vmem>> -> memref<1x32x768xf32, #tpu.memory_space<vmem>>
    %dma_start3A_986 = tpu.memref_squeeze %dma_start3A_985 : memref<1x32x768xf32, #tpu.memory_space<vmem>> -> memref<32x768xf32, #tpu.memory_space<vmem>>
    %dma_start3A_987 = arith.constant 672 : i32
    %dma_start3A_988 = tpu.memref_slice %arg5[%dma_start3A_987] : memref<1024xi32, #tpu.memory_space<vmem>> -> memref<32xi32, #tpu.memory_space<vmem>>
    %dma_start3A_989 = arith.constant 0 : i32
    %dma_start3A_990 = arith.constant 0 : i32
    %dma_start3A_991 = tpu.memref_slice %arg3[%dma_start3A_989, %dma_start3A_990] : memref<100000x768xf32, #tpu.memory_space<hbm>> -> memref<100000x768xf32, #tpu.memory_space<hbm>>
    tpu.enqueue_indirect_dma source(%dma_start3A_991 : memref<100000x768xf32, #tpu.memory_space<hbm>>) target(%dma_start3A_986 : memref<32x768xf32, #tpu.memory_space<vmem>>) offsets(%dma_start3A_988 : memref<32xi32, #tpu.memory_space<vmem>>) semaphore(%arg8 : memref<!tpu.dma_semaphore, #tpu.memory_space<semaphore_mem>>)
    %dma_wait3A_992 = arith.constant 3 : i32
    %dma_wait3A_993 = arith.constant 0 : i32
    %dma_wait3A_994 = arith.constant 0 : i32
    %dma_wait3A_995 = tpu.memref_slice %arg6[%dma_wait3A_992, %dma_wait3A_993, %dma_wait3A_994] : memref<5x32x768xf32, #tpu.memory_space<vmem>> -> memref<1x32x768xf32, #tpu.memory_space<vmem>>
    %dma_wait3A_996 = tpu.memref_squeeze %dma_wait3A_995 : memref<1x32x768xf32, #tpu.memory_space<vmem>> -> memref<32x768xf32, #tpu.memory_space<vmem>>
    %dma_wait3A_997 = arith.constant 576 : i32
    %dma_wait3A_998 = tpu.memref_slice %arg5[%dma_wait3A_997] : memref<1024xi32, #tpu.memory_space<vmem>> -> memref<32xi32, #tpu.memory_space<vmem>>
    %dma_wait3A_999 = arith.constant 0 : i32
    %dma_wait3A_1000 = arith.constant 0 : i32
    %dma_wait3A_1001 = tpu.memref_slice %arg3[%dma_wait3A_999, %dma_wait3A_1000] : memref<100000x768xf32, #tpu.memory_space<hbm>> -> memref<100000x768xf32, #tpu.memory_space<hbm>>
    tpu.wait_indirect_dma semaphore(%arg10 : memref<!tpu.dma_semaphore, #tpu.memory_space<semaphore_mem>>) src(%dma_wait3A_1001 : memref<100000x768xf32, #tpu.memory_space<hbm>>) dst(%dma_wait3A_996 : memref<32x768xf32, #tpu.memory_space<vmem>>)
    %add3A_1002 = arith.constant 576 : i32
    %add3A_1003 = arith.addi %select_n3A_32, %add3A_1002 : i32
    %dma_start3A_1004 = arith.constant 3 : i32
    %dma_start3A_1005 = arith.constant 0 : i32
    %dma_start3A_1006 = arith.constant 0 : i32
    %dma_start3A_1007 = tpu.memref_slice %arg6[%dma_start3A_1004, %dma_start3A_1005, %dma_start3A_1006] : memref<5x32x768xf32, #tpu.memory_space<vmem>> -> memref<1x32x768xf32, #tpu.memory_space<vmem>>
    %dma_start3A_1008 = tpu.memref_squeeze %dma_start3A_1007 : memref<1x32x768xf32, #tpu.memory_space<vmem>> -> memref<32x768xf32, #tpu.memory_space<vmem>>
    %dma_start3A_1009 = arith.constant 0 : i32
    %dma_start3A_1010 = tpu.memref_slice %arg4[%select_n3A, %add3A_1003, %dma_start3A_1009] : memref<4x8192x768xf32, #tpu.memory_space<hbm>> -> memref<1x32x768xf32, #tpu.memory_space<hbm>>
    %dma_start3A_1011 = tpu.memref_squeeze %dma_start3A_1010 : memref<1x32x768xf32, #tpu.memory_space<hbm>> -> memref<32x768xf32, #tpu.memory_space<hbm>>
    %dma_start3A_1012 = arith.constant 0 : i32
    %dma_start3A_1013 = tpu.memref_slice %arg4[%select_n3A, %add3A_1003, %dma_start3A_1012] : memref<4x8192x768xf32, #tpu.memory_space<hbm>> -> memref<1x32x768xf32, #tpu.memory_space<hbm>>
    %dma_start3A_1014 = tpu.memref_squeeze %dma_start3A_1013 : memref<1x32x768xf32, #tpu.memory_space<hbm>> -> memref<32x768xf32, #tpu.memory_space<hbm>>
    %dma_start3A_1015 = arith.constant 0 : i32
    %dma_start3A_1016 = arith.constant 0 : i32
    %dma_start3A_1017 = tpu.memref_slice %arg6[%dma_start3A_1004, %dma_start3A_1015, %dma_start3A_1016] : memref<5x32x768xf32, #tpu.memory_space<vmem>> -> memref<1x32x768xf32, #tpu.memory_space<vmem>>
    %dma_start3A_1018 = tpu.memref_squeeze %dma_start3A_1017 : memref<1x32x768xf32, #tpu.memory_space<vmem>> -> memref<32x768xf32, #tpu.memory_space<vmem>>
    tpu.enqueue_dma source(%dma_start3A_1018 : memref<32x768xf32, #tpu.memory_space<vmem>>) target(%dma_start3A_1014 : memref<32x768xf32, #tpu.memory_space<hbm>>) target_semaphore(%arg15 : memref<!tpu.dma_semaphore, #tpu.memory_space<semaphore_mem>>)
    %dma_wait3A_1019 = arith.constant 2 : i32
    %dma_wait3A_1020 = arith.constant 0 : i32
    %dma_wait3A_1021 = arith.constant 0 : i32
    %dma_wait3A_1022 = tpu.memref_slice %arg6[%dma_wait3A_1019, %dma_wait3A_1020, %dma_wait3A_1021] : memref<5x32x768xf32, #tpu.memory_space<vmem>> -> memref<1x32x768xf32, #tpu.memory_space<vmem>>
    %dma_wait3A_1023 = tpu.memref_squeeze %dma_wait3A_1022 : memref<1x32x768xf32, #tpu.memory_space<vmem>> -> memref<32x768xf32, #tpu.memory_space<vmem>>
    %dma_wait3A_1024 = arith.constant 0 : i32
    %dma_wait3A_1025 = tpu.memref_slice %arg4[%select_n3A, %add3A_951, %dma_wait3A_1024] : memref<4x8192x768xf32, #tpu.memory_space<hbm>> -> memref<1x32x768xf32, #tpu.memory_space<hbm>>
    %dma_wait3A_1026 = tpu.memref_squeeze %dma_wait3A_1025 : memref<1x32x768xf32, #tpu.memory_space<hbm>> -> memref<32x768xf32, #tpu.memory_space<hbm>>
    %dma_wait3A_1027 = arith.constant 0 : i32
    %dma_wait3A_1028 = tpu.memref_slice %arg4[%select_n3A, %add3A_951, %dma_wait3A_1027] : memref<4x8192x768xf32, #tpu.memory_space<hbm>> -> memref<1x32x768xf32, #tpu.memory_space<hbm>>
    %dma_wait3A_1029 = tpu.memref_squeeze %dma_wait3A_1028 : memref<1x32x768xf32, #tpu.memory_space<hbm>> -> memref<32x768xf32, #tpu.memory_space<hbm>>
    %dma_wait3A_1030 = arith.constant 0 : i32
    %dma_wait3A_1031 = arith.constant 0 : i32
    %dma_wait3A_1032 = tpu.memref_slice %arg6[%dma_wait3A_1019, %dma_wait3A_1030, %dma_wait3A_1031] : memref<5x32x768xf32, #tpu.memory_space<vmem>> -> memref<1x32x768xf32, #tpu.memory_space<vmem>>
    %dma_wait3A_1033 = tpu.memref_squeeze %dma_wait3A_1032 : memref<1x32x768xf32, #tpu.memory_space<vmem>> -> memref<32x768xf32, #tpu.memory_space<vmem>>
    tpu.wait_dma2 semaphore(%arg14 : memref<!tpu.dma_semaphore, #tpu.memory_space<semaphore_mem>>) src(%dma_wait3A_1033 : memref<32x768xf32, #tpu.memory_space<vmem>>) dst(%dma_wait3A_1029 : memref<32x768xf32, #tpu.memory_space<hbm>>)
    %dma_start3A_1034 = arith.constant 2 : i32
    %dma_start3A_1035 = arith.constant 0 : i32
    %dma_start3A_1036 = arith.constant 0 : i32
    %dma_start3A_1037 = tpu.memref_slice %arg6[%dma_start3A_1034, %dma_start3A_1035, %dma_start3A_1036] : memref<5x32x768xf32, #tpu.memory_space<vmem>> -> memref<1x32x768xf32, #tpu.memory_space<vmem>>
    %dma_start3A_1038 = tpu.memref_squeeze %dma_start3A_1037 : memref<1x32x768xf32, #tpu.memory_space<vmem>> -> memref<32x768xf32, #tpu.memory_space<vmem>>
    %dma_start3A_1039 = arith.constant 704 : i32
    %dma_start3A_1040 = tpu.memref_slice %arg5[%dma_start3A_1039] : memref<1024xi32, #tpu.memory_space<vmem>> -> memref<32xi32, #tpu.memory_space<vmem>>
    %dma_start3A_1041 = arith.constant 0 : i32
    %dma_start3A_1042 = arith.constant 0 : i32
    %dma_start3A_1043 = tpu.memref_slice %arg3[%dma_start3A_1041, %dma_start3A_1042] : memref<100000x768xf32, #tpu.memory_space<hbm>> -> memref<100000x768xf32, #tpu.memory_space<hbm>>
    tpu.enqueue_indirect_dma source(%dma_start3A_1043 : memref<100000x768xf32, #tpu.memory_space<hbm>>) target(%dma_start3A_1038 : memref<32x768xf32, #tpu.memory_space<vmem>>) offsets(%dma_start3A_1040 : memref<32xi32, #tpu.memory_space<vmem>>) semaphore(%arg9 : memref<!tpu.dma_semaphore, #tpu.memory_space<semaphore_mem>>)
    %dma_wait3A_1044 = arith.constant 4 : i32
    %dma_wait3A_1045 = arith.constant 0 : i32
    %dma_wait3A_1046 = arith.constant 0 : i32
    %dma_wait3A_1047 = tpu.memref_slice %arg6[%dma_wait3A_1044, %dma_wait3A_1045, %dma_wait3A_1046] : memref<5x32x768xf32, #tpu.memory_space<vmem>> -> memref<1x32x768xf32, #tpu.memory_space<vmem>>
    %dma_wait3A_1048 = tpu.memref_squeeze %dma_wait3A_1047 : memref<1x32x768xf32, #tpu.memory_space<vmem>> -> memref<32x768xf32, #tpu.memory_space<vmem>>
    %dma_wait3A_1049 = arith.constant 608 : i32
    %dma_wait3A_1050 = tpu.memref_slice %arg5[%dma_wait3A_1049] : memref<1024xi32, #tpu.memory_space<vmem>> -> memref<32xi32, #tpu.memory_space<vmem>>
    %dma_wait3A_1051 = arith.constant 0 : i32
    %dma_wait3A_1052 = arith.constant 0 : i32
    %dma_wait3A_1053 = tpu.memref_slice %arg3[%dma_wait3A_1051, %dma_wait3A_1052] : memref<100000x768xf32, #tpu.memory_space<hbm>> -> memref<100000x768xf32, #tpu.memory_space<hbm>>
    tpu.wait_indirect_dma semaphore(%arg11 : memref<!tpu.dma_semaphore, #tpu.memory_space<semaphore_mem>>) src(%dma_wait3A_1053 : memref<100000x768xf32, #tpu.memory_space<hbm>>) dst(%dma_wait3A_1048 : memref<32x768xf32, #tpu.memory_space<vmem>>)
    %add3A_1054 = arith.constant 608 : i32
    %add3A_1055 = arith.addi %select_n3A_32, %add3A_1054 : i32
    %dma_start3A_1056 = arith.constant 4 : i32
    %dma_start3A_1057 = arith.constant 0 : i32
    %dma_start3A_1058 = arith.constant 0 : i32
    %dma_start3A_1059 = tpu.memref_slice %arg6[%dma_start3A_1056, %dma_start3A_1057, %dma_start3A_1058] : memref<5x32x768xf32, #tpu.memory_space<vmem>> -> memref<1x32x768xf32, #tpu.memory_space<vmem>>
    %dma_start3A_1060 = tpu.memref_squeeze %dma_start3A_1059 : memref<1x32x768xf32, #tpu.memory_space<vmem>> -> memref<32x768xf32, #tpu.memory_space<vmem>>
    %dma_start3A_1061 = arith.constant 0 : i32
    %dma_start3A_1062 = tpu.memref_slice %arg4[%select_n3A, %add3A_1055, %dma_start3A_1061] : memref<4x8192x768xf32, #tpu.memory_space<hbm>> -> memref<1x32x768xf32, #tpu.memory_space<hbm>>
    %dma_start3A_1063 = tpu.memref_squeeze %dma_start3A_1062 : memref<1x32x768xf32, #tpu.memory_space<hbm>> -> memref<32x768xf32, #tpu.memory_space<hbm>>
    %dma_start3A_1064 = arith.constant 0 : i32
    %dma_start3A_1065 = tpu.memref_slice %arg4[%select_n3A, %add3A_1055, %dma_start3A_1064] : memref<4x8192x768xf32, #tpu.memory_space<hbm>> -> memref<1x32x768xf32, #tpu.memory_space<hbm>>
    %dma_start3A_1066 = tpu.memref_squeeze %dma_start3A_1065 : memref<1x32x768xf32, #tpu.memory_space<hbm>> -> memref<32x768xf32, #tpu.memory_space<hbm>>
    %dma_start3A_1067 = arith.constant 0 : i32
    %dma_start3A_1068 = arith.constant 0 : i32
    %dma_start3A_1069 = tpu.memref_slice %arg6[%dma_start3A_1056, %dma_start3A_1067, %dma_start3A_1068] : memref<5x32x768xf32, #tpu.memory_space<vmem>> -> memref<1x32x768xf32, #tpu.memory_space<vmem>>
    %dma_start3A_1070 = tpu.memref_squeeze %dma_start3A_1069 : memref<1x32x768xf32, #tpu.memory_space<vmem>> -> memref<32x768xf32, #tpu.memory_space<vmem>>
    tpu.enqueue_dma source(%dma_start3A_1070 : memref<32x768xf32, #tpu.memory_space<vmem>>) target(%dma_start3A_1066 : memref<32x768xf32, #tpu.memory_space<hbm>>) target_semaphore(%arg16 : memref<!tpu.dma_semaphore, #tpu.memory_space<semaphore_mem>>)
    %dma_wait3A_1071 = arith.constant 3 : i32
    %dma_wait3A_1072 = arith.constant 0 : i32
    %dma_wait3A_1073 = arith.constant 0 : i32
    %dma_wait3A_1074 = tpu.memref_slice %arg6[%dma_wait3A_1071, %dma_wait3A_1072, %dma_wait3A_1073] : memref<5x32x768xf32, #tpu.memory_space<vmem>> -> memref<1x32x768xf32, #tpu.memory_space<vmem>>
    %dma_wait3A_1075 = tpu.memref_squeeze %dma_wait3A_1074 : memref<1x32x768xf32, #tpu.memory_space<vmem>> -> memref<32x768xf32, #tpu.memory_space<vmem>>
    %dma_wait3A_1076 = arith.constant 0 : i32
    %dma_wait3A_1077 = tpu.memref_slice %arg4[%select_n3A, %add3A_1003, %dma_wait3A_1076] : memref<4x8192x768xf32, #tpu.memory_space<hbm>> -> memref<1x32x768xf32, #tpu.memory_space<hbm>>
    %dma_wait3A_1078 = tpu.memref_squeeze %dma_wait3A_1077 : memref<1x32x768xf32, #tpu.memory_space<hbm>> -> memref<32x768xf32, #tpu.memory_space<hbm>>
    %dma_wait3A_1079 = arith.constant 0 : i32
    %dma_wait3A_1080 = tpu.memref_slice %arg4[%select_n3A, %add3A_1003, %dma_wait3A_1079] : memref<4x8192x768xf32, #tpu.memory_space<hbm>> -> memref<1x32x768xf32, #tpu.memory_space<hbm>>
    %dma_wait3A_1081 = tpu.memref_squeeze %dma_wait3A_1080 : memref<1x32x768xf32, #tpu.memory_space<hbm>> -> memref<32x768xf32, #tpu.memory_space<hbm>>
    %dma_wait3A_1082 = arith.constant 0 : i32
    %dma_wait3A_1083 = arith.constant 0 : i32
    %dma_wait3A_1084 = tpu.memref_slice %arg6[%dma_wait3A_1071, %dma_wait3A_1082, %dma_wait3A_1083] : memref<5x32x768xf32, #tpu.memory_space<vmem>> -> memref<1x32x768xf32, #tpu.memory_space<vmem>>
    %dma_wait3A_1085 = tpu.memref_squeeze %dma_wait3A_1084 : memref<1x32x768xf32, #tpu.memory_space<vmem>> -> memref<32x768xf32, #tpu.memory_space<vmem>>
    tpu.wait_dma2 semaphore(%arg15 : memref<!tpu.dma_semaphore, #tpu.memory_space<semaphore_mem>>) src(%dma_wait3A_1085 : memref<32x768xf32, #tpu.memory_space<vmem>>) dst(%dma_wait3A_1081 : memref<32x768xf32, #tpu.memory_space<hbm>>)
    %dma_start3A_1086 = arith.constant 3 : i32
    %dma_start3A_1087 = arith.constant 0 : i32
    %dma_start3A_1088 = arith.constant 0 : i32
    %dma_start3A_1089 = tpu.memref_slice %arg6[%dma_start3A_1086, %dma_start3A_1087, %dma_start3A_1088] : memref<5x32x768xf32, #tpu.memory_space<vmem>> -> memref<1x32x768xf32, #tpu.memory_space<vmem>>
    %dma_start3A_1090 = tpu.memref_squeeze %dma_start3A_1089 : memref<1x32x768xf32, #tpu.memory_space<vmem>> -> memref<32x768xf32, #tpu.memory_space<vmem>>
    %dma_start3A_1091 = arith.constant 736 : i32
    %dma_start3A_1092 = tpu.memref_slice %arg5[%dma_start3A_1091] : memref<1024xi32, #tpu.memory_space<vmem>> -> memref<32xi32, #tpu.memory_space<vmem>>
    %dma_start3A_1093 = arith.constant 0 : i32
    %dma_start3A_1094 = arith.constant 0 : i32
    %dma_start3A_1095 = tpu.memref_slice %arg3[%dma_start3A_1093, %dma_start3A_1094] : memref<100000x768xf32, #tpu.memory_space<hbm>> -> memref<100000x768xf32, #tpu.memory_space<hbm>>
    tpu.enqueue_indirect_dma source(%dma_start3A_1095 : memref<100000x768xf32, #tpu.memory_space<hbm>>) target(%dma_start3A_1090 : memref<32x768xf32, #tpu.memory_space<vmem>>) offsets(%dma_start3A_1092 : memref<32xi32, #tpu.memory_space<vmem>>) semaphore(%arg10 : memref<!tpu.dma_semaphore, #tpu.memory_space<semaphore_mem>>)
    %dma_wait3A_1096 = arith.constant 0 : i32
    %dma_wait3A_1097 = arith.constant 0 : i32
    %dma_wait3A_1098 = arith.constant 0 : i32
    %dma_wait3A_1099 = tpu.memref_slice %arg6[%dma_wait3A_1096, %dma_wait3A_1097, %dma_wait3A_1098] : memref<5x32x768xf32, #tpu.memory_space<vmem>> -> memref<1x32x768xf32, #tpu.memory_space<vmem>>
    %dma_wait3A_1100 = tpu.memref_squeeze %dma_wait3A_1099 : memref<1x32x768xf32, #tpu.memory_space<vmem>> -> memref<32x768xf32, #tpu.memory_space<vmem>>
    %dma_wait3A_1101 = arith.constant 640 : i32
    %dma_wait3A_1102 = tpu.memref_slice %arg5[%dma_wait3A_1101] : memref<1024xi32, #tpu.memory_space<vmem>> -> memref<32xi32, #tpu.memory_space<vmem>>
    %dma_wait3A_1103 = arith.constant 0 : i32
    %dma_wait3A_1104 = arith.constant 0 : i32
    %dma_wait3A_1105 = tpu.memref_slice %arg3[%dma_wait3A_1103, %dma_wait3A_1104] : memref<100000x768xf32, #tpu.memory_space<hbm>> -> memref<100000x768xf32, #tpu.memory_space<hbm>>
    tpu.wait_indirect_dma semaphore(%arg7 : memref<!tpu.dma_semaphore, #tpu.memory_space<semaphore_mem>>) src(%dma_wait3A_1105 : memref<100000x768xf32, #tpu.memory_space<hbm>>) dst(%dma_wait3A_1100 : memref<32x768xf32, #tpu.memory_space<vmem>>)
    %add3A_1106 = arith.constant 640 : i32
    %add3A_1107 = arith.addi %select_n3A_32, %add3A_1106 : i32
    %dma_start3A_1108 = arith.constant 0 : i32
    %dma_start3A_1109 = arith.constant 0 : i32
    %dma_start3A_1110 = arith.constant 0 : i32
    %dma_start3A_1111 = tpu.memref_slice %arg6[%dma_start3A_1108, %dma_start3A_1109, %dma_start3A_1110] : memref<5x32x768xf32, #tpu.memory_space<vmem>> -> memref<1x32x768xf32, #tpu.memory_space<vmem>>
    %dma_start3A_1112 = tpu.memref_squeeze %dma_start3A_1111 : memref<1x32x768xf32, #tpu.memory_space<vmem>> -> memref<32x768xf32, #tpu.memory_space<vmem>>
    %dma_start3A_1113 = arith.constant 0 : i32
    %dma_start3A_1114 = tpu.memref_slice %arg4[%select_n3A, %add3A_1107, %dma_start3A_1113] : memref<4x8192x768xf32, #tpu.memory_space<hbm>> -> memref<1x32x768xf32, #tpu.memory_space<hbm>>
    %dma_start3A_1115 = tpu.memref_squeeze %dma_start3A_1114 : memref<1x32x768xf32, #tpu.memory_space<hbm>> -> memref<32x768xf32, #tpu.memory_space<hbm>>
    %dma_start3A_1116 = arith.constant 0 : i32
    %dma_start3A_1117 = tpu.memref_slice %arg4[%select_n3A, %add3A_1107, %dma_start3A_1116] : memref<4x8192x768xf32, #tpu.memory_space<hbm>> -> memref<1x32x768xf32, #tpu.memory_space<hbm>>
    %dma_start3A_1118 = tpu.memref_squeeze %dma_start3A_1117 : memref<1x32x768xf32, #tpu.memory_space<hbm>> -> memref<32x768xf32, #tpu.memory_space<hbm>>
    %dma_start3A_1119 = arith.constant 0 : i32
    %dma_start3A_1120 = arith.constant 0 : i32
    %dma_start3A_1121 = tpu.memref_slice %arg6[%dma_start3A_1108, %dma_start3A_1119, %dma_start3A_1120] : memref<5x32x768xf32, #tpu.memory_space<vmem>> -> memref<1x32x768xf32, #tpu.memory_space<vmem>>
    %dma_start3A_1122 = tpu.memref_squeeze %dma_start3A_1121 : memref<1x32x768xf32, #tpu.memory_space<vmem>> -> memref<32x768xf32, #tpu.memory_space<vmem>>
    tpu.enqueue_dma source(%dma_start3A_1122 : memref<32x768xf32, #tpu.memory_space<vmem>>) target(%dma_start3A_1118 : memref<32x768xf32, #tpu.memory_space<hbm>>) target_semaphore(%arg12 : memref<!tpu.dma_semaphore, #tpu.memory_space<semaphore_mem>>)
    %dma_wait3A_1123 = arith.constant 4 : i32
    %dma_wait3A_1124 = arith.constant 0 : i32
    %dma_wait3A_1125 = arith.constant 0 : i32
    %dma_wait3A_1126 = tpu.memref_slice %arg6[%dma_wait3A_1123, %dma_wait3A_1124, %dma_wait3A_1125] : memref<5x32x768xf32, #tpu.memory_space<vmem>> -> memref<1x32x768xf32, #tpu.memory_space<vmem>>
    %dma_wait3A_1127 = tpu.memref_squeeze %dma_wait3A_1126 : memref<1x32x768xf32, #tpu.memory_space<vmem>> -> memref<32x768xf32, #tpu.memory_space<vmem>>
    %dma_wait3A_1128 = arith.constant 0 : i32
    %dma_wait3A_1129 = tpu.memref_slice %arg4[%select_n3A, %add3A_1055, %dma_wait3A_1128] : memref<4x8192x768xf32, #tpu.memory_space<hbm>> -> memref<1x32x768xf32, #tpu.memory_space<hbm>>
    %dma_wait3A_1130 = tpu.memref_squeeze %dma_wait3A_1129 : memref<1x32x768xf32, #tpu.memory_space<hbm>> -> memref<32x768xf32, #tpu.memory_space<hbm>>
    %dma_wait3A_1131 = arith.constant 0 : i32
    %dma_wait3A_1132 = tpu.memref_slice %arg4[%select_n3A, %add3A_1055, %dma_wait3A_1131] : memref<4x8192x768xf32, #tpu.memory_space<hbm>> -> memref<1x32x768xf32, #tpu.memory_space<hbm>>
    %dma_wait3A_1133 = tpu.memref_squeeze %dma_wait3A_1132 : memref<1x32x768xf32, #tpu.memory_space<hbm>> -> memref<32x768xf32, #tpu.memory_space<hbm>>
    %dma_wait3A_1134 = arith.constant 0 : i32
    %dma_wait3A_1135 = arith.constant 0 : i32
    %dma_wait3A_1136 = tpu.memref_slice %arg6[%dma_wait3A_1123, %dma_wait3A_1134, %dma_wait3A_1135] : memref<5x32x768xf32, #tpu.memory_space<vmem>> -> memref<1x32x768xf32, #tpu.memory_space<vmem>>
    %dma_wait3A_1137 = tpu.memref_squeeze %dma_wait3A_1136 : memref<1x32x768xf32, #tpu.memory_space<vmem>> -> memref<32x768xf32, #tpu.memory_space<vmem>>
    tpu.wait_dma2 semaphore(%arg16 : memref<!tpu.dma_semaphore, #tpu.memory_space<semaphore_mem>>) src(%dma_wait3A_1137 : memref<32x768xf32, #tpu.memory_space<vmem>>) dst(%dma_wait3A_1133 : memref<32x768xf32, #tpu.memory_space<hbm>>)
    %dma_start3A_1138 = arith.constant 4 : i32
    %dma_start3A_1139 = arith.constant 0 : i32
    %dma_start3A_1140 = arith.constant 0 : i32
    %dma_start3A_1141 = tpu.memref_slice %arg6[%dma_start3A_1138, %dma_start3A_1139, %dma_start3A_1140] : memref<5x32x768xf32, #tpu.memory_space<vmem>> -> memref<1x32x768xf32, #tpu.memory_space<vmem>>
    %dma_start3A_1142 = tpu.memref_squeeze %dma_start3A_1141 : memref<1x32x768xf32, #tpu.memory_space<vmem>> -> memref<32x768xf32, #tpu.memory_space<vmem>>
    %dma_start3A_1143 = arith.constant 768 : i32
    %dma_start3A_1144 = tpu.memref_slice %arg5[%dma_start3A_1143] : memref<1024xi32, #tpu.memory_space<vmem>> -> memref<32xi32, #tpu.memory_space<vmem>>
    %dma_start3A_1145 = arith.constant 0 : i32
    %dma_start3A_1146 = arith.constant 0 : i32
    %dma_start3A_1147 = tpu.memref_slice %arg3[%dma_start3A_1145, %dma_start3A_1146] : memref<100000x768xf32, #tpu.memory_space<hbm>> -> memref<100000x768xf32, #tpu.memory_space<hbm>>
    tpu.enqueue_indirect_dma source(%dma_start3A_1147 : memref<100000x768xf32, #tpu.memory_space<hbm>>) target(%dma_start3A_1142 : memref<32x768xf32, #tpu.memory_space<vmem>>) offsets(%dma_start3A_1144 : memref<32xi32, #tpu.memory_space<vmem>>) semaphore(%arg11 : memref<!tpu.dma_semaphore, #tpu.memory_space<semaphore_mem>>)
    %dma_wait3A_1148 = arith.constant 1 : i32
    %dma_wait3A_1149 = arith.constant 0 : i32
    %dma_wait3A_1150 = arith.constant 0 : i32
    %dma_wait3A_1151 = tpu.memref_slice %arg6[%dma_wait3A_1148, %dma_wait3A_1149, %dma_wait3A_1150] : memref<5x32x768xf32, #tpu.memory_space<vmem>> -> memref<1x32x768xf32, #tpu.memory_space<vmem>>
    %dma_wait3A_1152 = tpu.memref_squeeze %dma_wait3A_1151 : memref<1x32x768xf32, #tpu.memory_space<vmem>> -> memref<32x768xf32, #tpu.memory_space<vmem>>
    %dma_wait3A_1153 = arith.constant 672 : i32
    %dma_wait3A_1154 = tpu.memref_slice %arg5[%dma_wait3A_1153] : memref<1024xi32, #tpu.memory_space<vmem>> -> memref<32xi32, #tpu.memory_space<vmem>>
    %dma_wait3A_1155 = arith.constant 0 : i32
    %dma_wait3A_1156 = arith.constant 0 : i32
    %dma_wait3A_1157 = tpu.memref_slice %arg3[%dma_wait3A_1155, %dma_wait3A_1156] : memref<100000x768xf32, #tpu.memory_space<hbm>> -> memref<100000x768xf32, #tpu.memory_space<hbm>>
    tpu.wait_indirect_dma semaphore(%arg8 : memref<!tpu.dma_semaphore, #tpu.memory_space<semaphore_mem>>) src(%dma_wait3A_1157 : memref<100000x768xf32, #tpu.memory_space<hbm>>) dst(%dma_wait3A_1152 : memref<32x768xf32, #tpu.memory_space<vmem>>)
    %add3A_1158 = arith.constant 672 : i32
    %add3A_1159 = arith.addi %select_n3A_32, %add3A_1158 : i32
    %dma_start3A_1160 = arith.constant 1 : i32
    %dma_start3A_1161 = arith.constant 0 : i32
    %dma_start3A_1162 = arith.constant 0 : i32
    %dma_start3A_1163 = tpu.memref_slice %arg6[%dma_start3A_1160, %dma_start3A_1161, %dma_start3A_1162] : memref<5x32x768xf32, #tpu.memory_space<vmem>> -> memref<1x32x768xf32, #tpu.memory_space<vmem>>
    %dma_start3A_1164 = tpu.memref_squeeze %dma_start3A_1163 : memref<1x32x768xf32, #tpu.memory_space<vmem>> -> memref<32x768xf32, #tpu.memory_space<vmem>>
    %dma_start3A_1165 = arith.constant 0 : i32
    %dma_start3A_1166 = tpu.memref_slice %arg4[%select_n3A, %add3A_1159, %dma_start3A_1165] : memref<4x8192x768xf32, #tpu.memory_space<hbm>> -> memref<1x32x768xf32, #tpu.memory_space<hbm>>
    %dma_start3A_1167 = tpu.memref_squeeze %dma_start3A_1166 : memref<1x32x768xf32, #tpu.memory_space<hbm>> -> memref<32x768xf32, #tpu.memory_space<hbm>>
    %dma_start3A_1168 = arith.constant 0 : i32
    %dma_start3A_1169 = tpu.memref_slice %arg4[%select_n3A, %add3A_1159, %dma_start3A_1168] : memref<4x8192x768xf32, #tpu.memory_space<hbm>> -> memref<1x32x768xf32, #tpu.memory_space<hbm>>
    %dma_start3A_1170 = tpu.memref_squeeze %dma_start3A_1169 : memref<1x32x768xf32, #tpu.memory_space<hbm>> -> memref<32x768xf32, #tpu.memory_space<hbm>>
    %dma_start3A_1171 = arith.constant 0 : i32
    %dma_start3A_1172 = arith.constant 0 : i32
    %dma_start3A_1173 = tpu.memref_slice %arg6[%dma_start3A_1160, %dma_start3A_1171, %dma_start3A_1172] : memref<5x32x768xf32, #tpu.memory_space<vmem>> -> memref<1x32x768xf32, #tpu.memory_space<vmem>>
    %dma_start3A_1174 = tpu.memref_squeeze %dma_start3A_1173 : memref<1x32x768xf32, #tpu.memory_space<vmem>> -> memref<32x768xf32, #tpu.memory_space<vmem>>
    tpu.enqueue_dma source(%dma_start3A_1174 : memref<32x768xf32, #tpu.memory_space<vmem>>) target(%dma_start3A_1170 : memref<32x768xf32, #tpu.memory_space<hbm>>) target_semaphore(%arg13 : memref<!tpu.dma_semaphore, #tpu.memory_space<semaphore_mem>>)
    %dma_wait3A_1175 = arith.constant 0 : i32
    %dma_wait3A_1176 = arith.constant 0 : i32
    %dma_wait3A_1177 = arith.constant 0 : i32
    %dma_wait3A_1178 = tpu.memref_slice %arg6[%dma_wait3A_1175, %dma_wait3A_1176, %dma_wait3A_1177] : memref<5x32x768xf32, #tpu.memory_space<vmem>> -> memref<1x32x768xf32, #tpu.memory_space<vmem>>
    %dma_wait3A_1179 = tpu.memref_squeeze %dma_wait3A_1178 : memref<1x32x768xf32, #tpu.memory_space<vmem>> -> memref<32x768xf32, #tpu.memory_space<vmem>>
    %dma_wait3A_1180 = arith.constant 0 : i32
    %dma_wait3A_1181 = tpu.memref_slice %arg4[%select_n3A, %add3A_1107, %dma_wait3A_1180] : memref<4x8192x768xf32, #tpu.memory_space<hbm>> -> memref<1x32x768xf32, #tpu.memory_space<hbm>>
    %dma_wait3A_1182 = tpu.memref_squeeze %dma_wait3A_1181 : memref<1x32x768xf32, #tpu.memory_space<hbm>> -> memref<32x768xf32, #tpu.memory_space<hbm>>
    %dma_wait3A_1183 = arith.constant 0 : i32
    %dma_wait3A_1184 = tpu.memref_slice %arg4[%select_n3A, %add3A_1107, %dma_wait3A_1183] : memref<4x8192x768xf32, #tpu.memory_space<hbm>> -> memref<1x32x768xf32, #tpu.memory_space<hbm>>
    %dma_wait3A_1185 = tpu.memref_squeeze %dma_wait3A_1184 : memref<1x32x768xf32, #tpu.memory_space<hbm>> -> memref<32x768xf32, #tpu.memory_space<hbm>>
    %dma_wait3A_1186 = arith.constant 0 : i32
    %dma_wait3A_1187 = arith.constant 0 : i32
    %dma_wait3A_1188 = tpu.memref_slice %arg6[%dma_wait3A_1175, %dma_wait3A_1186, %dma_wait3A_1187] : memref<5x32x768xf32, #tpu.memory_space<vmem>> -> memref<1x32x768xf32, #tpu.memory_space<vmem>>
    %dma_wait3A_1189 = tpu.memref_squeeze %dma_wait3A_1188 : memref<1x32x768xf32, #tpu.memory_space<vmem>> -> memref<32x768xf32, #tpu.memory_space<vmem>>
    tpu.wait_dma2 semaphore(%arg12 : memref<!tpu.dma_semaphore, #tpu.memory_space<semaphore_mem>>) src(%dma_wait3A_1189 : memref<32x768xf32, #tpu.memory_space<vmem>>) dst(%dma_wait3A_1185 : memref<32x768xf32, #tpu.memory_space<hbm>>)
    %dma_start3A_1190 = arith.constant 0 : i32
    %dma_start3A_1191 = arith.constant 0 : i32
    %dma_start3A_1192 = arith.constant 0 : i32
    %dma_start3A_1193 = tpu.memref_slice %arg6[%dma_start3A_1190, %dma_start3A_1191, %dma_start3A_1192] : memref<5x32x768xf32, #tpu.memory_space<vmem>> -> memref<1x32x768xf32, #tpu.memory_space<vmem>>
    %dma_start3A_1194 = tpu.memref_squeeze %dma_start3A_1193 : memref<1x32x768xf32, #tpu.memory_space<vmem>> -> memref<32x768xf32, #tpu.memory_space<vmem>>
    %dma_start3A_1195 = arith.constant 800 : i32
    %dma_start3A_1196 = tpu.memref_slice %arg5[%dma_start3A_1195] : memref<1024xi32, #tpu.memory_space<vmem>> -> memref<32xi32, #tpu.memory_space<vmem>>
    %dma_start3A_1197 = arith.constant 0 : i32
    %dma_start3A_1198 = arith.constant 0 : i32
    %dma_start3A_1199 = tpu.memref_slice %arg3[%dma_start3A_1197, %dma_start3A_1198] : memref<100000x768xf32, #tpu.memory_space<hbm>> -> memref<100000x768xf32, #tpu.memory_space<hbm>>
    tpu.enqueue_indirect_dma source(%dma_start3A_1199 : memref<100000x768xf32, #tpu.memory_space<hbm>>) target(%dma_start3A_1194 : memref<32x768xf32, #tpu.memory_space<vmem>>) offsets(%dma_start3A_1196 : memref<32xi32, #tpu.memory_space<vmem>>) semaphore(%arg7 : memref<!tpu.dma_semaphore, #tpu.memory_space<semaphore_mem>>)
    %dma_wait3A_1200 = arith.constant 2 : i32
    %dma_wait3A_1201 = arith.constant 0 : i32
    %dma_wait3A_1202 = arith.constant 0 : i32
    %dma_wait3A_1203 = tpu.memref_slice %arg6[%dma_wait3A_1200, %dma_wait3A_1201, %dma_wait3A_1202] : memref<5x32x768xf32, #tpu.memory_space<vmem>> -> memref<1x32x768xf32, #tpu.memory_space<vmem>>
    %dma_wait3A_1204 = tpu.memref_squeeze %dma_wait3A_1203 : memref<1x32x768xf32, #tpu.memory_space<vmem>> -> memref<32x768xf32, #tpu.memory_space<vmem>>
    %dma_wait3A_1205 = arith.constant 704 : i32
    %dma_wait3A_1206 = tpu.memref_slice %arg5[%dma_wait3A_1205] : memref<1024xi32, #tpu.memory_space<vmem>> -> memref<32xi32, #tpu.memory_space<vmem>>
    %dma_wait3A_1207 = arith.constant 0 : i32
    %dma_wait3A_1208 = arith.constant 0 : i32
    %dma_wait3A_1209 = tpu.memref_slice %arg3[%dma_wait3A_1207, %dma_wait3A_1208] : memref<100000x768xf32, #tpu.memory_space<hbm>> -> memref<100000x768xf32, #tpu.memory_space<hbm>>
    tpu.wait_indirect_dma semaphore(%arg9 : memref<!tpu.dma_semaphore, #tpu.memory_space<semaphore_mem>>) src(%dma_wait3A_1209 : memref<100000x768xf32, #tpu.memory_space<hbm>>) dst(%dma_wait3A_1204 : memref<32x768xf32, #tpu.memory_space<vmem>>)
    %add3A_1210 = arith.constant 704 : i32
    %add3A_1211 = arith.addi %select_n3A_32, %add3A_1210 : i32
    %dma_start3A_1212 = arith.constant 2 : i32
    %dma_start3A_1213 = arith.constant 0 : i32
    %dma_start3A_1214 = arith.constant 0 : i32
    %dma_start3A_1215 = tpu.memref_slice %arg6[%dma_start3A_1212, %dma_start3A_1213, %dma_start3A_1214] : memref<5x32x768xf32, #tpu.memory_space<vmem>> -> memref<1x32x768xf32, #tpu.memory_space<vmem>>
    %dma_start3A_1216 = tpu.memref_squeeze %dma_start3A_1215 : memref<1x32x768xf32, #tpu.memory_space<vmem>> -> memref<32x768xf32, #tpu.memory_space<vmem>>
    %dma_start3A_1217 = arith.constant 0 : i32
    %dma_start3A_1218 = tpu.memref_slice %arg4[%select_n3A, %add3A_1211, %dma_start3A_1217] : memref<4x8192x768xf32, #tpu.memory_space<hbm>> -> memref<1x32x768xf32, #tpu.memory_space<hbm>>
    %dma_start3A_1219 = tpu.memref_squeeze %dma_start3A_1218 : memref<1x32x768xf32, #tpu.memory_space<hbm>> -> memref<32x768xf32, #tpu.memory_space<hbm>>
    %dma_start3A_1220 = arith.constant 0 : i32
    %dma_start3A_1221 = tpu.memref_slice %arg4[%select_n3A, %add3A_1211, %dma_start3A_1220] : memref<4x8192x768xf32, #tpu.memory_space<hbm>> -> memref<1x32x768xf32, #tpu.memory_space<hbm>>
    %dma_start3A_1222 = tpu.memref_squeeze %dma_start3A_1221 : memref<1x32x768xf32, #tpu.memory_space<hbm>> -> memref<32x768xf32, #tpu.memory_space<hbm>>
    %dma_start3A_1223 = arith.constant 0 : i32
    %dma_start3A_1224 = arith.constant 0 : i32
    %dma_start3A_1225 = tpu.memref_slice %arg6[%dma_start3A_1212, %dma_start3A_1223, %dma_start3A_1224] : memref<5x32x768xf32, #tpu.memory_space<vmem>> -> memref<1x32x768xf32, #tpu.memory_space<vmem>>
    %dma_start3A_1226 = tpu.memref_squeeze %dma_start3A_1225 : memref<1x32x768xf32, #tpu.memory_space<vmem>> -> memref<32x768xf32, #tpu.memory_space<vmem>>
    tpu.enqueue_dma source(%dma_start3A_1226 : memref<32x768xf32, #tpu.memory_space<vmem>>) target(%dma_start3A_1222 : memref<32x768xf32, #tpu.memory_space<hbm>>) target_semaphore(%arg14 : memref<!tpu.dma_semaphore, #tpu.memory_space<semaphore_mem>>)
    %dma_wait3A_1227 = arith.constant 1 : i32
    %dma_wait3A_1228 = arith.constant 0 : i32
    %dma_wait3A_1229 = arith.constant 0 : i32
    %dma_wait3A_1230 = tpu.memref_slice %arg6[%dma_wait3A_1227, %dma_wait3A_1228, %dma_wait3A_1229] : memref<5x32x768xf32, #tpu.memory_space<vmem>> -> memref<1x32x768xf32, #tpu.memory_space<vmem>>
    %dma_wait3A_1231 = tpu.memref_squeeze %dma_wait3A_1230 : memref<1x32x768xf32, #tpu.memory_space<vmem>> -> memref<32x768xf32, #tpu.memory_space<vmem>>
    %dma_wait3A_1232 = arith.constant 0 : i32
    %dma_wait3A_1233 = tpu.memref_slice %arg4[%select_n3A, %add3A_1159, %dma_wait3A_1232] : memref<4x8192x768xf32, #tpu.memory_space<hbm>> -> memref<1x32x768xf32, #tpu.memory_space<hbm>>
    %dma_wait3A_1234 = tpu.memref_squeeze %dma_wait3A_1233 : memref<1x32x768xf32, #tpu.memory_space<hbm>> -> memref<32x768xf32, #tpu.memory_space<hbm>>
    %dma_wait3A_1235 = arith.constant 0 : i32
    %dma_wait3A_1236 = tpu.memref_slice %arg4[%select_n3A, %add3A_1159, %dma_wait3A_1235] : memref<4x8192x768xf32, #tpu.memory_space<hbm>> -> memref<1x32x768xf32, #tpu.memory_space<hbm>>
    %dma_wait3A_1237 = tpu.memref_squeeze %dma_wait3A_1236 : memref<1x32x768xf32, #tpu.memory_space<hbm>> -> memref<32x768xf32, #tpu.memory_space<hbm>>
    %dma_wait3A_1238 = arith.constant 0 : i32
    %dma_wait3A_1239 = arith.constant 0 : i32
    %dma_wait3A_1240 = tpu.memref_slice %arg6[%dma_wait3A_1227, %dma_wait3A_1238, %dma_wait3A_1239] : memref<5x32x768xf32, #tpu.memory_space<vmem>> -> memref<1x32x768xf32, #tpu.memory_space<vmem>>
    %dma_wait3A_1241 = tpu.memref_squeeze %dma_wait3A_1240 : memref<1x32x768xf32, #tpu.memory_space<vmem>> -> memref<32x768xf32, #tpu.memory_space<vmem>>
    tpu.wait_dma2 semaphore(%arg13 : memref<!tpu.dma_semaphore, #tpu.memory_space<semaphore_mem>>) src(%dma_wait3A_1241 : memref<32x768xf32, #tpu.memory_space<vmem>>) dst(%dma_wait3A_1237 : memref<32x768xf32, #tpu.memory_space<hbm>>)
    %dma_start3A_1242 = arith.constant 1 : i32
    %dma_start3A_1243 = arith.constant 0 : i32
    %dma_start3A_1244 = arith.constant 0 : i32
    %dma_start3A_1245 = tpu.memref_slice %arg6[%dma_start3A_1242, %dma_start3A_1243, %dma_start3A_1244] : memref<5x32x768xf32, #tpu.memory_space<vmem>> -> memref<1x32x768xf32, #tpu.memory_space<vmem>>
    %dma_start3A_1246 = tpu.memref_squeeze %dma_start3A_1245 : memref<1x32x768xf32, #tpu.memory_space<vmem>> -> memref<32x768xf32, #tpu.memory_space<vmem>>
    %dma_start3A_1247 = arith.constant 832 : i32
    %dma_start3A_1248 = tpu.memref_slice %arg5[%dma_start3A_1247] : memref<1024xi32, #tpu.memory_space<vmem>> -> memref<32xi32, #tpu.memory_space<vmem>>
    %dma_start3A_1249 = arith.constant 0 : i32
    %dma_start3A_1250 = arith.constant 0 : i32
    %dma_start3A_1251 = tpu.memref_slice %arg3[%dma_start3A_1249, %dma_start3A_1250] : memref<100000x768xf32, #tpu.memory_space<hbm>> -> memref<100000x768xf32, #tpu.memory_space<hbm>>
    tpu.enqueue_indirect_dma source(%dma_start3A_1251 : memref<100000x768xf32, #tpu.memory_space<hbm>>) target(%dma_start3A_1246 : memref<32x768xf32, #tpu.memory_space<vmem>>) offsets(%dma_start3A_1248 : memref<32xi32, #tpu.memory_space<vmem>>) semaphore(%arg8 : memref<!tpu.dma_semaphore, #tpu.memory_space<semaphore_mem>>)
    %dma_wait3A_1252 = arith.constant 3 : i32
    %dma_wait3A_1253 = arith.constant 0 : i32
    %dma_wait3A_1254 = arith.constant 0 : i32
    %dma_wait3A_1255 = tpu.memref_slice %arg6[%dma_wait3A_1252, %dma_wait3A_1253, %dma_wait3A_1254] : memref<5x32x768xf32, #tpu.memory_space<vmem>> -> memref<1x32x768xf32, #tpu.memory_space<vmem>>
    %dma_wait3A_1256 = tpu.memref_squeeze %dma_wait3A_1255 : memref<1x32x768xf32, #tpu.memory_space<vmem>> -> memref<32x768xf32, #tpu.memory_space<vmem>>
    %dma_wait3A_1257 = arith.constant 736 : i32
    %dma_wait3A_1258 = tpu.memref_slice %arg5[%dma_wait3A_1257] : memref<1024xi32, #tpu.memory_space<vmem>> -> memref<32xi32, #tpu.memory_space<vmem>>
    %dma_wait3A_1259 = arith.constant 0 : i32
    %dma_wait3A_1260 = arith.constant 0 : i32
    %dma_wait3A_1261 = tpu.memref_slice %arg3[%dma_wait3A_1259, %dma_wait3A_1260] : memref<100000x768xf32, #tpu.memory_space<hbm>> -> memref<100000x768xf32, #tpu.memory_space<hbm>>
    tpu.wait_indirect_dma semaphore(%arg10 : memref<!tpu.dma_semaphore, #tpu.memory_space<semaphore_mem>>) src(%dma_wait3A_1261 : memref<100000x768xf32, #tpu.memory_space<hbm>>) dst(%dma_wait3A_1256 : memref<32x768xf32, #tpu.memory_space<vmem>>)
    %add3A_1262 = arith.constant 736 : i32
    %add3A_1263 = arith.addi %select_n3A_32, %add3A_1262 : i32
    %dma_start3A_1264 = arith.constant 3 : i32
    %dma_start3A_1265 = arith.constant 0 : i32
    %dma_start3A_1266 = arith.constant 0 : i32
    %dma_start3A_1267 = tpu.memref_slice %arg6[%dma_start3A_1264, %dma_start3A_1265, %dma_start3A_1266] : memref<5x32x768xf32, #tpu.memory_space<vmem>> -> memref<1x32x768xf32, #tpu.memory_space<vmem>>
    %dma_start3A_1268 = tpu.memref_squeeze %dma_start3A_1267 : memref<1x32x768xf32, #tpu.memory_space<vmem>> -> memref<32x768xf32, #tpu.memory_space<vmem>>
    %dma_start3A_1269 = arith.constant 0 : i32
    %dma_start3A_1270 = tpu.memref_slice %arg4[%select_n3A, %add3A_1263, %dma_start3A_1269] : memref<4x8192x768xf32, #tpu.memory_space<hbm>> -> memref<1x32x768xf32, #tpu.memory_space<hbm>>
    %dma_start3A_1271 = tpu.memref_squeeze %dma_start3A_1270 : memref<1x32x768xf32, #tpu.memory_space<hbm>> -> memref<32x768xf32, #tpu.memory_space<hbm>>
    %dma_start3A_1272 = arith.constant 0 : i32
    %dma_start3A_1273 = tpu.memref_slice %arg4[%select_n3A, %add3A_1263, %dma_start3A_1272] : memref<4x8192x768xf32, #tpu.memory_space<hbm>> -> memref<1x32x768xf32, #tpu.memory_space<hbm>>
    %dma_start3A_1274 = tpu.memref_squeeze %dma_start3A_1273 : memref<1x32x768xf32, #tpu.memory_space<hbm>> -> memref<32x768xf32, #tpu.memory_space<hbm>>
    %dma_start3A_1275 = arith.constant 0 : i32
    %dma_start3A_1276 = arith.constant 0 : i32
    %dma_start3A_1277 = tpu.memref_slice %arg6[%dma_start3A_1264, %dma_start3A_1275, %dma_start3A_1276] : memref<5x32x768xf32, #tpu.memory_space<vmem>> -> memref<1x32x768xf32, #tpu.memory_space<vmem>>
    %dma_start3A_1278 = tpu.memref_squeeze %dma_start3A_1277 : memref<1x32x768xf32, #tpu.memory_space<vmem>> -> memref<32x768xf32, #tpu.memory_space<vmem>>
    tpu.enqueue_dma source(%dma_start3A_1278 : memref<32x768xf32, #tpu.memory_space<vmem>>) target(%dma_start3A_1274 : memref<32x768xf32, #tpu.memory_space<hbm>>) target_semaphore(%arg15 : memref<!tpu.dma_semaphore, #tpu.memory_space<semaphore_mem>>)
    %dma_wait3A_1279 = arith.constant 2 : i32
    %dma_wait3A_1280 = arith.constant 0 : i32
    %dma_wait3A_1281 = arith.constant 0 : i32
    %dma_wait3A_1282 = tpu.memref_slice %arg6[%dma_wait3A_1279, %dma_wait3A_1280, %dma_wait3A_1281] : memref<5x32x768xf32, #tpu.memory_space<vmem>> -> memref<1x32x768xf32, #tpu.memory_space<vmem>>
    %dma_wait3A_1283 = tpu.memref_squeeze %dma_wait3A_1282 : memref<1x32x768xf32, #tpu.memory_space<vmem>> -> memref<32x768xf32, #tpu.memory_space<vmem>>
    %dma_wait3A_1284 = arith.constant 0 : i32
    %dma_wait3A_1285 = tpu.memref_slice %arg4[%select_n3A, %add3A_1211, %dma_wait3A_1284] : memref<4x8192x768xf32, #tpu.memory_space<hbm>> -> memref<1x32x768xf32, #tpu.memory_space<hbm>>
    %dma_wait3A_1286 = tpu.memref_squeeze %dma_wait3A_1285 : memref<1x32x768xf32, #tpu.memory_space<hbm>> -> memref<32x768xf32, #tpu.memory_space<hbm>>
    %dma_wait3A_1287 = arith.constant 0 : i32
    %dma_wait3A_1288 = tpu.memref_slice %arg4[%select_n3A, %add3A_1211, %dma_wait3A_1287] : memref<4x8192x768xf32, #tpu.memory_space<hbm>> -> memref<1x32x768xf32, #tpu.memory_space<hbm>>
    %dma_wait3A_1289 = tpu.memref_squeeze %dma_wait3A_1288 : memref<1x32x768xf32, #tpu.memory_space<hbm>> -> memref<32x768xf32, #tpu.memory_space<hbm>>
    %dma_wait3A_1290 = arith.constant 0 : i32
    %dma_wait3A_1291 = arith.constant 0 : i32
    %dma_wait3A_1292 = tpu.memref_slice %arg6[%dma_wait3A_1279, %dma_wait3A_1290, %dma_wait3A_1291] : memref<5x32x768xf32, #tpu.memory_space<vmem>> -> memref<1x32x768xf32, #tpu.memory_space<vmem>>
    %dma_wait3A_1293 = tpu.memref_squeeze %dma_wait3A_1292 : memref<1x32x768xf32, #tpu.memory_space<vmem>> -> memref<32x768xf32, #tpu.memory_space<vmem>>
    tpu.wait_dma2 semaphore(%arg14 : memref<!tpu.dma_semaphore, #tpu.memory_space<semaphore_mem>>) src(%dma_wait3A_1293 : memref<32x768xf32, #tpu.memory_space<vmem>>) dst(%dma_wait3A_1289 : memref<32x768xf32, #tpu.memory_space<hbm>>)
    %dma_start3A_1294 = arith.constant 2 : i32
    %dma_start3A_1295 = arith.constant 0 : i32
    %dma_start3A_1296 = arith.constant 0 : i32
    %dma_start3A_1297 = tpu.memref_slice %arg6[%dma_start3A_1294, %dma_start3A_1295, %dma_start3A_1296] : memref<5x32x768xf32, #tpu.memory_space<vmem>> -> memref<1x32x768xf32, #tpu.memory_space<vmem>>
    %dma_start3A_1298 = tpu.memref_squeeze %dma_start3A_1297 : memref<1x32x768xf32, #tpu.memory_space<vmem>> -> memref<32x768xf32, #tpu.memory_space<vmem>>
    %dma_start3A_1299 = arith.constant 864 : i32
    %dma_start3A_1300 = tpu.memref_slice %arg5[%dma_start3A_1299] : memref<1024xi32, #tpu.memory_space<vmem>> -> memref<32xi32, #tpu.memory_space<vmem>>
    %dma_start3A_1301 = arith.constant 0 : i32
    %dma_start3A_1302 = arith.constant 0 : i32
    %dma_start3A_1303 = tpu.memref_slice %arg3[%dma_start3A_1301, %dma_start3A_1302] : memref<100000x768xf32, #tpu.memory_space<hbm>> -> memref<100000x768xf32, #tpu.memory_space<hbm>>
    tpu.enqueue_indirect_dma source(%dma_start3A_1303 : memref<100000x768xf32, #tpu.memory_space<hbm>>) target(%dma_start3A_1298 : memref<32x768xf32, #tpu.memory_space<vmem>>) offsets(%dma_start3A_1300 : memref<32xi32, #tpu.memory_space<vmem>>) semaphore(%arg9 : memref<!tpu.dma_semaphore, #tpu.memory_space<semaphore_mem>>)
    %dma_wait3A_1304 = arith.constant 4 : i32
    %dma_wait3A_1305 = arith.constant 0 : i32
    %dma_wait3A_1306 = arith.constant 0 : i32
    %dma_wait3A_1307 = tpu.memref_slice %arg6[%dma_wait3A_1304, %dma_wait3A_1305, %dma_wait3A_1306] : memref<5x32x768xf32, #tpu.memory_space<vmem>> -> memref<1x32x768xf32, #tpu.memory_space<vmem>>
    %dma_wait3A_1308 = tpu.memref_squeeze %dma_wait3A_1307 : memref<1x32x768xf32, #tpu.memory_space<vmem>> -> memref<32x768xf32, #tpu.memory_space<vmem>>
    %dma_wait3A_1309 = arith.constant 768 : i32
    %dma_wait3A_1310 = tpu.memref_slice %arg5[%dma_wait3A_1309] : memref<1024xi32, #tpu.memory_space<vmem>> -> memref<32xi32, #tpu.memory_space<vmem>>
    %dma_wait3A_1311 = arith.constant 0 : i32
    %dma_wait3A_1312 = arith.constant 0 : i32
    %dma_wait3A_1313 = tpu.memref_slice %arg3[%dma_wait3A_1311, %dma_wait3A_1312] : memref<100000x768xf32, #tpu.memory_space<hbm>> -> memref<100000x768xf32, #tpu.memory_space<hbm>>
    tpu.wait_indirect_dma semaphore(%arg11 : memref<!tpu.dma_semaphore, #tpu.memory_space<semaphore_mem>>) src(%dma_wait3A_1313 : memref<100000x768xf32, #tpu.memory_space<hbm>>) dst(%dma_wait3A_1308 : memref<32x768xf32, #tpu.memory_space<vmem>>)
    %add3A_1314 = arith.constant 768 : i32
    %add3A_1315 = arith.addi %select_n3A_32, %add3A_1314 : i32
    %dma_start3A_1316 = arith.constant 4 : i32
    %dma_start3A_1317 = arith.constant 0 : i32
    %dma_start3A_1318 = arith.constant 0 : i32
    %dma_start3A_1319 = tpu.memref_slice %arg6[%dma_start3A_1316, %dma_start3A_1317, %dma_start3A_1318] : memref<5x32x768xf32, #tpu.memory_space<vmem>> -> memref<1x32x768xf32, #tpu.memory_space<vmem>>
    %dma_start3A_1320 = tpu.memref_squeeze %dma_start3A_1319 : memref<1x32x768xf32, #tpu.memory_space<vmem>> -> memref<32x768xf32, #tpu.memory_space<vmem>>
    %dma_start3A_1321 = arith.constant 0 : i32
    %dma_start3A_1322 = tpu.memref_slice %arg4[%select_n3A, %add3A_1315, %dma_start3A_1321] : memref<4x8192x768xf32, #tpu.memory_space<hbm>> -> memref<1x32x768xf32, #tpu.memory_space<hbm>>
    %dma_start3A_1323 = tpu.memref_squeeze %dma_start3A_1322 : memref<1x32x768xf32, #tpu.memory_space<hbm>> -> memref<32x768xf32, #tpu.memory_space<hbm>>
    %dma_start3A_1324 = arith.constant 0 : i32
    %dma_start3A_1325 = tpu.memref_slice %arg4[%select_n3A, %add3A_1315, %dma_start3A_1324] : memref<4x8192x768xf32, #tpu.memory_space<hbm>> -> memref<1x32x768xf32, #tpu.memory_space<hbm>>
    %dma_start3A_1326 = tpu.memref_squeeze %dma_start3A_1325 : memref<1x32x768xf32, #tpu.memory_space<hbm>> -> memref<32x768xf32, #tpu.memory_space<hbm>>
    %dma_start3A_1327 = arith.constant 0 : i32
    %dma_start3A_1328 = arith.constant 0 : i32
    %dma_start3A_1329 = tpu.memref_slice %arg6[%dma_start3A_1316, %dma_start3A_1327, %dma_start3A_1328] : memref<5x32x768xf32, #tpu.memory_space<vmem>> -> memref<1x32x768xf32, #tpu.memory_space<vmem>>
    %dma_start3A_1330 = tpu.memref_squeeze %dma_start3A_1329 : memref<1x32x768xf32, #tpu.memory_space<vmem>> -> memref<32x768xf32, #tpu.memory_space<vmem>>
    tpu.enqueue_dma source(%dma_start3A_1330 : memref<32x768xf32, #tpu.memory_space<vmem>>) target(%dma_start3A_1326 : memref<32x768xf32, #tpu.memory_space<hbm>>) target_semaphore(%arg16 : memref<!tpu.dma_semaphore, #tpu.memory_space<semaphore_mem>>)
    %dma_wait3A_1331 = arith.constant 3 : i32
    %dma_wait3A_1332 = arith.constant 0 : i32
    %dma_wait3A_1333 = arith.constant 0 : i32
    %dma_wait3A_1334 = tpu.memref_slice %arg6[%dma_wait3A_1331, %dma_wait3A_1332, %dma_wait3A_1333] : memref<5x32x768xf32, #tpu.memory_space<vmem>> -> memref<1x32x768xf32, #tpu.memory_space<vmem>>
    %dma_wait3A_1335 = tpu.memref_squeeze %dma_wait3A_1334 : memref<1x32x768xf32, #tpu.memory_space<vmem>> -> memref<32x768xf32, #tpu.memory_space<vmem>>
    %dma_wait3A_1336 = arith.constant 0 : i32
    %dma_wait3A_1337 = tpu.memref_slice %arg4[%select_n3A, %add3A_1263, %dma_wait3A_1336] : memref<4x8192x768xf32, #tpu.memory_space<hbm>> -> memref<1x32x768xf32, #tpu.memory_space<hbm>>
    %dma_wait3A_1338 = tpu.memref_squeeze %dma_wait3A_1337 : memref<1x32x768xf32, #tpu.memory_space<hbm>> -> memref<32x768xf32, #tpu.memory_space<hbm>>
    %dma_wait3A_1339 = arith.constant 0 : i32
    %dma_wait3A_1340 = tpu.memref_slice %arg4[%select_n3A, %add3A_1263, %dma_wait3A_1339] : memref<4x8192x768xf32, #tpu.memory_space<hbm>> -> memref<1x32x768xf32, #tpu.memory_space<hbm>>
    %dma_wait3A_1341 = tpu.memref_squeeze %dma_wait3A_1340 : memref<1x32x768xf32, #tpu.memory_space<hbm>> -> memref<32x768xf32, #tpu.memory_space<hbm>>
    %dma_wait3A_1342 = arith.constant 0 : i32
    %dma_wait3A_1343 = arith.constant 0 : i32
    %dma_wait3A_1344 = tpu.memref_slice %arg6[%dma_wait3A_1331, %dma_wait3A_1342, %dma_wait3A_1343] : memref<5x32x768xf32, #tpu.memory_space<vmem>> -> memref<1x32x768xf32, #tpu.memory_space<vmem>>
    %dma_wait3A_1345 = tpu.memref_squeeze %dma_wait3A_1344 : memref<1x32x768xf32, #tpu.memory_space<vmem>> -> memref<32x768xf32, #tpu.memory_space<vmem>>
    tpu.wait_dma2 semaphore(%arg15 : memref<!tpu.dma_semaphore, #tpu.memory_space<semaphore_mem>>) src(%dma_wait3A_1345 : memref<32x768xf32, #tpu.memory_space<vmem>>) dst(%dma_wait3A_1341 : memref<32x768xf32, #tpu.memory_space<hbm>>)
    %dma_start3A_1346 = arith.constant 3 : i32
    %dma_start3A_1347 = arith.constant 0 : i32
    %dma_start3A_1348 = arith.constant 0 : i32
    %dma_start3A_1349 = tpu.memref_slice %arg6[%dma_start3A_1346, %dma_start3A_1347, %dma_start3A_1348] : memref<5x32x768xf32, #tpu.memory_space<vmem>> -> memref<1x32x768xf32, #tpu.memory_space<vmem>>
    %dma_start3A_1350 = tpu.memref_squeeze %dma_start3A_1349 : memref<1x32x768xf32, #tpu.memory_space<vmem>> -> memref<32x768xf32, #tpu.memory_space<vmem>>
    %dma_start3A_1351 = arith.constant 896 : i32
    %dma_start3A_1352 = tpu.memref_slice %arg5[%dma_start3A_1351] : memref<1024xi32, #tpu.memory_space<vmem>> -> memref<32xi32, #tpu.memory_space<vmem>>
    %dma_start3A_1353 = arith.constant 0 : i32
    %dma_start3A_1354 = arith.constant 0 : i32
    %dma_start3A_1355 = tpu.memref_slice %arg3[%dma_start3A_1353, %dma_start3A_1354] : memref<100000x768xf32, #tpu.memory_space<hbm>> -> memref<100000x768xf32, #tpu.memory_space<hbm>>
    tpu.enqueue_indirect_dma source(%dma_start3A_1355 : memref<100000x768xf32, #tpu.memory_space<hbm>>) target(%dma_start3A_1350 : memref<32x768xf32, #tpu.memory_space<vmem>>) offsets(%dma_start3A_1352 : memref<32xi32, #tpu.memory_space<vmem>>) semaphore(%arg10 : memref<!tpu.dma_semaphore, #tpu.memory_space<semaphore_mem>>)
    %dma_wait3A_1356 = arith.constant 0 : i32
    %dma_wait3A_1357 = arith.constant 0 : i32
    %dma_wait3A_1358 = arith.constant 0 : i32
    %dma_wait3A_1359 = tpu.memref_slice %arg6[%dma_wait3A_1356, %dma_wait3A_1357, %dma_wait3A_1358] : memref<5x32x768xf32, #tpu.memory_space<vmem>> -> memref<1x32x768xf32, #tpu.memory_space<vmem>>
    %dma_wait3A_1360 = tpu.memref_squeeze %dma_wait3A_1359 : memref<1x32x768xf32, #tpu.memory_space<vmem>> -> memref<32x768xf32, #tpu.memory_space<vmem>>
    %dma_wait3A_1361 = arith.constant 800 : i32
    %dma_wait3A_1362 = tpu.memref_slice %arg5[%dma_wait3A_1361] : memref<1024xi32, #tpu.memory_space<vmem>> -> memref<32xi32, #tpu.memory_space<vmem>>
    %dma_wait3A_1363 = arith.constant 0 : i32
    %dma_wait3A_1364 = arith.constant 0 : i32
    %dma_wait3A_1365 = tpu.memref_slice %arg3[%dma_wait3A_1363, %dma_wait3A_1364] : memref<100000x768xf32, #tpu.memory_space<hbm>> -> memref<100000x768xf32, #tpu.memory_space<hbm>>
    tpu.wait_indirect_dma semaphore(%arg7 : memref<!tpu.dma_semaphore, #tpu.memory_space<semaphore_mem>>) src(%dma_wait3A_1365 : memref<100000x768xf32, #tpu.memory_space<hbm>>) dst(%dma_wait3A_1360 : memref<32x768xf32, #tpu.memory_space<vmem>>)
    %add3A_1366 = arith.constant 800 : i32
    %add3A_1367 = arith.addi %select_n3A_32, %add3A_1366 : i32
    %dma_start3A_1368 = arith.constant 0 : i32
    %dma_start3A_1369 = arith.constant 0 : i32
    %dma_start3A_1370 = arith.constant 0 : i32
    %dma_start3A_1371 = tpu.memref_slice %arg6[%dma_start3A_1368, %dma_start3A_1369, %dma_start3A_1370] : memref<5x32x768xf32, #tpu.memory_space<vmem>> -> memref<1x32x768xf32, #tpu.memory_space<vmem>>
    %dma_start3A_1372 = tpu.memref_squeeze %dma_start3A_1371 : memref<1x32x768xf32, #tpu.memory_space<vmem>> -> memref<32x768xf32, #tpu.memory_space<vmem>>
    %dma_start3A_1373 = arith.constant 0 : i32
    %dma_start3A_1374 = tpu.memref_slice %arg4[%select_n3A, %add3A_1367, %dma_start3A_1373] : memref<4x8192x768xf32, #tpu.memory_space<hbm>> -> memref<1x32x768xf32, #tpu.memory_space<hbm>>
    %dma_start3A_1375 = tpu.memref_squeeze %dma_start3A_1374 : memref<1x32x768xf32, #tpu.memory_space<hbm>> -> memref<32x768xf32, #tpu.memory_space<hbm>>
    %dma_start3A_1376 = arith.constant 0 : i32
    %dma_start3A_1377 = tpu.memref_slice %arg4[%select_n3A, %add3A_1367, %dma_start3A_1376] : memref<4x8192x768xf32, #tpu.memory_space<hbm>> -> memref<1x32x768xf32, #tpu.memory_space<hbm>>
    %dma_start3A_1378 = tpu.memref_squeeze %dma_start3A_1377 : memref<1x32x768xf32, #tpu.memory_space<hbm>> -> memref<32x768xf32, #tpu.memory_space<hbm>>
    %dma_start3A_1379 = arith.constant 0 : i32
    %dma_start3A_1380 = arith.constant 0 : i32
    %dma_start3A_1381 = tpu.memref_slice %arg6[%dma_start3A_1368, %dma_start3A_1379, %dma_start3A_1380] : memref<5x32x768xf32, #tpu.memory_space<vmem>> -> memref<1x32x768xf32, #tpu.memory_space<vmem>>
    %dma_start3A_1382 = tpu.memref_squeeze %dma_start3A_1381 : memref<1x32x768xf32, #tpu.memory_space<vmem>> -> memref<32x768xf32, #tpu.memory_space<vmem>>
    tpu.enqueue_dma source(%dma_start3A_1382 : memref<32x768xf32, #tpu.memory_space<vmem>>) target(%dma_start3A_1378 : memref<32x768xf32, #tpu.memory_space<hbm>>) target_semaphore(%arg12 : memref<!tpu.dma_semaphore, #tpu.memory_space<semaphore_mem>>)
    %dma_wait3A_1383 = arith.constant 4 : i32
    %dma_wait3A_1384 = arith.constant 0 : i32
    %dma_wait3A_1385 = arith.constant 0 : i32
    %dma_wait3A_1386 = tpu.memref_slice %arg6[%dma_wait3A_1383, %dma_wait3A_1384, %dma_wait3A_1385] : memref<5x32x768xf32, #tpu.memory_space<vmem>> -> memref<1x32x768xf32, #tpu.memory_space<vmem>>
    %dma_wait3A_1387 = tpu.memref_squeeze %dma_wait3A_1386 : memref<1x32x768xf32, #tpu.memory_space<vmem>> -> memref<32x768xf32, #tpu.memory_space<vmem>>
    %dma_wait3A_1388 = arith.constant 0 : i32
    %dma_wait3A_1389 = tpu.memref_slice %arg4[%select_n3A, %add3A_1315, %dma_wait3A_1388] : memref<4x8192x768xf32, #tpu.memory_space<hbm>> -> memref<1x32x768xf32, #tpu.memory_space<hbm>>
    %dma_wait3A_1390 = tpu.memref_squeeze %dma_wait3A_1389 : memref<1x32x768xf32, #tpu.memory_space<hbm>> -> memref<32x768xf32, #tpu.memory_space<hbm>>
    %dma_wait3A_1391 = arith.constant 0 : i32
    %dma_wait3A_1392 = tpu.memref_slice %arg4[%select_n3A, %add3A_1315, %dma_wait3A_1391] : memref<4x8192x768xf32, #tpu.memory_space<hbm>> -> memref<1x32x768xf32, #tpu.memory_space<hbm>>
    %dma_wait3A_1393 = tpu.memref_squeeze %dma_wait3A_1392 : memref<1x32x768xf32, #tpu.memory_space<hbm>> -> memref<32x768xf32, #tpu.memory_space<hbm>>
    %dma_wait3A_1394 = arith.constant 0 : i32
    %dma_wait3A_1395 = arith.constant 0 : i32
    %dma_wait3A_1396 = tpu.memref_slice %arg6[%dma_wait3A_1383, %dma_wait3A_1394, %dma_wait3A_1395] : memref<5x32x768xf32, #tpu.memory_space<vmem>> -> memref<1x32x768xf32, #tpu.memory_space<vmem>>
    %dma_wait3A_1397 = tpu.memref_squeeze %dma_wait3A_1396 : memref<1x32x768xf32, #tpu.memory_space<vmem>> -> memref<32x768xf32, #tpu.memory_space<vmem>>
    tpu.wait_dma2 semaphore(%arg16 : memref<!tpu.dma_semaphore, #tpu.memory_space<semaphore_mem>>) src(%dma_wait3A_1397 : memref<32x768xf32, #tpu.memory_space<vmem>>) dst(%dma_wait3A_1393 : memref<32x768xf32, #tpu.memory_space<hbm>>)
    %dma_start3A_1398 = arith.constant 4 : i32
    %dma_start3A_1399 = arith.constant 0 : i32
    %dma_start3A_1400 = arith.constant 0 : i32
    %dma_start3A_1401 = tpu.memref_slice %arg6[%dma_start3A_1398, %dma_start3A_1399, %dma_start3A_1400] : memref<5x32x768xf32, #tpu.memory_space<vmem>> -> memref<1x32x768xf32, #tpu.memory_space<vmem>>
    %dma_start3A_1402 = tpu.memref_squeeze %dma_start3A_1401 : memref<1x32x768xf32, #tpu.memory_space<vmem>> -> memref<32x768xf32, #tpu.memory_space<vmem>>
    %dma_start3A_1403 = arith.constant 928 : i32
    %dma_start3A_1404 = tpu.memref_slice %arg5[%dma_start3A_1403] : memref<1024xi32, #tpu.memory_space<vmem>> -> memref<32xi32, #tpu.memory_space<vmem>>
    %dma_start3A_1405 = arith.constant 0 : i32
    %dma_start3A_1406 = arith.constant 0 : i32
    %dma_start3A_1407 = tpu.memref_slice %arg3[%dma_start3A_1405, %dma_start3A_1406] : memref<100000x768xf32, #tpu.memory_space<hbm>> -> memref<100000x768xf32, #tpu.memory_space<hbm>>
    tpu.enqueue_indirect_dma source(%dma_start3A_1407 : memref<100000x768xf32, #tpu.memory_space<hbm>>) target(%dma_start3A_1402 : memref<32x768xf32, #tpu.memory_space<vmem>>) offsets(%dma_start3A_1404 : memref<32xi32, #tpu.memory_space<vmem>>) semaphore(%arg11 : memref<!tpu.dma_semaphore, #tpu.memory_space<semaphore_mem>>)
    %dma_wait3A_1408 = arith.constant 1 : i32
    %dma_wait3A_1409 = arith.constant 0 : i32
    %dma_wait3A_1410 = arith.constant 0 : i32
    %dma_wait3A_1411 = tpu.memref_slice %arg6[%dma_wait3A_1408, %dma_wait3A_1409, %dma_wait3A_1410] : memref<5x32x768xf32, #tpu.memory_space<vmem>> -> memref<1x32x768xf32, #tpu.memory_space<vmem>>
    %dma_wait3A_1412 = tpu.memref_squeeze %dma_wait3A_1411 : memref<1x32x768xf32, #tpu.memory_space<vmem>> -> memref<32x768xf32, #tpu.memory_space<vmem>>
    %dma_wait3A_1413 = arith.constant 832 : i32
    %dma_wait3A_1414 = tpu.memref_slice %arg5[%dma_wait3A_1413] : memref<1024xi32, #tpu.memory_space<vmem>> -> memref<32xi32, #tpu.memory_space<vmem>>
    %dma_wait3A_1415 = arith.constant 0 : i32
    %dma_wait3A_1416 = arith.constant 0 : i32
    %dma_wait3A_1417 = tpu.memref_slice %arg3[%dma_wait3A_1415, %dma_wait3A_1416] : memref<100000x768xf32, #tpu.memory_space<hbm>> -> memref<100000x768xf32, #tpu.memory_space<hbm>>
    tpu.wait_indirect_dma semaphore(%arg8 : memref<!tpu.dma_semaphore, #tpu.memory_space<semaphore_mem>>) src(%dma_wait3A_1417 : memref<100000x768xf32, #tpu.memory_space<hbm>>) dst(%dma_wait3A_1412 : memref<32x768xf32, #tpu.memory_space<vmem>>)
    %add3A_1418 = arith.constant 832 : i32
    %add3A_1419 = arith.addi %select_n3A_32, %add3A_1418 : i32
    %dma_start3A_1420 = arith.constant 1 : i32
    %dma_start3A_1421 = arith.constant 0 : i32
    %dma_start3A_1422 = arith.constant 0 : i32
    %dma_start3A_1423 = tpu.memref_slice %arg6[%dma_start3A_1420, %dma_start3A_1421, %dma_start3A_1422] : memref<5x32x768xf32, #tpu.memory_space<vmem>> -> memref<1x32x768xf32, #tpu.memory_space<vmem>>
    %dma_start3A_1424 = tpu.memref_squeeze %dma_start3A_1423 : memref<1x32x768xf32, #tpu.memory_space<vmem>> -> memref<32x768xf32, #tpu.memory_space<vmem>>
    %dma_start3A_1425 = arith.constant 0 : i32
    %dma_start3A_1426 = tpu.memref_slice %arg4[%select_n3A, %add3A_1419, %dma_start3A_1425] : memref<4x8192x768xf32, #tpu.memory_space<hbm>> -> memref<1x32x768xf32, #tpu.memory_space<hbm>>
    %dma_start3A_1427 = tpu.memref_squeeze %dma_start3A_1426 : memref<1x32x768xf32, #tpu.memory_space<hbm>> -> memref<32x768xf32, #tpu.memory_space<hbm>>
    %dma_start3A_1428 = arith.constant 0 : i32
    %dma_start3A_1429 = tpu.memref_slice %arg4[%select_n3A, %add3A_1419, %dma_start3A_1428] : memref<4x8192x768xf32, #tpu.memory_space<hbm>> -> memref<1x32x768xf32, #tpu.memory_space<hbm>>
    %dma_start3A_1430 = tpu.memref_squeeze %dma_start3A_1429 : memref<1x32x768xf32, #tpu.memory_space<hbm>> -> memref<32x768xf32, #tpu.memory_space<hbm>>
    %dma_start3A_1431 = arith.constant 0 : i32
    %dma_start3A_1432 = arith.constant 0 : i32
    %dma_start3A_1433 = tpu.memref_slice %arg6[%dma_start3A_1420, %dma_start3A_1431, %dma_start3A_1432] : memref<5x32x768xf32, #tpu.memory_space<vmem>> -> memref<1x32x768xf32, #tpu.memory_space<vmem>>
    %dma_start3A_1434 = tpu.memref_squeeze %dma_start3A_1433 : memref<1x32x768xf32, #tpu.memory_space<vmem>> -> memref<32x768xf32, #tpu.memory_space<vmem>>
    tpu.enqueue_dma source(%dma_start3A_1434 : memref<32x768xf32, #tpu.memory_space<vmem>>) target(%dma_start3A_1430 : memref<32x768xf32, #tpu.memory_space<hbm>>) target_semaphore(%arg13 : memref<!tpu.dma_semaphore, #tpu.memory_space<semaphore_mem>>)
    %dma_wait3A_1435 = arith.constant 0 : i32
    %dma_wait3A_1436 = arith.constant 0 : i32
    %dma_wait3A_1437 = arith.constant 0 : i32
    %dma_wait3A_1438 = tpu.memref_slice %arg6[%dma_wait3A_1435, %dma_wait3A_1436, %dma_wait3A_1437] : memref<5x32x768xf32, #tpu.memory_space<vmem>> -> memref<1x32x768xf32, #tpu.memory_space<vmem>>
    %dma_wait3A_1439 = tpu.memref_squeeze %dma_wait3A_1438 : memref<1x32x768xf32, #tpu.memory_space<vmem>> -> memref<32x768xf32, #tpu.memory_space<vmem>>
    %dma_wait3A_1440 = arith.constant 0 : i32
    %dma_wait3A_1441 = tpu.memref_slice %arg4[%select_n3A, %add3A_1367, %dma_wait3A_1440] : memref<4x8192x768xf32, #tpu.memory_space<hbm>> -> memref<1x32x768xf32, #tpu.memory_space<hbm>>
    %dma_wait3A_1442 = tpu.memref_squeeze %dma_wait3A_1441 : memref<1x32x768xf32, #tpu.memory_space<hbm>> -> memref<32x768xf32, #tpu.memory_space<hbm>>
    %dma_wait3A_1443 = arith.constant 0 : i32
    %dma_wait3A_1444 = tpu.memref_slice %arg4[%select_n3A, %add3A_1367, %dma_wait3A_1443] : memref<4x8192x768xf32, #tpu.memory_space<hbm>> -> memref<1x32x768xf32, #tpu.memory_space<hbm>>
    %dma_wait3A_1445 = tpu.memref_squeeze %dma_wait3A_1444 : memref<1x32x768xf32, #tpu.memory_space<hbm>> -> memref<32x768xf32, #tpu.memory_space<hbm>>
    %dma_wait3A_1446 = arith.constant 0 : i32
    %dma_wait3A_1447 = arith.constant 0 : i32
    %dma_wait3A_1448 = tpu.memref_slice %arg6[%dma_wait3A_1435, %dma_wait3A_1446, %dma_wait3A_1447] : memref<5x32x768xf32, #tpu.memory_space<vmem>> -> memref<1x32x768xf32, #tpu.memory_space<vmem>>
    %dma_wait3A_1449 = tpu.memref_squeeze %dma_wait3A_1448 : memref<1x32x768xf32, #tpu.memory_space<vmem>> -> memref<32x768xf32, #tpu.memory_space<vmem>>
    tpu.wait_dma2 semaphore(%arg12 : memref<!tpu.dma_semaphore, #tpu.memory_space<semaphore_mem>>) src(%dma_wait3A_1449 : memref<32x768xf32, #tpu.memory_space<vmem>>) dst(%dma_wait3A_1445 : memref<32x768xf32, #tpu.memory_space<hbm>>)
    %dma_start3A_1450 = arith.constant 0 : i32
    %dma_start3A_1451 = arith.constant 0 : i32
    %dma_start3A_1452 = arith.constant 0 : i32
    %dma_start3A_1453 = tpu.memref_slice %arg6[%dma_start3A_1450, %dma_start3A_1451, %dma_start3A_1452] : memref<5x32x768xf32, #tpu.memory_space<vmem>> -> memref<1x32x768xf32, #tpu.memory_space<vmem>>
    %dma_start3A_1454 = tpu.memref_squeeze %dma_start3A_1453 : memref<1x32x768xf32, #tpu.memory_space<vmem>> -> memref<32x768xf32, #tpu.memory_space<vmem>>
    %dma_start3A_1455 = arith.constant 960 : i32
    %dma_start3A_1456 = tpu.memref_slice %arg5[%dma_start3A_1455] : memref<1024xi32, #tpu.memory_space<vmem>> -> memref<32xi32, #tpu.memory_space<vmem>>
    %dma_start3A_1457 = arith.constant 0 : i32
    %dma_start3A_1458 = arith.constant 0 : i32
    %dma_start3A_1459 = tpu.memref_slice %arg3[%dma_start3A_1457, %dma_start3A_1458] : memref<100000x768xf32, #tpu.memory_space<hbm>> -> memref<100000x768xf32, #tpu.memory_space<hbm>>
    tpu.enqueue_indirect_dma source(%dma_start3A_1459 : memref<100000x768xf32, #tpu.memory_space<hbm>>) target(%dma_start3A_1454 : memref<32x768xf32, #tpu.memory_space<vmem>>) offsets(%dma_start3A_1456 : memref<32xi32, #tpu.memory_space<vmem>>) semaphore(%arg7 : memref<!tpu.dma_semaphore, #tpu.memory_space<semaphore_mem>>)
    %dma_wait3A_1460 = arith.constant 2 : i32
    %dma_wait3A_1461 = arith.constant 0 : i32
    %dma_wait3A_1462 = arith.constant 0 : i32
    %dma_wait3A_1463 = tpu.memref_slice %arg6[%dma_wait3A_1460, %dma_wait3A_1461, %dma_wait3A_1462] : memref<5x32x768xf32, #tpu.memory_space<vmem>> -> memref<1x32x768xf32, #tpu.memory_space<vmem>>
    %dma_wait3A_1464 = tpu.memref_squeeze %dma_wait3A_1463 : memref<1x32x768xf32, #tpu.memory_space<vmem>> -> memref<32x768xf32, #tpu.memory_space<vmem>>
    %dma_wait3A_1465 = arith.constant 864 : i32
    %dma_wait3A_1466 = tpu.memref_slice %arg5[%dma_wait3A_1465] : memref<1024xi32, #tpu.memory_space<vmem>> -> memref<32xi32, #tpu.memory_space<vmem>>
    %dma_wait3A_1467 = arith.constant 0 : i32
    %dma_wait3A_1468 = arith.constant 0 : i32
    %dma_wait3A_1469 = tpu.memref_slice %arg3[%dma_wait3A_1467, %dma_wait3A_1468] : memref<100000x768xf32, #tpu.memory_space<hbm>> -> memref<100000x768xf32, #tpu.memory_space<hbm>>
    tpu.wait_indirect_dma semaphore(%arg9 : memref<!tpu.dma_semaphore, #tpu.memory_space<semaphore_mem>>) src(%dma_wait3A_1469 : memref<100000x768xf32, #tpu.memory_space<hbm>>) dst(%dma_wait3A_1464 : memref<32x768xf32, #tpu.memory_space<vmem>>)
    %add3A_1470 = arith.constant 864 : i32
    %add3A_1471 = arith.addi %select_n3A_32, %add3A_1470 : i32
    %dma_start3A_1472 = arith.constant 2 : i32
    %dma_start3A_1473 = arith.constant 0 : i32
    %dma_start3A_1474 = arith.constant 0 : i32
    %dma_start3A_1475 = tpu.memref_slice %arg6[%dma_start3A_1472, %dma_start3A_1473, %dma_start3A_1474] : memref<5x32x768xf32, #tpu.memory_space<vmem>> -> memref<1x32x768xf32, #tpu.memory_space<vmem>>
    %dma_start3A_1476 = tpu.memref_squeeze %dma_start3A_1475 : memref<1x32x768xf32, #tpu.memory_space<vmem>> -> memref<32x768xf32, #tpu.memory_space<vmem>>
    %dma_start3A_1477 = arith.constant 0 : i32
    %dma_start3A_1478 = tpu.memref_slice %arg4[%select_n3A, %add3A_1471, %dma_start3A_1477] : memref<4x8192x768xf32, #tpu.memory_space<hbm>> -> memref<1x32x768xf32, #tpu.memory_space<hbm>>
    %dma_start3A_1479 = tpu.memref_squeeze %dma_start3A_1478 : memref<1x32x768xf32, #tpu.memory_space<hbm>> -> memref<32x768xf32, #tpu.memory_space<hbm>>
    %dma_start3A_1480 = arith.constant 0 : i32
    %dma_start3A_1481 = tpu.memref_slice %arg4[%select_n3A, %add3A_1471, %dma_start3A_1480] : memref<4x8192x768xf32, #tpu.memory_space<hbm>> -> memref<1x32x768xf32, #tpu.memory_space<hbm>>
    %dma_start3A_1482 = tpu.memref_squeeze %dma_start3A_1481 : memref<1x32x768xf32, #tpu.memory_space<hbm>> -> memref<32x768xf32, #tpu.memory_space<hbm>>
    %dma_start3A_1483 = arith.constant 0 : i32
    %dma_start3A_1484 = arith.constant 0 : i32
    %dma_start3A_1485 = tpu.memref_slice %arg6[%dma_start3A_1472, %dma_start3A_1483, %dma_start3A_1484] : memref<5x32x768xf32, #tpu.memory_space<vmem>> -> memref<1x32x768xf32, #tpu.memory_space<vmem>>
    %dma_start3A_1486 = tpu.memref_squeeze %dma_start3A_1485 : memref<1x32x768xf32, #tpu.memory_space<vmem>> -> memref<32x768xf32, #tpu.memory_space<vmem>>
    tpu.enqueue_dma source(%dma_start3A_1486 : memref<32x768xf32, #tpu.memory_space<vmem>>) target(%dma_start3A_1482 : memref<32x768xf32, #tpu.memory_space<hbm>>) target_semaphore(%arg14 : memref<!tpu.dma_semaphore, #tpu.memory_space<semaphore_mem>>)
    %dma_wait3A_1487 = arith.constant 1 : i32
    %dma_wait3A_1488 = arith.constant 0 : i32
    %dma_wait3A_1489 = arith.constant 0 : i32
    %dma_wait3A_1490 = tpu.memref_slice %arg6[%dma_wait3A_1487, %dma_wait3A_1488, %dma_wait3A_1489] : memref<5x32x768xf32, #tpu.memory_space<vmem>> -> memref<1x32x768xf32, #tpu.memory_space<vmem>>
    %dma_wait3A_1491 = tpu.memref_squeeze %dma_wait3A_1490 : memref<1x32x768xf32, #tpu.memory_space<vmem>> -> memref<32x768xf32, #tpu.memory_space<vmem>>
    %dma_wait3A_1492 = arith.constant 0 : i32
    %dma_wait3A_1493 = tpu.memref_slice %arg4[%select_n3A, %add3A_1419, %dma_wait3A_1492] : memref<4x8192x768xf32, #tpu.memory_space<hbm>> -> memref<1x32x768xf32, #tpu.memory_space<hbm>>
    %dma_wait3A_1494 = tpu.memref_squeeze %dma_wait3A_1493 : memref<1x32x768xf32, #tpu.memory_space<hbm>> -> memref<32x768xf32, #tpu.memory_space<hbm>>
    %dma_wait3A_1495 = arith.constant 0 : i32
    %dma_wait3A_1496 = tpu.memref_slice %arg4[%select_n3A, %add3A_1419, %dma_wait3A_1495] : memref<4x8192x768xf32, #tpu.memory_space<hbm>> -> memref<1x32x768xf32, #tpu.memory_space<hbm>>
    %dma_wait3A_1497 = tpu.memref_squeeze %dma_wait3A_1496 : memref<1x32x768xf32, #tpu.memory_space<hbm>> -> memref<32x768xf32, #tpu.memory_space<hbm>>
    %dma_wait3A_1498 = arith.constant 0 : i32
    %dma_wait3A_1499 = arith.constant 0 : i32
    %dma_wait3A_1500 = tpu.memref_slice %arg6[%dma_wait3A_1487, %dma_wait3A_1498, %dma_wait3A_1499] : memref<5x32x768xf32, #tpu.memory_space<vmem>> -> memref<1x32x768xf32, #tpu.memory_space<vmem>>
    %dma_wait3A_1501 = tpu.memref_squeeze %dma_wait3A_1500 : memref<1x32x768xf32, #tpu.memory_space<vmem>> -> memref<32x768xf32, #tpu.memory_space<vmem>>
    tpu.wait_dma2 semaphore(%arg13 : memref<!tpu.dma_semaphore, #tpu.memory_space<semaphore_mem>>) src(%dma_wait3A_1501 : memref<32x768xf32, #tpu.memory_space<vmem>>) dst(%dma_wait3A_1497 : memref<32x768xf32, #tpu.memory_space<hbm>>)
    %dma_start3A_1502 = arith.constant 1 : i32
    %dma_start3A_1503 = arith.constant 0 : i32
    %dma_start3A_1504 = arith.constant 0 : i32
    %dma_start3A_1505 = tpu.memref_slice %arg6[%dma_start3A_1502, %dma_start3A_1503, %dma_start3A_1504] : memref<5x32x768xf32, #tpu.memory_space<vmem>> -> memref<1x32x768xf32, #tpu.memory_space<vmem>>
    %dma_start3A_1506 = tpu.memref_squeeze %dma_start3A_1505 : memref<1x32x768xf32, #tpu.memory_space<vmem>> -> memref<32x768xf32, #tpu.memory_space<vmem>>
    %dma_start3A_1507 = arith.constant 992 : i32
    %dma_start3A_1508 = tpu.memref_slice %arg5[%dma_start3A_1507] : memref<1024xi32, #tpu.memory_space<vmem>> -> memref<32xi32, #tpu.memory_space<vmem>>
    %dma_start3A_1509 = arith.constant 0 : i32
    %dma_start3A_1510 = arith.constant 0 : i32
    %dma_start3A_1511 = tpu.memref_slice %arg3[%dma_start3A_1509, %dma_start3A_1510] : memref<100000x768xf32, #tpu.memory_space<hbm>> -> memref<100000x768xf32, #tpu.memory_space<hbm>>
    tpu.enqueue_indirect_dma source(%dma_start3A_1511 : memref<100000x768xf32, #tpu.memory_space<hbm>>) target(%dma_start3A_1506 : memref<32x768xf32, #tpu.memory_space<vmem>>) offsets(%dma_start3A_1508 : memref<32xi32, #tpu.memory_space<vmem>>) semaphore(%arg8 : memref<!tpu.dma_semaphore, #tpu.memory_space<semaphore_mem>>)
    %dma_wait3A_1512 = arith.constant 3 : i32
    %dma_wait3A_1513 = arith.constant 0 : i32
    %dma_wait3A_1514 = arith.constant 0 : i32
    %dma_wait3A_1515 = tpu.memref_slice %arg6[%dma_wait3A_1512, %dma_wait3A_1513, %dma_wait3A_1514] : memref<5x32x768xf32, #tpu.memory_space<vmem>> -> memref<1x32x768xf32, #tpu.memory_space<vmem>>
    %dma_wait3A_1516 = tpu.memref_squeeze %dma_wait3A_1515 : memref<1x32x768xf32, #tpu.memory_space<vmem>> -> memref<32x768xf32, #tpu.memory_space<vmem>>
    %dma_wait3A_1517 = arith.constant 896 : i32
    %dma_wait3A_1518 = tpu.memref_slice %arg5[%dma_wait3A_1517] : memref<1024xi32, #tpu.memory_space<vmem>> -> memref<32xi32, #tpu.memory_space<vmem>>
    %dma_wait3A_1519 = arith.constant 0 : i32
    %dma_wait3A_1520 = arith.constant 0 : i32
    %dma_wait3A_1521 = tpu.memref_slice %arg3[%dma_wait3A_1519, %dma_wait3A_1520] : memref<100000x768xf32, #tpu.memory_space<hbm>> -> memref<100000x768xf32, #tpu.memory_space<hbm>>
    tpu.wait_indirect_dma semaphore(%arg10 : memref<!tpu.dma_semaphore, #tpu.memory_space<semaphore_mem>>) src(%dma_wait3A_1521 : memref<100000x768xf32, #tpu.memory_space<hbm>>) dst(%dma_wait3A_1516 : memref<32x768xf32, #tpu.memory_space<vmem>>)
    %add3A_1522 = arith.constant 896 : i32
    %add3A_1523 = arith.addi %select_n3A_32, %add3A_1522 : i32
    %dma_start3A_1524 = arith.constant 3 : i32
    %dma_start3A_1525 = arith.constant 0 : i32
    %dma_start3A_1526 = arith.constant 0 : i32
    %dma_start3A_1527 = tpu.memref_slice %arg6[%dma_start3A_1524, %dma_start3A_1525, %dma_start3A_1526] : memref<5x32x768xf32, #tpu.memory_space<vmem>> -> memref<1x32x768xf32, #tpu.memory_space<vmem>>
    %dma_start3A_1528 = tpu.memref_squeeze %dma_start3A_1527 : memref<1x32x768xf32, #tpu.memory_space<vmem>> -> memref<32x768xf32, #tpu.memory_space<vmem>>
    %dma_start3A_1529 = arith.constant 0 : i32
    %dma_start3A_1530 = tpu.memref_slice %arg4[%select_n3A, %add3A_1523, %dma_start3A_1529] : memref<4x8192x768xf32, #tpu.memory_space<hbm>> -> memref<1x32x768xf32, #tpu.memory_space<hbm>>
    %dma_start3A_1531 = tpu.memref_squeeze %dma_start3A_1530 : memref<1x32x768xf32, #tpu.memory_space<hbm>> -> memref<32x768xf32, #tpu.memory_space<hbm>>
    %dma_start3A_1532 = arith.constant 0 : i32
    %dma_start3A_1533 = tpu.memref_slice %arg4[%select_n3A, %add3A_1523, %dma_start3A_1532] : memref<4x8192x768xf32, #tpu.memory_space<hbm>> -> memref<1x32x768xf32, #tpu.memory_space<hbm>>
    %dma_start3A_1534 = tpu.memref_squeeze %dma_start3A_1533 : memref<1x32x768xf32, #tpu.memory_space<hbm>> -> memref<32x768xf32, #tpu.memory_space<hbm>>
    %dma_start3A_1535 = arith.constant 0 : i32
    %dma_start3A_1536 = arith.constant 0 : i32
    %dma_start3A_1537 = tpu.memref_slice %arg6[%dma_start3A_1524, %dma_start3A_1535, %dma_start3A_1536] : memref<5x32x768xf32, #tpu.memory_space<vmem>> -> memref<1x32x768xf32, #tpu.memory_space<vmem>>
    %dma_start3A_1538 = tpu.memref_squeeze %dma_start3A_1537 : memref<1x32x768xf32, #tpu.memory_space<vmem>> -> memref<32x768xf32, #tpu.memory_space<vmem>>
    tpu.enqueue_dma source(%dma_start3A_1538 : memref<32x768xf32, #tpu.memory_space<vmem>>) target(%dma_start3A_1534 : memref<32x768xf32, #tpu.memory_space<hbm>>) target_semaphore(%arg15 : memref<!tpu.dma_semaphore, #tpu.memory_space<semaphore_mem>>)
    %dma_wait3A_1539 = arith.constant 4 : i32
    %dma_wait3A_1540 = arith.constant 0 : i32
    %dma_wait3A_1541 = arith.constant 0 : i32
    %dma_wait3A_1542 = tpu.memref_slice %arg6[%dma_wait3A_1539, %dma_wait3A_1540, %dma_wait3A_1541] : memref<5x32x768xf32, #tpu.memory_space<vmem>> -> memref<1x32x768xf32, #tpu.memory_space<vmem>>
    %dma_wait3A_1543 = tpu.memref_squeeze %dma_wait3A_1542 : memref<1x32x768xf32, #tpu.memory_space<vmem>> -> memref<32x768xf32, #tpu.memory_space<vmem>>
    %dma_wait3A_1544 = arith.constant 928 : i32
    %dma_wait3A_1545 = tpu.memref_slice %arg5[%dma_wait3A_1544] : memref<1024xi32, #tpu.memory_space<vmem>> -> memref<32xi32, #tpu.memory_space<vmem>>
    %dma_wait3A_1546 = arith.constant 0 : i32
    %dma_wait3A_1547 = arith.constant 0 : i32
    %dma_wait3A_1548 = tpu.memref_slice %arg3[%dma_wait3A_1546, %dma_wait3A_1547] : memref<100000x768xf32, #tpu.memory_space<hbm>> -> memref<100000x768xf32, #tpu.memory_space<hbm>>
    tpu.wait_indirect_dma semaphore(%arg11 : memref<!tpu.dma_semaphore, #tpu.memory_space<semaphore_mem>>) src(%dma_wait3A_1548 : memref<100000x768xf32, #tpu.memory_space<hbm>>) dst(%dma_wait3A_1543 : memref<32x768xf32, #tpu.memory_space<vmem>>)
    %add3A_1549 = arith.constant 928 : i32
    %add3A_1550 = arith.addi %select_n3A_32, %add3A_1549 : i32
    %dma_start3A_1551 = arith.constant 4 : i32
    %dma_start3A_1552 = arith.constant 0 : i32
    %dma_start3A_1553 = arith.constant 0 : i32
    %dma_start3A_1554 = tpu.memref_slice %arg6[%dma_start3A_1551, %dma_start3A_1552, %dma_start3A_1553] : memref<5x32x768xf32, #tpu.memory_space<vmem>> -> memref<1x32x768xf32, #tpu.memory_space<vmem>>
    %dma_start3A_1555 = tpu.memref_squeeze %dma_start3A_1554 : memref<1x32x768xf32, #tpu.memory_space<vmem>> -> memref<32x768xf32, #tpu.memory_space<vmem>>
    %dma_start3A_1556 = arith.constant 0 : i32
    %dma_start3A_1557 = tpu.memref_slice %arg4[%select_n3A, %add3A_1550, %dma_start3A_1556] : memref<4x8192x768xf32, #tpu.memory_space<hbm>> -> memref<1x32x768xf32, #tpu.memory_space<hbm>>
    %dma_start3A_1558 = tpu.memref_squeeze %dma_start3A_1557 : memref<1x32x768xf32, #tpu.memory_space<hbm>> -> memref<32x768xf32, #tpu.memory_space<hbm>>
    %dma_start3A_1559 = arith.constant 0 : i32
    %dma_start3A_1560 = tpu.memref_slice %arg4[%select_n3A, %add3A_1550, %dma_start3A_1559] : memref<4x8192x768xf32, #tpu.memory_space<hbm>> -> memref<1x32x768xf32, #tpu.memory_space<hbm>>
    %dma_start3A_1561 = tpu.memref_squeeze %dma_start3A_1560 : memref<1x32x768xf32, #tpu.memory_space<hbm>> -> memref<32x768xf32, #tpu.memory_space<hbm>>
    %dma_start3A_1562 = arith.constant 0 : i32
    %dma_start3A_1563 = arith.constant 0 : i32
    %dma_start3A_1564 = tpu.memref_slice %arg6[%dma_start3A_1551, %dma_start3A_1562, %dma_start3A_1563] : memref<5x32x768xf32, #tpu.memory_space<vmem>> -> memref<1x32x768xf32, #tpu.memory_space<vmem>>
    %dma_start3A_1565 = tpu.memref_squeeze %dma_start3A_1564 : memref<1x32x768xf32, #tpu.memory_space<vmem>> -> memref<32x768xf32, #tpu.memory_space<vmem>>
    tpu.enqueue_dma source(%dma_start3A_1565 : memref<32x768xf32, #tpu.memory_space<vmem>>) target(%dma_start3A_1561 : memref<32x768xf32, #tpu.memory_space<hbm>>) target_semaphore(%arg16 : memref<!tpu.dma_semaphore, #tpu.memory_space<semaphore_mem>>)
    %dma_wait3A_1566 = arith.constant 0 : i32
    %dma_wait3A_1567 = arith.constant 0 : i32
    %dma_wait3A_1568 = arith.constant 0 : i32
    %dma_wait3A_1569 = tpu.memref_slice %arg6[%dma_wait3A_1566, %dma_wait3A_1567, %dma_wait3A_1568] : memref<5x32x768xf32, #tpu.memory_space<vmem>> -> memref<1x32x768xf32, #tpu.memory_space<vmem>>
    %dma_wait3A_1570 = tpu.memref_squeeze %dma_wait3A_1569 : memref<1x32x768xf32, #tpu.memory_space<vmem>> -> memref<32x768xf32, #tpu.memory_space<vmem>>
    %dma_wait3A_1571 = arith.constant 960 : i32
    %dma_wait3A_1572 = tpu.memref_slice %arg5[%dma_wait3A_1571] : memref<1024xi32, #tpu.memory_space<vmem>> -> memref<32xi32, #tpu.memory_space<vmem>>
    %dma_wait3A_1573 = arith.constant 0 : i32
    %dma_wait3A_1574 = arith.constant 0 : i32
    %dma_wait3A_1575 = tpu.memref_slice %arg3[%dma_wait3A_1573, %dma_wait3A_1574] : memref<100000x768xf32, #tpu.memory_space<hbm>> -> memref<100000x768xf32, #tpu.memory_space<hbm>>
    tpu.wait_indirect_dma semaphore(%arg7 : memref<!tpu.dma_semaphore, #tpu.memory_space<semaphore_mem>>) src(%dma_wait3A_1575 : memref<100000x768xf32, #tpu.memory_space<hbm>>) dst(%dma_wait3A_1570 : memref<32x768xf32, #tpu.memory_space<vmem>>)
    %add3A_1576 = arith.constant 960 : i32
    %add3A_1577 = arith.addi %select_n3A_32, %add3A_1576 : i32
    %dma_start3A_1578 = arith.constant 0 : i32
    %dma_start3A_1579 = arith.constant 0 : i32
    %dma_start3A_1580 = arith.constant 0 : i32
    %dma_start3A_1581 = tpu.memref_slice %arg6[%dma_start3A_1578, %dma_start3A_1579, %dma_start3A_1580] : memref<5x32x768xf32, #tpu.memory_space<vmem>> -> memref<1x32x768xf32, #tpu.memory_space<vmem>>
    %dma_start3A_1582 = tpu.memref_squeeze %dma_start3A_1581 : memref<1x32x768xf32, #tpu.memory_space<vmem>> -> memref<32x768xf32, #tpu.memory_space<vmem>>
    %dma_start3A_1583 = arith.constant 0 : i32
    %dma_start3A_1584 = tpu.memref_slice %arg4[%select_n3A, %add3A_1577, %dma_start3A_1583] : memref<4x8192x768xf32, #tpu.memory_space<hbm>> -> memref<1x32x768xf32, #tpu.memory_space<hbm>>
    %dma_start3A_1585 = tpu.memref_squeeze %dma_start3A_1584 : memref<1x32x768xf32, #tpu.memory_space<hbm>> -> memref<32x768xf32, #tpu.memory_space<hbm>>
    %dma_start3A_1586 = arith.constant 0 : i32
    %dma_start3A_1587 = tpu.memref_slice %arg4[%select_n3A, %add3A_1577, %dma_start3A_1586] : memref<4x8192x768xf32, #tpu.memory_space<hbm>> -> memref<1x32x768xf32, #tpu.memory_space<hbm>>
    %dma_start3A_1588 = tpu.memref_squeeze %dma_start3A_1587 : memref<1x32x768xf32, #tpu.memory_space<hbm>> -> memref<32x768xf32, #tpu.memory_space<hbm>>
    %dma_start3A_1589 = arith.constant 0 : i32
    %dma_start3A_1590 = arith.constant 0 : i32
    %dma_start3A_1591 = tpu.memref_slice %arg6[%dma_start3A_1578, %dma_start3A_1589, %dma_start3A_1590] : memref<5x32x768xf32, #tpu.memory_space<vmem>> -> memref<1x32x768xf32, #tpu.memory_space<vmem>>
    %dma_start3A_1592 = tpu.memref_squeeze %dma_start3A_1591 : memref<1x32x768xf32, #tpu.memory_space<vmem>> -> memref<32x768xf32, #tpu.memory_space<vmem>>
    tpu.enqueue_dma source(%dma_start3A_1592 : memref<32x768xf32, #tpu.memory_space<vmem>>) target(%dma_start3A_1588 : memref<32x768xf32, #tpu.memory_space<hbm>>) target_semaphore(%arg12 : memref<!tpu.dma_semaphore, #tpu.memory_space<semaphore_mem>>)
    %dma_wait3A_1593 = arith.constant 1 : i32
    %dma_wait3A_1594 = arith.constant 0 : i32
    %dma_wait3A_1595 = arith.constant 0 : i32
    %dma_wait3A_1596 = tpu.memref_slice %arg6[%dma_wait3A_1593, %dma_wait3A_1594, %dma_wait3A_1595] : memref<5x32x768xf32, #tpu.memory_space<vmem>> -> memref<1x32x768xf32, #tpu.memory_space<vmem>>
    %dma_wait3A_1597 = tpu.memref_squeeze %dma_wait3A_1596 : memref<1x32x768xf32, #tpu.memory_space<vmem>> -> memref<32x768xf32, #tpu.memory_space<vmem>>
    %dma_wait3A_1598 = arith.constant 992 : i32
    %dma_wait3A_1599 = tpu.memref_slice %arg5[%dma_wait3A_1598] : memref<1024xi32, #tpu.memory_space<vmem>> -> memref<32xi32, #tpu.memory_space<vmem>>
    %dma_wait3A_1600 = arith.constant 0 : i32
    %dma_wait3A_1601 = arith.constant 0 : i32
    %dma_wait3A_1602 = tpu.memref_slice %arg3[%dma_wait3A_1600, %dma_wait3A_1601] : memref<100000x768xf32, #tpu.memory_space<hbm>> -> memref<100000x768xf32, #tpu.memory_space<hbm>>
    tpu.wait_indirect_dma semaphore(%arg8 : memref<!tpu.dma_semaphore, #tpu.memory_space<semaphore_mem>>) src(%dma_wait3A_1602 : memref<100000x768xf32, #tpu.memory_space<hbm>>) dst(%dma_wait3A_1597 : memref<32x768xf32, #tpu.memory_space<vmem>>)
    %add3A_1603 = arith.constant 992 : i32
    %add3A_1604 = arith.addi %select_n3A_32, %add3A_1603 : i32
    %dma_start3A_1605 = arith.constant 1 : i32
    %dma_start3A_1606 = arith.constant 0 : i32
    %dma_start3A_1607 = arith.constant 0 : i32
    %dma_start3A_1608 = tpu.memref_slice %arg6[%dma_start3A_1605, %dma_start3A_1606, %dma_start3A_1607] : memref<5x32x768xf32, #tpu.memory_space<vmem>> -> memref<1x32x768xf32, #tpu.memory_space<vmem>>
    %dma_start3A_1609 = tpu.memref_squeeze %dma_start3A_1608 : memref<1x32x768xf32, #tpu.memory_space<vmem>> -> memref<32x768xf32, #tpu.memory_space<vmem>>
    %dma_start3A_1610 = arith.constant 0 : i32
    %dma_start3A_1611 = tpu.memref_slice %arg4[%select_n3A, %add3A_1604, %dma_start3A_1610] : memref<4x8192x768xf32, #tpu.memory_space<hbm>> -> memref<1x32x768xf32, #tpu.memory_space<hbm>>
    %dma_start3A_1612 = tpu.memref_squeeze %dma_start3A_1611 : memref<1x32x768xf32, #tpu.memory_space<hbm>> -> memref<32x768xf32, #tpu.memory_space<hbm>>
    %dma_start3A_1613 = arith.constant 0 : i32
    %dma_start3A_1614 = tpu.memref_slice %arg4[%select_n3A, %add3A_1604, %dma_start3A_1613] : memref<4x8192x768xf32, #tpu.memory_space<hbm>> -> memref<1x32x768xf32, #tpu.memory_space<hbm>>
    %dma_start3A_1615 = tpu.memref_squeeze %dma_start3A_1614 : memref<1x32x768xf32, #tpu.memory_space<hbm>> -> memref<32x768xf32, #tpu.memory_space<hbm>>
    %dma_start3A_1616 = arith.constant 0 : i32
    %dma_start3A_1617 = arith.constant 0 : i32
    %dma_start3A_1618 = tpu.memref_slice %arg6[%dma_start3A_1605, %dma_start3A_1616, %dma_start3A_1617] : memref<5x32x768xf32, #tpu.memory_space<vmem>> -> memref<1x32x768xf32, #tpu.memory_space<vmem>>
    %dma_start3A_1619 = tpu.memref_squeeze %dma_start3A_1618 : memref<1x32x768xf32, #tpu.memory_space<vmem>> -> memref<32x768xf32, #tpu.memory_space<vmem>>
    tpu.enqueue_dma source(%dma_start3A_1619 : memref<32x768xf32, #tpu.memory_space<vmem>>) target(%dma_start3A_1615 : memref<32x768xf32, #tpu.memory_space<hbm>>) target_semaphore(%arg13 : memref<!tpu.dma_semaphore, #tpu.memory_space<semaphore_mem>>)
    %dma_wait3A_1620 = arith.constant 2 : i32
    %dma_wait3A_1621 = arith.constant 0 : i32
    %dma_wait3A_1622 = arith.constant 0 : i32
    %dma_wait3A_1623 = tpu.memref_slice %arg6[%dma_wait3A_1620, %dma_wait3A_1621, %dma_wait3A_1622] : memref<5x32x768xf32, #tpu.memory_space<vmem>> -> memref<1x32x768xf32, #tpu.memory_space<vmem>>
    %dma_wait3A_1624 = tpu.memref_squeeze %dma_wait3A_1623 : memref<1x32x768xf32, #tpu.memory_space<vmem>> -> memref<32x768xf32, #tpu.memory_space<vmem>>
    %dma_wait3A_1625 = arith.constant 0 : i32
    %dma_wait3A_1626 = tpu.memref_slice %arg4[%select_n3A, %add3A_1471, %dma_wait3A_1625] : memref<4x8192x768xf32, #tpu.memory_space<hbm>> -> memref<1x32x768xf32, #tpu.memory_space<hbm>>
    %dma_wait3A_1627 = tpu.memref_squeeze %dma_wait3A_1626 : memref<1x32x768xf32, #tpu.memory_space<hbm>> -> memref<32x768xf32, #tpu.memory_space<hbm>>
    %dma_wait3A_1628 = arith.constant 0 : i32
    %dma_wait3A_1629 = tpu.memref_slice %arg4[%select_n3A, %add3A_1471, %dma_wait3A_1628] : memref<4x8192x768xf32, #tpu.memory_space<hbm>> -> memref<1x32x768xf32, #tpu.memory_space<hbm>>
    %dma_wait3A_1630 = tpu.memref_squeeze %dma_wait3A_1629 : memref<1x32x768xf32, #tpu.memory_space<hbm>> -> memref<32x768xf32, #tpu.memory_space<hbm>>
    %dma_wait3A_1631 = arith.constant 0 : i32
    %dma_wait3A_1632 = arith.constant 0 : i32
    %dma_wait3A_1633 = tpu.memref_slice %arg6[%dma_wait3A_1620, %dma_wait3A_1631, %dma_wait3A_1632] : memref<5x32x768xf32, #tpu.memory_space<vmem>> -> memref<1x32x768xf32, #tpu.memory_space<vmem>>
    %dma_wait3A_1634 = tpu.memref_squeeze %dma_wait3A_1633 : memref<1x32x768xf32, #tpu.memory_space<vmem>> -> memref<32x768xf32, #tpu.memory_space<vmem>>
    tpu.wait_dma2 semaphore(%arg14 : memref<!tpu.dma_semaphore, #tpu.memory_space<semaphore_mem>>) src(%dma_wait3A_1634 : memref<32x768xf32, #tpu.memory_space<vmem>>) dst(%dma_wait3A_1630 : memref<32x768xf32, #tpu.memory_space<hbm>>)
    %dma_wait3A_1635 = arith.constant 3 : i32
    %dma_wait3A_1636 = arith.constant 0 : i32
    %dma_wait3A_1637 = arith.constant 0 : i32
    %dma_wait3A_1638 = tpu.memref_slice %arg6[%dma_wait3A_1635, %dma_wait3A_1636, %dma_wait3A_1637] : memref<5x32x768xf32, #tpu.memory_space<vmem>> -> memref<1x32x768xf32, #tpu.memory_space<vmem>>
    %dma_wait3A_1639 = tpu.memref_squeeze %dma_wait3A_1638 : memref<1x32x768xf32, #tpu.memory_space<vmem>> -> memref<32x768xf32, #tpu.memory_space<vmem>>
    %dma_wait3A_1640 = arith.constant 0 : i32
    %dma_wait3A_1641 = tpu.memref_slice %arg4[%select_n3A, %add3A_1523, %dma_wait3A_1640] : memref<4x8192x768xf32, #tpu.memory_space<hbm>> -> memref<1x32x768xf32, #tpu.memory_space<hbm>>
    %dma_wait3A_1642 = tpu.memref_squeeze %dma_wait3A_1641 : memref<1x32x768xf32, #tpu.memory_space<hbm>> -> memref<32x768xf32, #tpu.memory_space<hbm>>
    %dma_wait3A_1643 = arith.constant 0 : i32
    %dma_wait3A_1644 = tpu.memref_slice %arg4[%select_n3A, %add3A_1523, %dma_wait3A_1643] : memref<4x8192x768xf32, #tpu.memory_space<hbm>> -> memref<1x32x768xf32, #tpu.memory_space<hbm>>
    %dma_wait3A_1645 = tpu.memref_squeeze %dma_wait3A_1644 : memref<1x32x768xf32, #tpu.memory_space<hbm>> -> memref<32x768xf32, #tpu.memory_space<hbm>>
    %dma_wait3A_1646 = arith.constant 0 : i32
    %dma_wait3A_1647 = arith.constant 0 : i32
    %dma_wait3A_1648 = tpu.memref_slice %arg6[%dma_wait3A_1635, %dma_wait3A_1646, %dma_wait3A_1647] : memref<5x32x768xf32, #tpu.memory_space<vmem>> -> memref<1x32x768xf32, #tpu.memory_space<vmem>>
    %dma_wait3A_1649 = tpu.memref_squeeze %dma_wait3A_1648 : memref<1x32x768xf32, #tpu.memory_space<vmem>> -> memref<32x768xf32, #tpu.memory_space<vmem>>
    tpu.wait_dma2 semaphore(%arg15 : memref<!tpu.dma_semaphore, #tpu.memory_space<semaphore_mem>>) src(%dma_wait3A_1649 : memref<32x768xf32, #tpu.memory_space<vmem>>) dst(%dma_wait3A_1645 : memref<32x768xf32, #tpu.memory_space<hbm>>)
    %dma_wait3A_1650 = arith.constant 4 : i32
    %dma_wait3A_1651 = arith.constant 0 : i32
    %dma_wait3A_1652 = arith.constant 0 : i32
    %dma_wait3A_1653 = tpu.memref_slice %arg6[%dma_wait3A_1650, %dma_wait3A_1651, %dma_wait3A_1652] : memref<5x32x768xf32, #tpu.memory_space<vmem>> -> memref<1x32x768xf32, #tpu.memory_space<vmem>>
    %dma_wait3A_1654 = tpu.memref_squeeze %dma_wait3A_1653 : memref<1x32x768xf32, #tpu.memory_space<vmem>> -> memref<32x768xf32, #tpu.memory_space<vmem>>
    %dma_wait3A_1655 = arith.constant 0 : i32
    %dma_wait3A_1656 = tpu.memref_slice %arg4[%select_n3A, %add3A_1550, %dma_wait3A_1655] : memref<4x8192x768xf32, #tpu.memory_space<hbm>> -> memref<1x32x768xf32, #tpu.memory_space<hbm>>
    %dma_wait3A_1657 = tpu.memref_squeeze %dma_wait3A_1656 : memref<1x32x768xf32, #tpu.memory_space<hbm>> -> memref<32x768xf32, #tpu.memory_space<hbm>>
    %dma_wait3A_1658 = arith.constant 0 : i32
    %dma_wait3A_1659 = tpu.memref_slice %arg4[%select_n3A, %add3A_1550, %dma_wait3A_1658] : memref<4x8192x768xf32, #tpu.memory_space<hbm>> -> memref<1x32x768xf32, #tpu.memory_space<hbm>>
    %dma_wait3A_1660 = tpu.memref_squeeze %dma_wait3A_1659 : memref<1x32x768xf32, #tpu.memory_space<hbm>> -> memref<32x768xf32, #tpu.memory_space<hbm>>
    %dma_wait3A_1661 = arith.constant 0 : i32
    %dma_wait3A_1662 = arith.constant 0 : i32
    %dma_wait3A_1663 = tpu.memref_slice %arg6[%dma_wait3A_1650, %dma_wait3A_1661, %dma_wait3A_1662] : memref<5x32x768xf32, #tpu.memory_space<vmem>> -> memref<1x32x768xf32, #tpu.memory_space<vmem>>
    %dma_wait3A_1664 = tpu.memref_squeeze %dma_wait3A_1663 : memref<1x32x768xf32, #tpu.memory_space<vmem>> -> memref<32x768xf32, #tpu.memory_space<vmem>>
    tpu.wait_dma2 semaphore(%arg16 : memref<!tpu.dma_semaphore, #tpu.memory_space<semaphore_mem>>) src(%dma_wait3A_1664 : memref<32x768xf32, #tpu.memory_space<vmem>>) dst(%dma_wait3A_1660 : memref<32x768xf32, #tpu.memory_space<hbm>>)
    %dma_wait3A_1665 = arith.constant 0 : i32
    %dma_wait3A_1666 = arith.constant 0 : i32
    %dma_wait3A_1667 = arith.constant 0 : i32
    %dma_wait3A_1668 = tpu.memref_slice %arg6[%dma_wait3A_1665, %dma_wait3A_1666, %dma_wait3A_1667] : memref<5x32x768xf32, #tpu.memory_space<vmem>> -> memref<1x32x768xf32, #tpu.memory_space<vmem>>
    %dma_wait3A_1669 = tpu.memref_squeeze %dma_wait3A_1668 : memref<1x32x768xf32, #tpu.memory_space<vmem>> -> memref<32x768xf32, #tpu.memory_space<vmem>>
    %dma_wait3A_1670 = arith.constant 0 : i32
    %dma_wait3A_1671 = tpu.memref_slice %arg4[%select_n3A, %add3A_1577, %dma_wait3A_1670] : memref<4x8192x768xf32, #tpu.memory_space<hbm>> -> memref<1x32x768xf32, #tpu.memory_space<hbm>>
    %dma_wait3A_1672 = tpu.memref_squeeze %dma_wait3A_1671 : memref<1x32x768xf32, #tpu.memory_space<hbm>> -> memref<32x768xf32, #tpu.memory_space<hbm>>
    %dma_wait3A_1673 = arith.constant 0 : i32
    %dma_wait3A_1674 = tpu.memref_slice %arg4[%select_n3A, %add3A_1577, %dma_wait3A_1673] : memref<4x8192x768xf32, #tpu.memory_space<hbm>> -> memref<1x32x768xf32, #tpu.memory_space<hbm>>
    %dma_wait3A_1675 = tpu.memref_squeeze %dma_wait3A_1674 : memref<1x32x768xf32, #tpu.memory_space<hbm>> -> memref<32x768xf32, #tpu.memory_space<hbm>>
    %dma_wait3A_1676 = arith.constant 0 : i32
    %dma_wait3A_1677 = arith.constant 0 : i32
    %dma_wait3A_1678 = tpu.memref_slice %arg6[%dma_wait3A_1665, %dma_wait3A_1676, %dma_wait3A_1677] : memref<5x32x768xf32, #tpu.memory_space<vmem>> -> memref<1x32x768xf32, #tpu.memory_space<vmem>>
    %dma_wait3A_1679 = tpu.memref_squeeze %dma_wait3A_1678 : memref<1x32x768xf32, #tpu.memory_space<vmem>> -> memref<32x768xf32, #tpu.memory_space<vmem>>
    tpu.wait_dma2 semaphore(%arg12 : memref<!tpu.dma_semaphore, #tpu.memory_space<semaphore_mem>>) src(%dma_wait3A_1679 : memref<32x768xf32, #tpu.memory_space<vmem>>) dst(%dma_wait3A_1675 : memref<32x768xf32, #tpu.memory_space<hbm>>)
    %dma_wait3A_1680 = arith.constant 1 : i32
    %dma_wait3A_1681 = arith.constant 0 : i32
    %dma_wait3A_1682 = arith.constant 0 : i32
    %dma_wait3A_1683 = tpu.memref_slice %arg6[%dma_wait3A_1680, %dma_wait3A_1681, %dma_wait3A_1682] : memref<5x32x768xf32, #tpu.memory_space<vmem>> -> memref<1x32x768xf32, #tpu.memory_space<vmem>>
    %dma_wait3A_1684 = tpu.memref_squeeze %dma_wait3A_1683 : memref<1x32x768xf32, #tpu.memory_space<vmem>> -> memref<32x768xf32, #tpu.memory_space<vmem>>
    %dma_wait3A_1685 = arith.constant 0 : i32
    %dma_wait3A_1686 = tpu.memref_slice %arg4[%select_n3A, %add3A_1604, %dma_wait3A_1685] : memref<4x8192x768xf32, #tpu.memory_space<hbm>> -> memref<1x32x768xf32, #tpu.memory_space<hbm>>
    %dma_wait3A_1687 = tpu.memref_squeeze %dma_wait3A_1686 : memref<1x32x768xf32, #tpu.memory_space<hbm>> -> memref<32x768xf32, #tpu.memory_space<hbm>>
    %dma_wait3A_1688 = arith.constant 0 : i32
    %dma_wait3A_1689 = tpu.memref_slice %arg4[%select_n3A, %add3A_1604, %dma_wait3A_1688] : memref<4x8192x768xf32, #tpu.memory_space<hbm>> -> memref<1x32x768xf32, #tpu.memory_space<hbm>>
    %dma_wait3A_1690 = tpu.memref_squeeze %dma_wait3A_1689 : memref<1x32x768xf32, #tpu.memory_space<hbm>> -> memref<32x768xf32, #tpu.memory_space<hbm>>
    %dma_wait3A_1691 = arith.constant 0 : i32
    %dma_wait3A_1692 = arith.constant 0 : i32
    %dma_wait3A_1693 = tpu.memref_slice %arg6[%dma_wait3A_1680, %dma_wait3A_1691, %dma_wait3A_1692] : memref<5x32x768xf32, #tpu.memory_space<vmem>> -> memref<1x32x768xf32, #tpu.memory_space<vmem>>
    %dma_wait3A_1694 = tpu.memref_squeeze %dma_wait3A_1693 : memref<1x32x768xf32, #tpu.memory_space<vmem>> -> memref<32x768xf32, #tpu.memory_space<vmem>>
    tpu.wait_dma2 semaphore(%arg13 : memref<!tpu.dma_semaphore, #tpu.memory_space<semaphore_mem>>) src(%dma_wait3A_1694 : memref<32x768xf32, #tpu.memory_space<vmem>>) dst(%dma_wait3A_1690 : memref<32x768xf32, #tpu.memory_space<hbm>>)
    return
  }
}

</mosaic_0001>

<sc_bundles>
// kernel: kernel.3.cloned.1.call-start
scs
__scs_entry_jumppad:
0x0: {  	(pc) =	sbr.rel $0x88, $3  }
0x1: {  	(tag) =	ssettag $0x0;
	lr =	simm.s32 $0x1  }
0x2: {  	[smem:$0x3F9F] =	sst lr;
	_ =	strace $0xD0000000  }
0x3: {  	_ = 	snop  }
0x4: {  	_ = 	snop  }
0x5: {  	_ = 	snop  }
0x6: {  	_ = 	snop  }
0x7: {  	_ = 	snop  }
__scs_overlays_trampoline_lowered:
0x8: {  	[smem:$0x3FAE] =	sst s0  }
0x9: {  	[smem:$0x3FAF] =	sst s1  }
0xa: {  	[smem:$0x3FB0] =	sst s2  }
0xb: {  	[smem:$0x3FB1] =	sst s3  }
0xc: {  	[smem:$0x3FB2] =	sst s4  }
0xd: {  	[smem:$0x3FB3] =	sst s5  }
0xe: {  	[smem:$0x3FB4] =	sst s6  }
0xf: {  	[smem:$0x3FB5] =	sst s7  }
0x10: {  	[smem:$0x3FB6] =	sst s8  }
0x11: {  	[smem:$0x3FB7] =	sst s9;
	s0 =	simm.s32 @!p0 $0x0  }
0x12: {  	s1 =	sld [smem:$0x3F9D];
	s0 =	simm.s32 @p0 $0x1  }
0x13: {  	[smem:$0x3FB8] =	sst s0;
	s0 =	simm.s32 @!p1 $0x0  }
0x14: {  	s2 =	sld [smem:$0x3F9C];
	s0 =	simm.s32 @p1 $0x1  }
0x15: {  	[smem:$0x3FB9] =	sst s0;
	s0 =	simm.s32 @!p2 $0x0  }
0x16: {  	s3 =	sld [smem:$0x3FDB];
	s0 =	simm.s32 @p2 $0x1  }
0x17: {  	s4 =	simm.s32 $0x1BF5;
	[smem:$0x3FBB] =	sst s0  }
0x18: {  	s0 =	sld [smem:$0x3F9E];
	_ =	swait.ge [sflag:s4], $0x0  }
0x19: {  	s7 =	sld [smem:$0x3F9F]  }
0x1a: {  	s8 =	sadd.s32 $0xFFFFE003, lr  }
0x1b: {  	s9 =	sadd.s32 $0xFFFFFEF7, lr;
	s5 =	simm.s32 $0xFFFFFFFF;
	p2 =	slt.u32 s8, $0xFFFFF086  }
0x1c: {  	p1 =	slt.u32 s9, $0xF7A;
	s5 =	simm.s32 @!p2 $0x0  }
0x1d: {  	s5 =	simm.s32 @p1 $0x1;
	p0 =	seq.s32 s7, s2  }
0x1e: {  	s7 =	smul.u32 @!p0 $0xF7A, s2;
	p2 =	seq.s32 @!p0 s5, $0x0  }
0x1f: {  	s9 =	smul.u32 $0xF7A, s1;
	s8 =	simm.s32 @!p0 $0x1BF5;
	p2 =	por !p2, p0  }
0x20: {  	[sflag:s8] =	ssyncset.s32 @!p0 $0xFFFFF086;
	s6 =	sadd.s32 @!p0 s3, s7;
	s7 =	simm.s32 @!p0 $0x108  }
0x21: {  	s3 =	sadd.s32 s3, s9;
	s6 =	sadd.s32 @!p0 $0x88, s6;
	s7 =	simm.s32 @p2 $0x1082  }
0x22: {  	[simem:s7], [sflag:s8] =	dma.local @!p0 [hbm:s6], $0xF7A  }
0x23: {  	s9 =	sor.u32 $0xD0000000, s2;
	s6 =	simm.s32 $0x108;
	_ =	swait.ge @!p0 [sflag:s8], $0x0  }
0x24: {  	s3 =	sadd.s32 $0x88, s3;
	s6 =	simm.s32 @!p1 $0x1082;
	[sflag:s4] =	ssyncset.s32 $0xFFFFF086  }
0x25: {  	[simem:s6], [sflag:s4] =	dma.local [hbm:s3], $0xF7A  }
0x26: {  	[smem:$0x3F9F] =	sst s1;
	(tag) =	ssettag s2;
	_ =	strace s9  }
0x27: {  	s1 =	sld [smem:$0x3FAF]  }
0x28: {  	s2 =	sld [smem:$0x3FB0]  }
0x29: {  	s4 =	sld [smem:$0x3FB2]  }
0x2a: {  	p0 =	seq.s32 s5, $0x0;
	s5 =	sld [smem:$0x3FB3]  }
0x2b: {  	s6 =	sld [smem:$0x3FB4]  }
0x2c: {  	s7 =	sld [smem:$0x3FB5]  }
0x2d: {  	s3 =	simm.s32 $0x108;
	s8 =	sld [smem:$0x3FB6]  }
0x2e: {  	s3 =	simm.s32 @!p0 $0x1082;
	s9 =	sld [smem:$0x3FB7]  }
0x2f: {  	lr =	sadd.s32 s0, s3;
	s0 =	sld [smem:$0x3FAE]  }
0x30: {  	s3 =	sld [smem:$0x3FB1]  }
0x31: {  	[smem:$0x3FBA] =	sst s10  }
0x32: {  	s10 =	sld [smem:$0x3FB8];
	_ =	sdelay $0x3  }
0x33: {  	p0 =	seq.s32 s10, $0x1;
	s10 =	sld [smem:$0x3FBA];
	_ =	sdelay $0x3  }
0x34: {  	[smem:$0x3FBA] =	sst s10  }
0x35: {  	s10 =	sld [smem:$0x3FB9];
	_ =	sdelay $0x3  }
0x36: {  	p1 =	seq.s32 s10, $0x1;
	s10 =	sld [smem:$0x3FBA];
	_ =	sdelay $0x3  }
0x37: {  	[smem:$0x3FBA] =	sst s10  }
0x38: {  	s10 =	sld [smem:$0x3FBB]  }
0x39: {  	_ = 	snop;
	(pc) =	sbr.ind lr, $3  }
0x3a: {  	_ = 	snop  }
0x3b: {  	_ = 	snop  }
0x3c: {  	p2 =	seq.s32 s10, $0x1;
	s10 =	sld [smem:$0x3FBA]  }
0x3d: {  	_ =	shalt  }
0x3e: {  	_ =	shalt  }
0x3f: {  	_ =	shalt  }
0x40: {  	_ =	shalt  }
0x41: {  	_ =	shalt  }
0x42: {  	_ =	shalt  }
0x43: {  	_ =	shalt  }
0x44: {  	_ =	shalt  }
0x45: {  	_ =	shalt  }
0x46: {  	_ =	shalt  }
0x47: {  	_ =	shalt  }
0x48: {  	_ =	shalt  }
0x49: {  	_ =	shalt  }
0x4a: {  	_ =	shalt  }
0x4b: {  	_ =	shalt  }
0x4c: {  	_ =	shalt  }
0x4d: {  	_ =	shalt  }
0x4e: {  	_ =	shalt  }
0x4f: {  	_ =	shalt  }
0x50: {  	_ =	shalt  }
0x51: {  	_ =	shalt  }
0x52: {  	_ =	shalt  }
0x53: {  	_ =	shalt  }
0x54: {  	_ =	shalt  }
0x55: {  	_ =	shalt  }
0x56: {  	_ =	shalt  }
0x57: {  	_ =	shalt  }
0x58: {  	_ =	shalt  }
0x59: {  	_ =	shalt  }
0x5a: {  	_ =	shalt  }
0x5b: {  	_ =	shalt  }
0x5c: {  	_ =	shalt  }
0x5d: {  	_ =	shalt  }
0x5e: {  	_ =	shalt  }
0x5f: {  	_ =	shalt  }
0x60: {  	_ =	shalt  }
0x61: {  	_ =	shalt  }
0x62: {  	_ =	shalt  }
0x63: {  	_ =	shalt  }
0x64: {  	_ =	shalt  }
0x65: {  	_ =	shalt  }
0x66: {  	_ =	shalt  }
0x67: {  	_ =	shalt  }
0x68: {  	_ =	shalt  }
0x69: {  	_ =	shalt  }
0x6a: {  	_ =	shalt  }
0x6b: {  	_ =	shalt  }
0x6c: {  	_ =	shalt  }
0x6d: {  	_ =	shalt  }
0x6e: {  	_ =	shalt  }
0x6f: {  	_ =	shalt  }
0x70: {  	_ =	shalt  }
0x71: {  	_ =	shalt  }
0x72: {  	_ =	shalt  }
0x73: {  	_ =	shalt  }
0x74: {  	_ =	shalt  }
0x75: {  	_ =	shalt  }
0x76: {  	_ =	shalt  }
0x77: {  	_ =	shalt  }
0x78: {  	_ =	shalt  }
0x79: {  	_ =	shalt  }
0x7a: {  	_ =	shalt  }
0x7b: {  	_ =	shalt  }
0x7c: {  	_ =	shalt  }
0x7d: {  	_ =	shalt  }
0x7e: {  	_ =	shalt  }
0x7f: {  	_ =	shalt  }
0x80: {  	_ =	shalt  }
0x81: {  	_ =	shalt  }
0x82: {  	_ =	shalt  }
0x83: {  	_ =	shalt  }
0x84: {  	_ =	shalt  }
0x85: {  	_ =	shalt  }
0x86: {  	_ =	shalt  }
0x87: {  	_ =	shalt  }
.Lfunc_end0:
.L_simem_size_0:
called_computation_lowered:
.L_overlay_start_0:
0x88: {  	s2 =	sld [smem:$0x3FD9]  }
0x89: {  	s3 =	sld [smem:$0x3FFE];
	_ =	sdelay $0x1  }
0x8a: {  	s1 =	srdreg.scid  }
0x8b: {  	s0 =	sand.u32 $0x1, s1  }
0x8c: {  	s18 =	sshll.u32 s0, $0xA;
	s2 =	sadd.s32 s3, s2  }
0x8d: {  	s2 =	sadd.s32 s2, s18  }
0x8e: {  	[smem:$0x3FC6] =	sst s2  }
0x8f: {  	_ = 	snop  }
0x90: {  	s2 =	sld [smem:$0x3FC9]  }
0x91: {  	s19 =	sld [smem:$0x3FC8]  }
0x92: {  	s4 =	sld [smem:$0x3FD0];
	(tm) =	ssettm $0x1  }
0x93: {  	s5 =	sld [smem:$0x3FFB];
	_ =	sdelay $0x3  }
0x94: {  	_ =	strace s5  }
0x95: {  	s5 =	sld [smem:$0x3FFC];
	_ =	sdelay $0x3  }
0x96: {  	_ =	strace s5  }
0x97: {  	s5 =	sld [smem:$0x3FFD];
	_ =	sdelay $0x3  }
0x98: {  	_ =	strace s5  }
0x99: {  	_ =	strace $0x8FFFFFFF  }
0x9a: {  	s20 =	sld [smem:$0x3FDB];
	_ =	sdelay $0x1  }
0x9b: {  	s6 =	simm.s32 $_scs_section_size  }
0x9c: {  	s7 =	simm.s32 $_size__tile_overlayer_lowered;
	s8 =	simm.s32 $_tile_overlayer_lowered  }
0x9d: {  	s23 =	simm.s32 $0x1BFF;
	s22 =	sshll.u32 s8, $0x1;
	s5 =	sadd.s32 s6, s20  }
0x9e: {  	s9 =	simm.s32 $0x0;
	s21 =	sshll.u32 s7, $0x1;
	s7 =	sadd.s32 s22, s5  }
0x9f: {  	[timem:s9], [sflag:s23] =	dma.local [hbm:s7], s21  }
0xa0: {  	_ =	swait.ge [sflag:s23], s21  }
0xa1: {  	s6 =	ssub.s32 $0x0, s21;
	[sflag:s23] =	ssyncset.done $0x0  }
0xa2: {  	[sflag:s23] =	ssyncadd.s32 s6;
	_ =	sdelay $0x1  }
0xa3: {  	s24 =	simm.s32 $0x1B8B  }
0xa4: {  	_ =	swait.ge [sflag:s24], $0x1  }
0xa5: {  	[sflag:s24] =	ssyncset.done $0x0  }
0xa6: {  	s25 =	simm.s32 $0x1B8E;
	[sflag:s24] =	ssyncadd.s32 $0xFFFFFFFF  }
0xa7: {  	s26 =	simm.s32 $execute0_lowered;
	[smem:$0x3FD2] =	sst s25  }
0xa8: {  	s6 =	sshll.u32 s26, $0x1;
	_ =	strace $0x80000046;
	[dreg:$0x1] =	wrdreg $0xFFFFFFFF  }
0xa9: {  	s28 =	simm.s32 $_size_execute0_lowered;
	s5 =	sadd.s32 s5, s6;
	[dreg:$0x0] =	wrdreg $0x0  }
0xaa: {  	s6 =	sshll.u32 s28, $0x1;
	[dreg:$0x2] =	wrdreg s5  }
0xab: {  	[dreg:$0x3] =	wrdreg s6  }
0xac: {  	[dreg:$0x4] =	wrdreg $0xC0  }
0xad: {  	_ =	task [dreg:s9], $0x5FFFF  }
0xae: {  	[dreg:$0x1] =	wrdreg $0xFFFFFFFF  }
0xaf: {  	[dreg:$0x0] =	wrdreg $0x60  }
0xb0: {  	[dreg:$0x2] =	wrdreg s2  }
0xb1: {  	[dreg:$0x3] =	wrdreg s19  }
0xb2: {  	[dreg:$0x4] =	wrdreg s4  }
0xb3: {  	[dreg:$0x5] =	wrdreg $0x9  }
0xb4: {  	_ =	task.clear_ibuf [dreg:s9], $0x6FFFF;
	_ =	strace $0x90000046  }
0xb5: {  	s29 =	simm.s32 $0x9;
	_ =	strace $0x80000048  }
0xb6: {  	_ =	swait.ge [sflag:s29], $0x1  }
0xb7: {  	[sflag:s29] =	ssyncadd.s32 $0xFFFFFFFF  }
0xb8: {  	_ =	strace $0x90000048  }
0xb9: {  	_ =	sfence  }
0xba: {  	s30 =	sld [smem:$0x0];
	_ =	sdelay $0x2  }
0xbb: {  	s31 =	sshll.u32 s1, $0xD;
	s1 =	sshrl.u32 s1, $0x2  }
0xbc: {  	s3 =	sand.u32 $0x4000, s31;
	s1 =	sadd.s32 s1, s30  }
0xbd: {  	s0 =	sor.u32 s3, s0;
	s1 =	sshll.u32 s1, $0x11  }
0xbe: {  	s0 =	sor.u32 s1, s0  }
0xbf: {  	s0 =	sadd.s32 $0x8F2B, s0  }
0xc0: {  	[sflag:s0] =	ssyncadd.remote.s32 $0x1  }
0xc1: {  	_ =	sfence.sel $0xFFFF  }
0xc2: {  	[dreg:$0x0] =	wrdreg $0xFFFFFFFF;
	(pc) =	sbr.abs _section_cstart, $3  }
0xc3: {  	[dreg:$0x1] =	wrdreg $0xFFFFFFFF  }
0xc4: {  	_ =	task.clear_ibuf [dreg:s9], $0x2FFFF;
	_ =	strace $0x9FFFFFFF  }
0xc5: {  	(tm) =	ssettm $0x7FFFFFFF  }
tec
execute0_lowered:
.L_overlay_start_1:
0x0: {  	(tag) =	ssettag $0x1  }
0x1: {  	s0 =	srdreg.scid  }
0x2: {  	s1 =	stileid.u32;
	s4 =	sand.u32 $0x1, s0  }
0x3: {  	s19 =	sshll.u32 s1, $0xA;
	s20 =	sshll.u32 s4, $0xE  }
0x4: {  	s2 =	sand.u32 $0x1C00, s19;
	s0 =	sor.u32 s19, s20  }
0x5: {  	p1 =	sne.s32 s2, $0x0;
	p0 =	seq.s32 s0, $0x0  }
0x6: {  	s3 =	simm.s32 $0x1;
	s5 =	rddreg [dreg:$0x0];
	p0 =	por !p0, !p1  }
0x7: {  	s1 =	rddreg [dreg:$0x1];
	s4 =	ssub.s32 $0x2, s4;
	p0 =	por !p0, !p0  }
0x8: {  	s8 =	sshrl.u32 s2, $0x3;
	s0 =	sshrl.u32 s0, $0xD;
	s3 =	simm.s32 @!p0 $0x0  }
0x9: {  	s2 =	sshll.u32 s2, $0x2;
	s30 =	sshrl.u32 s4, $0x1;
	s3 =	ssub.s32 s0, s3  }
0xa: {  	s8 =	smul.u32 $0x1800, s8;
	s0 =	rddreg [dreg:$0x2];
	s6 =	sshll.u32 s3, $0xD  }
0xb: {  	s7 =	smul.u32 $0x600000, s3;
	s3 =	sshll.u32 s3, $0x7;
	s6 =	sand.u32 $0xFFFF8000, s6  }
0xc: {  	s21 =	sand.u32 $0x180, s3;
	s3 =	simm.s32 $0x0;
	s2 =	sor.u32 s2, s6  }
0xd: {  	s4 =	ssub.s32 s4, s30;
	[smem:$0x7FF] =	sst s3;
	s6 =	sor.u32 s21, s2  }
0xe: {  	s2 =	sadd.s32 s8, s7;
	_ =	strace $0x80000047;
	s6 =	sshrl.u32 s6, $0x3  }
0xf: {  	s7 =	sshrl.u32 s2, $0x3;
	s9 =	sadd.s32 $0x42000, s2;
	s5 =	sadd.s32 s5, s6  }
0x10: {  	s11 =	sadd.s32 $0x48000, s2;
	s7 =	sadd.s32 s0, s7;
	[dreg:$0x4] =	wrdreg s5  }
0x11: {  	s12 =	sadd.s32 $0x4E000, s2;
	s22 =	sadd.s32 $0xC00, s7;
	[smem:$0x7F7] =	sst s7  }
0x12: {  	s16 =	sadd.s32 $0x54000, s2;
	s23 =	sadd.s32 $0x1800, s7;
	[dreg:$0x5] =	wrdreg s22  }
0x13: {  	s18 =	sadd.s32 $0x5A000, s2;
	s24 =	sadd.s32 $0x2400, s7;
	[dreg:$0x6] =	wrdreg s23  }
0x14: {  	s19 =	sadd.s32 $0x60000, s2;
	s25 =	sadd.s32 $0x3000, s7;
	[dreg:$0x7] =	wrdreg s24  }
0x15: {  	s10 =	sshrl.u32 s9, $0x3;
	s26 =	sadd.s32 $0x3C00, s7;
	[dreg:$0x8] =	wrdreg s25  }
0x16: {  	s14 =	sshrl.u32 s12, $0x3;
	s28 =	sadd.s32 $0x4800, s7;
	[dreg:$0x9] =	wrdreg s26  }
0x17: {  	s17 =	sshrl.u32 s16, $0x3;
	s29 =	sadd.s32 $0x5400, s7;
	[dreg:$0xa] =	wrdreg s28  }
0x18: {  	s21 =	sshrl.u32 s19, $0x3;
	s31 =	sadd.s32 $0x6000, s7;
	[dreg:$0xb] =	wrdreg s29  }
0x19: {  	s12 =	sadd.s32 $0x8A000, s2;
	s6 =	sadd.s32 $0x6C00, s7;
	[dreg:$0xc] =	wrdreg s31  }
0x1a: {  	s19 =	sadd.s32 $0x9C000, s2;
	s8 =	sadd.s32 $0x7800, s7;
	[dreg:$0xd] =	wrdreg s6  }
0x1b: {  	s5 =	sadd.s32 s0, s10;
	s15 =	sadd.s32 s0, s14;
	[dreg:$0xe] =	wrdreg s8  }
0x1c: {  	s7 =	sadd.s32 $0x7E000, s2;
	s14 =	sadd.s32 $0x90000, s2;
	[dreg:$0xf] =	wrdreg s5  }
0x1d: {  	s6 =	sshrl.u32 s11, $0x3;
	[dreg:$0x11] =	wrdreg s15;
	s5 =	sadd.s32 s0, s17  }
0x1e: {  	s22 =	sadd.s32 s0, s21;
	s23 =	sadd.s32 $0x66000, s2;
	s25 =	sadd.s32 $0x6C000, s2  }
0x1f: {  	s26 =	sadd.s32 $0x72000, s2;
	s31 =	sadd.s32 $0x78000, s2;
	s8 =	sadd.s32 $0x84000, s2  }
0x20: {  	s15 =	sadd.s32 $0x96000, s2;
	s21 =	sadd.s32 $0xA2000, s2;
	[dreg:$0x12] =	wrdreg s5  }
0x21: {  	s13 =	sadd.s32 s0, s6;
	s6 =	sshrl.u32 s18, $0x3;
	[dreg:$0x14] =	wrdreg s22  }
0x22: {  	s24 =	sshrl.u32 s23, $0x3;
	s29 =	sshrl.u32 s26, $0x3;
	s10 =	sshrl.u32 s8, $0x3  }
0x23: {  	s17 =	sshrl.u32 s15, $0x3;
	s22 =	sadd.s32 $0xA8000, s2;
	s26 =	sadd.s32 $0xAE000, s2  }
0x24: {  	s15 =	simm.s32 $0x3;
	[dreg:$0x10] =	wrdreg s13;
	s20 =	sadd.s32 s0, s6  }
0x25: {  	s5 =	sadd.s32 s0, s24;
	s6 =	sshrl.u32 s25, $0x3;
	s30 =	sadd.s32 s0, s29  }
0x26: {  	s11 =	sadd.s32 s0, s10;
	s13 =	sshrl.u32 s12, $0x3;
	[dreg:$0x13] =	wrdreg s20  }
0x27: {  	s18 =	sadd.s32 s0, s17;
	s24 =	sshrl.u32 s22, $0x3;
	[dreg:$0x15] =	wrdreg s5  }
0x28: {  	s29 =	sadd.s32 $0xB4000, s2;
	s2 =	sadd.s32 $0xBA000, s2;
	[dreg:$0x17] =	wrdreg s30  }
0x29: {  	s17 =	simm.s32 $0x4;
	s28 =	sadd.s32 s0, s6;
	[dreg:$0x1a] =	wrdreg s11  }
0x2a: {  	s6 =	sshrl.u32 s31, $0x3;
	[dreg:$0x1d] =	wrdreg s18;
	s20 =	sshrl.u32 s19, $0x3  }
0x2b: {  	s25 =	sadd.s32 s0, s24;
	s2 =	sshrl.u32 s2, $0x3;
	[dreg:$0x16] =	wrdreg s28  }
0x2c: {  	s30 =	simm.s32 $0x80;
	s31 =	simm.s32 $0x200;
	[smem:$0x7F8] =	sst s25  }
0x2d: {  	s18 =	simm.s32 $0x8;
	s19 =	simm.s32 $0x5;
	[smem:$0x7FC] =	sst s30  }
0x2e: {  	s5 =	sadd.s32 s0, s6;
	s6 =	sshrl.u32 s7, $0x3;
	[smem:$0x7FD] =	sst s31  }
0x2f: {  	s28 =	sshrl.u32 s26, $0x3;
	s7 =	sadd.s32 $0x200, s1;
	[dreg:$0x18] =	wrdreg s5  }
0x30: {  	s9 =	sadd.s32 s0, s6;
	s5 =	sadd.s32 s0, s13;
	s6 =	sshrl.u32 s14, $0x3  }
0x31: {  	s13 =	simm.s32 $0x2;
	s14 =	simm.s32 $0x6;
	[dreg:$0x19] =	wrdreg s9  }
0x32: {  	[dreg:$0x1b] =	wrdreg s5;
	s16 =	sadd.s32 s0, s6;
	s5 =	sadd.s32 s0, s20  }
0x33: {  	s6 =	sshrl.u32 s21, $0x3;
	s20 =	simm.s32 $0x9;
	[dreg:$0x1c] =	wrdreg s16  }
0x34: {  	s21 =	simm.s32 $0xA;
	[dreg:$0x1e] =	wrdreg s5;
	s23 =	sadd.s32 s0, s6  }
0x35: {  	s5 =	sadd.s32 s0, s28;
	s6 =	sshrl.u32 s29, $0x3;
	[dreg:$0x1f] =	wrdreg s23  }
0x36: {  	v2 =	vlaneseq.u32;
	s16 =	simm.s32 $0x7;
	[smem:$0x7F9] =	sst s5;
	s6 =	sadd.s32 s0, s6  }
0x37: {  	vm0 =	vmmov $0xffff;
	v1 =	vshrl.u32 v2, $0x3;
	s5 =	simm.s32 $0x1;
	s0 =	sadd.s32 s0, s2;
	[smem:$0x7FA] =	sst s6  }
0x38: {  	v0 =	vand.u32 $0x7, v2;
	v2 =	vor.u32 $0x8, v2;
	v1 =	vmul.u32 $0x8, v1;
	s2 =	smax.u32 s4, $0x1;
	s6 =	sadd.s32 $0x100, s1;
	[smem:$0x7FB] =	sst s0  }
.LBB2_1:
0x39: {  	s24 =	sld [smem:$0x7FC]  }
0x3a: {  	s25 =	sld [smem:$0x7FD]  }
0x3b: {  	[smem:$0x7F6] =	sst s2  }
0x3c: {  	s23 =	rddreg [dreg:$0x4];
	s9 =	simm.s32 $0xB  }
0x3d: {  	[tilespmem:s3], [sflag:$0xB] =	stream.strided.gather [hbm4b:s23+s24], $0x400, s25, s24, $0x38;
	[tilespmem:$0x1E400] =	vst v63  }
0x3e: {  	_ =	swait.ge [sflag:s9], $0x400  }
0x3f: {  	[sflag:s9] =	ssyncset.done $0x0  }
0x40: {  	[sflag:s9] =	ssyncadd.s32 $0xFFFFFC00  }
0x41: {  	v3 =	vld [tilespmem:$0x0];
	_ =	sdelay $0x4  }
0x42: {  	v4 =	vshrl.u32 v3, $0x3  }
0x43: {  	v4 =	vmul.u32 $0x30, v4  }
0x44: {  	v3 =	vand.u32 $0x7, v3  }
0x45: {  	v3 =	vor.u32 v3, v4  }
0x46: {  	v4 =	vperm.xlane v3, v0;
	_ =	sdelay $0x1  }
0x47: {  	v4 =	vadd.s32 v1, v4;
	_ =	sdelay $0x3  }
0x48: {  	s0 =	simm.s32 $0x400;
	v3 =	vperm.xlane v3, v2  }
0x49: {  	[tilespmem:s0], [sflag:$0x1] =	stream.indirect_vreg.gather [hbm4b:s1+s3], $0x80, v4, vm0, $0xb8;
	[tilespmem:$0x1E400] =	vst v63  }
0x4a: {  	s10 =	simm.s32 $0xC00;
	v3 =	vadd.s32 v1, v3  }
0x4b: {  	[tilespmem:s10], [sflag:$0x1] =	stream.indirect_vreg.gather [hbm4b:s6+s3], $0x80, v4, vm0, $0xb8;
	[tilespmem:$0x1E400] =	vst v63  }
0x4c: {  	s11 =	simm.s32 $0x1400  }
0x4d: {  	[tilespmem:s11], [sflag:$0x1] =	stream.indirect_vreg.gather [hbm4b:s7+s3], $0x80, v4, vm0, $0xb8;
	[tilespmem:$0x1E400] =	vst v63  }
0x4e: {  	s12 =	simm.s32 $0x1C00  }
0x4f: {  	[tilespmem:s12], [sflag:$0x1] =	stream.indirect_vreg.gather [hbm4b:s1+s3], $0x80, v3, vm0, $0xb8;
	[tilespmem:$0x1E400] =	vst v63  }
0x50: {  	s22 =	simm.s32 $0x2400  }
0x51: {  	[tilespmem:s22], [sflag:$0x1] =	stream.indirect_vreg.gather [hbm4b:s6+s3], $0x80, v3, vm0, $0xb8;
	[tilespmem:$0x1E400] =	vst v63  }
0x52: {  	s23 =	simm.s32 $0x2C00  }
0x53: {  	[tilespmem:s23], [sflag:$0x1] =	stream.indirect_vreg.gather [hbm4b:s7+s3], $0x80, v3, vm0, $0xb8;
	[tilespmem:$0x1E400] =	vst v63  }
0x54: {  	v3 =	vld [tilespmem:$0x10];
	_ =	sdelay $0x4  }
0x55: {  	v57 =	vshrl.u32 v3, $0x3  }
0x56: {  	v4 =	vmul.u32 $0x30, v57  }
0x57: {  	v3 =	vand.u32 $0x7, v3  }
0x58: {  	v3 =	vor.u32 v3, v4  }
0x59: {  	v4 =	vperm.xlane v3, v0;
	_ =	sdelay $0x1  }
0x5a: {  	v4 =	vadd.s32 v1, v4;
	_ =	sdelay $0x3  }
0x5b: {  	s24 =	simm.s32 $0x3400;
	v3 =	vperm.xlane v3, v2  }
0x5c: {  	[tilespmem:s24], [sflag:$0x1] =	stream.indirect_vreg.gather [hbm4b:s1+s3], $0x80, v4, vm0, $0xb8;
	[tilespmem:$0x1E400] =	vst v63  }
0x5d: {  	s25 =	simm.s32 $0x3C00;
	v3 =	vadd.s32 v1, v3  }
0x5e: {  	[tilespmem:s25], [sflag:$0x1] =	stream.indirect_vreg.gather [hbm4b:s6+s3], $0x80, v4, vm0, $0xb8;
	[tilespmem:$0x1E400] =	vst v63  }
0x5f: {  	s26 =	simm.s32 $0x4400  }
0x60: {  	[tilespmem:s26], [sflag:$0x1] =	stream.indirect_vreg.gather [hbm4b:s7+s3], $0x80, v4, vm0, $0xb8;
	[tilespmem:$0x1E400] =	vst v63  }
0x61: {  	s28 =	simm.s32 $0x4C00  }
0x62: {  	[tilespmem:s28], [sflag:$0x1] =	stream.indirect_vreg.gather [hbm4b:s1+s3], $0x80, v3, vm0, $0xb8;
	[tilespmem:$0x1E400] =	vst v63  }
0x63: {  	s29 =	simm.s32 $0x5400  }
0x64: {  	[tilespmem:s29], [sflag:$0x1] =	stream.indirect_vreg.gather [hbm4b:s6+s3], $0x80, v3, vm0, $0xb8;
	[tilespmem:$0x1E400] =	vst v63  }
0x65: {  	s30 =	simm.s32 $0x5C00  }
0x66: {  	[tilespmem:s30], [sflag:$0x1] =	stream.indirect_vreg.gather [hbm4b:s7+s3], $0x80, v3, vm0, $0xb8;
	[tilespmem:$0x1E400] =	vst v63  }
0x67: {  	v3 =	vld [tilespmem:$0x20];
	_ =	sdelay $0x4  }
0x68: {  	v58 =	vshrl.u32 v3, $0x3  }
0x69: {  	v4 =	vmul.u32 $0x30, v58  }
0x6a: {  	v3 =	vand.u32 $0x7, v3  }
0x6b: {  	v3 =	vor.u32 v3, v4  }
0x6c: {  	v4 =	vperm.xlane v3, v0;
	_ =	sdelay $0x1  }
0x6d: {  	v4 =	vadd.s32 v1, v4;
	_ =	sdelay $0x3  }
0x6e: {  	s31 =	simm.s32 $0x6400;
	v3 =	vperm.xlane v3, v2  }
0x6f: {  	[tilespmem:s31], [sflag:$0x2] =	stream.indirect_vreg.gather [hbm4b:s1+s3], $0x80, v4, vm0, $0xb8;
	[tilespmem:$0x1E400] =	vst v63  }
0x70: {  	s8 =	simm.s32 $0x6C00;
	v3 =	vadd.s32 v1, v3  }
0x71: {  	[tilespmem:s8], [sflag:$0x2] =	stream.indirect_vreg.gather [hbm4b:s6+s3], $0x80, v4, vm0, $0xb8;
	[tilespmem:$0x1E400] =	vst v63  }
0x72: {  	s10 =	simm.s32 $0x7400  }
0x73: {  	[tilespmem:s10], [sflag:$0x2] =	stream.indirect_vreg.gather [hbm4b:s7+s3], $0x80, v4, vm0, $0xb8;
	[tilespmem:$0x1E400] =	vst v63  }
0x74: {  	s11 =	simm.s32 $0x7C00  }
0x75: {  	[tilespmem:s11], [sflag:$0x2] =	stream.indirect_vreg.gather [hbm4b:s1+s3], $0x80, v3, vm0, $0xb8;
	[tilespmem:$0x1E400] =	vst v63  }
0x76: {  	s12 =	simm.s32 $0x8400  }
0x77: {  	[tilespmem:s12], [sflag:$0x2] =	stream.indirect_vreg.gather [hbm4b:s6+s3], $0x80, v3, vm0, $0xb8;
	[tilespmem:$0x1E400] =	vst v63  }
0x78: {  	s22 =	simm.s32 $0x8C00  }
0x79: {  	[tilespmem:s22], [sflag:$0x2] =	stream.indirect_vreg.gather [hbm4b:s7+s3], $0x80, v3, vm0, $0xb8;
	[tilespmem:$0x1E400] =	vst v63  }
0x7a: {  	v3 =	vld [tilespmem:$0x30];
	_ =	sdelay $0x4  }
0x7b: {  	v59 =	vshrl.u32 v3, $0x3  }
0x7c: {  	v4 =	vmul.u32 $0x30, v59  }
0x7d: {  	v3 =	vand.u32 $0x7, v3  }
0x7e: {  	v3 =	vor.u32 v3, v4  }
0x7f: {  	v4 =	vperm.xlane v3, v0;
	_ =	sdelay $0x1  }
0x80: {  	v4 =	vadd.s32 v1, v4;
	_ =	sdelay $0x3  }
0x81: {  	s23 =	simm.s32 $0x9400;
	v3 =	vperm.xlane v3, v2  }
0x82: {  	[tilespmem:s23], [sflag:$0x2] =	stream.indirect_vreg.gather [hbm4b:s1+s3], $0x80, v4, vm0, $0xb8;
	[tilespmem:$0x1E400] =	vst v63  }
0x83: {  	s24 =	simm.s32 $0x9C00;
	v3 =	vadd.s32 v1, v3  }
0x84: {  	[tilespmem:s24], [sflag:$0x2] =	stream.indirect_vreg.gather [hbm4b:s6+s3], $0x80, v4, vm0, $0xb8;
	[tilespmem:$0x1E400] =	vst v63  }
0x85: {  	s25 =	simm.s32 $0xA400  }
0x86: {  	[tilespmem:s25], [sflag:$0x2] =	stream.indirect_vreg.gather [hbm4b:s7+s3], $0x80, v4, vm0, $0xb8;
	[tilespmem:$0x1E400] =	vst v63  }
0x87: {  	s26 =	simm.s32 $0xAC00  }
0x88: {  	[tilespmem:s26], [sflag:$0x2] =	stream.indirect_vreg.gather [hbm4b:s1+s3], $0x80, v3, vm0, $0xb8;
	[tilespmem:$0x1E400] =	vst v63  }
0x89: {  	s28 =	simm.s32 $0xB400  }
0x8a: {  	[tilespmem:s28], [sflag:$0x2] =	stream.indirect_vreg.gather [hbm4b:s6+s3], $0x80, v3, vm0, $0xb8;
	[tilespmem:$0x1E400] =	vst v63  }
0x8b: {  	s29 =	simm.s32 $0xBC00  }
0x8c: {  	[tilespmem:s29], [sflag:$0x2] =	stream.indirect_vreg.gather [hbm4b:s7+s3], $0x80, v3, vm0, $0xb8;
	[tilespmem:$0x1E400] =	vst v63  }
0x8d: {  	v3 =	vld [tilespmem:$0x40];
	_ =	sdelay $0x4  }
0x8e: {  	v60 =	vshrl.u32 v3, $0x3  }
0x8f: {  	v4 =	vmul.u32 $0x30, v60  }
0x90: {  	v3 =	vand.u32 $0x7, v3  }
0x91: {  	v3 =	vor.u32 v3, v4  }
0x92: {  	v4 =	vperm.xlane v3, v0;
	_ =	sdelay $0x1  }
0x93: {  	v4 =	vadd.s32 v1, v4;
	_ =	sdelay $0x3  }
0x94: {  	s30 =	simm.s32 $0xC400;
	v3 =	vperm.xlane v3, v2  }
0x95: {  	[tilespmem:s30], [sflag:$0x3] =	stream.indirect_vreg.gather [hbm4b:s1+s3], $0x80, v4, vm0, $0xb8;
	[tilespmem:$0x1E400] =	vst v63  }
0x96: {  	s31 =	simm.s32 $0xCC00;
	v3 =	vadd.s32 v1, v3  }
0x97: {  	[tilespmem:s31], [sflag:$0x3] =	stream.indirect_vreg.gather [hbm4b:s6+s3], $0x80, v4, vm0, $0xb8;
	[tilespmem:$0x1E400] =	vst v63  }
0x98: {  	s8 =	simm.s32 $0xD400  }
0x99: {  	[tilespmem:s8], [sflag:$0x3] =	stream.indirect_vreg.gather [hbm4b:s7+s3], $0x80, v4, vm0, $0xb8;
	[tilespmem:$0x1E400] =	vst v63  }
0x9a: {  	s10 =	simm.s32 $0xDC00  }
0x9b: {  	[tilespmem:s10], [sflag:$0x3] =	stream.indirect_vreg.gather [hbm4b:s1+s3], $0x80, v3, vm0, $0xb8;
	[tilespmem:$0x1E400] =	vst v63  }
0x9c: {  	s11 =	simm.s32 $0xE400  }
0x9d: {  	[tilespmem:s11], [sflag:$0x3] =	stream.indirect_vreg.gather [hbm4b:s6+s3], $0x80, v3, vm0, $0xb8;
	[tilespmem:$0x1E400] =	vst v63  }
0x9e: {  	s12 =	simm.s32 $0xEC00  }
0x9f: {  	[tilespmem:s12], [sflag:$0x3] =	stream.indirect_vreg.gather [hbm4b:s7+s3], $0x80, v3, vm0, $0xb8;
	[tilespmem:$0x1E400] =	vst v63  }
0xa0: {  	v3 =	vld [tilespmem:$0x50];
	_ =	sdelay $0x4  }
0xa1: {  	v61 =	vshrl.u32 v3, $0x3  }
0xa2: {  	v4 =	vmul.u32 $0x30, v61  }
0xa3: {  	v3 =	vand.u32 $0x7, v3  }
0xa4: {  	v3 =	vor.u32 v3, v4  }
0xa5: {  	v4 =	vperm.xlane v3, v0;
	_ =	sdelay $0x1  }
0xa6: {  	v4 =	vadd.s32 v1, v4;
	_ =	sdelay $0x3  }
0xa7: {  	s22 =	simm.s32 $0xF400;
	v3 =	vperm.xlane v3, v2  }
0xa8: {  	[tilespmem:s22], [sflag:$0x3] =	stream.indirect_vreg.gather [hbm4b:s1+s3], $0x80, v4, vm0, $0xb8;
	[tilespmem:$0x1E400] =	vst v63  }
0xa9: {  	s23 =	simm.s32 $0xFC00;
	v3 =	vadd.s32 v1, v3  }
0xaa: {  	[tilespmem:s23], [sflag:$0x3] =	stream.indirect_vreg.gather [hbm4b:s6+s3], $0x80, v4, vm0, $0xb8;
	[tilespmem:$0x1E400] =	vst v63  }
0xab: {  	s24 =	simm.s32 $0x10400  }
0xac: {  	[tilespmem:s24], [sflag:$0x3] =	stream.indirect_vreg.gather [hbm4b:s7+s3], $0x80, v4, vm0, $0xb8;
	[tilespmem:$0x1E400] =	vst v63  }
0xad: {  	s26 =	simm.s32 $0x10C00  }
0xae: {  	[tilespmem:s26], [sflag:$0x3] =	stream.indirect_vreg.gather [hbm4b:s1+s3], $0x80, v3, vm0, $0xb8;
	[tilespmem:$0x1E400] =	vst v63  }
0xaf: {  	s28 =	simm.s32 $0x11400  }
0xb0: {  	[tilespmem:s28], [sflag:$0x3] =	stream.indirect_vreg.gather [hbm4b:s6+s3], $0x80, v3, vm0, $0xb8;
	[tilespmem:$0x1E400] =	vst v63  }
0xb1: {  	s29 =	simm.s32 $0x11C00  }
0xb2: {  	[tilespmem:s29], [sflag:$0x3] =	stream.indirect_vreg.gather [hbm4b:s7+s3], $0x80, v3, vm0, $0xb8;
	[tilespmem:$0x1E400] =	vst v63  }
0xb3: {  	v3 =	vld [tilespmem:$0x60];
	_ =	sdelay $0x4  }
0xb4: {  	v62 =	vshrl.u32 v3, $0x3  }
0xb5: {  	v4 =	vmul.u32 $0x30, v62  }
0xb6: {  	v3 =	vand.u32 $0x7, v3  }
0xb7: {  	v3 =	vor.u32 v3, v4  }
0xb8: {  	v4 =	vperm.xlane v3, v0;
	_ =	sdelay $0x1  }
0xb9: {  	v4 =	vadd.s32 v1, v4;
	_ =	sdelay $0x3  }
0xba: {  	s30 =	simm.s32 $0x12400;
	v3 =	vperm.xlane v3, v2  }
0xbb: {  	[tilespmem:s30], [sflag:$0x4] =	stream.indirect_vreg.gather [hbm4b:s1+s3], $0x80, v4, vm0, $0xb8;
	[tilespmem:$0x1E400] =	vst v63  }
0xbc: {  	s31 =	simm.s32 $0x12C00;
	v3 =	vadd.s32 v1, v3  }
0xbd: {  	[tilespmem:s31], [sflag:$0x4] =	stream.indirect_vreg.gather [hbm4b:s6+s3], $0x80, v4, vm0, $0xb8;
	[tilespmem:$0x1E400] =	vst v63  }
0xbe: {  	s8 =	simm.s32 $0x13400  }
0xbf: {  	[tilespmem:s8], [sflag:$0x4] =	stream.indirect_vreg.gather [hbm4b:s7+s3], $0x80, v4, vm0, $0xb8;
	[tilespmem:$0x1E400] =	vst v63  }
0xc0: {  	s10 =	simm.s32 $0x13C00  }
0xc1: {  	[tilespmem:s10], [sflag:$0x4] =	stream.indirect_vreg.gather [hbm4b:s1+s3], $0x80, v3, vm0, $0xb8;
	[tilespmem:$0x1E400] =	vst v63  }
0xc2: {  	s11 =	simm.s32 $0x14400  }
0xc3: {  	[tilespmem:s11], [sflag:$0x4] =	stream.indirect_vreg.gather [hbm4b:s6+s3], $0x80, v3, vm0, $0xb8;
	[tilespmem:$0x1E400] =	vst v63  }
0xc4: {  	s23 =	simm.s32 $0x14C00  }
0xc5: {  	[tilespmem:s23], [sflag:$0x4] =	stream.indirect_vreg.gather [hbm4b:s7+s3], $0x80, v3, vm0, $0xb8;
	[tilespmem:$0x1E400] =	vst v63  }
0xc6: {  	v3 =	vld [tilespmem:$0x70];
	_ =	sdelay $0x4  }
0xc7: {  	v63 =	vshrl.u32 v3, $0x3  }
0xc8: {  	v4 =	vmul.u32 $0x30, v63  }
0xc9: {  	v3 =	vand.u32 $0x7, v3  }
0xca: {  	v3 =	vor.u32 v3, v4  }
0xcb: {  	v4 =	vperm.xlane v3, v0;
	_ =	sdelay $0x1  }
0xcc: {  	v4 =	vadd.s32 v1, v4;
	_ =	sdelay $0x3  }
0xcd: {  	s24 =	simm.s32 $0x15400;
	v3 =	vperm.xlane v3, v2  }
0xce: {  	[tilespmem:s24], [sflag:$0x4] =	stream.indirect_vreg.gather [hbm4b:s1+s3], $0x80, v4, vm0, $0xb8;
	[tilespmem:$0x1E400] =	vst v63  }
0xcf: {  	s26 =	simm.s32 $0x15C00;
	v3 =	vadd.s32 v1, v3  }
0xd0: {  	[tilespmem:s26], [sflag:$0x4] =	stream.indirect_vreg.gather [hbm4b:s6+s3], $0x80, v4, vm0, $0xb8;
	[tilespmem:$0x1E400] =	vst v63  }
0xd1: {  	s28 =	simm.s32 $0x16400  }
0xd2: {  	[tilespmem:s28], [sflag:$0x4] =	stream.indirect_vreg.gather [hbm4b:s7+s3], $0x80, v4, vm0, $0xb8;
	[tilespmem:$0x1E400] =	vst v63  }
0xd3: {  	s29 =	simm.s32 $0x16C00  }
0xd4: {  	[tilespmem:s29], [sflag:$0x4] =	stream.indirect_vreg.gather [hbm4b:s1+s3], $0x80, v3, vm0, $0xb8;
	[tilespmem:$0x1E400] =	vst v63  }
0xd5: {  	s30 =	simm.s32 $0x17400  }
0xd6: {  	[tilespmem:s30], [sflag:$0x4] =	stream.indirect_vreg.gather [hbm4b:s6+s3], $0x80, v3, vm0, $0xb8;
	[tilespmem:$0x1E400] =	vst v63  }
0xd7: {  	s31 =	simm.s32 $0x17C00  }
0xd8: {  	[tilespmem:s31], [sflag:$0x4] =	stream.indirect_vreg.gather [hbm4b:s7+s3], $0x80, v3, vm0, $0xb8;
	[tilespmem:$0x1E400] =	vst v63  }
0xd9: {  	_ =	swait.ge [sflag:s5], $0x6000  }
0xda: {  	s0 =	sld [smem:$0x7F7]  }
0xdb: {  	[sflag:s5] =	ssyncset.done $0x0  }
0xdc: {  	s2 =	simm.s32 $0x400;
	[sflag:s5] =	ssyncadd.s32 $0xFFFFA000  }
0xdd: {  	[hbm4b:s0+s3] =	stream.linear.scatter [tilespmem:s2], [sflag:$0x6], $0x6000, $0x38;
	[tilespmem:$0x1E400] =	vst v63  }
0xde: {  	v3 =	vld [tilespmem:$0x80];
	_ =	sdelay $0x4  }
0xdf: {  	v8 =	vshrl.u32 v3, $0x3  }
0xe0: {  	v4 =	vmul.u32 $0x30, v8  }
0xe1: {  	v3 =	vand.u32 $0x7, v3  }
0xe2: {  	v3 =	vor.u32 v3, v4  }
0xe3: {  	v4 =	vperm.xlane v3, v0;
	_ =	sdelay $0x1  }
0xe4: {  	v4 =	vadd.s32 v1, v4;
	_ =	sdelay $0x3  }
0xe5: {  	s8 =	simm.s32 $0x18400;
	v3 =	vperm.xlane v3, v2  }
0xe6: {  	[tilespmem:s8], [sflag:$0x5] =	stream.indirect_vreg.gather [hbm4b:s1+s3], $0x80, v4, vm0, $0xb8;
	[tilespmem:$0x1E400] =	vst v63  }
0xe7: {  	s10 =	simm.s32 $0x18C00;
	v3 =	vadd.s32 v1, v3  }
0xe8: {  	[tilespmem:s10], [sflag:$0x5] =	stream.indirect_vreg.gather [hbm4b:s6+s3], $0x80, v4, vm0, $0xb8;
	[tilespmem:$0x1E400] =	vst v63  }
0xe9: {  	s11 =	simm.s32 $0x19400  }
0xea: {  	[tilespmem:s11], [sflag:$0x5] =	stream.indirect_vreg.gather [hbm4b:s7+s3], $0x80, v4, vm0, $0xb8;
	[tilespmem:$0x1E400] =	vst v63  }
0xeb: {  	s23 =	simm.s32 $0x19C00  }
0xec: {  	[tilespmem:s23], [sflag:$0x5] =	stream.indirect_vreg.gather [hbm4b:s1+s3], $0x80, v3, vm0, $0xb8;
	[tilespmem:$0x1E400] =	vst v63  }
0xed: {  	s24 =	simm.s32 $0x1A400  }
0xee: {  	[tilespmem:s24], [sflag:$0x5] =	stream.indirect_vreg.gather [hbm4b:s6+s3], $0x80, v3, vm0, $0xb8;
	[tilespmem:$0x1E400] =	vst v63  }
0xef: {  	s26 =	simm.s32 $0x1AC00  }
0xf0: {  	[tilespmem:s26], [sflag:$0x5] =	stream.indirect_vreg.gather [hbm4b:s7+s3], $0x80, v3, vm0, $0xb8;
	[tilespmem:$0x1E400] =	vst v63  }
0xf1: {  	v3 =	vld [tilespmem:$0x90];
	_ =	sdelay $0x4  }
0xf2: {  	v9 =	vshrl.u32 v3, $0x3  }
0xf3: {  	v4 =	vmul.u32 $0x30, v9  }
0xf4: {  	v3 =	vand.u32 $0x7, v3  }
0xf5: {  	v3 =	vor.u32 v3, v4  }
0xf6: {  	v4 =	vperm.xlane v3, v0;
	_ =	sdelay $0x1  }
0xf7: {  	v4 =	vadd.s32 v1, v4;
	_ =	sdelay $0x3  }
0xf8: {  	s28 =	simm.s32 $0x1B400;
	v3 =	vperm.xlane v3, v2  }
0xf9: {  	[tilespmem:s28], [sflag:$0x5] =	stream.indirect_vreg.gather [hbm4b:s1+s3], $0x80, v4, vm0, $0xb8;
	[tilespmem:$0x1E400] =	vst v63  }
0xfa: {  	s29 =	simm.s32 $0x1BC00;
	v3 =	vadd.s32 v1, v3  }
0xfb: {  	[tilespmem:s29], [sflag:$0x5] =	stream.indirect_vreg.gather [hbm4b:s6+s3], $0x80, v4, vm0, $0xb8;
	[tilespmem:$0x1E400] =	vst v63  }
0xfc: {  	s30 =	simm.s32 $0x1C400  }
0xfd: {  	[tilespmem:s30], [sflag:$0x5] =	stream.indirect_vreg.gather [hbm4b:s7+s3], $0x80, v4, vm0, $0xb8;
	[tilespmem:$0x1E400] =	vst v63  }
0xfe: {  	s31 =	simm.s32 $0x1CC00  }
0xff: {  	[tilespmem:s31], [sflag:$0x5] =	stream.indirect_vreg.gather [hbm4b:s1+s3], $0x80, v3, vm0, $0xb8;
	[tilespmem:$0x1E400] =	vst v63  }
0x100: {  	s8 =	simm.s32 $0x1D400  }
0x101: {  	[tilespmem:s8], [sflag:$0x5] =	stream.indirect_vreg.gather [hbm4b:s6+s3], $0x80, v3, vm0, $0xb8;
	[tilespmem:$0x1E400] =	vst v63  }
0x102: {  	s10 =	simm.s32 $0x1DC00  }
0x103: {  	[tilespmem:s10], [sflag:$0x5] =	stream.indirect_vreg.gather [hbm4b:s7+s3], $0x80, v3, vm0, $0xb8;
	[tilespmem:$0x1E400] =	vst v63  }
0x104: {  	_ =	swait.ge [sflag:s13], $0x6000  }
0x105: {  	[sflag:s13] =	ssyncset.done $0x0  }
0x106: {  	s24 =	simm.s32 $0x6400;
	s11 =	rddreg [dreg:$0x5];
	[sflag:s13] =	ssyncadd.s32 $0xFFFFA000  }
0x107: {  	[hbm4b:s11+s3] =	stream.linear.scatter [tilespmem:s24], [sflag:$0x7], $0x6000, $0x38;
	[tilespmem:$0x1E400] =	vst v63  }
0x108: {  	_ =	swait.ge [sflag:s14], $0x6000  }
0x109: {  	[sflag:s14] =	ssyncset.done $0x0  }
0x10a: {  	[sflag:s14] =	ssyncadd.s32 $0xFFFFA000  }
0x10b: {  	v3 =	vld [tilespmem:$0xA0];
	_ =	sdelay $0x4  }
0x10c: {  	v10 =	vshrl.u32 v3, $0x3  }
0x10d: {  	v4 =	vmul.u32 $0x30, v10  }
0x10e: {  	v3 =	vand.u32 $0x7, v3  }
0x10f: {  	v3 =	vor.u32 v3, v4  }
0x110: {  	v4 =	vperm.xlane v3, v0;
	_ =	sdelay $0x1  }
0x111: {  	v4 =	vadd.s32 v1, v4;
	_ =	sdelay $0x3  }
0x112: {  	v3 =	vperm.xlane v3, v2  }
0x113: {  	[tilespmem:s2], [sflag:$0x1] =	stream.indirect_vreg.gather [hbm4b:s1+s3], $0x80, v4, vm0, $0xb8;
	[tilespmem:$0x1E400] =	vst v63  }
0x114: {  	s8 =	simm.s32 $0xC00;
	v3 =	vadd.s32 v1, v3  }
0x115: {  	[tilespmem:s8], [sflag:$0x1] =	stream.indirect_vreg.gather [hbm4b:s6+s3], $0x80, v4, vm0, $0xb8;
	[tilespmem:$0x1E400] =	vst v63  }
0x116: {  	s26 =	simm.s32 $0x1400  }
0x117: {  	[tilespmem:s26], [sflag:$0x1] =	stream.indirect_vreg.gather [hbm4b:s7+s3], $0x80, v4, vm0, $0xb8;
	[tilespmem:$0x1E400] =	vst v63  }
0x118: {  	s28 =	simm.s32 $0x1C00  }
0x119: {  	[tilespmem:s28], [sflag:$0x1] =	stream.indirect_vreg.gather [hbm4b:s1+s3], $0x80, v3, vm0, $0xb8;
	[tilespmem:$0x1E400] =	vst v63  }
0x11a: {  	s29 =	simm.s32 $0x2400  }
0x11b: {  	[tilespmem:s29], [sflag:$0x1] =	stream.indirect_vreg.gather [hbm4b:s6+s3], $0x80, v3, vm0, $0xb8;
	[tilespmem:$0x1E400] =	vst v63  }
0x11c: {  	s4 =	simm.s32 $0x2C00  }
0x11d: {  	[tilespmem:s4], [sflag:$0x1] =	stream.indirect_vreg.gather [hbm4b:s7+s3], $0x80, v3, vm0, $0xb8;
	[tilespmem:$0x1E400] =	vst v63  }
0x11e: {  	v3 =	vld [tilespmem:$0xB0];
	_ =	sdelay $0x4  }
0x11f: {  	v11 =	vshrl.u32 v3, $0x3  }
0x120: {  	v4 =	vmul.u32 $0x30, v11  }
0x121: {  	v3 =	vand.u32 $0x7, v3  }
0x122: {  	v3 =	vor.u32 v3, v4  }
0x123: {  	v4 =	vperm.xlane v3, v0;
	_ =	sdelay $0x1  }
0x124: {  	v4 =	vadd.s32 v1, v4;
	_ =	sdelay $0x3  }
0x125: {  	s9 =	simm.s32 $0x3400;
	v3 =	vperm.xlane v3, v2  }
0x126: {  	[tilespmem:s9], [sflag:$0x1] =	stream.indirect_vreg.gather [hbm4b:s1+s3], $0x80, v4, vm0, $0xb8;
	[tilespmem:$0x1E400] =	vst v63  }
0x127: {  	s30 =	simm.s32 $0x3C00;
	v3 =	vadd.s32 v1, v3  }
0x128: {  	[tilespmem:s30], [sflag:$0x1] =	stream.indirect_vreg.gather [hbm4b:s6+s3], $0x80, v4, vm0, $0xb8;
	[tilespmem:$0x1E400] =	vst v63  }
0x129: {  	s31 =	simm.s32 $0x4400  }
0x12a: {  	[tilespmem:s31], [sflag:$0x1] =	stream.indirect_vreg.gather [hbm4b:s7+s3], $0x80, v4, vm0, $0xb8;
	[tilespmem:$0x1E400] =	vst v63  }
0x12b: {  	s9 =	simm.s32 $0x4C00  }
0x12c: {  	[tilespmem:s9], [sflag:$0x1] =	stream.indirect_vreg.gather [hbm4b:s1+s3], $0x80, v3, vm0, $0xb8;
	[tilespmem:$0x1E400] =	vst v63  }
0x12d: {  	s31 =	simm.s32 $0x5400  }
0x12e: {  	[tilespmem:s31], [sflag:$0x1] =	stream.indirect_vreg.gather [hbm4b:s6+s3], $0x80, v3, vm0, $0xb8;
	[tilespmem:$0x1E400] =	vst v63  }
0x12f: {  	s10 =	simm.s32 $0x5C00  }
0x130: {  	[tilespmem:s10], [sflag:$0x1] =	stream.indirect_vreg.gather [hbm4b:s7+s3], $0x80, v3, vm0, $0xb8;
	[tilespmem:$0x1E400] =	vst v63  }
0x131: {  	_ =	swait.ge [sflag:s15], $0x6000  }
0x132: {  	[sflag:s15] =	ssyncset.done $0x0  }
0x133: {  	s11 =	simm.s32 $0xC400;
	s2 =	rddreg [dreg:$0x6];
	[sflag:s15] =	ssyncadd.s32 $0xFFFFA000  }
0x134: {  	[hbm4b:s2+s3] =	stream.linear.scatter [tilespmem:s11], [sflag:$0x8], $0x6000, $0x38;
	[tilespmem:$0x1E400] =	vst v63  }
0x135: {  	_ =	swait.ge [sflag:s16], $0x6000  }
0x136: {  	[sflag:s16] =	ssyncset.done $0x0  }
0x137: {  	[sflag:s16] =	ssyncadd.s32 $0xFFFFA000  }
0x138: {  	v3 =	vld [tilespmem:$0xC0];
	_ =	sdelay $0x4  }
0x139: {  	v12 =	vshrl.u32 v3, $0x3  }
0x13a: {  	v4 =	vmul.u32 $0x30, v12  }
0x13b: {  	v3 =	vand.u32 $0x7, v3  }
0x13c: {  	v3 =	vor.u32 v3, v4  }
0x13d: {  	v4 =	vperm.xlane v3, v0;
	_ =	sdelay $0x1  }
0x13e: {  	v4 =	vadd.s32 v1, v4;
	_ =	sdelay $0x3  }
0x13f: {  	v3 =	vperm.xlane v3, v2  }
0x140: {  	[tilespmem:s24], [sflag:$0x2] =	stream.indirect_vreg.gather [hbm4b:s1+s3], $0x80, v4, vm0, $0xb8;
	[tilespmem:$0x1E400] =	vst v63  }
0x141: {  	v3 =	vadd.s32 v1, v3;
	s24 =	simm.s32 $0x6C00  }
0x142: {  	[tilespmem:s24], [sflag:$0x2] =	stream.indirect_vreg.gather [hbm4b:s6+s3], $0x80, v4, vm0, $0xb8;
	[tilespmem:$0x1E400] =	vst v63  }
0x143: {  	s4 =	simm.s32 $0x7400  }
0x144: {  	[tilespmem:s4], [sflag:$0x2] =	stream.indirect_vreg.gather [hbm4b:s7+s3], $0x80, v4, vm0, $0xb8;
	[tilespmem:$0x1E400] =	vst v63  }
0x145: {  	s23 =	simm.s32 $0x7C00  }
0x146: {  	[tilespmem:s23], [sflag:$0x2] =	stream.indirect_vreg.gather [hbm4b:s1+s3], $0x80, v3, vm0, $0xb8;
	[tilespmem:$0x1E400] =	vst v63  }
0x147: {  	s2 =	simm.s32 $0x8400  }
0x148: {  	[tilespmem:s2], [sflag:$0x2] =	stream.indirect_vreg.gather [hbm4b:s6+s3], $0x80, v3, vm0, $0xb8;
	[tilespmem:$0x1E400] =	vst v63  }
0x149: {  	s4 =	simm.s32 $0x8C00  }
0x14a: {  	[tilespmem:s4], [sflag:$0x2] =	stream.indirect_vreg.gather [hbm4b:s7+s3], $0x80, v3, vm0, $0xb8;
	[tilespmem:$0x1E400] =	vst v63  }
0x14b: {  	v3 =	vld [tilespmem:$0xD0];
	_ =	sdelay $0x4  }
0x14c: {  	v13 =	vshrl.u32 v3, $0x3  }
0x14d: {  	v4 =	vmul.u32 $0x30, v13  }
0x14e: {  	v3 =	vand.u32 $0x7, v3  }
0x14f: {  	v3 =	vor.u32 v3, v4  }
0x150: {  	v4 =	vperm.xlane v3, v0;
	_ =	sdelay $0x1  }
0x151: {  	v4 =	vadd.s32 v1, v4;
	_ =	sdelay $0x3  }
0x152: {  	s23 =	simm.s32 $0x9400;
	v3 =	vperm.xlane v3, v2  }
0x153: {  	[tilespmem:s23], [sflag:$0x2] =	stream.indirect_vreg.gather [hbm4b:s1+s3], $0x80, v4, vm0, $0xb8;
	[tilespmem:$0x1E400] =	vst v63  }
0x154: {  	s2 =	simm.s32 $0x9C00;
	v3 =	vadd.s32 v1, v3  }
0x155: {  	[tilespmem:s2], [sflag:$0x2] =	stream.indirect_vreg.gather [hbm4b:s6+s3], $0x80, v4, vm0, $0xb8;
	[tilespmem:$0x1E400] =	vst v63  }
0x156: {  	s4 =	simm.s32 $0xA400  }
0x157: {  	[tilespmem:s4], [sflag:$0x2] =	stream.indirect_vreg.gather [hbm4b:s7+s3], $0x80, v4, vm0, $0xb8;
	[tilespmem:$0x1E400] =	vst v63  }
0x158: {  	s23 =	simm.s32 $0xAC00  }
0x159: {  	[tilespmem:s23], [sflag:$0x2] =	stream.indirect_vreg.gather [hbm4b:s1+s3], $0x80, v3, vm0, $0xb8;
	[tilespmem:$0x1E400] =	vst v63  }
0x15a: {  	s2 =	simm.s32 $0xB400  }
0x15b: {  	[tilespmem:s2], [sflag:$0x2] =	stream.indirect_vreg.gather [hbm4b:s6+s3], $0x80, v3, vm0, $0xb8;
	[tilespmem:$0x1E400] =	vst v63  }
0x15c: {  	s25 =	simm.s32 $0xBC00  }
0x15d: {  	[tilespmem:s25], [sflag:$0x2] =	stream.indirect_vreg.gather [hbm4b:s7+s3], $0x80, v3, vm0, $0xb8;
	[tilespmem:$0x1E400] =	vst v63  }
0x15e: {  	_ =	swait.ge [sflag:s17], $0x6000  }
0x15f: {  	[sflag:s17] =	ssyncset.done $0x0  }
0x160: {  	s2 =	simm.s32 $0x12400;
	s4 =	rddreg [dreg:$0x7];
	[sflag:s17] =	ssyncadd.s32 $0xFFFFA000  }
0x161: {  	[hbm4b:s4+s3] =	stream.linear.scatter [tilespmem:s2], [sflag:$0x9], $0x6000, $0x38;
	[tilespmem:$0x1E400] =	vst v63  }
0x162: {  	_ =	swait.ge [sflag:s18], $0x6000  }
0x163: {  	[sflag:s18] =	ssyncset.done $0x0  }
0x164: {  	[sflag:s18] =	ssyncadd.s32 $0xFFFFA000  }
0x165: {  	v3 =	vld [tilespmem:$0xE0];
	_ =	sdelay $0x4  }
0x166: {  	v14 =	vshrl.u32 v3, $0x3  }
0x167: {  	v4 =	vmul.u32 $0x30, v14  }
0x168: {  	v3 =	vand.u32 $0x7, v3  }
0x169: {  	v3 =	vor.u32 v3, v4  }
0x16a: {  	v4 =	vperm.xlane v3, v0;
	_ =	sdelay $0x1  }
0x16b: {  	v4 =	vadd.s32 v1, v4;
	_ =	sdelay $0x3  }
0x16c: {  	v3 =	vperm.xlane v3, v2  }
0x16d: {  	[tilespmem:s11], [sflag:$0x3] =	stream.indirect_vreg.gather [hbm4b:s1+s3], $0x80, v4, vm0, $0xb8;
	[tilespmem:$0x1E400] =	vst v63  }
0x16e: {  	v3 =	vadd.s32 v1, v3;
	s11 =	simm.s32 $0xCC00  }
0x16f: {  	[tilespmem:s11], [sflag:$0x3] =	stream.indirect_vreg.gather [hbm4b:s6+s3], $0x80, v4, vm0, $0xb8;
	[tilespmem:$0x1E400] =	vst v63  }
0x170: {  	s23 =	simm.s32 $0xD400  }
0x171: {  	[tilespmem:s23], [sflag:$0x3] =	stream.indirect_vreg.gather [hbm4b:s7+s3], $0x80, v4, vm0, $0xb8;
	[tilespmem:$0x1E400] =	vst v63  }
0x172: {  	s25 =	simm.s32 $0xDC00  }
0x173: {  	[tilespmem:s25], [sflag:$0x3] =	stream.indirect_vreg.gather [hbm4b:s1+s3], $0x80, v3, vm0, $0xb8;
	[tilespmem:$0x1E400] =	vst v63  }
0x174: {  	s4 =	simm.s32 $0xE400  }
0x175: {  	[tilespmem:s4], [sflag:$0x3] =	stream.indirect_vreg.gather [hbm4b:s6+s3], $0x80, v3, vm0, $0xb8;
	[tilespmem:$0x1E400] =	vst v63  }
0x176: {  	s12 =	simm.s32 $0xEC00  }
0x177: {  	[tilespmem:s12], [sflag:$0x3] =	stream.indirect_vreg.gather [hbm4b:s7+s3], $0x80, v3, vm0, $0xb8;
	[tilespmem:$0x1E400] =	vst v63  }
0x178: {  	v3 =	vld [tilespmem:$0xF0];
	_ =	sdelay $0x4  }
0x179: {  	v15 =	vshrl.u32 v3, $0x3  }
0x17a: {  	v4 =	vmul.u32 $0x30, v15  }
0x17b: {  	v3 =	vand.u32 $0x7, v3  }
0x17c: {  	v3 =	vor.u32 v3, v4  }
0x17d: {  	v4 =	vperm.xlane v3, v0;
	_ =	sdelay $0x1  }
0x17e: {  	v4 =	vadd.s32 v1, v4;
	_ =	sdelay $0x3  }
0x17f: {  	s22 =	simm.s32 $0xF400;
	v3 =	vperm.xlane v3, v2  }
0x180: {  	[tilespmem:s22], [sflag:$0x3] =	stream.indirect_vreg.gather [hbm4b:s1+s3], $0x80, v4, vm0, $0xb8;
	[tilespmem:$0x1E400] =	vst v63  }
0x181: {  	s11 =	simm.s32 $0xFC00;
	v3 =	vadd.s32 v1, v3  }
0x182: {  	[tilespmem:s11], [sflag:$0x3] =	stream.indirect_vreg.gather [hbm4b:s6+s3], $0x80, v4, vm0, $0xb8;
	[tilespmem:$0x1E400] =	vst v63  }
0x183: {  	s12 =	simm.s32 $0x10400  }
0x184: {  	[tilespmem:s12], [sflag:$0x3] =	stream.indirect_vreg.gather [hbm4b:s7+s3], $0x80, v4, vm0, $0xb8;
	[tilespmem:$0x1E400] =	vst v63  }
0x185: {  	s22 =	simm.s32 $0x10C00  }
0x186: {  	[tilespmem:s22], [sflag:$0x3] =	stream.indirect_vreg.gather [hbm4b:s1+s3], $0x80, v3, vm0, $0xb8;
	[tilespmem:$0x1E400] =	vst v63  }
0x187: {  	s23 =	simm.s32 $0x11400  }
0x188: {  	[tilespmem:s23], [sflag:$0x3] =	stream.indirect_vreg.gather [hbm4b:s6+s3], $0x80, v3, vm0, $0xb8;
	[tilespmem:$0x1E400] =	vst v63  }
0x189: {  	s25 =	simm.s32 $0x11C00  }
0x18a: {  	[tilespmem:s25], [sflag:$0x3] =	stream.indirect_vreg.gather [hbm4b:s7+s3], $0x80, v3, vm0, $0xb8;
	[tilespmem:$0x1E400] =	vst v63  }
0x18b: {  	_ =	swait.ge [sflag:s19], $0x6000  }
0x18c: {  	[sflag:s19] =	ssyncset.done $0x0  }
0x18d: {  	s11 =	simm.s32 $0x18400;
	s4 =	rddreg [dreg:$0x8];
	[sflag:s19] =	ssyncadd.s32 $0xFFFFA000  }
0x18e: {  	[hbm4b:s4+s3] =	stream.linear.scatter [tilespmem:s11], [sflag:$0xA], $0x6000, $0x38;
	[tilespmem:$0x1E400] =	vst v63  }
0x18f: {  	_ =	swait.ge [sflag:s20], $0x6000  }
0x190: {  	[sflag:s20] =	ssyncset.done $0x0  }
0x191: {  	[sflag:s20] =	ssyncadd.s32 $0xFFFFA000  }
0x192: {  	v3 =	vld [tilespmem:$0x100];
	_ =	sdelay $0x4  }
0x193: {  	v16 =	vshrl.u32 v3, $0x3  }
0x194: {  	v4 =	vmul.u32 $0x30, v16  }
0x195: {  	v3 =	vand.u32 $0x7, v3  }
0x196: {  	v3 =	vor.u32 v3, v4  }
0x197: {  	v4 =	vperm.xlane v3, v0;
	_ =	sdelay $0x1  }
0x198: {  	v4 =	vadd.s32 v1, v4;
	_ =	sdelay $0x3  }
0x199: {  	v3 =	vperm.xlane v3, v2  }
0x19a: {  	[tilespmem:s2], [sflag:$0x4] =	stream.indirect_vreg.gather [hbm4b:s1+s3], $0x80, v4, vm0, $0xb8;
	[tilespmem:$0x1E400] =	vst v63  }
0x19b: {  	s12 =	simm.s32 $0x12C00;
	v3 =	vadd.s32 v1, v3  }
0x19c: {  	[tilespmem:s12], [sflag:$0x4] =	stream.indirect_vreg.gather [hbm4b:s6+s3], $0x80, v4, vm0, $0xb8;
	[tilespmem:$0x1E400] =	vst v63  }
0x19d: {  	s22 =	simm.s32 $0x13400  }
0x19e: {  	[tilespmem:s22], [sflag:$0x4] =	stream.indirect_vreg.gather [hbm4b:s7+s3], $0x80, v4, vm0, $0xb8;
	[tilespmem:$0x1E400] =	vst v63  }
0x19f: {  	s23 =	simm.s32 $0x13C00  }
0x1a0: {  	[tilespmem:s23], [sflag:$0x4] =	stream.indirect_vreg.gather [hbm4b:s1+s3], $0x80, v3, vm0, $0xb8;
	[tilespmem:$0x1E400] =	vst v63  }
0x1a1: {  	s25 =	simm.s32 $0x14400  }
0x1a2: {  	[tilespmem:s25], [sflag:$0x4] =	stream.indirect_vreg.gather [hbm4b:s6+s3], $0x80, v3, vm0, $0xb8;
	[tilespmem:$0x1E400] =	vst v63  }
0x1a3: {  	s2 =	simm.s32 $0x14C00  }
0x1a4: {  	[tilespmem:s2], [sflag:$0x4] =	stream.indirect_vreg.gather [hbm4b:s7+s3], $0x80, v3, vm0, $0xb8;
	[tilespmem:$0x1E400] =	vst v63  }
0x1a5: {  	v3 =	vld [tilespmem:$0x110];
	_ =	sdelay $0x4  }
0x1a6: {  	v17 =	vshrl.u32 v3, $0x3  }
0x1a7: {  	v4 =	vmul.u32 $0x30, v17  }
0x1a8: {  	v3 =	vand.u32 $0x7, v3  }
0x1a9: {  	v3 =	vor.u32 v3, v4  }
0x1aa: {  	v4 =	vperm.xlane v3, v0;
	_ =	sdelay $0x1  }
0x1ab: {  	v4 =	vadd.s32 v1, v4;
	_ =	sdelay $0x3  }
0x1ac: {  	s4 =	simm.s32 $0x15400;
	v3 =	vperm.xlane v3, v2  }
0x1ad: {  	[tilespmem:s4], [sflag:$0x4] =	stream.indirect_vreg.gather [hbm4b:s1+s3], $0x80, v4, vm0, $0xb8;
	[tilespmem:$0x1E400] =	vst v63  }
0x1ae: {  	s12 =	simm.s32 $0x15C00;
	v3 =	vadd.s32 v1, v3  }
0x1af: {  	[tilespmem:s12], [sflag:$0x4] =	stream.indirect_vreg.gather [hbm4b:s6+s3], $0x80, v4, vm0, $0xb8;
	[tilespmem:$0x1E400] =	vst v63  }
0x1b0: {  	s22 =	simm.s32 $0x16400  }
0x1b1: {  	[tilespmem:s22], [sflag:$0x4] =	stream.indirect_vreg.gather [hbm4b:s7+s3], $0x80, v4, vm0, $0xb8;
	[tilespmem:$0x1E400] =	vst v63  }
0x1b2: {  	s23 =	simm.s32 $0x16C00  }
0x1b3: {  	[tilespmem:s23], [sflag:$0x4] =	stream.indirect_vreg.gather [hbm4b:s1+s3], $0x80, v3, vm0, $0xb8;
	[tilespmem:$0x1E400] =	vst v63  }
0x1b4: {  	s25 =	simm.s32 $0x17400  }
0x1b5: {  	[tilespmem:s25], [sflag:$0x4] =	stream.indirect_vreg.gather [hbm4b:s6+s3], $0x80, v3, vm0, $0xb8;
	[tilespmem:$0x1E400] =	vst v63  }
0x1b6: {  	s2 =	simm.s32 $0x17C00  }
0x1b7: {  	[tilespmem:s2], [sflag:$0x4] =	stream.indirect_vreg.gather [hbm4b:s7+s3], $0x80, v3, vm0, $0xb8;
	[tilespmem:$0x1E400] =	vst v63  }
0x1b8: {  	_ =	swait.ge [sflag:s5], $0x6000  }
0x1b9: {  	[sflag:s5] =	ssyncset.done $0x0  }
0x1ba: {  	s0 =	simm.s32 $0x400;
	s4 =	rddreg [dreg:$0x9];
	[sflag:s5] =	ssyncadd.s32 $0xFFFFA000  }
0x1bb: {  	[hbm4b:s4+s3] =	stream.linear.scatter [tilespmem:s0], [sflag:$0x6], $0x6000, $0x38;
	[tilespmem:$0x1E400] =	vst v63  }
0x1bc: {  	_ =	swait.ge [sflag:s21], $0x6000  }
0x1bd: {  	[sflag:s21] =	ssyncset.done $0x0  }
0x1be: {  	[sflag:s21] =	ssyncadd.s32 $0xFFFFA000  }
0x1bf: {  	v3 =	vld [tilespmem:$0x120];
	_ =	sdelay $0x4  }
0x1c0: {  	v18 =	vshrl.u32 v3, $0x3  }
0x1c1: {  	v4 =	vmul.u32 $0x30, v18  }
0x1c2: {  	v3 =	vand.u32 $0x7, v3  }
0x1c3: {  	v3 =	vor.u32 v3, v4  }
0x1c4: {  	v4 =	vperm.xlane v3, v0;
	_ =	sdelay $0x1  }
0x1c5: {  	v4 =	vadd.s32 v1, v4;
	_ =	sdelay $0x3  }
0x1c6: {  	v3 =	vperm.xlane v3, v2  }
0x1c7: {  	[tilespmem:s11], [sflag:$0x5] =	stream.indirect_vreg.gather [hbm4b:s1+s3], $0x80, v4, vm0, $0xb8;
	[tilespmem:$0x1E400] =	vst v63  }
0x1c8: {  	s25 =	simm.s32 $0x18C00;
	v3 =	vadd.s32 v1, v3  }
0x1c9: {  	[tilespmem:s25], [sflag:$0x5] =	stream.indirect_vreg.gather [hbm4b:s6+s3], $0x80, v4, vm0, $0xb8;
	[tilespmem:$0x1E400] =	vst v63  }
0x1ca: {  	s12 =	simm.s32 $0x19400  }
0x1cb: {  	[tilespmem:s12], [sflag:$0x5] =	stream.indirect_vreg.gather [hbm4b:s7+s3], $0x80, v4, vm0, $0xb8;
	[tilespmem:$0x1E400] =	vst v63  }
0x1cc: {  	s11 =	simm.s32 $0x19C00  }
0x1cd: {  	[tilespmem:s11], [sflag:$0x5] =	stream.indirect_vreg.gather [hbm4b:s1+s3], $0x80, v3, vm0, $0xb8;
	[tilespmem:$0x1E400] =	vst v63  }
0x1ce: {  	s12 =	simm.s32 $0x1A400  }
0x1cf: {  	[tilespmem:s12], [sflag:$0x5] =	stream.indirect_vreg.gather [hbm4b:s6+s3], $0x80, v3, vm0, $0xb8;
	[tilespmem:$0x1E400] =	vst v63  }
0x1d0: {  	s22 =	simm.s32 $0x1AC00  }
0x1d1: {  	[tilespmem:s22], [sflag:$0x5] =	stream.indirect_vreg.gather [hbm4b:s7+s3], $0x80, v3, vm0, $0xb8;
	[tilespmem:$0x1E400] =	vst v63  }
0x1d2: {  	v3 =	vld [tilespmem:$0x130];
	_ =	sdelay $0x4  }
0x1d3: {  	v19 =	vshrl.u32 v3, $0x3  }
0x1d4: {  	v4 =	vmul.u32 $0x30, v19  }
0x1d5: {  	v3 =	vand.u32 $0x7, v3  }
0x1d6: {  	v3 =	vor.u32 v3, v4  }
0x1d7: {  	v4 =	vperm.xlane v3, v0;
	_ =	sdelay $0x1  }
0x1d8: {  	v4 =	vadd.s32 v1, v4;
	_ =	sdelay $0x3  }
0x1d9: {  	s23 =	simm.s32 $0x1B400;
	v3 =	vperm.xlane v3, v2  }
0x1da: {  	[tilespmem:s23], [sflag:$0x5] =	stream.indirect_vreg.gather [hbm4b:s1+s3], $0x80, v4, vm0, $0xb8;
	[tilespmem:$0x1E400] =	vst v63  }
0x1db: {  	s22 =	simm.s32 $0x1BC00;
	v3 =	vadd.s32 v1, v3  }
0x1dc: {  	[tilespmem:s22], [sflag:$0x5] =	stream.indirect_vreg.gather [hbm4b:s6+s3], $0x80, v4, vm0, $0xb8;
	[tilespmem:$0x1E400] =	vst v63  }
0x1dd: {  	s4 =	simm.s32 $0x1C400  }
0x1de: {  	[tilespmem:s4], [sflag:$0x5] =	stream.indirect_vreg.gather [hbm4b:s7+s3], $0x80, v4, vm0, $0xb8;
	[tilespmem:$0x1E400] =	vst v63  }
0x1df: {  	s23 =	simm.s32 $0x1CC00  }
0x1e0: {  	[tilespmem:s23], [sflag:$0x5] =	stream.indirect_vreg.gather [hbm4b:s1+s3], $0x80, v3, vm0, $0xb8;
	[tilespmem:$0x1E400] =	vst v63  }
0x1e1: {  	s4 =	simm.s32 $0x1D400  }
0x1e2: {  	[tilespmem:s4], [sflag:$0x5] =	stream.indirect_vreg.gather [hbm4b:s6+s3], $0x80, v3, vm0, $0xb8;
	[tilespmem:$0x1E400] =	vst v63  }
0x1e3: {  	s23 =	simm.s32 $0x1DC00  }
0x1e4: {  	[tilespmem:s23], [sflag:$0x5] =	stream.indirect_vreg.gather [hbm4b:s7+s3], $0x80, v3, vm0, $0xb8;
	[tilespmem:$0x1E400] =	vst v63  }
0x1e5: {  	_ =	swait.ge [sflag:s13], $0x6000  }
0x1e6: {  	[sflag:s13] =	ssyncset.done $0x0  }
0x1e7: {  	s2 =	simm.s32 $0x6400;
	s4 =	rddreg [dreg:$0xa];
	[sflag:s13] =	ssyncadd.s32 $0xFFFFA000  }
0x1e8: {  	[hbm4b:s4+s3] =	stream.linear.scatter [tilespmem:s2], [sflag:$0x7], $0x6000, $0x38;
	[tilespmem:$0x1E400] =	vst v63  }
0x1e9: {  	_ =	swait.ge [sflag:s14], $0x6000  }
0x1ea: {  	[sflag:s14] =	ssyncset.done $0x0  }
0x1eb: {  	[sflag:s14] =	ssyncadd.s32 $0xFFFFA000  }
0x1ec: {  	v3 =	vld [tilespmem:$0x140];
	_ =	sdelay $0x4  }
0x1ed: {  	v20 =	vshrl.u32 v3, $0x3  }
0x1ee: {  	v4 =	vmul.u32 $0x30, v20  }
0x1ef: {  	v3 =	vand.u32 $0x7, v3  }
0x1f0: {  	v3 =	vor.u32 v3, v4  }
0x1f1: {  	v4 =	vperm.xlane v3, v0;
	_ =	sdelay $0x1  }
0x1f2: {  	v4 =	vadd.s32 v1, v4;
	_ =	sdelay $0x3  }
0x1f3: {  	v3 =	vperm.xlane v3, v2  }
0x1f4: {  	[tilespmem:s0], [sflag:$0x1] =	stream.indirect_vreg.gather [hbm4b:s1+s3], $0x80, v4, vm0, $0xb8;
	[tilespmem:$0x1E400] =	vst v63  }
0x1f5: {  	v3 =	vadd.s32 v1, v3  }
0x1f6: {  	[tilespmem:s8], [sflag:$0x1] =	stream.indirect_vreg.gather [hbm4b:s6+s3], $0x80, v4, vm0, $0xb8;
	[tilespmem:$0x1E400] =	vst v63  }
0x1f7: {  	_ = 	snop  }
0x1f8: {  	[tilespmem:s26], [sflag:$0x1] =	stream.indirect_vreg.gather [hbm4b:s7+s3], $0x80, v4, vm0, $0xb8;
	[tilespmem:$0x1E400] =	vst v63  }
0x1f9: {  	_ = 	snop  }
0x1fa: {  	[tilespmem:s28], [sflag:$0x1] =	stream.indirect_vreg.gather [hbm4b:s1+s3], $0x80, v3, vm0, $0xb8;
	[tilespmem:$0x1E400] =	vst v63  }
0x1fb: {  	_ = 	snop  }
0x1fc: {  	[tilespmem:s29], [sflag:$0x1] =	stream.indirect_vreg.gather [hbm4b:s6+s3], $0x80, v3, vm0, $0xb8;
	[tilespmem:$0x1E400] =	vst v63  }
0x1fd: {  	s4 =	simm.s32 $0x2C00  }
0x1fe: {  	[tilespmem:s4], [sflag:$0x1] =	stream.indirect_vreg.gather [hbm4b:s7+s3], $0x80, v3, vm0, $0xb8;
	[tilespmem:$0x1E400] =	vst v63  }
0x1ff: {  	v3 =	vld [tilespmem:$0x150];
	_ =	sdelay $0x4  }
0x200: {  	v21 =	vshrl.u32 v3, $0x3  }
0x201: {  	v4 =	vmul.u32 $0x30, v21  }
0x202: {  	v3 =	vand.u32 $0x7, v3  }
0x203: {  	v3 =	vor.u32 v3, v4  }
0x204: {  	v4 =	vperm.xlane v3, v0;
	_ =	sdelay $0x1  }
0x205: {  	v4 =	vadd.s32 v1, v4;
	_ =	sdelay $0x3  }
0x206: {  	s29 =	simm.s32 $0x3400;
	v3 =	vperm.xlane v3, v2  }
0x207: {  	[tilespmem:s29], [sflag:$0x1] =	stream.indirect_vreg.gather [hbm4b:s1+s3], $0x80, v4, vm0, $0xb8;
	[tilespmem:$0x1E400] =	vst v63  }
0x208: {  	v3 =	vadd.s32 v1, v3  }
0x209: {  	[tilespmem:s30], [sflag:$0x1] =	stream.indirect_vreg.gather [hbm4b:s6+s3], $0x80, v4, vm0, $0xb8;
	[tilespmem:$0x1E400] =	vst v63  }
0x20a: {  	s30 =	simm.s32 $0x4400  }
0x20b: {  	[tilespmem:s30], [sflag:$0x1] =	stream.indirect_vreg.gather [hbm4b:s7+s3], $0x80, v4, vm0, $0xb8;
	[tilespmem:$0x1E400] =	vst v63  }
0x20c: {  	_ = 	snop  }
0x20d: {  	[tilespmem:s9], [sflag:$0x1] =	stream.indirect_vreg.gather [hbm4b:s1+s3], $0x80, v3, vm0, $0xb8;
	[tilespmem:$0x1E400] =	vst v63  }
0x20e: {  	_ = 	snop  }
0x20f: {  	[tilespmem:s31], [sflag:$0x1] =	stream.indirect_vreg.gather [hbm4b:s6+s3], $0x80, v3, vm0, $0xb8;
	[tilespmem:$0x1E400] =	vst v63  }
0x210: {  	_ = 	snop  }
0x211: {  	[tilespmem:s10], [sflag:$0x1] =	stream.indirect_vreg.gather [hbm4b:s7+s3], $0x80, v3, vm0, $0xb8;
	[tilespmem:$0x1E400] =	vst v63  }
0x212: {  	_ =	swait.ge [sflag:s15], $0x6000  }
0x213: {  	[sflag:s15] =	ssyncset.done $0x0  }
0x214: {  	s9 =	simm.s32 $0xC400;
	s8 =	rddreg [dreg:$0xb];
	[sflag:s15] =	ssyncadd.s32 $0xFFFFA000  }
0x215: {  	[hbm4b:s8+s3] =	stream.linear.scatter [tilespmem:s9], [sflag:$0x8], $0x6000, $0x38;
	[tilespmem:$0x1E400] =	vst v63  }
0x216: {  	_ =	swait.ge [sflag:s16], $0x6000  }
0x217: {  	[sflag:s16] =	ssyncset.done $0x0  }
0x218: {  	[sflag:s16] =	ssyncadd.s32 $0xFFFFA000  }
0x219: {  	v3 =	vld [tilespmem:$0x160];
	_ =	sdelay $0x4  }
0x21a: {  	v22 =	vshrl.u32 v3, $0x3  }
0x21b: {  	v4 =	vmul.u32 $0x30, v22  }
0x21c: {  	v3 =	vand.u32 $0x7, v3  }
0x21d: {  	v3 =	vor.u32 v3, v4  }
0x21e: {  	v4 =	vperm.xlane v3, v0;
	_ =	sdelay $0x1  }
0x21f: {  	v4 =	vadd.s32 v1, v4;
	_ =	sdelay $0x3  }
0x220: {  	v3 =	vperm.xlane v3, v2  }
0x221: {  	[tilespmem:s2], [sflag:$0x2] =	stream.indirect_vreg.gather [hbm4b:s1+s3], $0x80, v4, vm0, $0xb8;
	[tilespmem:$0x1E400] =	vst v63  }
0x222: {  	v3 =	vadd.s32 v1, v3  }
0x223: {  	[tilespmem:s24], [sflag:$0x2] =	stream.indirect_vreg.gather [hbm4b:s6+s3], $0x80, v4, vm0, $0xb8;
	[tilespmem:$0x1E400] =	vst v63  }
0x224: {  	s8 =	simm.s32 $0x7400  }
0x225: {  	[tilespmem:s8], [sflag:$0x2] =	stream.indirect_vreg.gather [hbm4b:s7+s3], $0x80, v4, vm0, $0xb8;
	[tilespmem:$0x1E400] =	vst v63  }
0x226: {  	s29 =	simm.s32 $0x7C00  }
0x227: {  	[tilespmem:s29], [sflag:$0x2] =	stream.indirect_vreg.gather [hbm4b:s1+s3], $0x80, v3, vm0, $0xb8;
	[tilespmem:$0x1E400] =	vst v63  }
0x228: {  	s10 =	simm.s32 $0x8400  }
0x229: {  	[tilespmem:s10], [sflag:$0x2] =	stream.indirect_vreg.gather [hbm4b:s6+s3], $0x80, v3, vm0, $0xb8;
	[tilespmem:$0x1E400] =	vst v63  }
0x22a: {  	s30 =	simm.s32 $0x8C00  }
0x22b: {  	[tilespmem:s30], [sflag:$0x2] =	stream.indirect_vreg.gather [hbm4b:s7+s3], $0x80, v3, vm0, $0xb8;
	[tilespmem:$0x1E400] =	vst v63  }
0x22c: {  	v3 =	vld [tilespmem:$0x170];
	_ =	sdelay $0x4  }
0x22d: {  	v23 =	vshrl.u32 v3, $0x3  }
0x22e: {  	v4 =	vmul.u32 $0x30, v23  }
0x22f: {  	v3 =	vand.u32 $0x7, v3  }
0x230: {  	v3 =	vor.u32 v3, v4  }
0x231: {  	v4 =	vperm.xlane v3, v0;
	_ =	sdelay $0x1  }
0x232: {  	v4 =	vadd.s32 v1, v4;
	_ =	sdelay $0x3  }
0x233: {  	s31 =	simm.s32 $0x9400;
	v3 =	vperm.xlane v3, v2  }
0x234: {  	[tilespmem:s31], [sflag:$0x2] =	stream.indirect_vreg.gather [hbm4b:s1+s3], $0x80, v4, vm0, $0xb8;
	[tilespmem:$0x1E400] =	vst v63  }
0x235: {  	s26 =	simm.s32 $0x9C00;
	v3 =	vadd.s32 v1, v3  }
0x236: {  	[tilespmem:s26], [sflag:$0x2] =	stream.indirect_vreg.gather [hbm4b:s6+s3], $0x80, v4, vm0, $0xb8;
	[tilespmem:$0x1E400] =	vst v63  }
0x237: {  	s28 =	simm.s32 $0xA400  }
0x238: {  	[tilespmem:s28], [sflag:$0x2] =	stream.indirect_vreg.gather [hbm4b:s7+s3], $0x80, v4, vm0, $0xb8;
	[tilespmem:$0x1E400] =	vst v63  }
0x239: {  	s29 =	simm.s32 $0xAC00  }
0x23a: {  	[tilespmem:s29], [sflag:$0x2] =	stream.indirect_vreg.gather [hbm4b:s1+s3], $0x80, v3, vm0, $0xb8;
	[tilespmem:$0x1E400] =	vst v63  }
0x23b: {  	s30 =	simm.s32 $0xB400  }
0x23c: {  	[tilespmem:s30], [sflag:$0x2] =	stream.indirect_vreg.gather [hbm4b:s6+s3], $0x80, v3, vm0, $0xb8;
	[tilespmem:$0x1E400] =	vst v63  }
0x23d: {  	s31 =	simm.s32 $0xBC00  }
0x23e: {  	[tilespmem:s31], [sflag:$0x2] =	stream.indirect_vreg.gather [hbm4b:s7+s3], $0x80, v3, vm0, $0xb8;
	[tilespmem:$0x1E400] =	vst v63  }
0x23f: {  	_ =	swait.ge [sflag:s17], $0x6000  }
0x240: {  	[sflag:s17] =	ssyncset.done $0x0  }
0x241: {  	s24 =	simm.s32 $0x12400;
	s2 =	rddreg [dreg:$0xc];
	[sflag:s17] =	ssyncadd.s32 $0xFFFFA000  }
0x242: {  	[hbm4b:s2+s3] =	stream.linear.scatter [tilespmem:s24], [sflag:$0x9], $0x6000, $0x38;
	[tilespmem:$0x1E400] =	vst v63  }
0x243: {  	_ =	swait.ge [sflag:s18], $0x6000  }
0x244: {  	[sflag:s18] =	ssyncset.done $0x0  }
0x245: {  	[sflag:s18] =	ssyncadd.s32 $0xFFFFA000  }
0x246: {  	v3 =	vld [tilespmem:$0x180];
	_ =	sdelay $0x4  }
0x247: {  	v24 =	vshrl.u32 v3, $0x3  }
0x248: {  	v4 =	vmul.u32 $0x30, v24  }
0x249: {  	v3 =	vand.u32 $0x7, v3  }
0x24a: {  	v3 =	vor.u32 v3, v4  }
0x24b: {  	v4 =	vperm.xlane v3, v0;
	_ =	sdelay $0x1  }
0x24c: {  	v4 =	vadd.s32 v1, v4;
	_ =	sdelay $0x3  }
0x24d: {  	v3 =	vperm.xlane v3, v2  }
0x24e: {  	[tilespmem:s9], [sflag:$0x3] =	stream.indirect_vreg.gather [hbm4b:s1+s3], $0x80, v4, vm0, $0xb8;
	[tilespmem:$0x1E400] =	vst v63  }
0x24f: {  	v3 =	vadd.s32 v1, v3;
	s9 =	simm.s32 $0xCC00  }
0x250: {  	[tilespmem:s9], [sflag:$0x3] =	stream.indirect_vreg.gather [hbm4b:s6+s3], $0x80, v4, vm0, $0xb8;
	[tilespmem:$0x1E400] =	vst v63  }
0x251: {  	s23 =	simm.s32 $0xD400  }
0x252: {  	[tilespmem:s23], [sflag:$0x3] =	stream.indirect_vreg.gather [hbm4b:s7+s3], $0x80, v4, vm0, $0xb8;
	[tilespmem:$0x1E400] =	vst v63  }
0x253: {  	s2 =	simm.s32 $0xDC00  }
0x254: {  	[tilespmem:s2], [sflag:$0x3] =	stream.indirect_vreg.gather [hbm4b:s1+s3], $0x80, v3, vm0, $0xb8;
	[tilespmem:$0x1E400] =	vst v63  }
0x255: {  	s9 =	simm.s32 $0xE400  }
0x256: {  	[tilespmem:s9], [sflag:$0x3] =	stream.indirect_vreg.gather [hbm4b:s6+s3], $0x80, v3, vm0, $0xb8;
	[tilespmem:$0x1E400] =	vst v63  }
0x257: {  	s23 =	simm.s32 $0xEC00  }
0x258: {  	[tilespmem:s23], [sflag:$0x3] =	stream.indirect_vreg.gather [hbm4b:s7+s3], $0x80, v3, vm0, $0xb8;
	[tilespmem:$0x1E400] =	vst v63  }
0x259: {  	v3 =	vld [tilespmem:$0x190];
	_ =	sdelay $0x4  }
0x25a: {  	v25 =	vshrl.u32 v3, $0x3  }
0x25b: {  	v4 =	vmul.u32 $0x30, v25  }
0x25c: {  	v3 =	vand.u32 $0x7, v3  }
0x25d: {  	v3 =	vor.u32 v3, v4  }
0x25e: {  	v4 =	vperm.xlane v3, v0;
	_ =	sdelay $0x1  }
0x25f: {  	v4 =	vadd.s32 v1, v4;
	_ =	sdelay $0x3  }
0x260: {  	s2 =	simm.s32 $0xF400;
	v3 =	vperm.xlane v3, v2  }
0x261: {  	[tilespmem:s2], [sflag:$0x3] =	stream.indirect_vreg.gather [hbm4b:s1+s3], $0x80, v4, vm0, $0xb8;
	[tilespmem:$0x1E400] =	vst v63  }
0x262: {  	s9 =	simm.s32 $0xFC00;
	v3 =	vadd.s32 v1, v3  }
0x263: {  	[tilespmem:s9], [sflag:$0x3] =	stream.indirect_vreg.gather [hbm4b:s6+s3], $0x80, v4, vm0, $0xb8;
	[tilespmem:$0x1E400] =	vst v63  }
0x264: {  	s23 =	simm.s32 $0x10400  }
0x265: {  	[tilespmem:s23], [sflag:$0x3] =	stream.indirect_vreg.gather [hbm4b:s7+s3], $0x80, v4, vm0, $0xb8;
	[tilespmem:$0x1E400] =	vst v63  }
0x266: {  	s2 =	simm.s32 $0x10C00  }
0x267: {  	[tilespmem:s2], [sflag:$0x3] =	stream.indirect_vreg.gather [hbm4b:s1+s3], $0x80, v3, vm0, $0xb8;
	[tilespmem:$0x1E400] =	vst v63  }
0x268: {  	s9 =	simm.s32 $0x11400  }
0x269: {  	[tilespmem:s9], [sflag:$0x3] =	stream.indirect_vreg.gather [hbm4b:s6+s3], $0x80, v3, vm0, $0xb8;
	[tilespmem:$0x1E400] =	vst v63  }
0x26a: {  	s23 =	simm.s32 $0x11C00  }
0x26b: {  	[tilespmem:s23], [sflag:$0x3] =	stream.indirect_vreg.gather [hbm4b:s7+s3], $0x80, v3, vm0, $0xb8;
	[tilespmem:$0x1E400] =	vst v63  }
0x26c: {  	_ =	swait.ge [sflag:s19], $0x6000  }
0x26d: {  	[sflag:s19] =	ssyncset.done $0x0  }
0x26e: {  	s0 =	simm.s32 $0x18400;
	s2 =	rddreg [dreg:$0xd];
	[sflag:s19] =	ssyncadd.s32 $0xFFFFA000  }
0x26f: {  	[hbm4b:s2+s3] =	stream.linear.scatter [tilespmem:s0], [sflag:$0xA], $0x6000, $0x38;
	[tilespmem:$0x1E400] =	vst v63  }
0x270: {  	_ =	swait.ge [sflag:s20], $0x6000  }
0x271: {  	[sflag:s20] =	ssyncset.done $0x0  }
0x272: {  	[sflag:s20] =	ssyncadd.s32 $0xFFFFA000  }
0x273: {  	v3 =	vld [tilespmem:$0x1A0];
	_ =	sdelay $0x4  }
0x274: {  	v26 =	vshrl.u32 v3, $0x3  }
0x275: {  	v4 =	vmul.u32 $0x30, v26  }
0x276: {  	v3 =	vand.u32 $0x7, v3  }
0x277: {  	v3 =	vor.u32 v3, v4  }
0x278: {  	v4 =	vperm.xlane v3, v0;
	_ =	sdelay $0x1  }
0x279: {  	v4 =	vadd.s32 v1, v4;
	_ =	sdelay $0x3  }
0x27a: {  	v3 =	vperm.xlane v3, v2  }
0x27b: {  	[tilespmem:s24], [sflag:$0x4] =	stream.indirect_vreg.gather [hbm4b:s1+s3], $0x80, v4, vm0, $0xb8;
	[tilespmem:$0x1E400] =	vst v63  }
0x27c: {  	s9 =	simm.s32 $0x12C00;
	v3 =	vadd.s32 v1, v3  }
0x27d: {  	[tilespmem:s9], [sflag:$0x4] =	stream.indirect_vreg.gather [hbm4b:s6+s3], $0x80, v4, vm0, $0xb8;
	[tilespmem:$0x1E400] =	vst v63  }
0x27e: {  	s23 =	simm.s32 $0x13400  }
0x27f: {  	[tilespmem:s23], [sflag:$0x4] =	stream.indirect_vreg.gather [hbm4b:s7+s3], $0x80, v4, vm0, $0xb8;
	[tilespmem:$0x1E400] =	vst v63  }
0x280: {  	s24 =	simm.s32 $0x13C00  }
0x281: {  	[tilespmem:s24], [sflag:$0x4] =	stream.indirect_vreg.gather [hbm4b:s1+s3], $0x80, v3, vm0, $0xb8;
	[tilespmem:$0x1E400] =	vst v63  }
0x282: {  	s9 =	simm.s32 $0x14400  }
0x283: {  	[tilespmem:s9], [sflag:$0x4] =	stream.indirect_vreg.gather [hbm4b:s6+s3], $0x80, v3, vm0, $0xb8;
	[tilespmem:$0x1E400] =	vst v63  }
0x284: {  	s23 =	simm.s32 $0x14C00  }
0x285: {  	[tilespmem:s23], [sflag:$0x4] =	stream.indirect_vreg.gather [hbm4b:s7+s3], $0x80, v3, vm0, $0xb8;
	[tilespmem:$0x1E400] =	vst v63  }
0x286: {  	v3 =	vld [tilespmem:$0x1B0];
	_ =	sdelay $0x4  }
0x287: {  	v27 =	vshrl.u32 v3, $0x3  }
0x288: {  	v4 =	vmul.u32 $0x30, v27  }
0x289: {  	v3 =	vand.u32 $0x7, v3  }
0x28a: {  	v3 =	vor.u32 v3, v4  }
0x28b: {  	v4 =	vperm.xlane v3, v0;
	_ =	sdelay $0x1  }
0x28c: {  	v4 =	vadd.s32 v1, v4;
	_ =	sdelay $0x3  }
0x28d: {  	s24 =	simm.s32 $0x15400;
	v3 =	vperm.xlane v3, v2  }
0x28e: {  	[tilespmem:s24], [sflag:$0x4] =	stream.indirect_vreg.gather [hbm4b:s1+s3], $0x80, v4, vm0, $0xb8;
	[tilespmem:$0x1E400] =	vst v63  }
0x28f: {  	s9 =	simm.s32 $0x15C00;
	v3 =	vadd.s32 v1, v3  }
0x290: {  	[tilespmem:s9], [sflag:$0x4] =	stream.indirect_vreg.gather [hbm4b:s6+s3], $0x80, v4, vm0, $0xb8;
	[tilespmem:$0x1E400] =	vst v63  }
0x291: {  	s23 =	simm.s32 $0x16400  }
0x292: {  	[tilespmem:s23], [sflag:$0x4] =	stream.indirect_vreg.gather [hbm4b:s7+s3], $0x80, v4, vm0, $0xb8;
	[tilespmem:$0x1E400] =	vst v63  }
0x293: {  	s24 =	simm.s32 $0x16C00  }
0x294: {  	[tilespmem:s24], [sflag:$0x4] =	stream.indirect_vreg.gather [hbm4b:s1+s3], $0x80, v3, vm0, $0xb8;
	[tilespmem:$0x1E400] =	vst v63  }
0x295: {  	s9 =	simm.s32 $0x17400  }
0x296: {  	[tilespmem:s9], [sflag:$0x4] =	stream.indirect_vreg.gather [hbm4b:s6+s3], $0x80, v3, vm0, $0xb8;
	[tilespmem:$0x1E400] =	vst v63  }
0x297: {  	s23 =	simm.s32 $0x17C00  }
0x298: {  	[tilespmem:s23], [sflag:$0x4] =	stream.indirect_vreg.gather [hbm4b:s7+s3], $0x80, v3, vm0, $0xb8;
	[tilespmem:$0x1E400] =	vst v63  }
0x299: {  	_ =	swait.ge [sflag:s5], $0x6000  }
0x29a: {  	[sflag:s5] =	ssyncset.done $0x0  }
0x29b: {  	s2 =	simm.s32 $0x400;
	s24 =	rddreg [dreg:$0xe];
	[sflag:s5] =	ssyncadd.s32 $0xFFFFA000  }
0x29c: {  	[hbm4b:s24+s3] =	stream.linear.scatter [tilespmem:s2], [sflag:$0x6], $0x6000, $0x38;
	[tilespmem:$0x1E400] =	vst v63  }
0x29d: {  	_ =	swait.ge [sflag:s21], $0x6000  }
0x29e: {  	[sflag:s21] =	ssyncset.done $0x0  }
0x29f: {  	[sflag:s21] =	ssyncadd.s32 $0xFFFFA000  }
0x2a0: {  	v3 =	vld [tilespmem:$0x1C0];
	_ =	sdelay $0x4  }
0x2a1: {  	v28 =	vshrl.u32 v3, $0x3  }
0x2a2: {  	v4 =	vmul.u32 $0x30, v28  }
0x2a3: {  	v3 =	vand.u32 $0x7, v3  }
0x2a4: {  	v3 =	vor.u32 v3, v4  }
0x2a5: {  	v4 =	vperm.xlane v3, v0;
	_ =	sdelay $0x1  }
0x2a6: {  	v4 =	vadd.s32 v1, v4;
	_ =	sdelay $0x3  }
0x2a7: {  	v3 =	vperm.xlane v3, v2  }
0x2a8: {  	[tilespmem:s0], [sflag:$0x5] =	stream.indirect_vreg.gather [hbm4b:s1+s3], $0x80, v4, vm0, $0xb8;
	[tilespmem:$0x1E400] =	vst v63  }
0x2a9: {  	v3 =	vadd.s32 v1, v3  }
0x2aa: {  	[tilespmem:s25], [sflag:$0x5] =	stream.indirect_vreg.gather [hbm4b:s6+s3], $0x80, v4, vm0, $0xb8;
	[tilespmem:$0x1E400] =	vst v63  }
0x2ab: {  	s9 =	simm.s32 $0x19400  }
0x2ac: {  	[tilespmem:s9], [sflag:$0x5] =	stream.indirect_vreg.gather [hbm4b:s7+s3], $0x80, v4, vm0, $0xb8;
	[tilespmem:$0x1E400] =	vst v63  }
0x2ad: {  	_ = 	snop  }
0x2ae: {  	[tilespmem:s11], [sflag:$0x5] =	stream.indirect_vreg.gather [hbm4b:s1+s3], $0x80, v3, vm0, $0xb8;
	[tilespmem:$0x1E400] =	vst v63  }
0x2af: {  	_ = 	snop  }
0x2b0: {  	[tilespmem:s12], [sflag:$0x5] =	stream.indirect_vreg.gather [hbm4b:s6+s3], $0x80, v3, vm0, $0xb8;
	[tilespmem:$0x1E400] =	vst v63  }
0x2b1: {  	s9 =	simm.s32 $0x1AC00  }
0x2b2: {  	[tilespmem:s9], [sflag:$0x5] =	stream.indirect_vreg.gather [hbm4b:s7+s3], $0x80, v3, vm0, $0xb8;
	[tilespmem:$0x1E400] =	vst v63  }
0x2b3: {  	v3 =	vld [tilespmem:$0x1D0];
	_ =	sdelay $0x4  }
0x2b4: {  	v29 =	vshrl.u32 v3, $0x3  }
0x2b5: {  	v4 =	vmul.u32 $0x30, v29  }
0x2b6: {  	v3 =	vand.u32 $0x7, v3  }
0x2b7: {  	v3 =	vor.u32 v3, v4  }
0x2b8: {  	v4 =	vperm.xlane v3, v0;
	_ =	sdelay $0x1  }
0x2b9: {  	v4 =	vadd.s32 v1, v4;
	_ =	sdelay $0x3  }
0x2ba: {  	s12 =	simm.s32 $0x1B400;
	v3 =	vperm.xlane v3, v2  }
0x2bb: {  	[tilespmem:s12], [sflag:$0x5] =	stream.indirect_vreg.gather [hbm4b:s1+s3], $0x80, v4, vm0, $0xb8;
	[tilespmem:$0x1E400] =	vst v63  }
0x2bc: {  	v3 =	vadd.s32 v1, v3  }
0x2bd: {  	[tilespmem:s22], [sflag:$0x5] =	stream.indirect_vreg.gather [hbm4b:s6+s3], $0x80, v4, vm0, $0xb8;
	[tilespmem:$0x1E400] =	vst v63  }
0x2be: {  	s22 =	simm.s32 $0x1C400  }
0x2bf: {  	[tilespmem:s22], [sflag:$0x5] =	stream.indirect_vreg.gather [hbm4b:s7+s3], $0x80, v4, vm0, $0xb8;
	[tilespmem:$0x1E400] =	vst v63  }
0x2c0: {  	s24 =	simm.s32 $0x1CC00  }
0x2c1: {  	[tilespmem:s24], [sflag:$0x5] =	stream.indirect_vreg.gather [hbm4b:s1+s3], $0x80, v3, vm0, $0xb8;
	[tilespmem:$0x1E400] =	vst v63  }
0x2c2: {  	s11 =	simm.s32 $0x1D400  }
0x2c3: {  	[tilespmem:s11], [sflag:$0x5] =	stream.indirect_vreg.gather [hbm4b:s6+s3], $0x80, v3, vm0, $0xb8;
	[tilespmem:$0x1E400] =	vst v63  }
0x2c4: {  	s23 =	simm.s32 $0x1DC00  }
0x2c5: {  	[tilespmem:s23], [sflag:$0x5] =	stream.indirect_vreg.gather [hbm4b:s7+s3], $0x80, v3, vm0, $0xb8;
	[tilespmem:$0x1E400] =	vst v63  }
0x2c6: {  	_ =	swait.ge [sflag:s13], $0x6000  }
0x2c7: {  	[sflag:s13] =	ssyncset.done $0x0  }
0x2c8: {  	s0 =	simm.s32 $0x6400;
	s25 =	rddreg [dreg:$0xf];
	[sflag:s13] =	ssyncadd.s32 $0xFFFFA000  }
0x2c9: {  	[hbm4b:s25+s3] =	stream.linear.scatter [tilespmem:s0], [sflag:$0x7], $0x6000, $0x38;
	[tilespmem:$0x1E400] =	vst v63  }
0x2ca: {  	_ =	swait.ge [sflag:s14], $0x6000  }
0x2cb: {  	[sflag:s14] =	ssyncset.done $0x0  }
0x2cc: {  	[sflag:s14] =	ssyncadd.s32 $0xFFFFA000  }
0x2cd: {  	v3 =	vld [tilespmem:$0x1E0];
	_ =	sdelay $0x4  }
0x2ce: {  	v30 =	vshrl.u32 v3, $0x3  }
0x2cf: {  	v4 =	vmul.u32 $0x30, v30  }
0x2d0: {  	v3 =	vand.u32 $0x7, v3  }
0x2d1: {  	v3 =	vor.u32 v3, v4  }
0x2d2: {  	v4 =	vperm.xlane v3, v0;
	_ =	sdelay $0x1  }
0x2d3: {  	v4 =	vadd.s32 v1, v4;
	_ =	sdelay $0x3  }
0x2d4: {  	v3 =	vperm.xlane v3, v2  }
0x2d5: {  	[tilespmem:s2], [sflag:$0x1] =	stream.indirect_vreg.gather [hbm4b:s1+s3], $0x80, v4, vm0, $0xb8;
	[tilespmem:$0x1E400] =	vst v63  }
0x2d6: {  	s12 =	simm.s32 $0xC00;
	v3 =	vadd.s32 v1, v3  }
0x2d7: {  	[tilespmem:s12], [sflag:$0x1] =	stream.indirect_vreg.gather [hbm4b:s6+s3], $0x80, v4, vm0, $0xb8;
	[tilespmem:$0x1E400] =	vst v63  }
0x2d8: {  	s12 =	simm.s32 $0x1400  }
0x2d9: {  	[tilespmem:s12], [sflag:$0x1] =	stream.indirect_vreg.gather [hbm4b:s7+s3], $0x80, v4, vm0, $0xb8;
	[tilespmem:$0x1E400] =	vst v63  }
0x2da: {  	s25 =	simm.s32 $0x1C00  }
0x2db: {  	[tilespmem:s25], [sflag:$0x1] =	stream.indirect_vreg.gather [hbm4b:s1+s3], $0x80, v3, vm0, $0xb8;
	[tilespmem:$0x1E400] =	vst v63  }
0x2dc: {  	s23 =	simm.s32 $0x2400  }
0x2dd: {  	[tilespmem:s23], [sflag:$0x1] =	stream.indirect_vreg.gather [hbm4b:s6+s3], $0x80, v3, vm0, $0xb8;
	[tilespmem:$0x1E400] =	vst v63  }
0x2de: {  	_ = 	snop  }
0x2df: {  	[tilespmem:s4], [sflag:$0x1] =	stream.indirect_vreg.gather [hbm4b:s7+s3], $0x80, v3, vm0, $0xb8;
	[tilespmem:$0x1E400] =	vst v63  }
0x2e0: {  	v3 =	vld [tilespmem:$0x1F0];
	_ =	sdelay $0x4  }
0x2e1: {  	v31 =	vshrl.u32 v3, $0x3  }
0x2e2: {  	v4 =	vmul.u32 $0x30, v31  }
0x2e3: {  	v3 =	vand.u32 $0x7, v3  }
0x2e4: {  	v3 =	vor.u32 v3, v4  }
0x2e5: {  	v4 =	vperm.xlane v3, v0;
	_ =	sdelay $0x1  }
0x2e6: {  	v4 =	vadd.s32 v1, v4;
	_ =	sdelay $0x3  }
0x2e7: {  	s4 =	simm.s32 $0x3400;
	v3 =	vperm.xlane v3, v2  }
0x2e8: {  	[tilespmem:s4], [sflag:$0x1] =	stream.indirect_vreg.gather [hbm4b:s1+s3], $0x80, v4, vm0, $0xb8;
	[tilespmem:$0x1E400] =	vst v63  }
0x2e9: {  	s23 =	simm.s32 $0x3C00;
	v3 =	vadd.s32 v1, v3  }
0x2ea: {  	[tilespmem:s23], [sflag:$0x1] =	stream.indirect_vreg.gather [hbm4b:s6+s3], $0x80, v4, vm0, $0xb8;
	[tilespmem:$0x1E400] =	vst v63  }
0x2eb: {  	s4 =	simm.s32 $0x4400  }
0x2ec: {  	[tilespmem:s4], [sflag:$0x1] =	stream.indirect_vreg.gather [hbm4b:s7+s3], $0x80, v4, vm0, $0xb8;
	[tilespmem:$0x1E400] =	vst v63  }
0x2ed: {  	s23 =	simm.s32 $0x4C00  }
0x2ee: {  	[tilespmem:s23], [sflag:$0x1] =	stream.indirect_vreg.gather [hbm4b:s1+s3], $0x80, v3, vm0, $0xb8;
	[tilespmem:$0x1E400] =	vst v63  }
0x2ef: {  	s4 =	simm.s32 $0x5400  }
0x2f0: {  	[tilespmem:s4], [sflag:$0x1] =	stream.indirect_vreg.gather [hbm4b:s6+s3], $0x80, v3, vm0, $0xb8;
	[tilespmem:$0x1E400] =	vst v63  }
0x2f1: {  	s23 =	simm.s32 $0x5C00  }
0x2f2: {  	[tilespmem:s23], [sflag:$0x1] =	stream.indirect_vreg.gather [hbm4b:s7+s3], $0x80, v3, vm0, $0xb8;
	[tilespmem:$0x1E400] =	vst v63  }
0x2f3: {  	_ =	swait.ge [sflag:s15], $0x6000  }
0x2f4: {  	[sflag:s15] =	ssyncset.done $0x0  }
0x2f5: {  	s2 =	simm.s32 $0xC400;
	s4 =	rddreg [dreg:$0x10];
	[sflag:s15] =	ssyncadd.s32 $0xFFFFA000  }
0x2f6: {  	[hbm4b:s4+s3] =	stream.linear.scatter [tilespmem:s2], [sflag:$0x8], $0x6000, $0x38;
	[tilespmem:$0x1E400] =	vst v63  }
0x2f7: {  	_ =	swait.ge [sflag:s16], $0x6000  }
0x2f8: {  	[sflag:s16] =	ssyncset.done $0x0  }
0x2f9: {  	[sflag:s16] =	ssyncadd.s32 $0xFFFFA000  }
0x2fa: {  	v3 =	vld [tilespmem:$0x200];
	_ =	sdelay $0x4  }
0x2fb: {  	v32 =	vshrl.u32 v3, $0x3  }
0x2fc: {  	v4 =	vmul.u32 $0x30, v32  }
0x2fd: {  	v3 =	vand.u32 $0x7, v3  }
0x2fe: {  	v3 =	vor.u32 v3, v4  }
0x2ff: {  	v4 =	vperm.xlane v3, v0;
	_ =	sdelay $0x1  }
0x300: {  	v4 =	vadd.s32 v1, v4;
	_ =	sdelay $0x3  }
0x301: {  	v3 =	vperm.xlane v3, v2  }
0x302: {  	[tilespmem:s0], [sflag:$0x2] =	stream.indirect_vreg.gather [hbm4b:s1+s3], $0x80, v4, vm0, $0xb8;
	[tilespmem:$0x1E400] =	vst v63  }
0x303: {  	s4 =	simm.s32 $0x6C00;
	v3 =	vadd.s32 v1, v3  }
0x304: {  	[tilespmem:s4], [sflag:$0x2] =	stream.indirect_vreg.gather [hbm4b:s6+s3], $0x80, v4, vm0, $0xb8;
	[tilespmem:$0x1E400] =	vst v63  }
0x305: {  	_ = 	snop  }
0x306: {  	[tilespmem:s8], [sflag:$0x2] =	stream.indirect_vreg.gather [hbm4b:s7+s3], $0x80, v4, vm0, $0xb8;
	[tilespmem:$0x1E400] =	vst v63  }
0x307: {  	s8 =	simm.s32 $0x7C00  }
0x308: {  	[tilespmem:s8], [sflag:$0x2] =	stream.indirect_vreg.gather [hbm4b:s1+s3], $0x80, v3, vm0, $0xb8;
	[tilespmem:$0x1E400] =	vst v63  }
0x309: {  	_ = 	snop  }
0x30a: {  	[tilespmem:s10], [sflag:$0x2] =	stream.indirect_vreg.gather [hbm4b:s6+s3], $0x80, v3, vm0, $0xb8;
	[tilespmem:$0x1E400] =	vst v63  }
0x30b: {  	s10 =	simm.s32 $0x8C00  }
0x30c: {  	[tilespmem:s10], [sflag:$0x2] =	stream.indirect_vreg.gather [hbm4b:s7+s3], $0x80, v3, vm0, $0xb8;
	[tilespmem:$0x1E400] =	vst v63  }
0x30d: {  	v3 =	vld [tilespmem:$0x210];
	_ =	sdelay $0x4  }
0x30e: {  	v33 =	vshrl.u32 v3, $0x3  }
0x30f: {  	v4 =	vmul.u32 $0x30, v33  }
0x310: {  	v3 =	vand.u32 $0x7, v3  }
0x311: {  	v3 =	vor.u32 v3, v4  }
0x312: {  	v4 =	vperm.xlane v3, v0;
	_ =	sdelay $0x1  }
0x313: {  	v4 =	vadd.s32 v1, v4;
	_ =	sdelay $0x3  }
0x314: {  	s23 =	simm.s32 $0x9400;
	v3 =	vperm.xlane v3, v2  }
0x315: {  	[tilespmem:s23], [sflag:$0x2] =	stream.indirect_vreg.gather [hbm4b:s1+s3], $0x80, v4, vm0, $0xb8;
	[tilespmem:$0x1E400] =	vst v63  }
0x316: {  	v3 =	vadd.s32 v1, v3  }
0x317: {  	[tilespmem:s26], [sflag:$0x2] =	stream.indirect_vreg.gather [hbm4b:s6+s3], $0x80, v4, vm0, $0xb8;
	[tilespmem:$0x1E400] =	vst v63  }
0x318: {  	_ = 	snop  }
0x319: {  	[tilespmem:s28], [sflag:$0x2] =	stream.indirect_vreg.gather [hbm4b:s7+s3], $0x80, v4, vm0, $0xb8;
	[tilespmem:$0x1E400] =	vst v63  }
0x31a: {  	_ = 	snop  }
0x31b: {  	[tilespmem:s29], [sflag:$0x2] =	stream.indirect_vreg.gather [hbm4b:s1+s3], $0x80, v3, vm0, $0xb8;
	[tilespmem:$0x1E400] =	vst v63  }
0x31c: {  	_ = 	snop  }
0x31d: {  	[tilespmem:s30], [sflag:$0x2] =	stream.indirect_vreg.gather [hbm4b:s6+s3], $0x80, v3, vm0, $0xb8;
	[tilespmem:$0x1E400] =	vst v63  }
0x31e: {  	_ = 	snop  }
0x31f: {  	[tilespmem:s31], [sflag:$0x2] =	stream.indirect_vreg.gather [hbm4b:s7+s3], $0x80, v3, vm0, $0xb8;
	[tilespmem:$0x1E400] =	vst v63  }
0x320: {  	_ =	swait.ge [sflag:s17], $0x6000  }
0x321: {  	[sflag:s17] =	ssyncset.done $0x0  }
0x322: {  	s8 =	simm.s32 $0x12400;
	s0 =	rddreg [dreg:$0x11];
	[sflag:s17] =	ssyncadd.s32 $0xFFFFA000  }
0x323: {  	[hbm4b:s0+s3] =	stream.linear.scatter [tilespmem:s8], [sflag:$0x9], $0x6000, $0x38;
	[tilespmem:$0x1E400] =	vst v63  }
0x324: {  	_ =	swait.ge [sflag:s18], $0x6000  }
0x325: {  	[sflag:s18] =	ssyncset.done $0x0  }
0x326: {  	[sflag:s18] =	ssyncadd.s32 $0xFFFFA000  }
0x327: {  	v3 =	vld [tilespmem:$0x220];
	_ =	sdelay $0x4  }
0x328: {  	v34 =	vshrl.u32 v3, $0x3  }
0x329: {  	v4 =	vmul.u32 $0x30, v34  }
0x32a: {  	v3 =	vand.u32 $0x7, v3  }
0x32b: {  	v3 =	vor.u32 v3, v4  }
0x32c: {  	v4 =	vperm.xlane v3, v0;
	_ =	sdelay $0x1  }
0x32d: {  	v4 =	vadd.s32 v1, v4;
	_ =	sdelay $0x3  }
0x32e: {  	v3 =	vperm.xlane v3, v2  }
0x32f: {  	[tilespmem:s2], [sflag:$0x3] =	stream.indirect_vreg.gather [hbm4b:s1+s3], $0x80, v4, vm0, $0xb8;
	[tilespmem:$0x1E400] =	vst v63  }
0x330: {  	v3 =	vadd.s32 v1, v3;
	s2 =	simm.s32 $0xCC00  }
0x331: {  	[tilespmem:s2], [sflag:$0x3] =	stream.indirect_vreg.gather [hbm4b:s6+s3], $0x80, v4, vm0, $0xb8;
	[tilespmem:$0x1E400] =	vst v63  }
0x332: {  	s4 =	simm.s32 $0xD400  }
0x333: {  	[tilespmem:s4], [sflag:$0x3] =	stream.indirect_vreg.gather [hbm4b:s7+s3], $0x80, v4, vm0, $0xb8;
	[tilespmem:$0x1E400] =	vst v63  }
0x334: {  	s10 =	simm.s32 $0xDC00  }
0x335: {  	[tilespmem:s10], [sflag:$0x3] =	stream.indirect_vreg.gather [hbm4b:s1+s3], $0x80, v3, vm0, $0xb8;
	[tilespmem:$0x1E400] =	vst v63  }
0x336: {  	s23 =	simm.s32 $0xE400  }
0x337: {  	[tilespmem:s23], [sflag:$0x3] =	stream.indirect_vreg.gather [hbm4b:s6+s3], $0x80, v3, vm0, $0xb8;
	[tilespmem:$0x1E400] =	vst v63  }
0x338: {  	s26 =	simm.s32 $0xEC00  }
0x339: {  	[tilespmem:s26], [sflag:$0x3] =	stream.indirect_vreg.gather [hbm4b:s7+s3], $0x80, v3, vm0, $0xb8;
	[tilespmem:$0x1E400] =	vst v63  }
0x33a: {  	v3 =	vld [tilespmem:$0x230];
	_ =	sdelay $0x4  }
0x33b: {  	v35 =	vshrl.u32 v3, $0x3  }
0x33c: {  	v4 =	vmul.u32 $0x30, v35  }
0x33d: {  	v3 =	vand.u32 $0x7, v3  }
0x33e: {  	v3 =	vor.u32 v3, v4  }
0x33f: {  	v4 =	vperm.xlane v3, v0;
	_ =	sdelay $0x1  }
0x340: {  	v4 =	vadd.s32 v1, v4;
	_ =	sdelay $0x3  }
0x341: {  	s28 =	simm.s32 $0xF400;
	v3 =	vperm.xlane v3, v2  }
0x342: {  	[tilespmem:s28], [sflag:$0x3] =	stream.indirect_vreg.gather [hbm4b:s1+s3], $0x80, v4, vm0, $0xb8;
	[tilespmem:$0x1E400] =	vst v63  }
0x343: {  	s29 =	simm.s32 $0xFC00;
	v3 =	vadd.s32 v1, v3  }
0x344: {  	[tilespmem:s29], [sflag:$0x3] =	stream.indirect_vreg.gather [hbm4b:s6+s3], $0x80, v4, vm0, $0xb8;
	[tilespmem:$0x1E400] =	vst v63  }
0x345: {  	s30 =	simm.s32 $0x10400  }
0x346: {  	[tilespmem:s30], [sflag:$0x3] =	stream.indirect_vreg.gather [hbm4b:s7+s3], $0x80, v4, vm0, $0xb8;
	[tilespmem:$0x1E400] =	vst v63  }
0x347: {  	s31 =	simm.s32 $0x10C00  }
0x348: {  	[tilespmem:s31], [sflag:$0x3] =	stream.indirect_vreg.gather [hbm4b:s1+s3], $0x80, v3, vm0, $0xb8;
	[tilespmem:$0x1E400] =	vst v63  }
0x349: {  	s2 =	simm.s32 $0x11400  }
0x34a: {  	[tilespmem:s2], [sflag:$0x3] =	stream.indirect_vreg.gather [hbm4b:s6+s3], $0x80, v3, vm0, $0xb8;
	[tilespmem:$0x1E400] =	vst v63  }
0x34b: {  	s4 =	simm.s32 $0x11C00  }
0x34c: {  	[tilespmem:s4], [sflag:$0x3] =	stream.indirect_vreg.gather [hbm4b:s7+s3], $0x80, v3, vm0, $0xb8;
	[tilespmem:$0x1E400] =	vst v63  }
0x34d: {  	_ =	swait.ge [sflag:s19], $0x6000  }
0x34e: {  	[sflag:s19] =	ssyncset.done $0x0  }
0x34f: {  	s2 =	simm.s32 $0x18400;
	s10 =	rddreg [dreg:$0x12];
	[sflag:s19] =	ssyncadd.s32 $0xFFFFA000  }
0x350: {  	[hbm4b:s10+s3] =	stream.linear.scatter [tilespmem:s2], [sflag:$0xA], $0x6000, $0x38;
	[tilespmem:$0x1E400] =	vst v63  }
0x351: {  	_ =	swait.ge [sflag:s20], $0x6000  }
0x352: {  	[sflag:s20] =	ssyncset.done $0x0  }
0x353: {  	[sflag:s20] =	ssyncadd.s32 $0xFFFFA000  }
0x354: {  	v3 =	vld [tilespmem:$0x240];
	_ =	sdelay $0x4  }
0x355: {  	v36 =	vshrl.u32 v3, $0x3  }
0x356: {  	v4 =	vmul.u32 $0x30, v36  }
0x357: {  	v3 =	vand.u32 $0x7, v3  }
0x358: {  	v3 =	vor.u32 v3, v4  }
0x359: {  	v4 =	vperm.xlane v3, v0;
	_ =	sdelay $0x1  }
0x35a: {  	v4 =	vadd.s32 v1, v4;
	_ =	sdelay $0x3  }
0x35b: {  	v3 =	vperm.xlane v3, v2  }
0x35c: {  	[tilespmem:s8], [sflag:$0x4] =	stream.indirect_vreg.gather [hbm4b:s1+s3], $0x80, v4, vm0, $0xb8;
	[tilespmem:$0x1E400] =	vst v63  }
0x35d: {  	s26 =	simm.s32 $0x12C00;
	v3 =	vadd.s32 v1, v3  }
0x35e: {  	[tilespmem:s26], [sflag:$0x4] =	stream.indirect_vreg.gather [hbm4b:s6+s3], $0x80, v4, vm0, $0xb8;
	[tilespmem:$0x1E400] =	vst v63  }
0x35f: {  	s28 =	simm.s32 $0x13400  }
0x360: {  	[tilespmem:s28], [sflag:$0x4] =	stream.indirect_vreg.gather [hbm4b:s7+s3], $0x80, v4, vm0, $0xb8;
	[tilespmem:$0x1E400] =	vst v63  }
0x361: {  	s29 =	simm.s32 $0x13C00  }
0x362: {  	[tilespmem:s29], [sflag:$0x4] =	stream.indirect_vreg.gather [hbm4b:s1+s3], $0x80, v3, vm0, $0xb8;
	[tilespmem:$0x1E400] =	vst v63  }
0x363: {  	s30 =	simm.s32 $0x14400  }
0x364: {  	[tilespmem:s30], [sflag:$0x4] =	stream.indirect_vreg.gather [hbm4b:s6+s3], $0x80, v3, vm0, $0xb8;
	[tilespmem:$0x1E400] =	vst v63  }
0x365: {  	s31 =	simm.s32 $0x14C00  }
0x366: {  	[tilespmem:s31], [sflag:$0x4] =	stream.indirect_vreg.gather [hbm4b:s7+s3], $0x80, v3, vm0, $0xb8;
	[tilespmem:$0x1E400] =	vst v63  }
0x367: {  	v3 =	vld [tilespmem:$0x250];
	_ =	sdelay $0x4  }
0x368: {  	v37 =	vshrl.u32 v3, $0x3  }
0x369: {  	v4 =	vmul.u32 $0x30, v37  }
0x36a: {  	v3 =	vand.u32 $0x7, v3  }
0x36b: {  	v3 =	vor.u32 v3, v4  }
0x36c: {  	v4 =	vperm.xlane v3, v0;
	_ =	sdelay $0x1  }
0x36d: {  	v4 =	vadd.s32 v1, v4;
	_ =	sdelay $0x3  }
0x36e: {  	s4 =	simm.s32 $0x15400;
	v3 =	vperm.xlane v3, v2  }
0x36f: {  	[tilespmem:s4], [sflag:$0x4] =	stream.indirect_vreg.gather [hbm4b:s1+s3], $0x80, v4, vm0, $0xb8;
	[tilespmem:$0x1E400] =	vst v63  }
0x370: {  	s8 =	simm.s32 $0x15C00;
	v3 =	vadd.s32 v1, v3  }
0x371: {  	[tilespmem:s8], [sflag:$0x4] =	stream.indirect_vreg.gather [hbm4b:s6+s3], $0x80, v4, vm0, $0xb8;
	[tilespmem:$0x1E400] =	vst v63  }
0x372: {  	s10 =	simm.s32 $0x16400  }
0x373: {  	[tilespmem:s10], [sflag:$0x4] =	stream.indirect_vreg.gather [hbm4b:s7+s3], $0x80, v4, vm0, $0xb8;
	[tilespmem:$0x1E400] =	vst v63  }
0x374: {  	s23 =	simm.s32 $0x16C00  }
0x375: {  	[tilespmem:s23], [sflag:$0x4] =	stream.indirect_vreg.gather [hbm4b:s1+s3], $0x80, v3, vm0, $0xb8;
	[tilespmem:$0x1E400] =	vst v63  }
0x376: {  	s26 =	simm.s32 $0x17400  }
0x377: {  	[tilespmem:s26], [sflag:$0x4] =	stream.indirect_vreg.gather [hbm4b:s6+s3], $0x80, v3, vm0, $0xb8;
	[tilespmem:$0x1E400] =	vst v63  }
0x378: {  	s28 =	simm.s32 $0x17C00  }
0x379: {  	[tilespmem:s28], [sflag:$0x4] =	stream.indirect_vreg.gather [hbm4b:s7+s3], $0x80, v3, vm0, $0xb8;
	[tilespmem:$0x1E400] =	vst v63  }
0x37a: {  	_ =	swait.ge [sflag:s5], $0x6000  }
0x37b: {  	[sflag:s5] =	ssyncset.done $0x0  }
0x37c: {  	s30 =	simm.s32 $0x400;
	s29 =	rddreg [dreg:$0x13];
	[sflag:s5] =	ssyncadd.s32 $0xFFFFA000  }
0x37d: {  	[hbm4b:s29+s3] =	stream.linear.scatter [tilespmem:s30], [sflag:$0x6], $0x6000, $0x38;
	[tilespmem:$0x1E400] =	vst v63  }
0x37e: {  	_ =	swait.ge [sflag:s21], $0x6000  }
0x37f: {  	[sflag:s21] =	ssyncset.done $0x0  }
0x380: {  	[sflag:s21] =	ssyncadd.s32 $0xFFFFA000  }
0x381: {  	v3 =	vld [tilespmem:$0x260];
	_ =	sdelay $0x4  }
0x382: {  	v38 =	vshrl.u32 v3, $0x3  }
0x383: {  	v4 =	vmul.u32 $0x30, v38  }
0x384: {  	v3 =	vand.u32 $0x7, v3  }
0x385: {  	v3 =	vor.u32 v3, v4  }
0x386: {  	v4 =	vperm.xlane v3, v0;
	_ =	sdelay $0x1  }
0x387: {  	v4 =	vadd.s32 v1, v4;
	_ =	sdelay $0x3  }
0x388: {  	v3 =	vperm.xlane v3, v2  }
0x389: {  	[tilespmem:s2], [sflag:$0x5] =	stream.indirect_vreg.gather [hbm4b:s1+s3], $0x80, v4, vm0, $0xb8;
	[tilespmem:$0x1E400] =	vst v63  }
0x38a: {  	v3 =	vadd.s32 v1, v3;
	s2 =	simm.s32 $0x18C00  }
0x38b: {  	[tilespmem:s2], [sflag:$0x5] =	stream.indirect_vreg.gather [hbm4b:s6+s3], $0x80, v4, vm0, $0xb8;
	[tilespmem:$0x1E400] =	vst v63  }
0x38c: {  	s31 =	simm.s32 $0x19400  }
0x38d: {  	[tilespmem:s31], [sflag:$0x5] =	stream.indirect_vreg.gather [hbm4b:s7+s3], $0x80, v4, vm0, $0xb8;
	[tilespmem:$0x1E400] =	vst v63  }
0x38e: {  	s4 =	simm.s32 $0x19C00  }
0x38f: {  	[tilespmem:s4], [sflag:$0x5] =	stream.indirect_vreg.gather [hbm4b:s1+s3], $0x80, v3, vm0, $0xb8;
	[tilespmem:$0x1E400] =	vst v63  }
0x390: {  	s26 =	simm.s32 $0x1A400  }
0x391: {  	[tilespmem:s26], [sflag:$0x5] =	stream.indirect_vreg.gather [hbm4b:s6+s3], $0x80, v3, vm0, $0xb8;
	[tilespmem:$0x1E400] =	vst v63  }
0x392: {  	_ = 	snop  }
0x393: {  	[tilespmem:s9], [sflag:$0x5] =	stream.indirect_vreg.gather [hbm4b:s7+s3], $0x80, v3, vm0, $0xb8;
	[tilespmem:$0x1E400] =	vst v63  }
0x394: {  	v3 =	vld [tilespmem:$0x270];
	_ =	sdelay $0x4  }
0x395: {  	v39 =	vshrl.u32 v3, $0x3  }
0x396: {  	v4 =	vmul.u32 $0x30, v39  }
0x397: {  	v3 =	vand.u32 $0x7, v3  }
0x398: {  	v3 =	vor.u32 v3, v4  }
0x399: {  	v4 =	vperm.xlane v3, v0;
	_ =	sdelay $0x1  }
0x39a: {  	v4 =	vadd.s32 v1, v4;
	_ =	sdelay $0x3  }
0x39b: {  	s10 =	simm.s32 $0x1B400;
	v3 =	vperm.xlane v3, v2  }
0x39c: {  	[tilespmem:s10], [sflag:$0x5] =	stream.indirect_vreg.gather [hbm4b:s1+s3], $0x80, v4, vm0, $0xb8;
	[tilespmem:$0x1E400] =	vst v63  }
0x39d: {  	s23 =	simm.s32 $0x1BC00;
	v3 =	vadd.s32 v1, v3  }
0x39e: {  	[tilespmem:s23], [sflag:$0x5] =	stream.indirect_vreg.gather [hbm4b:s6+s3], $0x80, v4, vm0, $0xb8;
	[tilespmem:$0x1E400] =	vst v63  }
0x39f: {  	_ = 	snop  }
0x3a0: {  	[tilespmem:s22], [sflag:$0x5] =	stream.indirect_vreg.gather [hbm4b:s7+s3], $0x80, v4, vm0, $0xb8;
	[tilespmem:$0x1E400] =	vst v63  }
0x3a1: {  	_ = 	snop  }
0x3a2: {  	[tilespmem:s24], [sflag:$0x5] =	stream.indirect_vreg.gather [hbm4b:s1+s3], $0x80, v3, vm0, $0xb8;
	[tilespmem:$0x1E400] =	vst v63  }
0x3a3: {  	_ = 	snop  }
0x3a4: {  	[tilespmem:s11], [sflag:$0x5] =	stream.indirect_vreg.gather [hbm4b:s6+s3], $0x80, v3, vm0, $0xb8;
	[tilespmem:$0x1E400] =	vst v63  }
0x3a5: {  	s10 =	simm.s32 $0x1DC00  }
0x3a6: {  	[tilespmem:s10], [sflag:$0x5] =	stream.indirect_vreg.gather [hbm4b:s7+s3], $0x80, v3, vm0, $0xb8;
	[tilespmem:$0x1E400] =	vst v63  }
0x3a7: {  	_ =	swait.ge [sflag:s13], $0x6000  }
0x3a8: {  	[sflag:s13] =	ssyncset.done $0x0  }
0x3a9: {  	s28 =	simm.s32 $0x6400;
	s24 =	rddreg [dreg:$0x14];
	[sflag:s13] =	ssyncadd.s32 $0xFFFFA000  }
0x3aa: {  	[hbm4b:s24+s3] =	stream.linear.scatter [tilespmem:s28], [sflag:$0x7], $0x6000, $0x38;
	[tilespmem:$0x1E400] =	vst v63  }
0x3ab: {  	_ =	swait.ge [sflag:s14], $0x6000  }
0x3ac: {  	[sflag:s14] =	ssyncset.done $0x0  }
0x3ad: {  	[sflag:s14] =	ssyncadd.s32 $0xFFFFA000  }
0x3ae: {  	v3 =	vld [tilespmem:$0x280];
	_ =	sdelay $0x4  }
0x3af: {  	v40 =	vshrl.u32 v3, $0x3  }
0x3b0: {  	v4 =	vmul.u32 $0x30, v40  }
0x3b1: {  	v3 =	vand.u32 $0x7, v3  }
0x3b2: {  	v3 =	vor.u32 v3, v4  }
0x3b3: {  	v4 =	vperm.xlane v3, v0;
	_ =	sdelay $0x1  }
0x3b4: {  	v4 =	vadd.s32 v1, v4;
	_ =	sdelay $0x3  }
0x3b5: {  	v3 =	vperm.xlane v3, v2  }
0x3b6: {  	[tilespmem:s30], [sflag:$0x1] =	stream.indirect_vreg.gather [hbm4b:s1+s3], $0x80, v4, vm0, $0xb8;
	[tilespmem:$0x1E400] =	vst v63  }
0x3b7: {  	s29 =	simm.s32 $0xC00;
	v3 =	vadd.s32 v1, v3  }
0x3b8: {  	[tilespmem:s29], [sflag:$0x1] =	stream.indirect_vreg.gather [hbm4b:s6+s3], $0x80, v4, vm0, $0xb8;
	[tilespmem:$0x1E400] =	vst v63  }
0x3b9: {  	_ = 	snop  }
0x3ba: {  	[tilespmem:s12], [sflag:$0x1] =	stream.indirect_vreg.gather [hbm4b:s7+s3], $0x80, v4, vm0, $0xb8;
	[tilespmem:$0x1E400] =	vst v63  }
0x3bb: {  	_ = 	snop  }
0x3bc: {  	[tilespmem:s25], [sflag:$0x1] =	stream.indirect_vreg.gather [hbm4b:s1+s3], $0x80, v3, vm0, $0xb8;
	[tilespmem:$0x1E400] =	vst v63  }
0x3bd: {  	s30 =	simm.s32 $0x2400  }
0x3be: {  	[tilespmem:s30], [sflag:$0x1] =	stream.indirect_vreg.gather [hbm4b:s6+s3], $0x80, v3, vm0, $0xb8;
	[tilespmem:$0x1E400] =	vst v63  }
0x3bf: {  	s9 =	simm.s32 $0x2C00  }
0x3c0: {  	[tilespmem:s9], [sflag:$0x1] =	stream.indirect_vreg.gather [hbm4b:s7+s3], $0x80, v3, vm0, $0xb8;
	[tilespmem:$0x1E400] =	vst v63  }
0x3c1: {  	v3 =	vld [tilespmem:$0x290];
	_ =	sdelay $0x4  }
0x3c2: {  	v41 =	vshrl.u32 v3, $0x3  }
0x3c3: {  	v4 =	vmul.u32 $0x30, v41  }
0x3c4: {  	v3 =	vand.u32 $0x7, v3  }
0x3c5: {  	v3 =	vor.u32 v3, v4  }
0x3c6: {  	v4 =	vperm.xlane v3, v0;
	_ =	sdelay $0x1  }
0x3c7: {  	v4 =	vadd.s32 v1, v4;
	_ =	sdelay $0x3  }
0x3c8: {  	s2 =	simm.s32 $0x3400;
	v3 =	vperm.xlane v3, v2  }
0x3c9: {  	[tilespmem:s2], [sflag:$0x1] =	stream.indirect_vreg.gather [hbm4b:s1+s3], $0x80, v4, vm0, $0xb8;
	[tilespmem:$0x1E400] =	vst v63  }
0x3ca: {  	s11 =	simm.s32 $0x3C00;
	v3 =	vadd.s32 v1, v3  }
0x3cb: {  	[tilespmem:s11], [sflag:$0x1] =	stream.indirect_vreg.gather [hbm4b:s6+s3], $0x80, v4, vm0, $0xb8;
	[tilespmem:$0x1E400] =	vst v63  }
0x3cc: {  	s12 =	simm.s32 $0x4400  }
0x3cd: {  	[tilespmem:s12], [sflag:$0x1] =	stream.indirect_vreg.gather [hbm4b:s7+s3], $0x80, v4, vm0, $0xb8;
	[tilespmem:$0x1E400] =	vst v63  }
0x3ce: {  	s22 =	simm.s32 $0x4C00  }
0x3cf: {  	[tilespmem:s22], [sflag:$0x1] =	stream.indirect_vreg.gather [hbm4b:s1+s3], $0x80, v3, vm0, $0xb8;
	[tilespmem:$0x1E400] =	vst v63  }
0x3d0: {  	s23 =	simm.s32 $0x5400  }
0x3d1: {  	[tilespmem:s23], [sflag:$0x1] =	stream.indirect_vreg.gather [hbm4b:s6+s3], $0x80, v3, vm0, $0xb8;
	[tilespmem:$0x1E400] =	vst v63  }
0x3d2: {  	s24 =	simm.s32 $0x5C00  }
0x3d3: {  	[tilespmem:s24], [sflag:$0x1] =	stream.indirect_vreg.gather [hbm4b:s7+s3], $0x80, v3, vm0, $0xb8;
	[tilespmem:$0x1E400] =	vst v63  }
0x3d4: {  	_ =	swait.ge [sflag:s15], $0x6000  }
0x3d5: {  	[sflag:s15] =	ssyncset.done $0x0  }
0x3d6: {  	s2 =	simm.s32 $0xC400;
	s25 =	rddreg [dreg:$0x15];
	[sflag:s15] =	ssyncadd.s32 $0xFFFFA000  }
0x3d7: {  	[hbm4b:s25+s3] =	stream.linear.scatter [tilespmem:s2], [sflag:$0x8], $0x6000, $0x38;
	[tilespmem:$0x1E400] =	vst v63  }
0x3d8: {  	_ =	swait.ge [sflag:s16], $0x6000  }
0x3d9: {  	[sflag:s16] =	ssyncset.done $0x0  }
0x3da: {  	[sflag:s16] =	ssyncadd.s32 $0xFFFFA000  }
0x3db: {  	v3 =	vld [tilespmem:$0x2A0];
	_ =	sdelay $0x4  }
0x3dc: {  	v42 =	vshrl.u32 v3, $0x3  }
0x3dd: {  	v4 =	vmul.u32 $0x30, v42  }
0x3de: {  	v3 =	vand.u32 $0x7, v3  }
0x3df: {  	v3 =	vor.u32 v3, v4  }
0x3e0: {  	v4 =	vperm.xlane v3, v0;
	_ =	sdelay $0x1  }
0x3e1: {  	v4 =	vadd.s32 v1, v4;
	_ =	sdelay $0x3  }
0x3e2: {  	v3 =	vperm.xlane v3, v2  }
0x3e3: {  	[tilespmem:s28], [sflag:$0x2] =	stream.indirect_vreg.gather [hbm4b:s1+s3], $0x80, v4, vm0, $0xb8;
	[tilespmem:$0x1E400] =	vst v63  }
0x3e4: {  	v3 =	vadd.s32 v1, v3;
	s28 =	simm.s32 $0x6C00  }
0x3e5: {  	[tilespmem:s28], [sflag:$0x2] =	stream.indirect_vreg.gather [hbm4b:s6+s3], $0x80, v4, vm0, $0xb8;
	[tilespmem:$0x1E400] =	vst v63  }
0x3e6: {  	s8 =	simm.s32 $0x7400  }
0x3e7: {  	[tilespmem:s8], [sflag:$0x2] =	stream.indirect_vreg.gather [hbm4b:s7+s3], $0x80, v4, vm0, $0xb8;
	[tilespmem:$0x1E400] =	vst v63  }
0x3e8: {  	s29 =	simm.s32 $0x7C00  }
0x3e9: {  	[tilespmem:s29], [sflag:$0x2] =	stream.indirect_vreg.gather [hbm4b:s1+s3], $0x80, v3, vm0, $0xb8;
	[tilespmem:$0x1E400] =	vst v63  }
0x3ea: {  	s30 =	simm.s32 $0x8400  }
0x3eb: {  	[tilespmem:s30], [sflag:$0x2] =	stream.indirect_vreg.gather [hbm4b:s6+s3], $0x80, v3, vm0, $0xb8;
	[tilespmem:$0x1E400] =	vst v63  }
0x3ec: {  	s28 =	simm.s32 $0x8C00  }
0x3ed: {  	[tilespmem:s28], [sflag:$0x2] =	stream.indirect_vreg.gather [hbm4b:s7+s3], $0x80, v3, vm0, $0xb8;
	[tilespmem:$0x1E400] =	vst v63  }
0x3ee: {  	v3 =	vld [tilespmem:$0x2B0];
	_ =	sdelay $0x4  }
0x3ef: {  	v43 =	vshrl.u32 v3, $0x3  }
0x3f0: {  	v4 =	vmul.u32 $0x30, v43  }
0x3f1: {  	v3 =	vand.u32 $0x7, v3  }
0x3f2: {  	v3 =	vor.u32 v3, v4  }
0x3f3: {  	v4 =	vperm.xlane v3, v0;
	_ =	sdelay $0x1  }
0x3f4: {  	v4 =	vadd.s32 v1, v4;
	_ =	sdelay $0x3  }
0x3f5: {  	s29 =	simm.s32 $0x9400;
	v3 =	vperm.xlane v3, v2  }
0x3f6: {  	[tilespmem:s29], [sflag:$0x2] =	stream.indirect_vreg.gather [hbm4b:s1+s3], $0x80, v4, vm0, $0xb8;
	[tilespmem:$0x1E400] =	vst v63  }
0x3f7: {  	s12 =	simm.s32 $0x9C00;
	v3 =	vadd.s32 v1, v3  }
0x3f8: {  	[tilespmem:s12], [sflag:$0x2] =	stream.indirect_vreg.gather [hbm4b:s6+s3], $0x80, v4, vm0, $0xb8;
	[tilespmem:$0x1E400] =	vst v63  }
0x3f9: {  	s22 =	simm.s32 $0xA400  }
0x3fa: {  	[tilespmem:s22], [sflag:$0x2] =	stream.indirect_vreg.gather [hbm4b:s7+s3], $0x80, v4, vm0, $0xb8;
	[tilespmem:$0x1E400] =	vst v63  }
0x3fb: {  	s24 =	simm.s32 $0xAC00  }
0x3fc: {  	[tilespmem:s24], [sflag:$0x2] =	stream.indirect_vreg.gather [hbm4b:s1+s3], $0x80, v3, vm0, $0xb8;
	[tilespmem:$0x1E400] =	vst v63  }
0x3fd: {  	s25 =	simm.s32 $0xB400  }
0x3fe: {  	[tilespmem:s25], [sflag:$0x2] =	stream.indirect_vreg.gather [hbm4b:s6+s3], $0x80, v3, vm0, $0xb8;
	[tilespmem:$0x1E400] =	vst v63  }
0x3ff: {  	s30 =	simm.s32 $0xBC00  }
0x400: {  	[tilespmem:s30], [sflag:$0x2] =	stream.indirect_vreg.gather [hbm4b:s7+s3], $0x80, v3, vm0, $0xb8;
	[tilespmem:$0x1E400] =	vst v63  }
0x401: {  	_ =	swait.ge [sflag:s17], $0x6000  }
0x402: {  	[sflag:s17] =	ssyncset.done $0x0  }
0x403: {  	s0 =	simm.s32 $0x12400;
	s11 =	rddreg [dreg:$0x16];
	[sflag:s17] =	ssyncadd.s32 $0xFFFFA000  }
0x404: {  	[hbm4b:s11+s3] =	stream.linear.scatter [tilespmem:s0], [sflag:$0x9], $0x6000, $0x38;
	[tilespmem:$0x1E400] =	vst v63  }
0x405: {  	_ =	swait.ge [sflag:s18], $0x6000  }
0x406: {  	[sflag:s18] =	ssyncset.done $0x0  }
0x407: {  	[sflag:s18] =	ssyncadd.s32 $0xFFFFA000  }
0x408: {  	v3 =	vld [tilespmem:$0x2C0];
	_ =	sdelay $0x4  }
0x409: {  	v44 =	vshrl.u32 v3, $0x3  }
0x40a: {  	v4 =	vmul.u32 $0x30, v44  }
0x40b: {  	v3 =	vand.u32 $0x7, v3  }
0x40c: {  	v3 =	vor.u32 v3, v4  }
0x40d: {  	v4 =	vperm.xlane v3, v0;
	_ =	sdelay $0x1  }
0x40e: {  	v4 =	vadd.s32 v1, v4;
	_ =	sdelay $0x3  }
0x40f: {  	v3 =	vperm.xlane v3, v2  }
0x410: {  	[tilespmem:s2], [sflag:$0x3] =	stream.indirect_vreg.gather [hbm4b:s1+s3], $0x80, v4, vm0, $0xb8;
	[tilespmem:$0x1E400] =	vst v63  }
0x411: {  	s23 =	simm.s32 $0xCC00;
	v3 =	vadd.s32 v1, v3  }
0x412: {  	[tilespmem:s23], [sflag:$0x3] =	stream.indirect_vreg.gather [hbm4b:s6+s3], $0x80, v4, vm0, $0xb8;
	[tilespmem:$0x1E400] =	vst v63  }
0x413: {  	s11 =	simm.s32 $0xD400  }
0x414: {  	[tilespmem:s11], [sflag:$0x3] =	stream.indirect_vreg.gather [hbm4b:s7+s3], $0x80, v4, vm0, $0xb8;
	[tilespmem:$0x1E400] =	vst v63  }
0x415: {  	s23 =	simm.s32 $0xDC00  }
0x416: {  	[tilespmem:s23], [sflag:$0x3] =	stream.indirect_vreg.gather [hbm4b:s1+s3], $0x80, v3, vm0, $0xb8;
	[tilespmem:$0x1E400] =	vst v63  }
0x417: {  	s11 =	simm.s32 $0xE400  }
0x418: {  	[tilespmem:s11], [sflag:$0x3] =	stream.indirect_vreg.gather [hbm4b:s6+s3], $0x80, v3, vm0, $0xb8;
	[tilespmem:$0x1E400] =	vst v63  }
0x419: {  	s23 =	simm.s32 $0xEC00  }
0x41a: {  	[tilespmem:s23], [sflag:$0x3] =	stream.indirect_vreg.gather [hbm4b:s7+s3], $0x80, v3, vm0, $0xb8;
	[tilespmem:$0x1E400] =	vst v63  }
0x41b: {  	v3 =	vld [tilespmem:$0x2D0];
	_ =	sdelay $0x4  }
0x41c: {  	v45 =	vshrl.u32 v3, $0x3  }
0x41d: {  	v4 =	vmul.u32 $0x30, v45  }
0x41e: {  	v3 =	vand.u32 $0x7, v3  }
0x41f: {  	v3 =	vor.u32 v3, v4  }
0x420: {  	v4 =	vperm.xlane v3, v0;
	_ =	sdelay $0x1  }
0x421: {  	v4 =	vadd.s32 v1, v4;
	_ =	sdelay $0x3  }
0x422: {  	s11 =	simm.s32 $0xF400;
	v3 =	vperm.xlane v3, v2  }
0x423: {  	[tilespmem:s11], [sflag:$0x3] =	stream.indirect_vreg.gather [hbm4b:s1+s3], $0x80, v4, vm0, $0xb8;
	[tilespmem:$0x1E400] =	vst v63  }
0x424: {  	s23 =	simm.s32 $0xFC00;
	v3 =	vadd.s32 v1, v3  }
0x425: {  	[tilespmem:s23], [sflag:$0x3] =	stream.indirect_vreg.gather [hbm4b:s6+s3], $0x80, v4, vm0, $0xb8;
	[tilespmem:$0x1E400] =	vst v63  }
0x426: {  	s11 =	simm.s32 $0x10400  }
0x427: {  	[tilespmem:s11], [sflag:$0x3] =	stream.indirect_vreg.gather [hbm4b:s7+s3], $0x80, v4, vm0, $0xb8;
	[tilespmem:$0x1E400] =	vst v63  }
0x428: {  	s23 =	simm.s32 $0x10C00  }
0x429: {  	[tilespmem:s23], [sflag:$0x3] =	stream.indirect_vreg.gather [hbm4b:s1+s3], $0x80, v3, vm0, $0xb8;
	[tilespmem:$0x1E400] =	vst v63  }
0x42a: {  	s11 =	simm.s32 $0x11400  }
0x42b: {  	[tilespmem:s11], [sflag:$0x3] =	stream.indirect_vreg.gather [hbm4b:s6+s3], $0x80, v3, vm0, $0xb8;
	[tilespmem:$0x1E400] =	vst v63  }
0x42c: {  	s23 =	simm.s32 $0x11C00  }
0x42d: {  	[tilespmem:s23], [sflag:$0x3] =	stream.indirect_vreg.gather [hbm4b:s7+s3], $0x80, v3, vm0, $0xb8;
	[tilespmem:$0x1E400] =	vst v63  }
0x42e: {  	_ =	swait.ge [sflag:s19], $0x6000  }
0x42f: {  	[sflag:s19] =	ssyncset.done $0x0  }
0x430: {  	s2 =	simm.s32 $0x18400;
	s11 =	rddreg [dreg:$0x17];
	[sflag:s19] =	ssyncadd.s32 $0xFFFFA000  }
0x431: {  	[hbm4b:s11+s3] =	stream.linear.scatter [tilespmem:s2], [sflag:$0xA], $0x6000, $0x38;
	[tilespmem:$0x1E400] =	vst v63  }
0x432: {  	_ =	swait.ge [sflag:s20], $0x6000  }
0x433: {  	[sflag:s20] =	ssyncset.done $0x0  }
0x434: {  	[sflag:s20] =	ssyncadd.s32 $0xFFFFA000  }
0x435: {  	v3 =	vld [tilespmem:$0x2E0];
	_ =	sdelay $0x4  }
0x436: {  	v46 =	vshrl.u32 v3, $0x3  }
0x437: {  	v4 =	vmul.u32 $0x30, v46  }
0x438: {  	v3 =	vand.u32 $0x7, v3  }
0x439: {  	v3 =	vor.u32 v3, v4  }
0x43a: {  	v4 =	vperm.xlane v3, v0;
	_ =	sdelay $0x1  }
0x43b: {  	v4 =	vadd.s32 v1, v4;
	_ =	sdelay $0x3  }
0x43c: {  	v3 =	vperm.xlane v3, v2  }
0x43d: {  	[tilespmem:s0], [sflag:$0x4] =	stream.indirect_vreg.gather [hbm4b:s1+s3], $0x80, v4, vm0, $0xb8;
	[tilespmem:$0x1E400] =	vst v63  }
0x43e: {  	s23 =	simm.s32 $0x12C00;
	v3 =	vadd.s32 v1, v3  }
0x43f: {  	[tilespmem:s23], [sflag:$0x4] =	stream.indirect_vreg.gather [hbm4b:s6+s3], $0x80, v4, vm0, $0xb8;
	[tilespmem:$0x1E400] =	vst v63  }
0x440: {  	s11 =	simm.s32 $0x13400  }
0x441: {  	[tilespmem:s11], [sflag:$0x4] =	stream.indirect_vreg.gather [hbm4b:s7+s3], $0x80, v4, vm0, $0xb8;
	[tilespmem:$0x1E400] =	vst v63  }
0x442: {  	s23 =	simm.s32 $0x13C00  }
0x443: {  	[tilespmem:s23], [sflag:$0x4] =	stream.indirect_vreg.gather [hbm4b:s1+s3], $0x80, v3, vm0, $0xb8;
	[tilespmem:$0x1E400] =	vst v63  }
0x444: {  	s11 =	simm.s32 $0x14400  }
0x445: {  	[tilespmem:s11], [sflag:$0x4] =	stream.indirect_vreg.gather [hbm4b:s6+s3], $0x80, v3, vm0, $0xb8;
	[tilespmem:$0x1E400] =	vst v63  }
0x446: {  	s23 =	simm.s32 $0x14C00  }
0x447: {  	[tilespmem:s23], [sflag:$0x4] =	stream.indirect_vreg.gather [hbm4b:s7+s3], $0x80, v3, vm0, $0xb8;
	[tilespmem:$0x1E400] =	vst v63  }
0x448: {  	v3 =	vld [tilespmem:$0x2F0];
	_ =	sdelay $0x4  }
0x449: {  	v47 =	vshrl.u32 v3, $0x3  }
0x44a: {  	v4 =	vmul.u32 $0x30, v47  }
0x44b: {  	v3 =	vand.u32 $0x7, v3  }
0x44c: {  	v3 =	vor.u32 v3, v4  }
0x44d: {  	v4 =	vperm.xlane v3, v0;
	_ =	sdelay $0x1  }
0x44e: {  	v4 =	vadd.s32 v1, v4;
	_ =	sdelay $0x3  }
0x44f: {  	s11 =	simm.s32 $0x15400;
	v3 =	vperm.xlane v3, v2  }
0x450: {  	[tilespmem:s11], [sflag:$0x4] =	stream.indirect_vreg.gather [hbm4b:s1+s3], $0x80, v4, vm0, $0xb8;
	[tilespmem:$0x1E400] =	vst v63  }
0x451: {  	s23 =	simm.s32 $0x15C00;
	v3 =	vadd.s32 v1, v3  }
0x452: {  	[tilespmem:s23], [sflag:$0x4] =	stream.indirect_vreg.gather [hbm4b:s6+s3], $0x80, v4, vm0, $0xb8;
	[tilespmem:$0x1E400] =	vst v63  }
0x453: {  	s11 =	simm.s32 $0x16400  }
0x454: {  	[tilespmem:s11], [sflag:$0x4] =	stream.indirect_vreg.gather [hbm4b:s7+s3], $0x80, v4, vm0, $0xb8;
	[tilespmem:$0x1E400] =	vst v63  }
0x455: {  	s23 =	simm.s32 $0x16C00  }
0x456: {  	[tilespmem:s23], [sflag:$0x4] =	stream.indirect_vreg.gather [hbm4b:s1+s3], $0x80, v3, vm0, $0xb8;
	[tilespmem:$0x1E400] =	vst v63  }
0x457: {  	s11 =	simm.s32 $0x17400  }
0x458: {  	[tilespmem:s11], [sflag:$0x4] =	stream.indirect_vreg.gather [hbm4b:s6+s3], $0x80, v3, vm0, $0xb8;
	[tilespmem:$0x1E400] =	vst v63  }
0x459: {  	s23 =	simm.s32 $0x17C00  }
0x45a: {  	[tilespmem:s23], [sflag:$0x4] =	stream.indirect_vreg.gather [hbm4b:s7+s3], $0x80, v3, vm0, $0xb8;
	[tilespmem:$0x1E400] =	vst v63  }
0x45b: {  	_ =	swait.ge [sflag:s5], $0x6000  }
0x45c: {  	[sflag:s5] =	ssyncset.done $0x0  }
0x45d: {  	s4 =	simm.s32 $0x400;
	s0 =	rddreg [dreg:$0x18];
	[sflag:s5] =	ssyncadd.s32 $0xFFFFA000  }
0x45e: {  	[hbm4b:s0+s3] =	stream.linear.scatter [tilespmem:s4], [sflag:$0x6], $0x6000, $0x38;
	[tilespmem:$0x1E400] =	vst v63  }
0x45f: {  	_ =	swait.ge [sflag:s21], $0x6000  }
0x460: {  	[sflag:s21] =	ssyncset.done $0x0  }
0x461: {  	[sflag:s21] =	ssyncadd.s32 $0xFFFFA000  }
0x462: {  	v3 =	vld [tilespmem:$0x300];
	_ =	sdelay $0x4  }
0x463: {  	v48 =	vshrl.u32 v3, $0x3  }
0x464: {  	v4 =	vmul.u32 $0x30, v48  }
0x465: {  	v3 =	vand.u32 $0x7, v3  }
0x466: {  	v3 =	vor.u32 v3, v4  }
0x467: {  	v4 =	vperm.xlane v3, v0;
	_ =	sdelay $0x1  }
0x468: {  	v4 =	vadd.s32 v1, v4;
	_ =	sdelay $0x3  }
0x469: {  	v3 =	vperm.xlane v3, v2  }
0x46a: {  	[tilespmem:s2], [sflag:$0x5] =	stream.indirect_vreg.gather [hbm4b:s1+s3], $0x80, v4, vm0, $0xb8;
	[tilespmem:$0x1E400] =	vst v63  }
0x46b: {  	s11 =	simm.s32 $0x18C00;
	v3 =	vadd.s32 v1, v3  }
0x46c: {  	[tilespmem:s11], [sflag:$0x5] =	stream.indirect_vreg.gather [hbm4b:s6+s3], $0x80, v4, vm0, $0xb8;
	[tilespmem:$0x1E400] =	vst v63  }
0x46d: {  	_ = 	snop  }
0x46e: {  	[tilespmem:s31], [sflag:$0x5] =	stream.indirect_vreg.gather [hbm4b:s7+s3], $0x80, v4, vm0, $0xb8;
	[tilespmem:$0x1E400] =	vst v63  }
0x46f: {  	s23 =	simm.s32 $0x19C00  }
0x470: {  	[tilespmem:s23], [sflag:$0x5] =	stream.indirect_vreg.gather [hbm4b:s1+s3], $0x80, v3, vm0, $0xb8;
	[tilespmem:$0x1E400] =	vst v63  }
0x471: {  	_ = 	snop  }
0x472: {  	[tilespmem:s26], [sflag:$0x5] =	stream.indirect_vreg.gather [hbm4b:s6+s3], $0x80, v3, vm0, $0xb8;
	[tilespmem:$0x1E400] =	vst v63  }
0x473: {  	s2 =	simm.s32 $0x1AC00  }
0x474: {  	[tilespmem:s2], [sflag:$0x5] =	stream.indirect_vreg.gather [hbm4b:s7+s3], $0x80, v3, vm0, $0xb8;
	[tilespmem:$0x1E400] =	vst v63  }
0x475: {  	v3 =	vld [tilespmem:$0x310];
	_ =	sdelay $0x4  }
0x476: {  	v49 =	vshrl.u32 v3, $0x3  }
0x477: {  	v4 =	vmul.u32 $0x30, v49  }
0x478: {  	v3 =	vand.u32 $0x7, v3  }
0x479: {  	v3 =	vor.u32 v3, v4  }
0x47a: {  	v4 =	vperm.xlane v3, v0;
	_ =	sdelay $0x1  }
0x47b: {  	v4 =	vadd.s32 v1, v4;
	_ =	sdelay $0x3  }
0x47c: {  	s11 =	simm.s32 $0x1B400;
	v3 =	vperm.xlane v3, v2  }
0x47d: {  	[tilespmem:s11], [sflag:$0x5] =	stream.indirect_vreg.gather [hbm4b:s1+s3], $0x80, v4, vm0, $0xb8;
	[tilespmem:$0x1E400] =	vst v63  }
0x47e: {  	s23 =	simm.s32 $0x1BC00;
	v3 =	vadd.s32 v1, v3  }
0x47f: {  	[tilespmem:s23], [sflag:$0x5] =	stream.indirect_vreg.gather [hbm4b:s6+s3], $0x80, v4, vm0, $0xb8;
	[tilespmem:$0x1E400] =	vst v63  }
0x480: {  	s11 =	simm.s32 $0x1C400  }
0x481: {  	[tilespmem:s11], [sflag:$0x5] =	stream.indirect_vreg.gather [hbm4b:s7+s3], $0x80, v4, vm0, $0xb8;
	[tilespmem:$0x1E400] =	vst v63  }
0x482: {  	s2 =	simm.s32 $0x1CC00  }
0x483: {  	[tilespmem:s2], [sflag:$0x5] =	stream.indirect_vreg.gather [hbm4b:s1+s3], $0x80, v3, vm0, $0xb8;
	[tilespmem:$0x1E400] =	vst v63  }
0x484: {  	s23 =	simm.s32 $0x1D400  }
0x485: {  	[tilespmem:s23], [sflag:$0x5] =	stream.indirect_vreg.gather [hbm4b:s6+s3], $0x80, v3, vm0, $0xb8;
	[tilespmem:$0x1E400] =	vst v63  }
0x486: {  	_ = 	snop  }
0x487: {  	[tilespmem:s10], [sflag:$0x5] =	stream.indirect_vreg.gather [hbm4b:s7+s3], $0x80, v3, vm0, $0xb8;
	[tilespmem:$0x1E400] =	vst v63  }
0x488: {  	_ =	swait.ge [sflag:s13], $0x6000  }
0x489: {  	[sflag:s13] =	ssyncset.done $0x0  }
0x48a: {  	s0 =	simm.s32 $0x6400;
	s2 =	rddreg [dreg:$0x19];
	[sflag:s13] =	ssyncadd.s32 $0xFFFFA000  }
0x48b: {  	[hbm4b:s2+s3] =	stream.linear.scatter [tilespmem:s0], [sflag:$0x7], $0x6000, $0x38;
	[tilespmem:$0x1E400] =	vst v63  }
0x48c: {  	_ =	swait.ge [sflag:s14], $0x6000  }
0x48d: {  	[sflag:s14] =	ssyncset.done $0x0  }
0x48e: {  	[sflag:s14] =	ssyncadd.s32 $0xFFFFA000  }
0x48f: {  	v3 =	vld [tilespmem:$0x320];
	_ =	sdelay $0x4  }
0x490: {  	v50 =	vshrl.u32 v3, $0x3  }
0x491: {  	v4 =	vmul.u32 $0x30, v50  }
0x492: {  	v3 =	vand.u32 $0x7, v3  }
0x493: {  	v3 =	vor.u32 v3, v4  }
0x494: {  	v4 =	vperm.xlane v3, v0;
	_ =	sdelay $0x1  }
0x495: {  	v4 =	vadd.s32 v1, v4;
	_ =	sdelay $0x3  }
0x496: {  	v3 =	vperm.xlane v3, v2  }
0x497: {  	[tilespmem:s4], [sflag:$0x1] =	stream.indirect_vreg.gather [hbm4b:s1+s3], $0x80, v4, vm0, $0xb8;
	[tilespmem:$0x1E400] =	vst v63  }
0x498: {  	s23 =	simm.s32 $0xC00;
	v3 =	vadd.s32 v1, v3  }
0x499: {  	[tilespmem:s23], [sflag:$0x1] =	stream.indirect_vreg.gather [hbm4b:s6+s3], $0x80, v4, vm0, $0xb8;
	[tilespmem:$0x1E400] =	vst v63  }
0x49a: {  	s2 =	simm.s32 $0x1400  }
0x49b: {  	[tilespmem:s2], [sflag:$0x1] =	stream.indirect_vreg.gather [hbm4b:s7+s3], $0x80, v4, vm0, $0xb8;
	[tilespmem:$0x1E400] =	vst v63  }
0x49c: {  	s23 =	simm.s32 $0x1C00  }
0x49d: {  	[tilespmem:s23], [sflag:$0x1] =	stream.indirect_vreg.gather [hbm4b:s1+s3], $0x80, v3, vm0, $0xb8;
	[tilespmem:$0x1E400] =	vst v63  }
0x49e: {  	s2 =	simm.s32 $0x2400  }
0x49f: {  	[tilespmem:s2], [sflag:$0x1] =	stream.indirect_vreg.gather [hbm4b:s6+s3], $0x80, v3, vm0, $0xb8;
	[tilespmem:$0x1E400] =	vst v63  }
0x4a0: {  	_ = 	snop  }
0x4a1: {  	[tilespmem:s9], [sflag:$0x1] =	stream.indirect_vreg.gather [hbm4b:s7+s3], $0x80, v3, vm0, $0xb8;
	[tilespmem:$0x1E400] =	vst v63  }
0x4a2: {  	v3 =	vld [tilespmem:$0x330];
	_ =	sdelay $0x4  }
0x4a3: {  	v51 =	vshrl.u32 v3, $0x3  }
0x4a4: {  	v4 =	vmul.u32 $0x30, v51  }
0x4a5: {  	v3 =	vand.u32 $0x7, v3  }
0x4a6: {  	v3 =	vor.u32 v3, v4  }
0x4a7: {  	v4 =	vperm.xlane v3, v0;
	_ =	sdelay $0x1  }
0x4a8: {  	v4 =	vadd.s32 v1, v4;
	_ =	sdelay $0x3  }
0x4a9: {  	s9 =	simm.s32 $0x3400;
	v3 =	vperm.xlane v3, v2  }
0x4aa: {  	[tilespmem:s9], [sflag:$0x1] =	stream.indirect_vreg.gather [hbm4b:s1+s3], $0x80, v4, vm0, $0xb8;
	[tilespmem:$0x1E400] =	vst v63  }
0x4ab: {  	s23 =	simm.s32 $0x3C00;
	v3 =	vadd.s32 v1, v3  }
0x4ac: {  	[tilespmem:s23], [sflag:$0x1] =	stream.indirect_vreg.gather [hbm4b:s6+s3], $0x80, v4, vm0, $0xb8;
	[tilespmem:$0x1E400] =	vst v63  }
0x4ad: {  	s2 =	simm.s32 $0x4400  }
0x4ae: {  	[tilespmem:s2], [sflag:$0x1] =	stream.indirect_vreg.gather [hbm4b:s7+s3], $0x80, v4, vm0, $0xb8;
	[tilespmem:$0x1E400] =	vst v63  }
0x4af: {  	s9 =	simm.s32 $0x4C00  }
0x4b0: {  	[tilespmem:s9], [sflag:$0x1] =	stream.indirect_vreg.gather [hbm4b:s1+s3], $0x80, v3, vm0, $0xb8;
	[tilespmem:$0x1E400] =	vst v63  }
0x4b1: {  	s23 =	simm.s32 $0x5400  }
0x4b2: {  	[tilespmem:s23], [sflag:$0x1] =	stream.indirect_vreg.gather [hbm4b:s6+s3], $0x80, v3, vm0, $0xb8;
	[tilespmem:$0x1E400] =	vst v63  }
0x4b3: {  	s2 =	simm.s32 $0x5C00  }
0x4b4: {  	[tilespmem:s2], [sflag:$0x1] =	stream.indirect_vreg.gather [hbm4b:s7+s3], $0x80, v3, vm0, $0xb8;
	[tilespmem:$0x1E400] =	vst v63  }
0x4b5: {  	_ =	swait.ge [sflag:s15], $0x6000  }
0x4b6: {  	[sflag:s15] =	ssyncset.done $0x0  }
0x4b7: {  	s9 =	simm.s32 $0xC400;
	s4 =	rddreg [dreg:$0x1a];
	[sflag:s15] =	ssyncadd.s32 $0xFFFFA000  }
0x4b8: {  	[hbm4b:s4+s3] =	stream.linear.scatter [tilespmem:s9], [sflag:$0x8], $0x6000, $0x38;
	[tilespmem:$0x1E400] =	vst v63  }
0x4b9: {  	_ =	swait.ge [sflag:s16], $0x6000  }
0x4ba: {  	[sflag:s16] =	ssyncset.done $0x0  }
0x4bb: {  	[sflag:s16] =	ssyncadd.s32 $0xFFFFA000  }
0x4bc: {  	v3 =	vld [tilespmem:$0x340];
	_ =	sdelay $0x4  }
0x4bd: {  	v52 =	vshrl.u32 v3, $0x3  }
0x4be: {  	v4 =	vmul.u32 $0x30, v52  }
0x4bf: {  	v3 =	vand.u32 $0x7, v3  }
0x4c0: {  	v3 =	vor.u32 v3, v4  }
0x4c1: {  	v4 =	vperm.xlane v3, v0;
	_ =	sdelay $0x1  }
0x4c2: {  	v4 =	vadd.s32 v1, v4;
	_ =	sdelay $0x3  }
0x4c3: {  	v3 =	vperm.xlane v3, v2  }
0x4c4: {  	[tilespmem:s0], [sflag:$0x2] =	stream.indirect_vreg.gather [hbm4b:s1+s3], $0x80, v4, vm0, $0xb8;
	[tilespmem:$0x1E400] =	vst v63  }
0x4c5: {  	s23 =	simm.s32 $0x6C00;
	v3 =	vadd.s32 v1, v3  }
0x4c6: {  	[tilespmem:s23], [sflag:$0x2] =	stream.indirect_vreg.gather [hbm4b:s6+s3], $0x80, v4, vm0, $0xb8;
	[tilespmem:$0x1E400] =	vst v63  }
0x4c7: {  	_ = 	snop  }
0x4c8: {  	[tilespmem:s8], [sflag:$0x2] =	stream.indirect_vreg.gather [hbm4b:s7+s3], $0x80, v4, vm0, $0xb8;
	[tilespmem:$0x1E400] =	vst v63  }
0x4c9: {  	s2 =	simm.s32 $0x7C00  }
0x4ca: {  	[tilespmem:s2], [sflag:$0x2] =	stream.indirect_vreg.gather [hbm4b:s1+s3], $0x80, v3, vm0, $0xb8;
	[tilespmem:$0x1E400] =	vst v63  }
0x4cb: {  	s4 =	simm.s32 $0x8400  }
0x4cc: {  	[tilespmem:s4], [sflag:$0x2] =	stream.indirect_vreg.gather [hbm4b:s6+s3], $0x80, v3, vm0, $0xb8;
	[tilespmem:$0x1E400] =	vst v63  }
0x4cd: {  	_ = 	snop  }
0x4ce: {  	[tilespmem:s28], [sflag:$0x2] =	stream.indirect_vreg.gather [hbm4b:s7+s3], $0x80, v3, vm0, $0xb8;
	[tilespmem:$0x1E400] =	vst v63  }
0x4cf: {  	v3 =	vld [tilespmem:$0x350];
	_ =	sdelay $0x4  }
0x4d0: {  	v53 =	vshrl.u32 v3, $0x3  }
0x4d1: {  	v4 =	vmul.u32 $0x30, v53  }
0x4d2: {  	v3 =	vand.u32 $0x7, v3  }
0x4d3: {  	v3 =	vor.u32 v3, v4  }
0x4d4: {  	v4 =	vperm.xlane v3, v0;
	_ =	sdelay $0x1  }
0x4d5: {  	v4 =	vadd.s32 v1, v4;
	_ =	sdelay $0x3  }
0x4d6: {  	v3 =	vperm.xlane v3, v2  }
0x4d7: {  	[tilespmem:s29], [sflag:$0x2] =	stream.indirect_vreg.gather [hbm4b:s1+s3], $0x80, v4, vm0, $0xb8;
	[tilespmem:$0x1E400] =	vst v63  }
0x4d8: {  	v3 =	vadd.s32 v1, v3  }
0x4d9: {  	[tilespmem:s12], [sflag:$0x2] =	stream.indirect_vreg.gather [hbm4b:s6+s3], $0x80, v4, vm0, $0xb8;
	[tilespmem:$0x1E400] =	vst v63  }
0x4da: {  	_ = 	snop  }
0x4db: {  	[tilespmem:s22], [sflag:$0x2] =	stream.indirect_vreg.gather [hbm4b:s7+s3], $0x80, v4, vm0, $0xb8;
	[tilespmem:$0x1E400] =	vst v63  }
0x4dc: {  	_ = 	snop  }
0x4dd: {  	[tilespmem:s24], [sflag:$0x2] =	stream.indirect_vreg.gather [hbm4b:s1+s3], $0x80, v3, vm0, $0xb8;
	[tilespmem:$0x1E400] =	vst v63  }
0x4de: {  	_ = 	snop  }
0x4df: {  	[tilespmem:s25], [sflag:$0x2] =	stream.indirect_vreg.gather [hbm4b:s6+s3], $0x80, v3, vm0, $0xb8;
	[tilespmem:$0x1E400] =	vst v63  }
0x4e0: {  	_ = 	snop  }
0x4e1: {  	[tilespmem:s30], [sflag:$0x2] =	stream.indirect_vreg.gather [hbm4b:s7+s3], $0x80, v3, vm0, $0xb8;
	[tilespmem:$0x1E400] =	vst v63  }
0x4e2: {  	_ =	swait.ge [sflag:s17], $0x6000  }
0x4e3: {  	[sflag:s17] =	ssyncset.done $0x0  }
0x4e4: {  	s4 =	simm.s32 $0x12400;
	s8 =	rddreg [dreg:$0x1b];
	[sflag:s17] =	ssyncadd.s32 $0xFFFFA000  }
0x4e5: {  	[hbm4b:s8+s3] =	stream.linear.scatter [tilespmem:s4], [sflag:$0x9], $0x6000, $0x38;
	[tilespmem:$0x1E400] =	vst v63  }
0x4e6: {  	_ =	swait.ge [sflag:s18], $0x6000  }
0x4e7: {  	[sflag:s18] =	ssyncset.done $0x0  }
0x4e8: {  	[sflag:s18] =	ssyncadd.s32 $0xFFFFA000  }
0x4e9: {  	v3 =	vld [tilespmem:$0x360];
	_ =	sdelay $0x4  }
0x4ea: {  	v54 =	vshrl.u32 v3, $0x3  }
0x4eb: {  	v4 =	vmul.u32 $0x30, v54  }
0x4ec: {  	v3 =	vand.u32 $0x7, v3  }
0x4ed: {  	v3 =	vor.u32 v3, v4  }
0x4ee: {  	v4 =	vperm.xlane v3, v0;
	_ =	sdelay $0x1  }
0x4ef: {  	v4 =	vadd.s32 v1, v4;
	_ =	sdelay $0x3  }
0x4f0: {  	v3 =	vperm.xlane v3, v2  }
0x4f1: {  	[tilespmem:s9], [sflag:$0x3] =	stream.indirect_vreg.gather [hbm4b:s1+s3], $0x80, v4, vm0, $0xb8;
	[tilespmem:$0x1E400] =	vst v63  }
0x4f2: {  	s23 =	simm.s32 $0xCC00;
	v3 =	vadd.s32 v1, v3  }
0x4f3: {  	[tilespmem:s23], [sflag:$0x3] =	stream.indirect_vreg.gather [hbm4b:s6+s3], $0x80, v4, vm0, $0xb8;
	[tilespmem:$0x1E400] =	vst v63  }
0x4f4: {  	s8 =	simm.s32 $0xD400  }
0x4f5: {  	[tilespmem:s8], [sflag:$0x3] =	stream.indirect_vreg.gather [hbm4b:s7+s3], $0x80, v4, vm0, $0xb8;
	[tilespmem:$0x1E400] =	vst v63  }
0x4f6: {  	s23 =	simm.s32 $0xDC00  }
0x4f7: {  	[tilespmem:s23], [sflag:$0x3] =	stream.indirect_vreg.gather [hbm4b:s1+s3], $0x80, v3, vm0, $0xb8;
	[tilespmem:$0x1E400] =	vst v63  }
0x4f8: {  	s8 =	simm.s32 $0xE400  }
0x4f9: {  	[tilespmem:s8], [sflag:$0x3] =	stream.indirect_vreg.gather [hbm4b:s6+s3], $0x80, v3, vm0, $0xb8;
	[tilespmem:$0x1E400] =	vst v63  }
0x4fa: {  	s23 =	simm.s32 $0xEC00  }
0x4fb: {  	[tilespmem:s23], [sflag:$0x3] =	stream.indirect_vreg.gather [hbm4b:s7+s3], $0x80, v3, vm0, $0xb8;
	[tilespmem:$0x1E400] =	vst v63  }
0x4fc: {  	v3 =	vld [tilespmem:$0x370];
	_ =	sdelay $0x4  }
0x4fd: {  	v55 =	vshrl.u32 v3, $0x3  }
0x4fe: {  	v4 =	vmul.u32 $0x30, v55  }
0x4ff: {  	v3 =	vand.u32 $0x7, v3  }
0x500: {  	v3 =	vor.u32 v3, v4  }
0x501: {  	v4 =	vperm.xlane v3, v0;
	_ =	sdelay $0x1  }
0x502: {  	v4 =	vadd.s32 v1, v4;
	_ =	sdelay $0x3  }
0x503: {  	s8 =	simm.s32 $0xF400;
	v3 =	vperm.xlane v3, v2  }
0x504: {  	[tilespmem:s8], [sflag:$0x3] =	stream.indirect_vreg.gather [hbm4b:s1+s3], $0x80, v4, vm0, $0xb8;
	[tilespmem:$0x1E400] =	vst v63  }
0x505: {  	s23 =	simm.s32 $0xFC00;
	v3 =	vadd.s32 v1, v3  }
0x506: {  	[tilespmem:s23], [sflag:$0x3] =	stream.indirect_vreg.gather [hbm4b:s6+s3], $0x80, v4, vm0, $0xb8;
	[tilespmem:$0x1E400] =	vst v63  }
0x507: {  	s8 =	simm.s32 $0x10400  }
0x508: {  	[tilespmem:s8], [sflag:$0x3] =	stream.indirect_vreg.gather [hbm4b:s7+s3], $0x80, v4, vm0, $0xb8;
	[tilespmem:$0x1E400] =	vst v63  }
0x509: {  	s23 =	simm.s32 $0x10C00  }
0x50a: {  	[tilespmem:s23], [sflag:$0x3] =	stream.indirect_vreg.gather [hbm4b:s1+s3], $0x80, v3, vm0, $0xb8;
	[tilespmem:$0x1E400] =	vst v63  }
0x50b: {  	s8 =	simm.s32 $0x11400  }
0x50c: {  	[tilespmem:s8], [sflag:$0x3] =	stream.indirect_vreg.gather [hbm4b:s6+s3], $0x80, v3, vm0, $0xb8;
	[tilespmem:$0x1E400] =	vst v63  }
0x50d: {  	s23 =	simm.s32 $0x11C00  }
0x50e: {  	[tilespmem:s23], [sflag:$0x3] =	stream.indirect_vreg.gather [hbm4b:s7+s3], $0x80, v3, vm0, $0xb8;
	[tilespmem:$0x1E400] =	vst v63  }
0x50f: {  	_ =	swait.ge [sflag:s19], $0x6000  }
0x510: {  	[sflag:s19] =	ssyncset.done $0x0  }
0x511: {  	s2 =	simm.s32 $0x18400;
	s8 =	rddreg [dreg:$0x1c];
	[sflag:s19] =	ssyncadd.s32 $0xFFFFA000  }
0x512: {  	[hbm4b:s8+s3] =	stream.linear.scatter [tilespmem:s2], [sflag:$0xA], $0x6000, $0x38;
	[tilespmem:$0x1E400] =	vst v63  }
0x513: {  	_ =	swait.ge [sflag:s20], $0x6000  }
0x514: {  	[sflag:s20] =	ssyncset.done $0x0  }
0x515: {  	[sflag:s20] =	ssyncadd.s32 $0xFFFFA000  }
0x516: {  	v3 =	vld [tilespmem:$0x380];
	_ =	sdelay $0x4  }
0x517: {  	v56 =	vshrl.u32 v3, $0x3  }
0x518: {  	v4 =	vmul.u32 $0x30, v56  }
0x519: {  	v3 =	vand.u32 $0x7, v3  }
0x51a: {  	v3 =	vor.u32 v3, v4  }
0x51b: {  	v4 =	vperm.xlane v3, v0;
	_ =	sdelay $0x1  }
0x51c: {  	v4 =	vadd.s32 v1, v4;
	_ =	sdelay $0x3  }
0x51d: {  	v3 =	vperm.xlane v3, v2  }
0x51e: {  	[tilespmem:s4], [sflag:$0x4] =	stream.indirect_vreg.gather [hbm4b:s1+s3], $0x80, v4, vm0, $0xb8;
	[tilespmem:$0x1E400] =	vst v63  }
0x51f: {  	s23 =	simm.s32 $0x12C00;
	v3 =	vadd.s32 v1, v3  }
0x520: {  	[tilespmem:s23], [sflag:$0x4] =	stream.indirect_vreg.gather [hbm4b:s6+s3], $0x80, v4, vm0, $0xb8;
	[tilespmem:$0x1E400] =	vst v63  }
0x521: {  	s23 =	simm.s32 $0x13400  }
0x522: {  	[tilespmem:s23], [sflag:$0x4] =	stream.indirect_vreg.gather [hbm4b:s7+s3], $0x80, v4, vm0, $0xb8;
	[tilespmem:$0x1E400] =	vst v63  }
0x523: {  	s23 =	simm.s32 $0x13C00  }
0x524: {  	[tilespmem:s23], [sflag:$0x4] =	stream.indirect_vreg.gather [hbm4b:s1+s3], $0x80, v3, vm0, $0xb8;
	[tilespmem:$0x1E400] =	vst v63  }
0x525: {  	s23 =	simm.s32 $0x14400  }
0x526: {  	[tilespmem:s23], [sflag:$0x4] =	stream.indirect_vreg.gather [hbm4b:s6+s3], $0x80, v3, vm0, $0xb8;
	[tilespmem:$0x1E400] =	vst v63  }
0x527: {  	s23 =	simm.s32 $0x14C00  }
0x528: {  	[tilespmem:s23], [sflag:$0x4] =	stream.indirect_vreg.gather [hbm4b:s7+s3], $0x80, v3, vm0, $0xb8;
	[tilespmem:$0x1E400] =	vst v63  }
0x529: {  	v3 =	vld [tilespmem:$0x390];
	_ =	sdelay $0x4  }
0x52a: {  	v57 =	vshrl.u32 v3, $0x3  }
0x52b: {  	v4 =	vmul.u32 $0x30, v57  }
0x52c: {  	v3 =	vand.u32 $0x7, v3  }
0x52d: {  	v3 =	vor.u32 v3, v4  }
0x52e: {  	v4 =	vperm.xlane v3, v0;
	_ =	sdelay $0x1  }
0x52f: {  	v4 =	vadd.s32 v1, v4;
	_ =	sdelay $0x3  }
0x530: {  	s23 =	simm.s32 $0x15400;
	v3 =	vperm.xlane v3, v2  }
0x531: {  	[tilespmem:s23], [sflag:$0x4] =	stream.indirect_vreg.gather [hbm4b:s1+s3], $0x80, v4, vm0, $0xb8;
	[tilespmem:$0x1E400] =	vst v63  }
0x532: {  	v3 =	vadd.s32 v1, v3;
	s23 =	simm.s32 $0x15C00  }
0x533: {  	[tilespmem:s23], [sflag:$0x4] =	stream.indirect_vreg.gather [hbm4b:s6+s3], $0x80, v4, vm0, $0xb8;
	[tilespmem:$0x1E400] =	vst v63  }
0x534: {  	s23 =	simm.s32 $0x16400  }
0x535: {  	[tilespmem:s23], [sflag:$0x4] =	stream.indirect_vreg.gather [hbm4b:s7+s3], $0x80, v4, vm0, $0xb8;
	[tilespmem:$0x1E400] =	vst v63  }
0x536: {  	s23 =	simm.s32 $0x16C00  }
0x537: {  	[tilespmem:s23], [sflag:$0x4] =	stream.indirect_vreg.gather [hbm4b:s1+s3], $0x80, v3, vm0, $0xb8;
	[tilespmem:$0x1E400] =	vst v63  }
0x538: {  	s23 =	simm.s32 $0x17400  }
0x539: {  	[tilespmem:s23], [sflag:$0x4] =	stream.indirect_vreg.gather [hbm4b:s6+s3], $0x80, v3, vm0, $0xb8;
	[tilespmem:$0x1E400] =	vst v63  }
0x53a: {  	s23 =	simm.s32 $0x17C00  }
0x53b: {  	[tilespmem:s23], [sflag:$0x4] =	stream.indirect_vreg.gather [hbm4b:s7+s3], $0x80, v3, vm0, $0xb8;
	[tilespmem:$0x1E400] =	vst v63  }
0x53c: {  	_ =	swait.ge [sflag:s5], $0x6000  }
0x53d: {  	[sflag:s5] =	ssyncset.done $0x0  }
0x53e: {  	s4 =	simm.s32 $0x400;
	s23 =	rddreg [dreg:$0x1d];
	[sflag:s5] =	ssyncadd.s32 $0xFFFFA000  }
0x53f: {  	[hbm4b:s23+s3] =	stream.linear.scatter [tilespmem:s4], [sflag:$0x6], $0x6000, $0x38;
	[tilespmem:$0x1E400] =	vst v63  }
0x540: {  	_ =	swait.ge [sflag:s21], $0x6000  }
0x541: {  	[sflag:s21] =	ssyncset.done $0x0  }
0x542: {  	[sflag:s21] =	ssyncadd.s32 $0xFFFFA000  }
0x543: {  	v3 =	vld [tilespmem:$0x3A0];
	_ =	sdelay $0x4  }
0x544: {  	v58 =	vshrl.u32 v3, $0x3  }
0x545: {  	v4 =	vmul.u32 $0x30, v58  }
0x546: {  	v3 =	vand.u32 $0x7, v3  }
0x547: {  	v3 =	vor.u32 v3, v4  }
0x548: {  	v4 =	vperm.xlane v3, v0;
	_ =	sdelay $0x1  }
0x549: {  	v4 =	vadd.s32 v1, v4;
	_ =	sdelay $0x3  }
0x54a: {  	v3 =	vperm.xlane v3, v2  }
0x54b: {  	[tilespmem:s2], [sflag:$0x5] =	stream.indirect_vreg.gather [hbm4b:s1+s3], $0x80, v4, vm0, $0xb8;
	[tilespmem:$0x1E400] =	vst v63  }
0x54c: {  	s23 =	simm.s32 $0x18C00;
	v3 =	vadd.s32 v1, v3  }
0x54d: {  	[tilespmem:s23], [sflag:$0x5] =	stream.indirect_vreg.gather [hbm4b:s6+s3], $0x80, v4, vm0, $0xb8;
	[tilespmem:$0x1E400] =	vst v63  }
0x54e: {  	s31 =	simm.s32 $0x19400  }
0x54f: {  	[tilespmem:s31], [sflag:$0x5] =	stream.indirect_vreg.gather [hbm4b:s7+s3], $0x80, v4, vm0, $0xb8;
	[tilespmem:$0x1E400] =	vst v63  }
0x550: {  	s31 =	simm.s32 $0x19C00  }
0x551: {  	[tilespmem:s31], [sflag:$0x5] =	stream.indirect_vreg.gather [hbm4b:s1+s3], $0x80, v3, vm0, $0xb8;
	[tilespmem:$0x1E400] =	vst v63  }
0x552: {  	s26 =	simm.s32 $0x1A400  }
0x553: {  	[tilespmem:s26], [sflag:$0x5] =	stream.indirect_vreg.gather [hbm4b:s6+s3], $0x80, v3, vm0, $0xb8;
	[tilespmem:$0x1E400] =	vst v63  }
0x554: {  	s26 =	simm.s32 $0x1AC00  }
0x555: {  	[tilespmem:s26], [sflag:$0x5] =	stream.indirect_vreg.gather [hbm4b:s7+s3], $0x80, v3, vm0, $0xb8;
	[tilespmem:$0x1E400] =	vst v63  }
0x556: {  	v3 =	vld [tilespmem:$0x3B0];
	_ =	sdelay $0x4  }
0x557: {  	v59 =	vshrl.u32 v3, $0x3  }
0x558: {  	v4 =	vmul.u32 $0x30, v59  }
0x559: {  	v3 =	vand.u32 $0x7, v3  }
0x55a: {  	v3 =	vor.u32 v3, v4  }
0x55b: {  	v4 =	vperm.xlane v3, v0;
	_ =	sdelay $0x1  }
0x55c: {  	v4 =	vadd.s32 v1, v4;
	_ =	sdelay $0x3  }
0x55d: {  	s31 =	simm.s32 $0x1B400;
	v3 =	vperm.xlane v3, v2  }
0x55e: {  	[tilespmem:s31], [sflag:$0x5] =	stream.indirect_vreg.gather [hbm4b:s1+s3], $0x80, v4, vm0, $0xb8;
	[tilespmem:$0x1E400] =	vst v63  }
0x55f: {  	s26 =	simm.s32 $0x1BC00;
	v3 =	vadd.s32 v1, v3  }
0x560: {  	[tilespmem:s26], [sflag:$0x5] =	stream.indirect_vreg.gather [hbm4b:s6+s3], $0x80, v4, vm0, $0xb8;
	[tilespmem:$0x1E400] =	vst v63  }
0x561: {  	_ = 	snop  }
0x562: {  	[tilespmem:s11], [sflag:$0x5] =	stream.indirect_vreg.gather [hbm4b:s7+s3], $0x80, v4, vm0, $0xb8;
	[tilespmem:$0x1E400] =	vst v63  }
0x563: {  	s31 =	simm.s32 $0x1CC00  }
0x564: {  	[tilespmem:s31], [sflag:$0x5] =	stream.indirect_vreg.gather [hbm4b:s1+s3], $0x80, v3, vm0, $0xb8;
	[tilespmem:$0x1E400] =	vst v63  }
0x565: {  	s23 =	simm.s32 $0x1D400  }
0x566: {  	[tilespmem:s23], [sflag:$0x5] =	stream.indirect_vreg.gather [hbm4b:s6+s3], $0x80, v3, vm0, $0xb8;
	[tilespmem:$0x1E400] =	vst v63  }
0x567: {  	s10 =	simm.s32 $0x1DC00  }
0x568: {  	[tilespmem:s10], [sflag:$0x5] =	stream.indirect_vreg.gather [hbm4b:s7+s3], $0x80, v3, vm0, $0xb8;
	[tilespmem:$0x1E400] =	vst v63  }
0x569: {  	_ =	swait.ge [sflag:s13], $0x6000  }
0x56a: {  	[sflag:s13] =	ssyncset.done $0x0  }
0x56b: {  	s0 =	simm.s32 $0x6400;
	s26 =	rddreg [dreg:$0x1e];
	[sflag:s13] =	ssyncadd.s32 $0xFFFFA000  }
0x56c: {  	[hbm4b:s26+s3] =	stream.linear.scatter [tilespmem:s0], [sflag:$0x7], $0x6000, $0x38;
	[tilespmem:$0x1E400] =	vst v63  }
0x56d: {  	_ =	swait.ge [sflag:s14], $0x6000  }
0x56e: {  	[sflag:s14] =	ssyncset.done $0x0  }
0x56f: {  	[sflag:s14] =	ssyncadd.s32 $0xFFFFA000  }
0x570: {  	v3 =	vld [tilespmem:$0x3C0];
	_ =	sdelay $0x4  }
0x571: {  	v60 =	vshrl.u32 v3, $0x3  }
0x572: {  	v4 =	vmul.u32 $0x30, v60  }
0x573: {  	v3 =	vand.u32 $0x7, v3  }
0x574: {  	v3 =	vor.u32 v3, v4  }
0x575: {  	v4 =	vperm.xlane v3, v0;
	_ =	sdelay $0x1  }
0x576: {  	v4 =	vadd.s32 v1, v4;
	_ =	sdelay $0x3  }
0x577: {  	v3 =	vperm.xlane v3, v2  }
0x578: {  	[tilespmem:s4], [sflag:$0x1] =	stream.indirect_vreg.gather [hbm4b:s1+s3], $0x80, v4, vm0, $0xb8;
	[tilespmem:$0x1E400] =	vst v63  }
0x579: {  	s31 =	simm.s32 $0xC00;
	v3 =	vadd.s32 v1, v3  }
0x57a: {  	[tilespmem:s31], [sflag:$0x1] =	stream.indirect_vreg.gather [hbm4b:s6+s3], $0x80, v4, vm0, $0xb8;
	[tilespmem:$0x1E400] =	vst v63  }
0x57b: {  	s11 =	simm.s32 $0x1400  }
0x57c: {  	[tilespmem:s11], [sflag:$0x1] =	stream.indirect_vreg.gather [hbm4b:s7+s3], $0x80, v4, vm0, $0xb8;
	[tilespmem:$0x1E400] =	vst v63  }
0x57d: {  	s23 =	simm.s32 $0x1C00  }
0x57e: {  	[tilespmem:s23], [sflag:$0x1] =	stream.indirect_vreg.gather [hbm4b:s1+s3], $0x80, v3, vm0, $0xb8;
	[tilespmem:$0x1E400] =	vst v63  }
0x57f: {  	s26 =	simm.s32 $0x2400  }
0x580: {  	[tilespmem:s26], [sflag:$0x1] =	stream.indirect_vreg.gather [hbm4b:s6+s3], $0x80, v3, vm0, $0xb8;
	[tilespmem:$0x1E400] =	vst v63  }
0x581: {  	s31 =	simm.s32 $0x2C00  }
0x582: {  	[tilespmem:s31], [sflag:$0x1] =	stream.indirect_vreg.gather [hbm4b:s7+s3], $0x80, v3, vm0, $0xb8;
	[tilespmem:$0x1E400] =	vst v63  }
0x583: {  	v3 =	vld [tilespmem:$0x3D0];
	_ =	sdelay $0x4  }
0x584: {  	v61 =	vshrl.u32 v3, $0x3  }
0x585: {  	v4 =	vmul.u32 $0x30, v61  }
0x586: {  	v3 =	vand.u32 $0x7, v3  }
0x587: {  	v3 =	vor.u32 v3, v4  }
0x588: {  	v4 =	vperm.xlane v3, v0;
	_ =	sdelay $0x1  }
0x589: {  	v4 =	vadd.s32 v1, v4;
	_ =	sdelay $0x3  }
0x58a: {  	s11 =	simm.s32 $0x3400;
	v3 =	vperm.xlane v3, v2  }
0x58b: {  	[tilespmem:s11], [sflag:$0x1] =	stream.indirect_vreg.gather [hbm4b:s1+s3], $0x80, v4, vm0, $0xb8;
	[tilespmem:$0x1E400] =	vst v63  }
0x58c: {  	s23 =	simm.s32 $0x3C00;
	v3 =	vadd.s32 v1, v3  }
0x58d: {  	[tilespmem:s23], [sflag:$0x1] =	stream.indirect_vreg.gather [hbm4b:s6+s3], $0x80, v4, vm0, $0xb8;
	[tilespmem:$0x1E400] =	vst v63  }
0x58e: {  	s26 =	simm.s32 $0x4400  }
0x58f: {  	[tilespmem:s26], [sflag:$0x1] =	stream.indirect_vreg.gather [hbm4b:s7+s3], $0x80, v4, vm0, $0xb8;
	[tilespmem:$0x1E400] =	vst v63  }
0x590: {  	s31 =	simm.s32 $0x4C00  }
0x591: {  	[tilespmem:s31], [sflag:$0x1] =	stream.indirect_vreg.gather [hbm4b:s1+s3], $0x80, v3, vm0, $0xb8;
	[tilespmem:$0x1E400] =	vst v63  }
0x592: {  	s11 =	simm.s32 $0x5400  }
0x593: {  	[tilespmem:s11], [sflag:$0x1] =	stream.indirect_vreg.gather [hbm4b:s6+s3], $0x80, v3, vm0, $0xb8;
	[tilespmem:$0x1E400] =	vst v63  }
0x594: {  	s23 =	simm.s32 $0x5C00  }
0x595: {  	[tilespmem:s23], [sflag:$0x1] =	stream.indirect_vreg.gather [hbm4b:s7+s3], $0x80, v3, vm0, $0xb8;
	[tilespmem:$0x1E400] =	vst v63  }
0x596: {  	_ =	swait.ge [sflag:s15], $0x6000  }
0x597: {  	[sflag:s15] =	ssyncset.done $0x0  }
0x598: {  	s9 =	simm.s32 $0xC400;
	s26 =	rddreg [dreg:$0x1f];
	[sflag:s15] =	ssyncadd.s32 $0xFFFFA000  }
0x599: {  	[hbm4b:s26+s3] =	stream.linear.scatter [tilespmem:s9], [sflag:$0x8], $0x6000, $0x38;
	[tilespmem:$0x1E400] =	vst v63  }
0x59a: {  	_ =	swait.ge [sflag:s16], $0x6000  }
0x59b: {  	[sflag:s16] =	ssyncset.done $0x0  }
0x59c: {  	[sflag:s16] =	ssyncadd.s32 $0xFFFFA000  }
0x59d: {  	v3 =	vld [tilespmem:$0x3E0];
	_ =	sdelay $0x4  }
0x59e: {  	v62 =	vshrl.u32 v3, $0x3  }
0x59f: {  	v4 =	vmul.u32 $0x30, v62  }
0x5a0: {  	v3 =	vand.u32 $0x7, v3  }
0x5a1: {  	v3 =	vor.u32 v3, v4  }
0x5a2: {  	v4 =	vperm.xlane v3, v0;
	_ =	sdelay $0x1  }
0x5a3: {  	v4 =	vadd.s32 v1, v4;
	_ =	sdelay $0x3  }
0x5a4: {  	v3 =	vperm.xlane v3, v2  }
0x5a5: {  	[tilespmem:s0], [sflag:$0x2] =	stream.indirect_vreg.gather [hbm4b:s1+s3], $0x80, v4, vm0, $0xb8;
	[tilespmem:$0x1E400] =	vst v63  }
0x5a6: {  	s31 =	simm.s32 $0x6C00;
	v3 =	vadd.s32 v1, v3  }
0x5a7: {  	[tilespmem:s31], [sflag:$0x2] =	stream.indirect_vreg.gather [hbm4b:s6+s3], $0x80, v4, vm0, $0xb8;
	[tilespmem:$0x1E400] =	vst v63  }
0x5a8: {  	s10 =	simm.s32 $0x7400  }
0x5a9: {  	[tilespmem:s10], [sflag:$0x2] =	stream.indirect_vreg.gather [hbm4b:s7+s3], $0x80, v4, vm0, $0xb8;
	[tilespmem:$0x1E400] =	vst v63  }
0x5aa: {  	s11 =	simm.s32 $0x7C00  }
0x5ab: {  	[tilespmem:s11], [sflag:$0x2] =	stream.indirect_vreg.gather [hbm4b:s1+s3], $0x80, v3, vm0, $0xb8;
	[tilespmem:$0x1E400] =	vst v63  }
0x5ac: {  	s23 =	simm.s32 $0x8400  }
0x5ad: {  	[tilespmem:s23], [sflag:$0x2] =	stream.indirect_vreg.gather [hbm4b:s6+s3], $0x80, v3, vm0, $0xb8;
	[tilespmem:$0x1E400] =	vst v63  }
0x5ae: {  	s28 =	simm.s32 $0x8C00  }
0x5af: {  	[tilespmem:s28], [sflag:$0x2] =	stream.indirect_vreg.gather [hbm4b:s7+s3], $0x80, v3, vm0, $0xb8;
	[tilespmem:$0x1E400] =	vst v63  }
0x5b0: {  	v3 =	vld [tilespmem:$0x3F0];
	_ =	sdelay $0x4  }
0x5b1: {  	v63 =	vshrl.u32 v3, $0x3  }
0x5b2: {  	v4 =	vmul.u32 $0x30, v63  }
0x5b3: {  	v3 =	vand.u32 $0x7, v3  }
0x5b4: {  	v3 =	vor.u32 v3, v4  }
0x5b5: {  	v4 =	vperm.xlane v3, v0;
	_ =	sdelay $0x1  }
0x5b6: {  	v4 =	vadd.s32 v1, v4;
	_ =	sdelay $0x3  }
0x5b7: {  	s29 =	simm.s32 $0x9400;
	v3 =	vperm.xlane v3, v2  }
0x5b8: {  	[tilespmem:s29], [sflag:$0x2] =	stream.indirect_vreg.gather [hbm4b:s1+s3], $0x80, v4, vm0, $0xb8;
	[tilespmem:$0x1E400] =	vst v63  }
0x5b9: {  	s12 =	simm.s32 $0x9C00;
	v3 =	vadd.s32 v1, v3  }
0x5ba: {  	[tilespmem:s12], [sflag:$0x2] =	stream.indirect_vreg.gather [hbm4b:s6+s3], $0x80, v4, vm0, $0xb8;
	[tilespmem:$0x1E400] =	vst v63  }
0x5bb: {  	s22 =	simm.s32 $0xA400  }
0x5bc: {  	[tilespmem:s22], [sflag:$0x2] =	stream.indirect_vreg.gather [hbm4b:s7+s3], $0x80, v4, vm0, $0xb8;
	[tilespmem:$0x1E400] =	vst v63  }
0x5bd: {  	s24 =	simm.s32 $0xAC00  }
0x5be: {  	[tilespmem:s24], [sflag:$0x2] =	stream.indirect_vreg.gather [hbm4b:s1+s3], $0x80, v3, vm0, $0xb8;
	[tilespmem:$0x1E400] =	vst v63  }
0x5bf: {  	s25 =	simm.s32 $0xB400  }
0x5c0: {  	[tilespmem:s25], [sflag:$0x2] =	stream.indirect_vreg.gather [hbm4b:s6+s3], $0x80, v3, vm0, $0xb8;
	[tilespmem:$0x1E400] =	vst v63  }
0x5c1: {  	s30 =	simm.s32 $0xBC00  }
0x5c2: {  	[tilespmem:s30], [sflag:$0x2] =	stream.indirect_vreg.gather [hbm4b:s7+s3], $0x80, v3, vm0, $0xb8;
	[tilespmem:$0x1E400] =	vst v63  }
0x5c3: {  	_ =	swait.ge [sflag:s17], $0x6000  }
0x5c4: {  	s26 =	sld [smem:$0x7F8]  }
0x5c5: {  	[sflag:s17] =	ssyncset.done $0x0  }
0x5c6: {  	s8 =	simm.s32 $0x12400;
	[sflag:s17] =	ssyncadd.s32 $0xFFFFA000  }
0x5c7: {  	[hbm4b:s26+s3] =	stream.linear.scatter [tilespmem:s8], [sflag:$0x9], $0x6000, $0x38;
	[tilespmem:$0x1E400] =	vst v63  }
0x5c8: {  	_ =	swait.ge [sflag:s19], $0x6000  }
0x5c9: {  	s28 =	sld [smem:$0x7F9]  }
0x5ca: {  	[sflag:s19] =	ssyncset.done $0x0  }
0x5cb: {  	s2 =	simm.s32 $0x18400;
	[sflag:s19] =	ssyncadd.s32 $0xFFFFA000  }
0x5cc: {  	[hbm4b:s28+s3] =	stream.linear.scatter [tilespmem:s2], [sflag:$0xA], $0x6000, $0x38;
	[tilespmem:$0x1E400] =	vst v63  }
0x5cd: {  	s29 =	sld [smem:$0x7F6];
	_ =	swait.ge [sflag:s5], $0x6000  }
0x5ce: {  	s30 =	sld [smem:$0x7FA]  }
0x5cf: {  	[sflag:s5] =	ssyncset.done $0x0  }
0x5d0: {  	s4 =	simm.s32 $0x400;
	[sflag:s5] =	ssyncadd.s32 $0xFFFFA000  }
0x5d1: {  	[hbm4b:s30+s3] =	stream.linear.scatter [tilespmem:s4], [sflag:$0x6], $0x6000, $0x38;
	[tilespmem:$0x1E400] =	vst v63  }
0x5d2: {  	_ =	swait.ge [sflag:s13], $0x6000  }
0x5d3: {  	s31 =	sld [smem:$0x7FB]  }
0x5d4: {  	[sflag:s13] =	ssyncset.done $0x0  }
0x5d5: {  	[sflag:s13] =	ssyncadd.s32 $0xFFFFA000  }
0x5d6: {  	[hbm4b:s31+s3] =	stream.linear.scatter [tilespmem:s0], [sflag:$0x7], $0x6000, $0x38;
	[tilespmem:$0x1E400] =	vst v63  }
0x5d7: {  	_ =	swait.ge [sflag:s18], $0x6000  }
0x5d8: {  	[sflag:s18] =	ssyncset.done $0x0  }
0x5d9: {  	[sflag:s18] =	ssyncadd.s32 $0xFFFFA000  }
0x5da: {  	_ =	swait.ge [sflag:s20], $0x6000  }
0x5db: {  	[sflag:s20] =	ssyncset.done $0x0  }
0x5dc: {  	[sflag:s20] =	ssyncadd.s32 $0xFFFFA000  }
0x5dd: {  	_ =	swait.ge [sflag:s21], $0x6000  }
0x5de: {  	[sflag:s21] =	ssyncset.done $0x0  }
0x5df: {  	[sflag:s21] =	ssyncadd.s32 $0xFFFFA000  }
0x5e0: {  	p0 =	sne.s32 s29, $0x1;
	_ =	swait.ge [sflag:s14], $0x6000  }
.Ltmp0:
0x5e1: {  	[sflag:s14] =	ssyncset.done $0x0;
	(pc) =	sbr.rel @p0 .LBB2_1-.Ltmp0, $4  }
0x5e2: {  	[sflag:s14] =	ssyncadd.s32 $0xFFFFA000  }
0x5e3: {  	_ =	swait.ge [sflag:s16], $0x6000  }
0x5e4: {  	[sflag:s16] =	ssyncset.done $0x0  }
0x5e5: {  	s2 =	sadd.s32 $0xFFFFFFFF, s29;
	[sflag:s16] =	ssyncadd.s32 $0xFFFFA000  }
0x5e6: {  	_ =	sfence.sel $0x180000  }
0x5e7: {  	[bflag:$0x0] =	sbarrier.arrive $0xFFFF  }
0x5e8: {  	_ =	strace $0x90000047  }
0x5e9: {  	s0 =	stileid.u32;
	[bflag:$0x2] =	sbarrier.arrive $0xFFFF  }
0x5ea: {  	p0 =	sne.s32 s0, $0x0;
	s0 =	rddreg [dreg:$0x3]  }
0x5eb: {  	s0 =	sadd.s32 @!p0 $0x100000, s0  }
0x5ec: {  	[sflag:s0] =	ssyncadd.tile.s32 @!p0 $0x1;
	_ =	shalt  }
.Lfunc_end2:
_tile_overlayer_lowered:
.L_overlay_start_2:
0x5ed: {  	(tag) =	ssettag $0x2  }
0x5ee: {  	s0 =	rddreg [dreg:$0x0];
	s2 =	stileid.u32  }
0x5ef: {  	s1 =	rddreg [dreg:$0x1];
	p0 =	sne.s32 s2, $0x0  }
0x5f0: {  	s3 =	rddreg [dreg:$0x2];
	[bflag:$0x3] =	sbarrier.arrive $0xFFFF;
	s2 =	simm.s32 @!p0 $0x1C0B  }
0x5f1: {  	[timem:s3], [sflag:s2] =	dma.local @!p0 [hbm:s0], s1  }
0x5f2: {  	s0 =	simm.s32 @!p0 $0xB  }
0x5f3: {  	_ =	swait.ge @!p0 [sflag:s0], s1  }
0x5f4: {  	s1 =	ssub.s32 @!p0 $0x0, s1;
	[sflag:s0] =	ssyncset.done @!p0 $0x0  }
0x5f5: {  	[sflag:s0] =	ssyncadd.s32 @!p0 s1  }
0x5f6: {  	[bflag:$0x3] =	sbarrier.arrive $0xFFFF  }
0x5f7: {  	_ =	shalt  }

</sc_bundles>
